<compile_context>
chip_gen: v7x
topology: tpu7x:2x2x1
jax: 0.10.2.dev20260603
libtpu: 0.0.44.dev20260713+nightly
codegen_flags: <defaults>
</compile_context>

<pallas_src>
import functools

import jax
import jax.numpy as jnp
from jax import lax
from jax.experimental import pallas as pl
from jax.experimental.pallas import tpu as pltpu
from jax.experimental.pallas import tpu_sc as plsc

N = 10000
F_IN = 128
H1 = 32
H2 = 16
C = 40
CPAD = 48
E = 320000

NCORE = 2
NSUB = 16
NWORK = NCORE * NSUB
B = 125
NWIN = E // B
WPT = NWIN // NWORK
NPAD = 10240
RPT = NPAD // NSUB

_BN_SCALE = 1.0 / (1.0 + 1e-5) ** 0.5


def _sc_mesh():
    return plsc.VectorSubcoreMesh(core_axis_name="c", subcore_axis_name="s")


_SC_PARAMS = pltpu.CompilerParams(use_tc_tiling_on_sc=False)


def _make_degree_kernel():

    @functools.partial(
        pl.kernel,
        mesh=_sc_mesh(),
        out_type=(
            jax.ShapeDtypeStruct((NPAD,), jnp.float32),
            jax.ShapeDtypeStruct((NPAD,), jnp.float32),
        ),
        scratch_types=[
            pltpu.VMEM((WPT, B), jnp.int32),
            pltpu.VMEM((128,), jnp.float32),
            pltpu.VMEM_SHARED((NPAD,), jnp.float32),
        ] + [pltpu.SemaphoreType.DMA] * 4,
        compiler_params=_SC_PARAMS,
    )
    def deg_kernel(idx_hbm, zero_hbm, outa, outb, colbuf, ones, acc, *sems):
        core = lax.axis_index("c")
        sub = lax.axis_index("s")
        wid = core * NSUB + sub
        r0 = sub * RPT
        pltpu.sync_copy(zero_hbm.at[pl.ds(r0, RPT)], acc.at[pl.ds(r0, RPT)])
        pltpu.sync_copy(idx_hbm.at[1, pl.ds(wid * WPT, WPT)], colbuf)
        for i in range(128 // 16):
            ones[pl.ds(i * 16, 16)] = jnp.ones((16,), jnp.float32)
        plsc.subcore_barrier()

        def s_issue(w, bi):
            pltpu.async_copy(ones.at[pl.ds(0, B)], acc.at[colbuf.at[w]],
                             sems[bi], add=True)

        def s_wait(bi):
            pltpu.make_async_copy(ones.at[pl.ds(0, B)], acc.at[colbuf.at[0]],
                                  sems[bi]).wait()

        def body(k, carry):
            for b in range(4):
                @pl.when(k > 0)
                def _(b=b):
                    s_wait(b)
                s_issue(4 * k + b, b)
            return carry

        lax.fori_loop(0, WPT // 4, body, 0)
        for b in range(4):
            s_wait(b)
        plsc.subcore_barrier()

        @pl.when(core == 0)
        def _():
            pltpu.sync_copy(acc.at[pl.ds(r0, RPT)], outa.at[pl.ds(r0, RPT)])

        @pl.when(core == 1)
        def _():
            pltpu.sync_copy(acc.at[pl.ds(r0, RPT)], outb.at[pl.ds(r0, RPT)])

    return deg_kernel


def _make_gather_scatter(h, ngrp=4):

    NGRP = ngrp
    NBUF = 2 * NGRP
    NOUT = WPT // (2 * NGRP)

    @functools.partial(
        pl.kernel,
        mesh=_sc_mesh(),
        out_type=(
            jax.ShapeDtypeStruct((NPAD, h), jnp.float32),
            jax.ShapeDtypeStruct((NPAD, h), jnp.float32),
        ),
        scratch_types=[
            pltpu.VMEM((WPT, B), jnp.int32),
            pltpu.VMEM((WPT, B), jnp.int32),
            pltpu.VMEM((NBUF * B, h), jnp.float32),
            pltpu.VMEM_SHARED((NPAD, h), jnp.float32),
        ] + [pltpu.SemaphoreType.DMA] * (2 * NBUF),
        compiler_params=_SC_PARAMS,
    )
    def gs_kernel(z_hbm, idx_hbm, zero_hbm, outa, outb,
                  rowbuf, colbuf, msg, acc, *sems):
        gsem = sems[:NBUF]
        ssem = sems[NBUF:]
        core = lax.axis_index("c")
        sub = lax.axis_index("s")
        wid = core * NSUB + sub
        r0 = sub * RPT
        pltpu.sync_copy(zero_hbm.at[pl.ds(r0, RPT)], acc.at[pl.ds(r0, RPT)])
        pltpu.sync_copy(idx_hbm.at[0, pl.ds(wid * WPT, WPT)], rowbuf)
        pltpu.sync_copy(idx_hbm.at[1, pl.ds(wid * WPT, WPT)], colbuf)

        def mslice(bi):
            return msg.at[pl.ds(bi * B, B)]

        def g_issue(w, bi):
            pltpu.async_copy(z_hbm.at[rowbuf.at[w]], mslice(bi), gsem[bi])

        def g_wait(w, bi):
            pltpu.make_async_copy(z_hbm.at[rowbuf.at[w]], mslice(bi),
                                  gsem[bi]).wait()

        def s_issue(w, bi):
            pltpu.async_copy(mslice(bi), acc.at[colbuf.at[w]], ssem[bi],
                             add=True)

        def s_wait(bi):
            pltpu.make_async_copy(mslice(bi), acc.at[colbuf.at[0]],
                                  ssem[bi]).wait()

        plsc.subcore_barrier()

        for b in range(NGRP):
            g_issue(b, b)

        def body(k, carry):
            for half in range(2):
                g = 2 * k + half
                my, other = half * NGRP, (1 - half) * NGRP
                for b in range(NGRP):
                    ob = other + b

                    if half == 0:
                        @pl.when(k > 0)
                        def _(ob=ob):
                            s_wait(ob)
                        g_issue((g + 1) * NGRP + b, ob)
                    else:
                        s_wait(ob)

                        @pl.when(k < NOUT - 1)
                        def _(g=g, b=b, ob=ob):
                            g_issue((g + 1) * NGRP + b, ob)
                for b in range(NGRP):
                    w = g * NGRP + b
                    g_wait(w, my + b)
                    s_issue(w, my + b)
            return carry

        lax.fori_loop(0, NOUT, body, 0)
        for b in range(NGRP):
            s_wait(NGRP + b)
        plsc.subcore_barrier()

        @pl.when(core == 0)
        def _():
            pltpu.sync_copy(acc.at[pl.ds(r0, RPT)], outa.at[pl.ds(r0, RPT)])

        @pl.when(core == 1)
        def _():
            pltpu.sync_copy(acc.at[pl.ds(r0, RPT)], outb.at[pl.ds(r0, RPT)])

    return gs_kernel


_deg_kernel = _make_degree_kernel()
_gs32 = _make_gather_scatter(H1, ngrp=4)
_gs16 = _make_gather_scatter(H2, ngrp=4)
_gs48 = _make_gather_scatter(CPAD, ngrp=4)



_BLK = 2048
_GRID = NPAD // _BLK
_BW = _BLK // 8


def _widen(xp, h):
    return xp.reshape(_BW, 8 * h)


def _dinv_wide(dcol, h):
    d3 = dcol.reshape(_BW, 8, 1)
    return jnp.broadcast_to(d3, (_BW, 8, h)).reshape(_BW, 8 * h)


def _tc_first(x_ref, wbd_ref, da_ref, db_ref, z_ref, d_ref):
    i = pl.program_id(0)
    dflat = lax.rsqrt(da_ref[...] + db_ref[...] + 1.0)
    r_sub = lax.broadcasted_iota(jnp.int32, (_BLK, 16), 0) // 128
    c_sub = lax.broadcasted_iota(jnp.int32, (_BLK, 16), 1)
    e_sel = (r_sub == c_sub).astype(jnp.float32)
    t1 = jnp.dot(e_sel, dflat, preferred_element_type=jnp.float32)
    lane = lax.broadcasted_iota(jnp.int32, (_BLK, 128), 1)
    ridx = lax.broadcasted_iota(jnp.int32, (_BLK, 128), 0)
    dcol = jnp.sum(jnp.where(lane == ridx % 128, t1, 0.0), axis=1,
                   keepdims=True)
    d_ref[...] = dcol
    xw = _widen(x_ref[...], F_IN)
    zw = jnp.dot(xw, wbd_ref[...], preferred_element_type=jnp.float32)
    zw = zw * _dinv_wide(dcol, H1)
    node = (i * _BLK
            + 8 * lax.broadcasted_iota(jnp.int32, (_BW, 8 * H1), 0)
            + lax.broadcasted_iota(jnp.int32, (_BW, 8 * H1), 1) // H1)
    zw = jnp.where(node < N, zw, 0.0)
    z_ref[...] = zw.reshape(_BLK * H1 // 128, 128)


def _make_tc_first():
    full = lambda s: pl.BlockSpec(s, lambda i: (0, 0))
    return pl.pallas_call(
        _tc_first,
        grid=(_GRID,),
        in_specs=[pl.BlockSpec((_BLK, F_IN), lambda i: (i, 0)),
                  full((8 * F_IN, 8 * H1)),
                  pl.BlockSpec((16, 128), lambda i: (i, 0)),
                  pl.BlockSpec((16, 128), lambda i: (i, 0))],
        out_specs=[pl.BlockSpec((_BLK * H1 // 128, 128), lambda i: (i, 0)),
                   pl.BlockSpec((_BLK, 1), lambda i: (i, 0))],
        out_shape=[jax.ShapeDtypeStruct((NPAD * H1 // 128, 128), jnp.float32),
                   jax.ShapeDtypeStruct((NPAD, 1), jnp.float32)],
    )


def _make_tc_mid(h_in, h_out):
    pr_in = _BLK * h_in // 128

    def body(sa_ref, sb_ref, z_ref, d_ref, b_ref, g_ref, be_ref, wbd_ref,
             o_ref):
        dcol = d_ref[...]
        t8 = lambda v: jnp.broadcast_to(v.reshape(1, 1, h_in),
                                        (1, 8, h_in)).reshape(1, 8 * h_in)
        tot = _widen(sa_ref[...] + sb_ref[...] + z_ref[...], h_in)
        conv = _dinv_wide(dcol, h_in) * tot + t8(b_ref[...])
        h = jnp.maximum(conv * (t8(g_ref[...]) * _BN_SCALE) + t8(be_ref[...]),
                        0.0)
        zw = jnp.dot(h, wbd_ref[...], preferred_element_type=jnp.float32)
        zw = zw * _dinv_wide(dcol, h_out)
        o_ref[...] = zw.reshape(_BLK * h_out // 128, 128)

    full = lambda s: pl.BlockSpec(s, lambda i: (0, 0))
    pblk = lambda r: pl.BlockSpec((r, 128), lambda i: (i, 0))
    return pl.pallas_call(
        body,
        grid=(_GRID,),
        in_specs=[pblk(pr_in), pblk(pr_in), pblk(pr_in),
                  pl.BlockSpec((_BLK, 1), lambda i: (i, 0)),
                  pl.BlockSpec((h_in,), lambda i: (0,)),
                  pl.BlockSpec((h_in,), lambda i: (0,)),
                  pl.BlockSpec((h_in,), lambda i: (0,)),
                  full((8 * h_in, 8 * h_out))],
        out_specs=pblk(_BLK * h_out // 128),
        out_shape=jax.ShapeDtypeStruct((NPAD * h_out // 128, 128),
                                       jnp.float32),
    )


def _tc_last(sa_ref, sb_ref, z_ref, d_ref, b_ref, o_ref):
    bw = jnp.broadcast_to(b_ref[...].reshape(1, 1, CPAD),
                          (1, 8, CPAD)).reshape(1, 8 * CPAD)
    totw = _widen(sa_ref[...] + sb_ref[...] + z_ref[...], CPAD)
    totw = jnp.maximum(_dinv_wide(d_ref[...], CPAD) * totw + bw, 0.0)
    o_ref[...] = totw.reshape(_BLK * CPAD // 128, 128)


def _make_tc_last():
    full = lambda s: pl.BlockSpec(s, lambda i: (0, 0))
    pblk = pl.BlockSpec((_BLK * CPAD // 128, 128), lambda i: (i, 0))
    return pl.pallas_call(
        _tc_last,
        grid=(_GRID,),
        in_specs=[pblk, pblk, pblk,
                  pl.BlockSpec((_BLK, 1), lambda i: (i, 0)),
                  pl.BlockSpec((CPAD,), lambda i: (0,))],
        out_specs=pblk,
        out_shape=jax.ShapeDtypeStruct((NPAD * CPAD // 128, 128),
                                       jnp.float32),
    )


_tc_first_call = _make_tc_first()
_tc_mid12 = _make_tc_mid(H1, H2)
_tc_mid23 = _make_tc_mid(H2, CPAD)
_tc_last_call = _make_tc_last()


def _kron8(w):
    return jnp.kron(jnp.eye(8, dtype=jnp.float32), w)


def kernel(x, edge_index, W1, b1, g1, be1, W2, b2, g2, be2, W3, b3):
    f32 = jnp.float32
    idx3 = edge_index.reshape(2, NWIN, B)

    W3p = jnp.concatenate([W3, jnp.zeros((H2, CPAD - C), f32)], axis=1)
    b3p = jnp.concatenate([b3, jnp.zeros((CPAD - C,), f32)])

    zero1 = jnp.zeros((NPAD,), f32)
    zero32 = jnp.zeros((NPAD, H1), f32)
    zero16 = jnp.zeros((NPAD, H2), f32)
    zero48 = jnp.zeros((NPAD, CPAD), f32)

    dega, degb = _deg_kernel(idx3, zero1)

    z1p, dinv = _tc_first_call(x, _kron8(W1), dega.reshape(NPAD // 128, 128),
                               degb.reshape(NPAD // 128, 128))
    s1a, s1b = _gs32(z1p.reshape(NPAD, H1), idx3, zero32)

    z2p = _tc_mid12(s1a.reshape(NPAD * H1 // 128, 128),
                    s1b.reshape(NPAD * H1 // 128, 128), z1p, dinv,
                    b1, g1, be1, _kron8(W2))
    s2a, s2b = _gs16(z2p.reshape(NPAD, H2), idx3, zero16)

    z3p = _tc_mid23(s2a.reshape(NPAD * H2 // 128, 128),
                    s2b.reshape(NPAD * H2 // 128, 128), z2p, dinv,
                    b2, g2, be2, _kron8(W3p))
    s3a, s3b = _gs48(z3p.reshape(NPAD, CPAD), idx3, zero48)

    outp = _tc_last_call(s3a.reshape(NPAD * CPAD // 128, 128),
                         s3b.reshape(NPAD * CPAD // 128, 128), z3p, dinv,
                         b3p)
    return outp.reshape(NPAD, CPAD)[:N, :C]

# --- scband reference (transcript-rebuilt; emitter-appended) ---
"""Pipeline reference for scband-gnn-56719338111199 (READ-ONLY COPY).

The authoritative reference and input builder live on the scoring server;
editing this copy changes nothing except your own understanding.
"""

import jax, jax.numpy as jnp
import numpy as np

N = 10000
E = 320000
F_IN = 128
H1 = 32
H2 = 16
C = 40


def gcn_conv(x, row, col, W, b, n_nodes):
    # PyG-style GCNConv: x' = D^{-1/2} (A+I) D^{-1/2} X W + b
    # (self-loops already appended to row/col by the caller)
    xw = x @ W
    ones = jnp.ones(row.shape[0], dtype=x.dtype)
    deg = jax.ops.segment_sum(ones, col, num_segments=n_nodes)
    deg_inv_sqrt = jnp.where(deg > 0, deg ** -0.5, 0.0)
    norm = deg_inv_sqrt[row] * deg_inv_sqrt[col]
    msgs = norm[:, None] * xw[row]
    out = jax.ops.segment_sum(msgs, col, num_segments=n_nodes)
    return out + b


def batch_norm_eval(x, gamma, beta, eps=1e-5):
    # BatchNorm1d in eval mode with fresh running stats (mean=0, var=1)
    return x / jnp.sqrt(1.0 + eps) * gamma + beta


def setup_inputs(seed: int = 0) -> dict:
    key = jax.random.key(seed)
    ks = jax.random.split(key, 8)
    x = jax.random.normal(ks[0], (N, F_IN), dtype=jnp.float32)
    edge_index = jax.random.randint(ks[1], (2, E), 0, N, dtype=jnp.int32)

    def glorot(k, fan_in, fan_out):
        limit = np.sqrt(6.0 / (fan_in + fan_out))
        return jax.random.uniform(k, (fan_in, fan_out), dtype=jnp.float32,
                                  minval=-limit, maxval=limit)

    W1 = glorot(ks[2], F_IN, H1)
    b1 = jnp.zeros((H1,), dtype=jnp.float32)
    g1 = jnp.ones((H1,), dtype=jnp.float32)
    be1 = jnp.zeros((H1,), dtype=jnp.float32)
    W2 = glorot(ks[3], H1, H2)
    b2 = jnp.zeros((H2,), dtype=jnp.float32)
    g2 = jnp.ones((H2,), dtype=jnp.float32)
    be2 = jnp.zeros((H2,), dtype=jnp.float32)
    W3 = glorot(ks[4], H2, C)
    b3 = jnp.zeros((C,), dtype=jnp.float32)
    return {"x": x, "edge_index": edge_index,
            "W1": W1, "b1": b1, "g1": g1, "be1": be1,
            "W2": W2, "b2": b2, "g2": g2, "be2": be2,
            "W3": W3, "b3": b3}


def reference(x, edge_index, W1, b1, g1, be1, W2, b2, g2, be2, W3, b3):
    row = edge_index[0]
    col = edge_index[1]
    loop = jnp.arange(N, dtype=row.dtype)
    row = jnp.concatenate([row, loop])
    col = jnp.concatenate([col, loop])

    h = gcn_conv(x, row, col, W1, b1, N)
    h = jax.nn.relu(batch_norm_eval(h, g1, be1))
    # dropout p=0.2 is identity in eval mode
    h = gcn_conv(h, row, col, W2, b2, N)
    h = jax.nn.relu(batch_norm_eval(h, g2, be2))
    h = gcn_conv(h, row, col, W3, b3, N)
    return jax.nn.relu(h)

if __name__ == "__main__":
    import jax
    _d = setup_inputs()
    print(jax.jit(kernel)(*tuple(_d.values())))

</pallas_src>

<mosaic_0001>
#map = affine_map<(d0, d1) -> (0, 0)>
#map1 = affine_map<(d0, d1) -> (0, 0, 0)>
module attributes {stable_mosaic.version = 14 : i64} {
  func.func @gs_kernel(%arg0: i32, %arg1: i32, %arg2: memref<10240x32xf32, #tpu.memory_space<hbm>>, %arg3: memref<2x2560x125xi32, #tpu.memory_space<hbm>>, %arg4: memref<10240x32xf32, #tpu.memory_space<hbm>>, %arg5: memref<10240x32xf32, #tpu.memory_space<hbm>>, %arg6: memref<10240x32xf32, #tpu.memory_space<hbm>>, %arg7: memref<80x125xi32, #tpu.memory_space<vmem>>, %arg8: memref<80x125xi32, #tpu.memory_space<vmem>>, %arg9: memref<1000x32xf32, #tpu.memory_space<vmem>>, %arg10: memref<10240x32xf32, #tpu.memory_space<vmem_shared>>, %arg11: memref<!tpu.dma_semaphore, #tpu.memory_space<semaphore_mem>>, %arg12: memref<!tpu.dma_semaphore, #tpu.memory_space<semaphore_mem>>, %arg13: memref<!tpu.dma_semaphore, #tpu.memory_space<semaphore_mem>>, %arg14: memref<!tpu.dma_semaphore, #tpu.memory_space<semaphore_mem>>, %arg15: memref<!tpu.dma_semaphore, #tpu.memory_space<semaphore_mem>>, %arg16: memref<!tpu.dma_semaphore, #tpu.memory_space<semaphore_mem>>, %arg17: memref<!tpu.dma_semaphore, #tpu.memory_space<semaphore_mem>>, %arg18: memref<!tpu.dma_semaphore, #tpu.memory_space<semaphore_mem>>, %arg19: memref<!tpu.dma_semaphore, #tpu.memory_space<semaphore_mem>>, %arg20: memref<!tpu.dma_semaphore, #tpu.memory_space<semaphore_mem>>, %arg21: memref<!tpu.dma_semaphore, #tpu.memory_space<semaphore_mem>>, %arg22: memref<!tpu.dma_semaphore, #tpu.memory_space<semaphore_mem>>, %arg23: memref<!tpu.dma_semaphore, #tpu.memory_space<semaphore_mem>>, %arg24: memref<!tpu.dma_semaphore, #tpu.memory_space<semaphore_mem>>, %arg25: memref<!tpu.dma_semaphore, #tpu.memory_space<semaphore_mem>>, %arg26: memref<!tpu.dma_semaphore, #tpu.memory_space<semaphore_mem>>) attributes {dimension_semantics = [#tpu.dimension_semantics<core_parallel>, #tpu.dimension_semantics<subcore_parallel>], iteration_bounds = array<i64: 2, 16>, scalar_prefetch = 0 : i64, scratch_operands = 20 : i64, tpu.core_type = #tpu.core_type<sc_vector_subcore>, window_params = [{transform_indices = #map}, {transform_indices = #map1}, {transform_indices = #map}, {transform_indices = #map}, {transform_indices = #map}]} {
    %mul3A = arith.constant 16 : i32
    %mul3A_0 = arith.muli %arg0, %mul3A : i32
    %add3A = arith.addi %mul3A_0, %arg1 : i32
    %mul3A_1 = arith.constant 640 : i32
    %mul3A_2 = arith.muli %arg1, %mul3A_1 : i32
    "tpu.region"() ({
      %run_scoped3A_99 = tpu.sem_alloc : memref<!tpu.dma_semaphore, #tpu.memory_space<semaphore_mem>>
      %dma_start3A_100 = arith.constant 0 : i32
      %dma_start3A_101 = tpu.memref_slice %arg10[%mul3A_2, %dma_start3A_100] : memref<10240x32xf32, #tpu.memory_space<vmem_shared>> -> memref<640x32xf32, #tpu.memory_space<vmem_shared>>
      %dma_start3A_102 = arith.constant 0 : i32
      %dma_start3A_103 = tpu.memref_slice %arg4[%mul3A_2, %dma_start3A_102] : memref<10240x32xf32, #tpu.memory_space<hbm>> -> memref<640x32xf32, #tpu.memory_space<hbm>>
      tpu.enqueue_dma source(%dma_start3A_103 : memref<640x32xf32, #tpu.memory_space<hbm>>) target(%dma_start3A_101 : memref<640x32xf32, #tpu.memory_space<vmem_shared>>) target_semaphore(%run_scoped3A_99 : memref<!tpu.dma_semaphore, #tpu.memory_space<semaphore_mem>>)
      %dma_wait3A_104 = arith.constant 0 : i32
      %dma_wait3A_105 = tpu.memref_slice %arg10[%mul3A_2, %dma_wait3A_104] : memref<10240x32xf32, #tpu.memory_space<vmem_shared>> -> memref<640x32xf32, #tpu.memory_space<vmem_shared>>
      %dma_wait3A_106 = arith.constant 0 : i32
      %dma_wait3A_107 = tpu.memref_slice %arg4[%mul3A_2, %dma_wait3A_106] : memref<10240x32xf32, #tpu.memory_space<hbm>> -> memref<640x32xf32, #tpu.memory_space<hbm>>
      tpu.wait_dma2 semaphore(%run_scoped3A_99 : memref<!tpu.dma_semaphore, #tpu.memory_space<semaphore_mem>>) src(%dma_wait3A_107 : memref<640x32xf32, #tpu.memory_space<hbm>>) dst(%dma_wait3A_105 : memref<640x32xf32, #tpu.memory_space<vmem_shared>>)
      tpu.yield
    }) : () -> ()
    %mul3A_3 = arith.constant 80 : i32
    %mul3A_4 = arith.muli %add3A, %mul3A_3 : i32
    %run_scoped3A = arith.constant 0 : i32
    "tpu.region"() ({
      %run_scoped3A_99 = tpu.sem_alloc : memref<!tpu.dma_semaphore, #tpu.memory_space<semaphore_mem>>
      %dma_start3A_100 = arith.constant 0 : i32
      %dma_start3A_101 = tpu.memref_slice %arg3[%run_scoped3A, %mul3A_4, %dma_start3A_100] : memref<2x2560x125xi32, #tpu.memory_space<hbm>> -> memref<1x80x125xi32, #tpu.memory_space<hbm>>
      %dma_start3A_102 = tpu.memref_squeeze %dma_start3A_101 : memref<1x80x125xi32, #tpu.memory_space<hbm>> -> memref<80x125xi32, #tpu.memory_space<hbm>>
      %dma_start3A_103 = arith.constant 0 : i32
      %dma_start3A_104 = tpu.memref_slice %arg3[%run_scoped3A, %mul3A_4, %dma_start3A_103] : memref<2x2560x125xi32, #tpu.memory_space<hbm>> -> memref<1x80x125xi32, #tpu.memory_space<hbm>>
      %dma_start3A_105 = tpu.memref_squeeze %dma_start3A_104 : memref<1x80x125xi32, #tpu.memory_space<hbm>> -> memref<80x125xi32, #tpu.memory_space<hbm>>
      tpu.enqueue_dma source(%dma_start3A_105 : memref<80x125xi32, #tpu.memory_space<hbm>>) target(%arg7 : memref<80x125xi32, #tpu.memory_space<vmem>>) target_semaphore(%run_scoped3A_99 : memref<!tpu.dma_semaphore, #tpu.memory_space<semaphore_mem>>)
      %dma_wait3A_106 = arith.constant 0 : i32
      %dma_wait3A_107 = tpu.memref_slice %arg3[%run_scoped3A, %mul3A_4, %dma_wait3A_106] : memref<2x2560x125xi32, #tpu.memory_space<hbm>> -> memref<1x80x125xi32, #tpu.memory_space<hbm>>
      %dma_wait3A_108 = tpu.memref_squeeze %dma_wait3A_107 : memref<1x80x125xi32, #tpu.memory_space<hbm>> -> memref<80x125xi32, #tpu.memory_space<hbm>>
      %dma_wait3A_109 = arith.constant 0 : i32
      %dma_wait3A_110 = tpu.memref_slice %arg3[%run_scoped3A, %mul3A_4, %dma_wait3A_109] : memref<2x2560x125xi32, #tpu.memory_space<hbm>> -> memref<1x80x125xi32, #tpu.memory_space<hbm>>
      %dma_wait3A_111 = tpu.memref_squeeze %dma_wait3A_110 : memref<1x80x125xi32, #tpu.memory_space<hbm>> -> memref<80x125xi32, #tpu.memory_space<hbm>>
      tpu.wait_dma2 semaphore(%run_scoped3A_99 : memref<!tpu.dma_semaphore, #tpu.memory_space<semaphore_mem>>) src(%dma_wait3A_111 : memref<80x125xi32, #tpu.memory_space<hbm>>) dst(%arg7 : memref<80x125xi32, #tpu.memory_space<vmem>>)
      tpu.yield
    }) : () -> ()
    %mul3A_5 = arith.constant 80 : i32
    %mul3A_6 = arith.muli %add3A, %mul3A_5 : i32
    %run_scoped3A_7 = arith.constant 1 : i32
    "tpu.region"() ({
      %run_scoped3A_99 = tpu.sem_alloc : memref<!tpu.dma_semaphore, #tpu.memory_space<semaphore_mem>>
      %dma_start3A_100 = arith.constant 0 : i32
      %dma_start3A_101 = tpu.memref_slice %arg3[%run_scoped3A_7, %mul3A_6, %dma_start3A_100] : memref<2x2560x125xi32, #tpu.memory_space<hbm>> -> memref<1x80x125xi32, #tpu.memory_space<hbm>>
      %dma_start3A_102 = tpu.memref_squeeze %dma_start3A_101 : memref<1x80x125xi32, #tpu.memory_space<hbm>> -> memref<80x125xi32, #tpu.memory_space<hbm>>
      %dma_start3A_103 = arith.constant 0 : i32
      %dma_start3A_104 = tpu.memref_slice %arg3[%run_scoped3A_7, %mul3A_6, %dma_start3A_103] : memref<2x2560x125xi32, #tpu.memory_space<hbm>> -> memref<1x80x125xi32, #tpu.memory_space<hbm>>
      %dma_start3A_105 = tpu.memref_squeeze %dma_start3A_104 : memref<1x80x125xi32, #tpu.memory_space<hbm>> -> memref<80x125xi32, #tpu.memory_space<hbm>>
      tpu.enqueue_dma source(%dma_start3A_105 : memref<80x125xi32, #tpu.memory_space<hbm>>) target(%arg8 : memref<80x125xi32, #tpu.memory_space<vmem>>) target_semaphore(%run_scoped3A_99 : memref<!tpu.dma_semaphore, #tpu.memory_space<semaphore_mem>>)
      %dma_wait3A_106 = arith.constant 0 : i32
      %dma_wait3A_107 = tpu.memref_slice %arg3[%run_scoped3A_7, %mul3A_6, %dma_wait3A_106] : memref<2x2560x125xi32, #tpu.memory_space<hbm>> -> memref<1x80x125xi32, #tpu.memory_space<hbm>>
      %dma_wait3A_108 = tpu.memref_squeeze %dma_wait3A_107 : memref<1x80x125xi32, #tpu.memory_space<hbm>> -> memref<80x125xi32, #tpu.memory_space<hbm>>
      %dma_wait3A_109 = arith.constant 0 : i32
      %dma_wait3A_110 = tpu.memref_slice %arg3[%run_scoped3A_7, %mul3A_6, %dma_wait3A_109] : memref<2x2560x125xi32, #tpu.memory_space<hbm>> -> memref<1x80x125xi32, #tpu.memory_space<hbm>>
      %dma_wait3A_111 = tpu.memref_squeeze %dma_wait3A_110 : memref<1x80x125xi32, #tpu.memory_space<hbm>> -> memref<80x125xi32, #tpu.memory_space<hbm>>
      tpu.wait_dma2 semaphore(%run_scoped3A_99 : memref<!tpu.dma_semaphore, #tpu.memory_space<semaphore_mem>>) src(%dma_wait3A_111 : memref<80x125xi32, #tpu.memory_space<hbm>>) dst(%arg8 : memref<80x125xi32, #tpu.memory_space<vmem>>)
      tpu.yield
    }) : () -> ()
    %barrier3A = arith.constant 0 : index
    tpu.barrier barrier_id(%barrier3A)
    %dma_start3A = arith.constant 0 : i32
    %dma_start3A_8 = arith.constant 0 : i32
    %dma_start3A_9 = arith.constant 0 : i32
    %dma_start3A_10 = tpu.memref_slice %arg9[%dma_start3A_8, %dma_start3A_9] : memref<1000x32xf32, #tpu.memory_space<vmem>> -> memref<125x32xf32, #tpu.memory_space<vmem>>
    %dma_start3A_11 = arith.constant 0 : i32
    %dma_start3A_12 = tpu.memref_slice %arg7[%dma_start3A, %dma_start3A_11] : memref<80x125xi32, #tpu.memory_space<vmem>> -> memref<1x125xi32, #tpu.memory_space<vmem>>
    %dma_start3A_13 = tpu.memref_squeeze %dma_start3A_12 : memref<1x125xi32, #tpu.memory_space<vmem>> -> memref<125xi32, #tpu.memory_space<vmem>>
    %dma_start3A_14 = arith.constant 0 : i32
    %dma_start3A_15 = arith.constant 0 : i32
    %dma_start3A_16 = tpu.memref_slice %arg2[%dma_start3A_14, %dma_start3A_15] : memref<10240x32xf32, #tpu.memory_space<hbm>> -> memref<10240x32xf32, #tpu.memory_space<hbm>>
    tpu.enqueue_indirect_dma source(%dma_start3A_16 : memref<10240x32xf32, #tpu.memory_space<hbm>>) target(%dma_start3A_10 : memref<125x32xf32, #tpu.memory_space<vmem>>) offsets(%dma_start3A_13 : memref<125xi32, #tpu.memory_space<vmem>>) semaphore(%arg11 : memref<!tpu.dma_semaphore, #tpu.memory_space<semaphore_mem>>)
    %dma_start3A_17 = arith.constant 1 : i32
    %dma_start3A_18 = arith.constant 125 : i32
    %dma_start3A_19 = arith.constant 0 : i32
    %dma_start3A_20 = tpu.memref_slice %arg9[%dma_start3A_18, %dma_start3A_19] : memref<1000x32xf32, #tpu.memory_space<vmem>> -> memref<125x32xf32, #tpu.memory_space<vmem>>
    %dma_start3A_21 = arith.constant 0 : i32
    %dma_start3A_22 = tpu.memref_slice %arg7[%dma_start3A_17, %dma_start3A_21] : memref<80x125xi32, #tpu.memory_space<vmem>> -> memref<1x125xi32, #tpu.memory_space<vmem>>
    %dma_start3A_23 = tpu.memref_squeeze %dma_start3A_22 : memref<1x125xi32, #tpu.memory_space<vmem>> -> memref<125xi32, #tpu.memory_space<vmem>>
    %dma_start3A_24 = arith.constant 0 : i32
    %dma_start3A_25 = arith.constant 0 : i32
    %dma_start3A_26 = tpu.memref_slice %arg2[%dma_start3A_24, %dma_start3A_25] : memref<10240x32xf32, #tpu.memory_space<hbm>> -> memref<10240x32xf32, #tpu.memory_space<hbm>>
    tpu.enqueue_indirect_dma source(%dma_start3A_26 : memref<10240x32xf32, #tpu.memory_space<hbm>>) target(%dma_start3A_20 : memref<125x32xf32, #tpu.memory_space<vmem>>) offsets(%dma_start3A_23 : memref<125xi32, #tpu.memory_space<vmem>>) semaphore(%arg12 : memref<!tpu.dma_semaphore, #tpu.memory_space<semaphore_mem>>)
    %dma_start3A_27 = arith.constant 2 : i32
    %dma_start3A_28 = arith.constant 250 : i32
    %dma_start3A_29 = arith.constant 0 : i32
    %dma_start3A_30 = tpu.memref_slice %arg9[%dma_start3A_28, %dma_start3A_29] : memref<1000x32xf32, #tpu.memory_space<vmem>> -> memref<125x32xf32, #tpu.memory_space<vmem>>
    %dma_start3A_31 = arith.constant 0 : i32
    %dma_start3A_32 = tpu.memref_slice %arg7[%dma_start3A_27, %dma_start3A_31] : memref<80x125xi32, #tpu.memory_space<vmem>> -> memref<1x125xi32, #tpu.memory_space<vmem>>
    %dma_start3A_33 = tpu.memref_squeeze %dma_start3A_32 : memref<1x125xi32, #tpu.memory_space<vmem>> -> memref<125xi32, #tpu.memory_space<vmem>>
    %dma_start3A_34 = arith.constant 0 : i32
    %dma_start3A_35 = arith.constant 0 : i32
    %dma_start3A_36 = tpu.memref_slice %arg2[%dma_start3A_34, %dma_start3A_35] : memref<10240x32xf32, #tpu.memory_space<hbm>> -> memref<10240x32xf32, #tpu.memory_space<hbm>>
    tpu.enqueue_indirect_dma source(%dma_start3A_36 : memref<10240x32xf32, #tpu.memory_space<hbm>>) target(%dma_start3A_30 : memref<125x32xf32, #tpu.memory_space<vmem>>) offsets(%dma_start3A_33 : memref<125xi32, #tpu.memory_space<vmem>>) semaphore(%arg13 : memref<!tpu.dma_semaphore, #tpu.memory_space<semaphore_mem>>)
    %dma_start3A_37 = arith.constant 3 : i32
    %dma_start3A_38 = arith.constant 375 : i32
    %dma_start3A_39 = arith.constant 0 : i32
    %dma_start3A_40 = tpu.memref_slice %arg9[%dma_start3A_38, %dma_start3A_39] : memref<1000x32xf32, #tpu.memory_space<vmem>> -> memref<125x32xf32, #tpu.memory_space<vmem>>
    %dma_start3A_41 = arith.constant 0 : i32
    %dma_start3A_42 = tpu.memref_slice %arg7[%dma_start3A_37, %dma_start3A_41] : memref<80x125xi32, #tpu.memory_space<vmem>> -> memref<1x125xi32, #tpu.memory_space<vmem>>
    %dma_start3A_43 = tpu.memref_squeeze %dma_start3A_42 : memref<1x125xi32, #tpu.memory_space<vmem>> -> memref<125xi32, #tpu.memory_space<vmem>>
    %dma_start3A_44 = arith.constant 0 : i32
    %dma_start3A_45 = arith.constant 0 : i32
    %dma_start3A_46 = tpu.memref_slice %arg2[%dma_start3A_44, %dma_start3A_45] : memref<10240x32xf32, #tpu.memory_space<hbm>> -> memref<10240x32xf32, #tpu.memory_space<hbm>>
    tpu.enqueue_indirect_dma source(%dma_start3A_46 : memref<10240x32xf32, #tpu.memory_space<hbm>>) target(%dma_start3A_40 : memref<125x32xf32, #tpu.memory_space<vmem>>) offsets(%dma_start3A_43 : memref<125xi32, #tpu.memory_space<vmem>>) semaphore(%arg14 : memref<!tpu.dma_semaphore, #tpu.memory_space<semaphore_mem>>)
    %scan3A = arith.constant 0 : i32
    %scan3A_47 = arith.constant 0 : i32
    %scan3A_48 = arith.constant 10 : i32
    %scan3A_49 = arith.addi %scan3A_47, %scan3A_48 : i32
    %scan3A_50 = arith.constant 1 : i32
    scf.for %scan3A_99 = %scan3A_47 to %scan3A_49 step %scan3A_50  : i32 {
      %mul3A_100 = arith.constant 2 : i32
      %mul3A_101 = arith.muli %mul3A_100, %scan3A_99 : i32
      %add3A_102 = arith.constant 0 : i32
      %add3A_103 = arith.addi %mul3A_101, %add3A_102 : i32
      %gt3A = arith.constant 0 : i32
      %gt3A_104 = arith.cmpi sgt, %scan3A_99, %gt3A : i32
      %convert_element_type3A_105 = arith.extui %gt3A_104 : i1 to i32
      %cond3A_106 = arith.constant 0 : i32
      %cond3A_107 = arith.cmpi ne, %convert_element_type3A_105, %cond3A_106 : i32
      scf.if %cond3A_107 {
        %dma_wait3A_422 = arith.constant 0 : i32
        %dma_wait3A_423 = arith.constant 500 : i32
        %dma_wait3A_424 = arith.constant 0 : i32
        %dma_wait3A_425 = tpu.memref_slice %arg9[%dma_wait3A_423, %dma_wait3A_424] : memref<1000x32xf32, #tpu.memory_space<vmem>> -> memref<125x32xf32, #tpu.memory_space<vmem>>
        %dma_wait3A_426 = arith.constant 0 : i32
        %dma_wait3A_427 = tpu.memref_slice %arg8[%dma_wait3A_422, %dma_wait3A_426] : memref<80x125xi32, #tpu.memory_space<vmem>> -> memref<1x125xi32, #tpu.memory_space<vmem>>
        %dma_wait3A_428 = tpu.memref_squeeze %dma_wait3A_427 : memref<1x125xi32, #tpu.memory_space<vmem>> -> memref<125xi32, #tpu.memory_space<vmem>>
        %dma_wait3A_429 = arith.constant 0 : i32
        %dma_wait3A_430 = arith.constant 0 : i32
        %dma_wait3A_431 = tpu.memref_slice %arg10[%dma_wait3A_429, %dma_wait3A_430] : memref<10240x32xf32, #tpu.memory_space<vmem_shared>> -> memref<10240x32xf32, #tpu.memory_space<vmem_shared>>
        tpu.wait_indirect_dma semaphore(%arg23 : memref<!tpu.dma_semaphore, #tpu.memory_space<semaphore_mem>>) src(%dma_wait3A_425 : memref<125x32xf32, #tpu.memory_space<vmem>>) dst(%dma_wait3A_431 : memref<10240x32xf32, #tpu.memory_space<vmem_shared>>)
      } else {
      }
      %add3A_108 = arith.constant 1 : i32
      %add3A_109 = arith.addi %add3A_103, %add3A_108 : i32
      %mul3A_110 = arith.constant 4 : i32
      %mul3A_111 = arith.muli %add3A_109, %mul3A_110 : i32
      %add3A_112 = arith.constant 0 : i32
      %add3A_113 = arith.addi %mul3A_111, %add3A_112 : i32
      %dma_start3A_114 = arith.constant 500 : i32
      %dma_start3A_115 = arith.constant 0 : i32
      %dma_start3A_116 = tpu.memref_slice %arg9[%dma_start3A_114, %dma_start3A_115] : memref<1000x32xf32, #tpu.memory_space<vmem>> -> memref<125x32xf32, #tpu.memory_space<vmem>>
      %dma_start3A_117 = arith.constant 0 : i32
      %dma_start3A_118 = tpu.memref_slice %arg7[%add3A_113, %dma_start3A_117] : memref<80x125xi32, #tpu.memory_space<vmem>> -> memref<1x125xi32, #tpu.memory_space<vmem>>
      %dma_start3A_119 = tpu.memref_squeeze %dma_start3A_118 : memref<1x125xi32, #tpu.memory_space<vmem>> -> memref<125xi32, #tpu.memory_space<vmem>>
      %dma_start3A_120 = arith.constant 0 : i32
      %dma_start3A_121 = arith.constant 0 : i32
      %dma_start3A_122 = tpu.memref_slice %arg2[%dma_start3A_120, %dma_start3A_121] : memref<10240x32xf32, #tpu.memory_space<hbm>> -> memref<10240x32xf32, #tpu.memory_space<hbm>>
      tpu.enqueue_indirect_dma source(%dma_start3A_122 : memref<10240x32xf32, #tpu.memory_space<hbm>>) target(%dma_start3A_116 : memref<125x32xf32, #tpu.memory_space<vmem>>) offsets(%dma_start3A_119 : memref<125xi32, #tpu.memory_space<vmem>>) semaphore(%arg15 : memref<!tpu.dma_semaphore, #tpu.memory_space<semaphore_mem>>)
      %gt3A_123 = arith.constant 0 : i32
      %gt3A_124 = arith.cmpi sgt, %scan3A_99, %gt3A_123 : i32
      %convert_element_type3A_125 = arith.extui %gt3A_124 : i1 to i32
      %cond3A_126 = arith.constant 0 : i32
      %cond3A_127 = arith.cmpi ne, %convert_element_type3A_125, %cond3A_126 : i32
      scf.if %cond3A_127 {
        %dma_wait3A_422 = arith.constant 0 : i32
        %dma_wait3A_423 = arith.constant 625 : i32
        %dma_wait3A_424 = arith.constant 0 : i32
        %dma_wait3A_425 = tpu.memref_slice %arg9[%dma_wait3A_423, %dma_wait3A_424] : memref<1000x32xf32, #tpu.memory_space<vmem>> -> memref<125x32xf32, #tpu.memory_space<vmem>>
        %dma_wait3A_426 = arith.constant 0 : i32
        %dma_wait3A_427 = tpu.memref_slice %arg8[%dma_wait3A_422, %dma_wait3A_426] : memref<80x125xi32, #tpu.memory_space<vmem>> -> memref<1x125xi32, #tpu.memory_space<vmem>>
        %dma_wait3A_428 = tpu.memref_squeeze %dma_wait3A_427 : memref<1x125xi32, #tpu.memory_space<vmem>> -> memref<125xi32, #tpu.memory_space<vmem>>
        %dma_wait3A_429 = arith.constant 0 : i32
        %dma_wait3A_430 = arith.constant 0 : i32
        %dma_wait3A_431 = tpu.memref_slice %arg10[%dma_wait3A_429, %dma_wait3A_430] : memref<10240x32xf32, #tpu.memory_space<vmem_shared>> -> memref<10240x32xf32, #tpu.memory_space<vmem_shared>>
        tpu.wait_indirect_dma semaphore(%arg24 : memref<!tpu.dma_semaphore, #tpu.memory_space<semaphore_mem>>) src(%dma_wait3A_425 : memref<125x32xf32, #tpu.memory_space<vmem>>) dst(%dma_wait3A_431 : memref<10240x32xf32, #tpu.memory_space<vmem_shared>>)
      } else {
      }
      %add3A_128 = arith.constant 1 : i32
      %add3A_129 = arith.addi %add3A_103, %add3A_128 : i32
      %mul3A_130 = arith.constant 4 : i32
      %mul3A_131 = arith.muli %add3A_129, %mul3A_130 : i32
      %add3A_132 = arith.constant 1 : i32
      %add3A_133 = arith.addi %mul3A_131, %add3A_132 : i32
      %dma_start3A_134 = arith.constant 625 : i32
      %dma_start3A_135 = arith.constant 0 : i32
      %dma_start3A_136 = tpu.memref_slice %arg9[%dma_start3A_134, %dma_start3A_135] : memref<1000x32xf32, #tpu.memory_space<vmem>> -> memref<125x32xf32, #tpu.memory_space<vmem>>
      %dma_start3A_137 = arith.constant 0 : i32
      %dma_start3A_138 = tpu.memref_slice %arg7[%add3A_133, %dma_start3A_137] : memref<80x125xi32, #tpu.memory_space<vmem>> -> memref<1x125xi32, #tpu.memory_space<vmem>>
      %dma_start3A_139 = tpu.memref_squeeze %dma_start3A_138 : memref<1x125xi32, #tpu.memory_space<vmem>> -> memref<125xi32, #tpu.memory_space<vmem>>
      %dma_start3A_140 = arith.constant 0 : i32
      %dma_start3A_141 = arith.constant 0 : i32
      %dma_start3A_142 = tpu.memref_slice %arg2[%dma_start3A_140, %dma_start3A_141] : memref<10240x32xf32, #tpu.memory_space<hbm>> -> memref<10240x32xf32, #tpu.memory_space<hbm>>
      tpu.enqueue_indirect_dma source(%dma_start3A_142 : memref<10240x32xf32, #tpu.memory_space<hbm>>) target(%dma_start3A_136 : memref<125x32xf32, #tpu.memory_space<vmem>>) offsets(%dma_start3A_139 : memref<125xi32, #tpu.memory_space<vmem>>) semaphore(%arg16 : memref<!tpu.dma_semaphore, #tpu.memory_space<semaphore_mem>>)
      %gt3A_143 = arith.constant 0 : i32
      %gt3A_144 = arith.cmpi sgt, %scan3A_99, %gt3A_143 : i32
      %convert_element_type3A_145 = arith.extui %gt3A_144 : i1 to i32
      %cond3A_146 = arith.constant 0 : i32
      %cond3A_147 = arith.cmpi ne, %convert_element_type3A_145, %cond3A_146 : i32
      scf.if %cond3A_147 {
        %dma_wait3A_422 = arith.constant 0 : i32
        %dma_wait3A_423 = arith.constant 750 : i32
        %dma_wait3A_424 = arith.constant 0 : i32
        %dma_wait3A_425 = tpu.memref_slice %arg9[%dma_wait3A_423, %dma_wait3A_424] : memref<1000x32xf32, #tpu.memory_space<vmem>> -> memref<125x32xf32, #tpu.memory_space<vmem>>
        %dma_wait3A_426 = arith.constant 0 : i32
        %dma_wait3A_427 = tpu.memref_slice %arg8[%dma_wait3A_422, %dma_wait3A_426] : memref<80x125xi32, #tpu.memory_space<vmem>> -> memref<1x125xi32, #tpu.memory_space<vmem>>
        %dma_wait3A_428 = tpu.memref_squeeze %dma_wait3A_427 : memref<1x125xi32, #tpu.memory_space<vmem>> -> memref<125xi32, #tpu.memory_space<vmem>>
        %dma_wait3A_429 = arith.constant 0 : i32
        %dma_wait3A_430 = arith.constant 0 : i32
        %dma_wait3A_431 = tpu.memref_slice %arg10[%dma_wait3A_429, %dma_wait3A_430] : memref<10240x32xf32, #tpu.memory_space<vmem_shared>> -> memref<10240x32xf32, #tpu.memory_space<vmem_shared>>
        tpu.wait_indirect_dma semaphore(%arg25 : memref<!tpu.dma_semaphore, #tpu.memory_space<semaphore_mem>>) src(%dma_wait3A_425 : memref<125x32xf32, #tpu.memory_space<vmem>>) dst(%dma_wait3A_431 : memref<10240x32xf32, #tpu.memory_space<vmem_shared>>)
      } else {
      }
      %add3A_148 = arith.constant 1 : i32
      %add3A_149 = arith.addi %add3A_103, %add3A_148 : i32
      %mul3A_150 = arith.constant 4 : i32
      %mul3A_151 = arith.muli %add3A_149, %mul3A_150 : i32
      %add3A_152 = arith.constant 2 : i32
      %add3A_153 = arith.addi %mul3A_151, %add3A_152 : i32
      %dma_start3A_154 = arith.constant 750 : i32
      %dma_start3A_155 = arith.constant 0 : i32
      %dma_start3A_156 = tpu.memref_slice %arg9[%dma_start3A_154, %dma_start3A_155] : memref<1000x32xf32, #tpu.memory_space<vmem>> -> memref<125x32xf32, #tpu.memory_space<vmem>>
      %dma_start3A_157 = arith.constant 0 : i32
      %dma_start3A_158 = tpu.memref_slice %arg7[%add3A_153, %dma_start3A_157] : memref<80x125xi32, #tpu.memory_space<vmem>> -> memref<1x125xi32, #tpu.memory_space<vmem>>
      %dma_start3A_159 = tpu.memref_squeeze %dma_start3A_158 : memref<1x125xi32, #tpu.memory_space<vmem>> -> memref<125xi32, #tpu.memory_space<vmem>>
      %dma_start3A_160 = arith.constant 0 : i32
      %dma_start3A_161 = arith.constant 0 : i32
      %dma_start3A_162 = tpu.memref_slice %arg2[%dma_start3A_160, %dma_start3A_161] : memref<10240x32xf32, #tpu.memory_space<hbm>> -> memref<10240x32xf32, #tpu.memory_space<hbm>>
      tpu.enqueue_indirect_dma source(%dma_start3A_162 : memref<10240x32xf32, #tpu.memory_space<hbm>>) target(%dma_start3A_156 : memref<125x32xf32, #tpu.memory_space<vmem>>) offsets(%dma_start3A_159 : memref<125xi32, #tpu.memory_space<vmem>>) semaphore(%arg17 : memref<!tpu.dma_semaphore, #tpu.memory_space<semaphore_mem>>)
      %gt3A_163 = arith.constant 0 : i32
      %gt3A_164 = arith.cmpi sgt, %scan3A_99, %gt3A_163 : i32
      %convert_element_type3A_165 = arith.extui %gt3A_164 : i1 to i32
      %cond3A_166 = arith.constant 0 : i32
      %cond3A_167 = arith.cmpi ne, %convert_element_type3A_165, %cond3A_166 : i32
      scf.if %cond3A_167 {
        %dma_wait3A_422 = arith.constant 0 : i32
        %dma_wait3A_423 = arith.constant 875 : i32
        %dma_wait3A_424 = arith.constant 0 : i32
        %dma_wait3A_425 = tpu.memref_slice %arg9[%dma_wait3A_423, %dma_wait3A_424] : memref<1000x32xf32, #tpu.memory_space<vmem>> -> memref<125x32xf32, #tpu.memory_space<vmem>>
        %dma_wait3A_426 = arith.constant 0 : i32
        %dma_wait3A_427 = tpu.memref_slice %arg8[%dma_wait3A_422, %dma_wait3A_426] : memref<80x125xi32, #tpu.memory_space<vmem>> -> memref<1x125xi32, #tpu.memory_space<vmem>>
        %dma_wait3A_428 = tpu.memref_squeeze %dma_wait3A_427 : memref<1x125xi32, #tpu.memory_space<vmem>> -> memref<125xi32, #tpu.memory_space<vmem>>
        %dma_wait3A_429 = arith.constant 0 : i32
        %dma_wait3A_430 = arith.constant 0 : i32
        %dma_wait3A_431 = tpu.memref_slice %arg10[%dma_wait3A_429, %dma_wait3A_430] : memref<10240x32xf32, #tpu.memory_space<vmem_shared>> -> memref<10240x32xf32, #tpu.memory_space<vmem_shared>>
        tpu.wait_indirect_dma semaphore(%arg26 : memref<!tpu.dma_semaphore, #tpu.memory_space<semaphore_mem>>) src(%dma_wait3A_425 : memref<125x32xf32, #tpu.memory_space<vmem>>) dst(%dma_wait3A_431 : memref<10240x32xf32, #tpu.memory_space<vmem_shared>>)
      } else {
      }
      %add3A_168 = arith.constant 1 : i32
      %add3A_169 = arith.addi %add3A_103, %add3A_168 : i32
      %mul3A_170 = arith.constant 4 : i32
      %mul3A_171 = arith.muli %add3A_169, %mul3A_170 : i32
      %add3A_172 = arith.constant 3 : i32
      %add3A_173 = arith.addi %mul3A_171, %add3A_172 : i32
      %dma_start3A_174 = arith.constant 875 : i32
      %dma_start3A_175 = arith.constant 0 : i32
      %dma_start3A_176 = tpu.memref_slice %arg9[%dma_start3A_174, %dma_start3A_175] : memref<1000x32xf32, #tpu.memory_space<vmem>> -> memref<125x32xf32, #tpu.memory_space<vmem>>
      %dma_start3A_177 = arith.constant 0 : i32
      %dma_start3A_178 = tpu.memref_slice %arg7[%add3A_173, %dma_start3A_177] : memref<80x125xi32, #tpu.memory_space<vmem>> -> memref<1x125xi32, #tpu.memory_space<vmem>>
      %dma_start3A_179 = tpu.memref_squeeze %dma_start3A_178 : memref<1x125xi32, #tpu.memory_space<vmem>> -> memref<125xi32, #tpu.memory_space<vmem>>
      %dma_start3A_180 = arith.constant 0 : i32
      %dma_start3A_181 = arith.constant 0 : i32
      %dma_start3A_182 = tpu.memref_slice %arg2[%dma_start3A_180, %dma_start3A_181] : memref<10240x32xf32, #tpu.memory_space<hbm>> -> memref<10240x32xf32, #tpu.memory_space<hbm>>
      tpu.enqueue_indirect_dma source(%dma_start3A_182 : memref<10240x32xf32, #tpu.memory_space<hbm>>) target(%dma_start3A_176 : memref<125x32xf32, #tpu.memory_space<vmem>>) offsets(%dma_start3A_179 : memref<125xi32, #tpu.memory_space<vmem>>) semaphore(%arg18 : memref<!tpu.dma_semaphore, #tpu.memory_space<semaphore_mem>>)
      %mul3A_183 = arith.constant 4 : i32
      %mul3A_184 = arith.muli %add3A_103, %mul3A_183 : i32
      %add3A_185 = arith.constant 0 : i32
      %add3A_186 = arith.addi %mul3A_184, %add3A_185 : i32
      %dma_wait3A_187 = arith.constant 0 : i32
      %dma_wait3A_188 = arith.constant 0 : i32
      %dma_wait3A_189 = tpu.memref_slice %arg9[%dma_wait3A_187, %dma_wait3A_188] : memref<1000x32xf32, #tpu.memory_space<vmem>> -> memref<125x32xf32, #tpu.memory_space<vmem>>
      %dma_wait3A_190 = arith.constant 0 : i32
      %dma_wait3A_191 = tpu.memref_slice %arg7[%add3A_186, %dma_wait3A_190] : memref<80x125xi32, #tpu.memory_space<vmem>> -> memref<1x125xi32, #tpu.memory_space<vmem>>
      %dma_wait3A_192 = tpu.memref_squeeze %dma_wait3A_191 : memref<1x125xi32, #tpu.memory_space<vmem>> -> memref<125xi32, #tpu.memory_space<vmem>>
      %dma_wait3A_193 = arith.constant 0 : i32
      %dma_wait3A_194 = arith.constant 0 : i32
      %dma_wait3A_195 = tpu.memref_slice %arg2[%dma_wait3A_193, %dma_wait3A_194] : memref<10240x32xf32, #tpu.memory_space<hbm>> -> memref<10240x32xf32, #tpu.memory_space<hbm>>
      tpu.wait_indirect_dma semaphore(%arg11 : memref<!tpu.dma_semaphore, #tpu.memory_space<semaphore_mem>>) src(%dma_wait3A_195 : memref<10240x32xf32, #tpu.memory_space<hbm>>) dst(%dma_wait3A_189 : memref<125x32xf32, #tpu.memory_space<vmem>>)
      %dma_start3A_196 = arith.constant 0 : i32
      %dma_start3A_197 = arith.constant 0 : i32
      %dma_start3A_198 = tpu.memref_slice %arg9[%dma_start3A_196, %dma_start3A_197] : memref<1000x32xf32, #tpu.memory_space<vmem>> -> memref<125x32xf32, #tpu.memory_space<vmem>>
      %dma_start3A_199 = arith.constant 0 : i32
      %dma_start3A_200 = tpu.memref_slice %arg8[%add3A_186, %dma_start3A_199] : memref<80x125xi32, #tpu.memory_space<vmem>> -> memref<1x125xi32, #tpu.memory_space<vmem>>
      %dma_start3A_201 = tpu.memref_squeeze %dma_start3A_200 : memref<1x125xi32, #tpu.memory_space<vmem>> -> memref<125xi32, #tpu.memory_space<vmem>>
      %dma_start3A_202 = arith.constant 0 : i32
      %dma_start3A_203 = arith.constant 0 : i32
      %dma_start3A_204 = tpu.memref_slice %arg10[%dma_start3A_202, %dma_start3A_203] : memref<10240x32xf32, #tpu.memory_space<vmem_shared>> -> memref<10240x32xf32, #tpu.memory_space<vmem_shared>>
      tpu.enqueue_indirect_dma source(%dma_start3A_198 : memref<125x32xf32, #tpu.memory_space<vmem>>) target(%dma_start3A_204 : memref<10240x32xf32, #tpu.memory_space<vmem_shared>>) offsets(%dma_start3A_201 : memref<125xi32, #tpu.memory_space<vmem>>) semaphore(%arg19 : memref<!tpu.dma_semaphore, #tpu.memory_space<semaphore_mem>>) {add = true}
      %mul3A_205 = arith.constant 4 : i32
      %mul3A_206 = arith.muli %add3A_103, %mul3A_205 : i32
      %add3A_207 = arith.constant 1 : i32
      %add3A_208 = arith.addi %mul3A_206, %add3A_207 : i32
      %dma_wait3A_209 = arith.constant 125 : i32
      %dma_wait3A_210 = arith.constant 0 : i32
      %dma_wait3A_211 = tpu.memref_slice %arg9[%dma_wait3A_209, %dma_wait3A_210] : memref<1000x32xf32, #tpu.memory_space<vmem>> -> memref<125x32xf32, #tpu.memory_space<vmem>>
      %dma_wait3A_212 = arith.constant 0 : i32
      %dma_wait3A_213 = tpu.memref_slice %arg7[%add3A_208, %dma_wait3A_212] : memref<80x125xi32, #tpu.memory_space<vmem>> -> memref<1x125xi32, #tpu.memory_space<vmem>>
      %dma_wait3A_214 = tpu.memref_squeeze %dma_wait3A_213 : memref<1x125xi32, #tpu.memory_space<vmem>> -> memref<125xi32, #tpu.memory_space<vmem>>
      %dma_wait3A_215 = arith.constant 0 : i32
      %dma_wait3A_216 = arith.constant 0 : i32
      %dma_wait3A_217 = tpu.memref_slice %arg2[%dma_wait3A_215, %dma_wait3A_216] : memref<10240x32xf32, #tpu.memory_space<hbm>> -> memref<10240x32xf32, #tpu.memory_space<hbm>>
      tpu.wait_indirect_dma semaphore(%arg12 : memref<!tpu.dma_semaphore, #tpu.memory_space<semaphore_mem>>) src(%dma_wait3A_217 : memref<10240x32xf32, #tpu.memory_space<hbm>>) dst(%dma_wait3A_211 : memref<125x32xf32, #tpu.memory_space<vmem>>)
      %dma_start3A_218 = arith.constant 125 : i32
      %dma_start3A_219 = arith.constant 0 : i32
      %dma_start3A_220 = tpu.memref_slice %arg9[%dma_start3A_218, %dma_start3A_219] : memref<1000x32xf32, #tpu.memory_space<vmem>> -> memref<125x32xf32, #tpu.memory_space<vmem>>
      %dma_start3A_221 = arith.constant 0 : i32
      %dma_start3A_222 = tpu.memref_slice %arg8[%add3A_208, %dma_start3A_221] : memref<80x125xi32, #tpu.memory_space<vmem>> -> memref<1x125xi32, #tpu.memory_space<vmem>>
      %dma_start3A_223 = tpu.memref_squeeze %dma_start3A_222 : memref<1x125xi32, #tpu.memory_space<vmem>> -> memref<125xi32, #tpu.memory_space<vmem>>
      %dma_start3A_224 = arith.constant 0 : i32
      %dma_start3A_225 = arith.constant 0 : i32
      %dma_start3A_226 = tpu.memref_slice %arg10[%dma_start3A_224, %dma_start3A_225] : memref<10240x32xf32, #tpu.memory_space<vmem_shared>> -> memref<10240x32xf32, #tpu.memory_space<vmem_shared>>
      tpu.enqueue_indirect_dma source(%dma_start3A_220 : memref<125x32xf32, #tpu.memory_space<vmem>>) target(%dma_start3A_226 : memref<10240x32xf32, #tpu.memory_space<vmem_shared>>) offsets(%dma_start3A_223 : memref<125xi32, #tpu.memory_space<vmem>>) semaphore(%arg20 : memref<!tpu.dma_semaphore, #tpu.memory_space<semaphore_mem>>) {add = true}
      %mul3A_227 = arith.constant 4 : i32
      %mul3A_228 = arith.muli %add3A_103, %mul3A_227 : i32
      %add3A_229 = arith.constant 2 : i32
      %add3A_230 = arith.addi %mul3A_228, %add3A_229 : i32
      %dma_wait3A_231 = arith.constant 250 : i32
      %dma_wait3A_232 = arith.constant 0 : i32
      %dma_wait3A_233 = tpu.memref_slice %arg9[%dma_wait3A_231, %dma_wait3A_232] : memref<1000x32xf32, #tpu.memory_space<vmem>> -> memref<125x32xf32, #tpu.memory_space<vmem>>
      %dma_wait3A_234 = arith.constant 0 : i32
      %dma_wait3A_235 = tpu.memref_slice %arg7[%add3A_230, %dma_wait3A_234] : memref<80x125xi32, #tpu.memory_space<vmem>> -> memref<1x125xi32, #tpu.memory_space<vmem>>
      %dma_wait3A_236 = tpu.memref_squeeze %dma_wait3A_235 : memref<1x125xi32, #tpu.memory_space<vmem>> -> memref<125xi32, #tpu.memory_space<vmem>>
      %dma_wait3A_237 = arith.constant 0 : i32
      %dma_wait3A_238 = arith.constant 0 : i32
      %dma_wait3A_239 = tpu.memref_slice %arg2[%dma_wait3A_237, %dma_wait3A_238] : memref<10240x32xf32, #tpu.memory_space<hbm>> -> memref<10240x32xf32, #tpu.memory_space<hbm>>
      tpu.wait_indirect_dma semaphore(%arg13 : memref<!tpu.dma_semaphore, #tpu.memory_space<semaphore_mem>>) src(%dma_wait3A_239 : memref<10240x32xf32, #tpu.memory_space<hbm>>) dst(%dma_wait3A_233 : memref<125x32xf32, #tpu.memory_space<vmem>>)
      %dma_start3A_240 = arith.constant 250 : i32
      %dma_start3A_241 = arith.constant 0 : i32
      %dma_start3A_242 = tpu.memref_slice %arg9[%dma_start3A_240, %dma_start3A_241] : memref<1000x32xf32, #tpu.memory_space<vmem>> -> memref<125x32xf32, #tpu.memory_space<vmem>>
      %dma_start3A_243 = arith.constant 0 : i32
      %dma_start3A_244 = tpu.memref_slice %arg8[%add3A_230, %dma_start3A_243] : memref<80x125xi32, #tpu.memory_space<vmem>> -> memref<1x125xi32, #tpu.memory_space<vmem>>
      %dma_start3A_245 = tpu.memref_squeeze %dma_start3A_244 : memref<1x125xi32, #tpu.memory_space<vmem>> -> memref<125xi32, #tpu.memory_space<vmem>>
      %dma_start3A_246 = arith.constant 0 : i32
      %dma_start3A_247 = arith.constant 0 : i32
      %dma_start3A_248 = tpu.memref_slice %arg10[%dma_start3A_246, %dma_start3A_247] : memref<10240x32xf32, #tpu.memory_space<vmem_shared>> -> memref<10240x32xf32, #tpu.memory_space<vmem_shared>>
      tpu.enqueue_indirect_dma source(%dma_start3A_242 : memref<125x32xf32, #tpu.memory_space<vmem>>) target(%dma_start3A_248 : memref<10240x32xf32, #tpu.memory_space<vmem_shared>>) offsets(%dma_start3A_245 : memref<125xi32, #tpu.memory_space<vmem>>) semaphore(%arg21 : memref<!tpu.dma_semaphore, #tpu.memory_space<semaphore_mem>>) {add = true}
      %mul3A_249 = arith.constant 4 : i32
      %mul3A_250 = arith.muli %add3A_103, %mul3A_249 : i32
      %add3A_251 = arith.constant 3 : i32
      %add3A_252 = arith.addi %mul3A_250, %add3A_251 : i32
      %dma_wait3A_253 = arith.constant 375 : i32
      %dma_wait3A_254 = arith.constant 0 : i32
      %dma_wait3A_255 = tpu.memref_slice %arg9[%dma_wait3A_253, %dma_wait3A_254] : memref<1000x32xf32, #tpu.memory_space<vmem>> -> memref<125x32xf32, #tpu.memory_space<vmem>>
      %dma_wait3A_256 = arith.constant 0 : i32
      %dma_wait3A_257 = tpu.memref_slice %arg7[%add3A_252, %dma_wait3A_256] : memref<80x125xi32, #tpu.memory_space<vmem>> -> memref<1x125xi32, #tpu.memory_space<vmem>>
      %dma_wait3A_258 = tpu.memref_squeeze %dma_wait3A_257 : memref<1x125xi32, #tpu.memory_space<vmem>> -> memref<125xi32, #tpu.memory_space<vmem>>
      %dma_wait3A_259 = arith.constant 0 : i32
      %dma_wait3A_260 = arith.constant 0 : i32
      %dma_wait3A_261 = tpu.memref_slice %arg2[%dma_wait3A_259, %dma_wait3A_260] : memref<10240x32xf32, #tpu.memory_space<hbm>> -> memref<10240x32xf32, #tpu.memory_space<hbm>>
      tpu.wait_indirect_dma semaphore(%arg14 : memref<!tpu.dma_semaphore, #tpu.memory_space<semaphore_mem>>) src(%dma_wait3A_261 : memref<10240x32xf32, #tpu.memory_space<hbm>>) dst(%dma_wait3A_255 : memref<125x32xf32, #tpu.memory_space<vmem>>)
      %dma_start3A_262 = arith.constant 375 : i32
      %dma_start3A_263 = arith.constant 0 : i32
      %dma_start3A_264 = tpu.memref_slice %arg9[%dma_start3A_262, %dma_start3A_263] : memref<1000x32xf32, #tpu.memory_space<vmem>> -> memref<125x32xf32, #tpu.memory_space<vmem>>
      %dma_start3A_265 = arith.constant 0 : i32
      %dma_start3A_266 = tpu.memref_slice %arg8[%add3A_252, %dma_start3A_265] : memref<80x125xi32, #tpu.memory_space<vmem>> -> memref<1x125xi32, #tpu.memory_space<vmem>>
      %dma_start3A_267 = tpu.memref_squeeze %dma_start3A_266 : memref<1x125xi32, #tpu.memory_space<vmem>> -> memref<125xi32, #tpu.memory_space<vmem>>
      %dma_start3A_268 = arith.constant 0 : i32
      %dma_start3A_269 = arith.constant 0 : i32
      %dma_start3A_270 = tpu.memref_slice %arg10[%dma_start3A_268, %dma_start3A_269] : memref<10240x32xf32, #tpu.memory_space<vmem_shared>> -> memref<10240x32xf32, #tpu.memory_space<vmem_shared>>
      tpu.enqueue_indirect_dma source(%dma_start3A_264 : memref<125x32xf32, #tpu.memory_space<vmem>>) target(%dma_start3A_270 : memref<10240x32xf32, #tpu.memory_space<vmem_shared>>) offsets(%dma_start3A_267 : memref<125xi32, #tpu.memory_space<vmem>>) semaphore(%arg22 : memref<!tpu.dma_semaphore, #tpu.memory_space<semaphore_mem>>) {add = true}
      %mul3A_271 = arith.constant 2 : i32
      %mul3A_272 = arith.muli %mul3A_271, %scan3A_99 : i32
      %add3A_273 = arith.constant 1 : i32
      %add3A_274 = arith.addi %mul3A_272, %add3A_273 : i32
      %dma_wait3A_275 = arith.constant 0 : i32
      %dma_wait3A_276 = arith.constant 0 : i32
      %dma_wait3A_277 = arith.constant 0 : i32
      %dma_wait3A_278 = tpu.memref_slice %arg9[%dma_wait3A_276, %dma_wait3A_277] : memref<1000x32xf32, #tpu.memory_space<vmem>> -> memref<125x32xf32, #tpu.memory_space<vmem>>
      %dma_wait3A_279 = arith.constant 0 : i32
      %dma_wait3A_280 = tpu.memref_slice %arg8[%dma_wait3A_275, %dma_wait3A_279] : memref<80x125xi32, #tpu.memory_space<vmem>> -> memref<1x125xi32, #tpu.memory_space<vmem>>
      %dma_wait3A_281 = tpu.memref_squeeze %dma_wait3A_280 : memref<1x125xi32, #tpu.memory_space<vmem>> -> memref<125xi32, #tpu.memory_space<vmem>>
      %dma_wait3A_282 = arith.constant 0 : i32
      %dma_wait3A_283 = arith.constant 0 : i32
      %dma_wait3A_284 = tpu.memref_slice %arg10[%dma_wait3A_282, %dma_wait3A_283] : memref<10240x32xf32, #tpu.memory_space<vmem_shared>> -> memref<10240x32xf32, #tpu.memory_space<vmem_shared>>
      tpu.wait_indirect_dma semaphore(%arg19 : memref<!tpu.dma_semaphore, #tpu.memory_space<semaphore_mem>>) src(%dma_wait3A_278 : memref<125x32xf32, #tpu.memory_space<vmem>>) dst(%dma_wait3A_284 : memref<10240x32xf32, #tpu.memory_space<vmem_shared>>)
      %lt3A = arith.constant 9 : i32
      %lt3A_285 = arith.cmpi slt, %scan3A_99, %lt3A : i32
      %convert_element_type3A_286 = arith.extui %lt3A_285 : i1 to i32
      %cond3A_287 = arith.constant 0 : i32
      %cond3A_288 = arith.cmpi ne, %convert_element_type3A_286, %cond3A_287 : i32
      scf.if %cond3A_288 {
        %add3A_422 = arith.constant 1 : i32
        %add3A_423 = arith.addi %add3A_274, %add3A_422 : i32
        %mul3A_424 = arith.constant 4 : i32
        %mul3A_425 = arith.muli %add3A_423, %mul3A_424 : i32
        %add3A_426 = arith.constant 0 : i32
        %add3A_427 = arith.addi %mul3A_425, %add3A_426 : i32
        %dma_start3A_428 = arith.constant 0 : i32
        %dma_start3A_429 = arith.constant 0 : i32
        %dma_start3A_430 = tpu.memref_slice %arg9[%dma_start3A_428, %dma_start3A_429] : memref<1000x32xf32, #tpu.memory_space<vmem>> -> memref<125x32xf32, #tpu.memory_space<vmem>>
        %dma_start3A_431 = arith.constant 0 : i32
        %dma_start3A_432 = tpu.memref_slice %arg7[%add3A_427, %dma_start3A_431] : memref<80x125xi32, #tpu.memory_space<vmem>> -> memref<1x125xi32, #tpu.memory_space<vmem>>
        %dma_start3A_433 = tpu.memref_squeeze %dma_start3A_432 : memref<1x125xi32, #tpu.memory_space<vmem>> -> memref<125xi32, #tpu.memory_space<vmem>>
        %dma_start3A_434 = arith.constant 0 : i32
        %dma_start3A_435 = arith.constant 0 : i32
        %dma_start3A_436 = tpu.memref_slice %arg2[%dma_start3A_434, %dma_start3A_435] : memref<10240x32xf32, #tpu.memory_space<hbm>> -> memref<10240x32xf32, #tpu.memory_space<hbm>>
        tpu.enqueue_indirect_dma source(%dma_start3A_436 : memref<10240x32xf32, #tpu.memory_space<hbm>>) target(%dma_start3A_430 : memref<125x32xf32, #tpu.memory_space<vmem>>) offsets(%dma_start3A_433 : memref<125xi32, #tpu.memory_space<vmem>>) semaphore(%arg11 : memref<!tpu.dma_semaphore, #tpu.memory_space<semaphore_mem>>)
      } else {
      }
      %dma_wait3A_289 = arith.constant 0 : i32
      %dma_wait3A_290 = arith.constant 125 : i32
      %dma_wait3A_291 = arith.constant 0 : i32
      %dma_wait3A_292 = tpu.memref_slice %arg9[%dma_wait3A_290, %dma_wait3A_291] : memref<1000x32xf32, #tpu.memory_space<vmem>> -> memref<125x32xf32, #tpu.memory_space<vmem>>
      %dma_wait3A_293 = arith.constant 0 : i32
      %dma_wait3A_294 = tpu.memref_slice %arg8[%dma_wait3A_289, %dma_wait3A_293] : memref<80x125xi32, #tpu.memory_space<vmem>> -> memref<1x125xi32, #tpu.memory_space<vmem>>
      %dma_wait3A_295 = tpu.memref_squeeze %dma_wait3A_294 : memref<1x125xi32, #tpu.memory_space<vmem>> -> memref<125xi32, #tpu.memory_space<vmem>>
      %dma_wait3A_296 = arith.constant 0 : i32
      %dma_wait3A_297 = arith.constant 0 : i32
      %dma_wait3A_298 = tpu.memref_slice %arg10[%dma_wait3A_296, %dma_wait3A_297] : memref<10240x32xf32, #tpu.memory_space<vmem_shared>> -> memref<10240x32xf32, #tpu.memory_space<vmem_shared>>
      tpu.wait_indirect_dma semaphore(%arg20 : memref<!tpu.dma_semaphore, #tpu.memory_space<semaphore_mem>>) src(%dma_wait3A_292 : memref<125x32xf32, #tpu.memory_space<vmem>>) dst(%dma_wait3A_298 : memref<10240x32xf32, #tpu.memory_space<vmem_shared>>)
      %lt3A_299 = arith.constant 9 : i32
      %lt3A_300 = arith.cmpi slt, %scan3A_99, %lt3A_299 : i32
      %convert_element_type3A_301 = arith.extui %lt3A_300 : i1 to i32
      %cond3A_302 = arith.constant 0 : i32
      %cond3A_303 = arith.cmpi ne, %convert_element_type3A_301, %cond3A_302 : i32
      scf.if %cond3A_303 {
        %add3A_422 = arith.constant 1 : i32
        %add3A_423 = arith.addi %add3A_274, %add3A_422 : i32
        %mul3A_424 = arith.constant 4 : i32
        %mul3A_425 = arith.muli %add3A_423, %mul3A_424 : i32
        %add3A_426 = arith.constant 1 : i32
        %add3A_427 = arith.addi %mul3A_425, %add3A_426 : i32
        %dma_start3A_428 = arith.constant 125 : i32
        %dma_start3A_429 = arith.constant 0 : i32
        %dma_start3A_430 = tpu.memref_slice %arg9[%dma_start3A_428, %dma_start3A_429] : memref<1000x32xf32, #tpu.memory_space<vmem>> -> memref<125x32xf32, #tpu.memory_space<vmem>>
        %dma_start3A_431 = arith.constant 0 : i32
        %dma_start3A_432 = tpu.memref_slice %arg7[%add3A_427, %dma_start3A_431] : memref<80x125xi32, #tpu.memory_space<vmem>> -> memref<1x125xi32, #tpu.memory_space<vmem>>
        %dma_start3A_433 = tpu.memref_squeeze %dma_start3A_432 : memref<1x125xi32, #tpu.memory_space<vmem>> -> memref<125xi32, #tpu.memory_space<vmem>>
        %dma_start3A_434 = arith.constant 0 : i32
        %dma_start3A_435 = arith.constant 0 : i32
        %dma_start3A_436 = tpu.memref_slice %arg2[%dma_start3A_434, %dma_start3A_435] : memref<10240x32xf32, #tpu.memory_space<hbm>> -> memref<10240x32xf32, #tpu.memory_space<hbm>>
        tpu.enqueue_indirect_dma source(%dma_start3A_436 : memref<10240x32xf32, #tpu.memory_space<hbm>>) target(%dma_start3A_430 : memref<125x32xf32, #tpu.memory_space<vmem>>) offsets(%dma_start3A_433 : memref<125xi32, #tpu.memory_space<vmem>>) semaphore(%arg12 : memref<!tpu.dma_semaphore, #tpu.memory_space<semaphore_mem>>)
      } else {
      }
      %dma_wait3A_304 = arith.constant 0 : i32
      %dma_wait3A_305 = arith.constant 250 : i32
      %dma_wait3A_306 = arith.constant 0 : i32
      %dma_wait3A_307 = tpu.memref_slice %arg9[%dma_wait3A_305, %dma_wait3A_306] : memref<1000x32xf32, #tpu.memory_space<vmem>> -> memref<125x32xf32, #tpu.memory_space<vmem>>
      %dma_wait3A_308 = arith.constant 0 : i32
      %dma_wait3A_309 = tpu.memref_slice %arg8[%dma_wait3A_304, %dma_wait3A_308] : memref<80x125xi32, #tpu.memory_space<vmem>> -> memref<1x125xi32, #tpu.memory_space<vmem>>
      %dma_wait3A_310 = tpu.memref_squeeze %dma_wait3A_309 : memref<1x125xi32, #tpu.memory_space<vmem>> -> memref<125xi32, #tpu.memory_space<vmem>>
      %dma_wait3A_311 = arith.constant 0 : i32
      %dma_wait3A_312 = arith.constant 0 : i32
      %dma_wait3A_313 = tpu.memref_slice %arg10[%dma_wait3A_311, %dma_wait3A_312] : memref<10240x32xf32, #tpu.memory_space<vmem_shared>> -> memref<10240x32xf32, #tpu.memory_space<vmem_shared>>
      tpu.wait_indirect_dma semaphore(%arg21 : memref<!tpu.dma_semaphore, #tpu.memory_space<semaphore_mem>>) src(%dma_wait3A_307 : memref<125x32xf32, #tpu.memory_space<vmem>>) dst(%dma_wait3A_313 : memref<10240x32xf32, #tpu.memory_space<vmem_shared>>)
      %lt3A_314 = arith.constant 9 : i32
      %lt3A_315 = arith.cmpi slt, %scan3A_99, %lt3A_314 : i32
      %convert_element_type3A_316 = arith.extui %lt3A_315 : i1 to i32
      %cond3A_317 = arith.constant 0 : i32
      %cond3A_318 = arith.cmpi ne, %convert_element_type3A_316, %cond3A_317 : i32
      scf.if %cond3A_318 {
        %add3A_422 = arith.constant 1 : i32
        %add3A_423 = arith.addi %add3A_274, %add3A_422 : i32
        %mul3A_424 = arith.constant 4 : i32
        %mul3A_425 = arith.muli %add3A_423, %mul3A_424 : i32
        %add3A_426 = arith.constant 2 : i32
        %add3A_427 = arith.addi %mul3A_425, %add3A_426 : i32
        %dma_start3A_428 = arith.constant 250 : i32
        %dma_start3A_429 = arith.constant 0 : i32
        %dma_start3A_430 = tpu.memref_slice %arg9[%dma_start3A_428, %dma_start3A_429] : memref<1000x32xf32, #tpu.memory_space<vmem>> -> memref<125x32xf32, #tpu.memory_space<vmem>>
        %dma_start3A_431 = arith.constant 0 : i32
        %dma_start3A_432 = tpu.memref_slice %arg7[%add3A_427, %dma_start3A_431] : memref<80x125xi32, #tpu.memory_space<vmem>> -> memref<1x125xi32, #tpu.memory_space<vmem>>
        %dma_start3A_433 = tpu.memref_squeeze %dma_start3A_432 : memref<1x125xi32, #tpu.memory_space<vmem>> -> memref<125xi32, #tpu.memory_space<vmem>>
        %dma_start3A_434 = arith.constant 0 : i32
        %dma_start3A_435 = arith.constant 0 : i32
        %dma_start3A_436 = tpu.memref_slice %arg2[%dma_start3A_434, %dma_start3A_435] : memref<10240x32xf32, #tpu.memory_space<hbm>> -> memref<10240x32xf32, #tpu.memory_space<hbm>>
        tpu.enqueue_indirect_dma source(%dma_start3A_436 : memref<10240x32xf32, #tpu.memory_space<hbm>>) target(%dma_start3A_430 : memref<125x32xf32, #tpu.memory_space<vmem>>) offsets(%dma_start3A_433 : memref<125xi32, #tpu.memory_space<vmem>>) semaphore(%arg13 : memref<!tpu.dma_semaphore, #tpu.memory_space<semaphore_mem>>)
      } else {
      }
      %dma_wait3A_319 = arith.constant 0 : i32
      %dma_wait3A_320 = arith.constant 375 : i32
      %dma_wait3A_321 = arith.constant 0 : i32
      %dma_wait3A_322 = tpu.memref_slice %arg9[%dma_wait3A_320, %dma_wait3A_321] : memref<1000x32xf32, #tpu.memory_space<vmem>> -> memref<125x32xf32, #tpu.memory_space<vmem>>
      %dma_wait3A_323 = arith.constant 0 : i32
      %dma_wait3A_324 = tpu.memref_slice %arg8[%dma_wait3A_319, %dma_wait3A_323] : memref<80x125xi32, #tpu.memory_space<vmem>> -> memref<1x125xi32, #tpu.memory_space<vmem>>
      %dma_wait3A_325 = tpu.memref_squeeze %dma_wait3A_324 : memref<1x125xi32, #tpu.memory_space<vmem>> -> memref<125xi32, #tpu.memory_space<vmem>>
      %dma_wait3A_326 = arith.constant 0 : i32
      %dma_wait3A_327 = arith.constant 0 : i32
      %dma_wait3A_328 = tpu.memref_slice %arg10[%dma_wait3A_326, %dma_wait3A_327] : memref<10240x32xf32, #tpu.memory_space<vmem_shared>> -> memref<10240x32xf32, #tpu.memory_space<vmem_shared>>
      tpu.wait_indirect_dma semaphore(%arg22 : memref<!tpu.dma_semaphore, #tpu.memory_space<semaphore_mem>>) src(%dma_wait3A_322 : memref<125x32xf32, #tpu.memory_space<vmem>>) dst(%dma_wait3A_328 : memref<10240x32xf32, #tpu.memory_space<vmem_shared>>)
      %lt3A_329 = arith.constant 9 : i32
      %lt3A_330 = arith.cmpi slt, %scan3A_99, %lt3A_329 : i32
      %convert_element_type3A_331 = arith.extui %lt3A_330 : i1 to i32
      %cond3A_332 = arith.constant 0 : i32
      %cond3A_333 = arith.cmpi ne, %convert_element_type3A_331, %cond3A_332 : i32
      scf.if %cond3A_333 {
        %add3A_422 = arith.constant 1 : i32
        %add3A_423 = arith.addi %add3A_274, %add3A_422 : i32
        %mul3A_424 = arith.constant 4 : i32
        %mul3A_425 = arith.muli %add3A_423, %mul3A_424 : i32
        %add3A_426 = arith.constant 3 : i32
        %add3A_427 = arith.addi %mul3A_425, %add3A_426 : i32
        %dma_start3A_428 = arith.constant 375 : i32
        %dma_start3A_429 = arith.constant 0 : i32
        %dma_start3A_430 = tpu.memref_slice %arg9[%dma_start3A_428, %dma_start3A_429] : memref<1000x32xf32, #tpu.memory_space<vmem>> -> memref<125x32xf32, #tpu.memory_space<vmem>>
        %dma_start3A_431 = arith.constant 0 : i32
        %dma_start3A_432 = tpu.memref_slice %arg7[%add3A_427, %dma_start3A_431] : memref<80x125xi32, #tpu.memory_space<vmem>> -> memref<1x125xi32, #tpu.memory_space<vmem>>
        %dma_start3A_433 = tpu.memref_squeeze %dma_start3A_432 : memref<1x125xi32, #tpu.memory_space<vmem>> -> memref<125xi32, #tpu.memory_space<vmem>>
        %dma_start3A_434 = arith.constant 0 : i32
        %dma_start3A_435 = arith.constant 0 : i32
        %dma_start3A_436 = tpu.memref_slice %arg2[%dma_start3A_434, %dma_start3A_435] : memref<10240x32xf32, #tpu.memory_space<hbm>> -> memref<10240x32xf32, #tpu.memory_space<hbm>>
        tpu.enqueue_indirect_dma source(%dma_start3A_436 : memref<10240x32xf32, #tpu.memory_space<hbm>>) target(%dma_start3A_430 : memref<125x32xf32, #tpu.memory_space<vmem>>) offsets(%dma_start3A_433 : memref<125xi32, #tpu.memory_space<vmem>>) semaphore(%arg14 : memref<!tpu.dma_semaphore, #tpu.memory_space<semaphore_mem>>)
      } else {
      }
      %mul3A_334 = arith.constant 4 : i32
      %mul3A_335 = arith.muli %add3A_274, %mul3A_334 : i32
      %add3A_336 = arith.constant 0 : i32
      %add3A_337 = arith.addi %mul3A_335, %add3A_336 : i32
      %dma_wait3A_338 = arith.constant 500 : i32
      %dma_wait3A_339 = arith.constant 0 : i32
      %dma_wait3A_340 = tpu.memref_slice %arg9[%dma_wait3A_338, %dma_wait3A_339] : memref<1000x32xf32, #tpu.memory_space<vmem>> -> memref<125x32xf32, #tpu.memory_space<vmem>>
      %dma_wait3A_341 = arith.constant 0 : i32
      %dma_wait3A_342 = tpu.memref_slice %arg7[%add3A_337, %dma_wait3A_341] : memref<80x125xi32, #tpu.memory_space<vmem>> -> memref<1x125xi32, #tpu.memory_space<vmem>>
      %dma_wait3A_343 = tpu.memref_squeeze %dma_wait3A_342 : memref<1x125xi32, #tpu.memory_space<vmem>> -> memref<125xi32, #tpu.memory_space<vmem>>
      %dma_wait3A_344 = arith.constant 0 : i32
      %dma_wait3A_345 = arith.constant 0 : i32
      %dma_wait3A_346 = tpu.memref_slice %arg2[%dma_wait3A_344, %dma_wait3A_345] : memref<10240x32xf32, #tpu.memory_space<hbm>> -> memref<10240x32xf32, #tpu.memory_space<hbm>>
      tpu.wait_indirect_dma semaphore(%arg15 : memref<!tpu.dma_semaphore, #tpu.memory_space<semaphore_mem>>) src(%dma_wait3A_346 : memref<10240x32xf32, #tpu.memory_space<hbm>>) dst(%dma_wait3A_340 : memref<125x32xf32, #tpu.memory_space<vmem>>)
      %dma_start3A_347 = arith.constant 500 : i32
      %dma_start3A_348 = arith.constant 0 : i32
      %dma_start3A_349 = tpu.memref_slice %arg9[%dma_start3A_347, %dma_start3A_348] : memref<1000x32xf32, #tpu.memory_space<vmem>> -> memref<125x32xf32, #tpu.memory_space<vmem>>
      %dma_start3A_350 = arith.constant 0 : i32
      %dma_start3A_351 = tpu.memref_slice %arg8[%add3A_337, %dma_start3A_350] : memref<80x125xi32, #tpu.memory_space<vmem>> -> memref<1x125xi32, #tpu.memory_space<vmem>>
      %dma_start3A_352 = tpu.memref_squeeze %dma_start3A_351 : memref<1x125xi32, #tpu.memory_space<vmem>> -> memref<125xi32, #tpu.memory_space<vmem>>
      %dma_start3A_353 = arith.constant 0 : i32
      %dma_start3A_354 = arith.constant 0 : i32
      %dma_start3A_355 = tpu.memref_slice %arg10[%dma_start3A_353, %dma_start3A_354] : memref<10240x32xf32, #tpu.memory_space<vmem_shared>> -> memref<10240x32xf32, #tpu.memory_space<vmem_shared>>
      tpu.enqueue_indirect_dma source(%dma_start3A_349 : memref<125x32xf32, #tpu.memory_space<vmem>>) target(%dma_start3A_355 : memref<10240x32xf32, #tpu.memory_space<vmem_shared>>) offsets(%dma_start3A_352 : memref<125xi32, #tpu.memory_space<vmem>>) semaphore(%arg23 : memref<!tpu.dma_semaphore, #tpu.memory_space<semaphore_mem>>) {add = true}
      %mul3A_356 = arith.constant 4 : i32
      %mul3A_357 = arith.muli %add3A_274, %mul3A_356 : i32
      %add3A_358 = arith.constant 1 : i32
      %add3A_359 = arith.addi %mul3A_357, %add3A_358 : i32
      %dma_wait3A_360 = arith.constant 625 : i32
      %dma_wait3A_361 = arith.constant 0 : i32
      %dma_wait3A_362 = tpu.memref_slice %arg9[%dma_wait3A_360, %dma_wait3A_361] : memref<1000x32xf32, #tpu.memory_space<vmem>> -> memref<125x32xf32, #tpu.memory_space<vmem>>
      %dma_wait3A_363 = arith.constant 0 : i32
      %dma_wait3A_364 = tpu.memref_slice %arg7[%add3A_359, %dma_wait3A_363] : memref<80x125xi32, #tpu.memory_space<vmem>> -> memref<1x125xi32, #tpu.memory_space<vmem>>
      %dma_wait3A_365 = tpu.memref_squeeze %dma_wait3A_364 : memref<1x125xi32, #tpu.memory_space<vmem>> -> memref<125xi32, #tpu.memory_space<vmem>>
      %dma_wait3A_366 = arith.constant 0 : i32
      %dma_wait3A_367 = arith.constant 0 : i32
      %dma_wait3A_368 = tpu.memref_slice %arg2[%dma_wait3A_366, %dma_wait3A_367] : memref<10240x32xf32, #tpu.memory_space<hbm>> -> memref<10240x32xf32, #tpu.memory_space<hbm>>
      tpu.wait_indirect_dma semaphore(%arg16 : memref<!tpu.dma_semaphore, #tpu.memory_space<semaphore_mem>>) src(%dma_wait3A_368 : memref<10240x32xf32, #tpu.memory_space<hbm>>) dst(%dma_wait3A_362 : memref<125x32xf32, #tpu.memory_space<vmem>>)
      %dma_start3A_369 = arith.constant 625 : i32
      %dma_start3A_370 = arith.constant 0 : i32
      %dma_start3A_371 = tpu.memref_slice %arg9[%dma_start3A_369, %dma_start3A_370] : memref<1000x32xf32, #tpu.memory_space<vmem>> -> memref<125x32xf32, #tpu.memory_space<vmem>>
      %dma_start3A_372 = arith.constant 0 : i32
      %dma_start3A_373 = tpu.memref_slice %arg8[%add3A_359, %dma_start3A_372] : memref<80x125xi32, #tpu.memory_space<vmem>> -> memref<1x125xi32, #tpu.memory_space<vmem>>
      %dma_start3A_374 = tpu.memref_squeeze %dma_start3A_373 : memref<1x125xi32, #tpu.memory_space<vmem>> -> memref<125xi32, #tpu.memory_space<vmem>>
      %dma_start3A_375 = arith.constant 0 : i32
      %dma_start3A_376 = arith.constant 0 : i32
      %dma_start3A_377 = tpu.memref_slice %arg10[%dma_start3A_375, %dma_start3A_376] : memref<10240x32xf32, #tpu.memory_space<vmem_shared>> -> memref<10240x32xf32, #tpu.memory_space<vmem_shared>>
      tpu.enqueue_indirect_dma source(%dma_start3A_371 : memref<125x32xf32, #tpu.memory_space<vmem>>) target(%dma_start3A_377 : memref<10240x32xf32, #tpu.memory_space<vmem_shared>>) offsets(%dma_start3A_374 : memref<125xi32, #tpu.memory_space<vmem>>) semaphore(%arg24 : memref<!tpu.dma_semaphore, #tpu.memory_space<semaphore_mem>>) {add = true}
      %mul3A_378 = arith.constant 4 : i32
      %mul3A_379 = arith.muli %add3A_274, %mul3A_378 : i32
      %add3A_380 = arith.constant 2 : i32
      %add3A_381 = arith.addi %mul3A_379, %add3A_380 : i32
      %dma_wait3A_382 = arith.constant 750 : i32
      %dma_wait3A_383 = arith.constant 0 : i32
      %dma_wait3A_384 = tpu.memref_slice %arg9[%dma_wait3A_382, %dma_wait3A_383] : memref<1000x32xf32, #tpu.memory_space<vmem>> -> memref<125x32xf32, #tpu.memory_space<vmem>>
      %dma_wait3A_385 = arith.constant 0 : i32
      %dma_wait3A_386 = tpu.memref_slice %arg7[%add3A_381, %dma_wait3A_385] : memref<80x125xi32, #tpu.memory_space<vmem>> -> memref<1x125xi32, #tpu.memory_space<vmem>>
      %dma_wait3A_387 = tpu.memref_squeeze %dma_wait3A_386 : memref<1x125xi32, #tpu.memory_space<vmem>> -> memref<125xi32, #tpu.memory_space<vmem>>
      %dma_wait3A_388 = arith.constant 0 : i32
      %dma_wait3A_389 = arith.constant 0 : i32
      %dma_wait3A_390 = tpu.memref_slice %arg2[%dma_wait3A_388, %dma_wait3A_389] : memref<10240x32xf32, #tpu.memory_space<hbm>> -> memref<10240x32xf32, #tpu.memory_space<hbm>>
      tpu.wait_indirect_dma semaphore(%arg17 : memref<!tpu.dma_semaphore, #tpu.memory_space<semaphore_mem>>) src(%dma_wait3A_390 : memref<10240x32xf32, #tpu.memory_space<hbm>>) dst(%dma_wait3A_384 : memref<125x32xf32, #tpu.memory_space<vmem>>)
      %dma_start3A_391 = arith.constant 750 : i32
      %dma_start3A_392 = arith.constant 0 : i32
      %dma_start3A_393 = tpu.memref_slice %arg9[%dma_start3A_391, %dma_start3A_392] : memref<1000x32xf32, #tpu.memory_space<vmem>> -> memref<125x32xf32, #tpu.memory_space<vmem>>
      %dma_start3A_394 = arith.constant 0 : i32
      %dma_start3A_395 = tpu.memref_slice %arg8[%add3A_381, %dma_start3A_394] : memref<80x125xi32, #tpu.memory_space<vmem>> -> memref<1x125xi32, #tpu.memory_space<vmem>>
      %dma_start3A_396 = tpu.memref_squeeze %dma_start3A_395 : memref<1x125xi32, #tpu.memory_space<vmem>> -> memref<125xi32, #tpu.memory_space<vmem>>
      %dma_start3A_397 = arith.constant 0 : i32
      %dma_start3A_398 = arith.constant 0 : i32
      %dma_start3A_399 = tpu.memref_slice %arg10[%dma_start3A_397, %dma_start3A_398] : memref<10240x32xf32, #tpu.memory_space<vmem_shared>> -> memref<10240x32xf32, #tpu.memory_space<vmem_shared>>
      tpu.enqueue_indirect_dma source(%dma_start3A_393 : memref<125x32xf32, #tpu.memory_space<vmem>>) target(%dma_start3A_399 : memref<10240x32xf32, #tpu.memory_space<vmem_shared>>) offsets(%dma_start3A_396 : memref<125xi32, #tpu.memory_space<vmem>>) semaphore(%arg25 : memref<!tpu.dma_semaphore, #tpu.memory_space<semaphore_mem>>) {add = true}
      %mul3A_400 = arith.constant 4 : i32
      %mul3A_401 = arith.muli %add3A_274, %mul3A_400 : i32
      %add3A_402 = arith.constant 3 : i32
      %add3A_403 = arith.addi %mul3A_401, %add3A_402 : i32
      %dma_wait3A_404 = arith.constant 875 : i32
      %dma_wait3A_405 = arith.constant 0 : i32
      %dma_wait3A_406 = tpu.memref_slice %arg9[%dma_wait3A_404, %dma_wait3A_405] : memref<1000x32xf32, #tpu.memory_space<vmem>> -> memref<125x32xf32, #tpu.memory_space<vmem>>
      %dma_wait3A_407 = arith.constant 0 : i32
      %dma_wait3A_408 = tpu.memref_slice %arg7[%add3A_403, %dma_wait3A_407] : memref<80x125xi32, #tpu.memory_space<vmem>> -> memref<1x125xi32, #tpu.memory_space<vmem>>
      %dma_wait3A_409 = tpu.memref_squeeze %dma_wait3A_408 : memref<1x125xi32, #tpu.memory_space<vmem>> -> memref<125xi32, #tpu.memory_space<vmem>>
      %dma_wait3A_410 = arith.constant 0 : i32
      %dma_wait3A_411 = arith.constant 0 : i32
      %dma_wait3A_412 = tpu.memref_slice %arg2[%dma_wait3A_410, %dma_wait3A_411] : memref<10240x32xf32, #tpu.memory_space<hbm>> -> memref<10240x32xf32, #tpu.memory_space<hbm>>
      tpu.wait_indirect_dma semaphore(%arg18 : memref<!tpu.dma_semaphore, #tpu.memory_space<semaphore_mem>>) src(%dma_wait3A_412 : memref<10240x32xf32, #tpu.memory_space<hbm>>) dst(%dma_wait3A_406 : memref<125x32xf32, #tpu.memory_space<vmem>>)
      %dma_start3A_413 = arith.constant 875 : i32
      %dma_start3A_414 = arith.constant 0 : i32
      %dma_start3A_415 = tpu.memref_slice %arg9[%dma_start3A_413, %dma_start3A_414] : memref<1000x32xf32, #tpu.memory_space<vmem>> -> memref<125x32xf32, #tpu.memory_space<vmem>>
      %dma_start3A_416 = arith.constant 0 : i32
      %dma_start3A_417 = tpu.memref_slice %arg8[%add3A_403, %dma_start3A_416] : memref<80x125xi32, #tpu.memory_space<vmem>> -> memref<1x125xi32, #tpu.memory_space<vmem>>
      %dma_start3A_418 = tpu.memref_squeeze %dma_start3A_417 : memref<1x125xi32, #tpu.memory_space<vmem>> -> memref<125xi32, #tpu.memory_space<vmem>>
      %dma_start3A_419 = arith.constant 0 : i32
      %dma_start3A_420 = arith.constant 0 : i32
      %dma_start3A_421 = tpu.memref_slice %arg10[%dma_start3A_419, %dma_start3A_420] : memref<10240x32xf32, #tpu.memory_space<vmem_shared>> -> memref<10240x32xf32, #tpu.memory_space<vmem_shared>>
      tpu.enqueue_indirect_dma source(%dma_start3A_415 : memref<125x32xf32, #tpu.memory_space<vmem>>) target(%dma_start3A_421 : memref<10240x32xf32, #tpu.memory_space<vmem_shared>>) offsets(%dma_start3A_418 : memref<125xi32, #tpu.memory_space<vmem>>) semaphore(%arg26 : memref<!tpu.dma_semaphore, #tpu.memory_space<semaphore_mem>>) {add = true}
    }
    %scan3A_51 = arith.constant 10 : i32
    %dma_wait3A = arith.constant 0 : i32
    %dma_wait3A_52 = arith.constant 500 : i32
    %dma_wait3A_53 = arith.constant 0 : i32
    %dma_wait3A_54 = tpu.memref_slice %arg9[%dma_wait3A_52, %dma_wait3A_53] : memref<1000x32xf32, #tpu.memory_space<vmem>> -> memref<125x32xf32, #tpu.memory_space<vmem>>
    %dma_wait3A_55 = arith.constant 0 : i32
    %dma_wait3A_56 = tpu.memref_slice %arg8[%dma_wait3A, %dma_wait3A_55] : memref<80x125xi32, #tpu.memory_space<vmem>> -> memref<1x125xi32, #tpu.memory_space<vmem>>
    %dma_wait3A_57 = tpu.memref_squeeze %dma_wait3A_56 : memref<1x125xi32, #tpu.memory_space<vmem>> -> memref<125xi32, #tpu.memory_space<vmem>>
    %dma_wait3A_58 = arith.constant 0 : i32
    %dma_wait3A_59 = arith.constant 0 : i32
    %dma_wait3A_60 = tpu.memref_slice %arg10[%dma_wait3A_58, %dma_wait3A_59] : memref<10240x32xf32, #tpu.memory_space<vmem_shared>> -> memref<10240x32xf32, #tpu.memory_space<vmem_shared>>
    tpu.wait_indirect_dma semaphore(%arg23 : memref<!tpu.dma_semaphore, #tpu.memory_space<semaphore_mem>>) src(%dma_wait3A_54 : memref<125x32xf32, #tpu.memory_space<vmem>>) dst(%dma_wait3A_60 : memref<10240x32xf32, #tpu.memory_space<vmem_shared>>)
    %dma_wait3A_61 = arith.constant 0 : i32
    %dma_wait3A_62 = arith.constant 625 : i32
    %dma_wait3A_63 = arith.constant 0 : i32
    %dma_wait3A_64 = tpu.memref_slice %arg9[%dma_wait3A_62, %dma_wait3A_63] : memref<1000x32xf32, #tpu.memory_space<vmem>> -> memref<125x32xf32, #tpu.memory_space<vmem>>
    %dma_wait3A_65 = arith.constant 0 : i32
    %dma_wait3A_66 = tpu.memref_slice %arg8[%dma_wait3A_61, %dma_wait3A_65] : memref<80x125xi32, #tpu.memory_space<vmem>> -> memref<1x125xi32, #tpu.memory_space<vmem>>
    %dma_wait3A_67 = tpu.memref_squeeze %dma_wait3A_66 : memref<1x125xi32, #tpu.memory_space<vmem>> -> memref<125xi32, #tpu.memory_space<vmem>>
    %dma_wait3A_68 = arith.constant 0 : i32
    %dma_wait3A_69 = arith.constant 0 : i32
    %dma_wait3A_70 = tpu.memref_slice %arg10[%dma_wait3A_68, %dma_wait3A_69] : memref<10240x32xf32, #tpu.memory_space<vmem_shared>> -> memref<10240x32xf32, #tpu.memory_space<vmem_shared>>
    tpu.wait_indirect_dma semaphore(%arg24 : memref<!tpu.dma_semaphore, #tpu.memory_space<semaphore_mem>>) src(%dma_wait3A_64 : memref<125x32xf32, #tpu.memory_space<vmem>>) dst(%dma_wait3A_70 : memref<10240x32xf32, #tpu.memory_space<vmem_shared>>)
    %dma_wait3A_71 = arith.constant 0 : i32
    %dma_wait3A_72 = arith.constant 750 : i32
    %dma_wait3A_73 = arith.constant 0 : i32
    %dma_wait3A_74 = tpu.memref_slice %arg9[%dma_wait3A_72, %dma_wait3A_73] : memref<1000x32xf32, #tpu.memory_space<vmem>> -> memref<125x32xf32, #tpu.memory_space<vmem>>
    %dma_wait3A_75 = arith.constant 0 : i32
    %dma_wait3A_76 = tpu.memref_slice %arg8[%dma_wait3A_71, %dma_wait3A_75] : memref<80x125xi32, #tpu.memory_space<vmem>> -> memref<1x125xi32, #tpu.memory_space<vmem>>
    %dma_wait3A_77 = tpu.memref_squeeze %dma_wait3A_76 : memref<1x125xi32, #tpu.memory_space<vmem>> -> memref<125xi32, #tpu.memory_space<vmem>>
    %dma_wait3A_78 = arith.constant 0 : i32
    %dma_wait3A_79 = arith.constant 0 : i32
    %dma_wait3A_80 = tpu.memref_slice %arg10[%dma_wait3A_78, %dma_wait3A_79] : memref<10240x32xf32, #tpu.memory_space<vmem_shared>> -> memref<10240x32xf32, #tpu.memory_space<vmem_shared>>
    tpu.wait_indirect_dma semaphore(%arg25 : memref<!tpu.dma_semaphore, #tpu.memory_space<semaphore_mem>>) src(%dma_wait3A_74 : memref<125x32xf32, #tpu.memory_space<vmem>>) dst(%dma_wait3A_80 : memref<10240x32xf32, #tpu.memory_space<vmem_shared>>)
    %dma_wait3A_81 = arith.constant 0 : i32
    %dma_wait3A_82 = arith.constant 875 : i32
    %dma_wait3A_83 = arith.constant 0 : i32
    %dma_wait3A_84 = tpu.memref_slice %arg9[%dma_wait3A_82, %dma_wait3A_83] : memref<1000x32xf32, #tpu.memory_space<vmem>> -> memref<125x32xf32, #tpu.memory_space<vmem>>
    %dma_wait3A_85 = arith.constant 0 : i32
    %dma_wait3A_86 = tpu.memref_slice %arg8[%dma_wait3A_81, %dma_wait3A_85] : memref<80x125xi32, #tpu.memory_space<vmem>> -> memref<1x125xi32, #tpu.memory_space<vmem>>
    %dma_wait3A_87 = tpu.memref_squeeze %dma_wait3A_86 : memref<1x125xi32, #tpu.memory_space<vmem>> -> memref<125xi32, #tpu.memory_space<vmem>>
    %dma_wait3A_88 = arith.constant 0 : i32
    %dma_wait3A_89 = arith.constant 0 : i32
    %dma_wait3A_90 = tpu.memref_slice %arg10[%dma_wait3A_88, %dma_wait3A_89] : memref<10240x32xf32, #tpu.memory_space<vmem_shared>> -> memref<10240x32xf32, #tpu.memory_space<vmem_shared>>
    tpu.wait_indirect_dma semaphore(%arg26 : memref<!tpu.dma_semaphore, #tpu.memory_space<semaphore_mem>>) src(%dma_wait3A_84 : memref<125x32xf32, #tpu.memory_space<vmem>>) dst(%dma_wait3A_90 : memref<10240x32xf32, #tpu.memory_space<vmem_shared>>)
    %barrier3A_91 = arith.constant 0 : index
    tpu.barrier barrier_id(%barrier3A_91)
    %eq3A = arith.constant 0 : i32
    %eq3A_92 = arith.cmpi eq, %arg0, %eq3A : i32
    %convert_element_type3A = arith.extui %eq3A_92 : i1 to i32
    %cond3A = arith.constant 0 : i32
    %cond3A_93 = arith.cmpi ne, %convert_element_type3A, %cond3A : i32
    scf.if %cond3A_93 {
      "tpu.region"() ({
        %run_scoped3A_99 = tpu.sem_alloc : memref<!tpu.dma_semaphore, #tpu.memory_space<semaphore_mem>>
        %dma_start3A_100 = arith.constant 0 : i32
        %dma_start3A_101 = tpu.memref_slice %arg5[%mul3A_2, %dma_start3A_100] : memref<10240x32xf32, #tpu.memory_space<hbm>> -> memref<640x32xf32, #tpu.memory_space<hbm>>
        %dma_start3A_102 = arith.constant 0 : i32
        %dma_start3A_103 = tpu.memref_slice %arg10[%mul3A_2, %dma_start3A_102] : memref<10240x32xf32, #tpu.memory_space<vmem_shared>> -> memref<640x32xf32, #tpu.memory_space<vmem_shared>>
        tpu.enqueue_dma source(%dma_start3A_103 : memref<640x32xf32, #tpu.memory_space<vmem_shared>>) target(%dma_start3A_101 : memref<640x32xf32, #tpu.memory_space<hbm>>) target_semaphore(%run_scoped3A_99 : memref<!tpu.dma_semaphore, #tpu.memory_space<semaphore_mem>>)
        %dma_wait3A_104 = arith.constant 0 : i32
        %dma_wait3A_105 = tpu.memref_slice %arg5[%mul3A_2, %dma_wait3A_104] : memref<10240x32xf32, #tpu.memory_space<hbm>> -> memref<640x32xf32, #tpu.memory_space<hbm>>
        %dma_wait3A_106 = arith.constant 0 : i32
        %dma_wait3A_107 = tpu.memref_slice %arg10[%mul3A_2, %dma_wait3A_106] : memref<10240x32xf32, #tpu.memory_space<vmem_shared>> -> memref<640x32xf32, #tpu.memory_space<vmem_shared>>
        tpu.wait_dma2 semaphore(%run_scoped3A_99 : memref<!tpu.dma_semaphore, #tpu.memory_space<semaphore_mem>>) src(%dma_wait3A_107 : memref<640x32xf32, #tpu.memory_space<vmem_shared>>) dst(%dma_wait3A_105 : memref<640x32xf32, #tpu.memory_space<hbm>>)
        tpu.yield
      }) : () -> ()
    } else {
    }
    %eq3A_94 = arith.constant 1 : i32
    %eq3A_95 = arith.cmpi eq, %arg0, %eq3A_94 : i32
    %convert_element_type3A_96 = arith.extui %eq3A_95 : i1 to i32
    %cond3A_97 = arith.constant 0 : i32
    %cond3A_98 = arith.cmpi ne, %convert_element_type3A_96, %cond3A_97 : i32
    scf.if %cond3A_98 {
      "tpu.region"() ({
        %run_scoped3A_99 = tpu.sem_alloc : memref<!tpu.dma_semaphore, #tpu.memory_space<semaphore_mem>>
        %dma_start3A_100 = arith.constant 0 : i32
        %dma_start3A_101 = tpu.memref_slice %arg6[%mul3A_2, %dma_start3A_100] : memref<10240x32xf32, #tpu.memory_space<hbm>> -> memref<640x32xf32, #tpu.memory_space<hbm>>
        %dma_start3A_102 = arith.constant 0 : i32
        %dma_start3A_103 = tpu.memref_slice %arg10[%mul3A_2, %dma_start3A_102] : memref<10240x32xf32, #tpu.memory_space<vmem_shared>> -> memref<640x32xf32, #tpu.memory_space<vmem_shared>>
        tpu.enqueue_dma source(%dma_start3A_103 : memref<640x32xf32, #tpu.memory_space<vmem_shared>>) target(%dma_start3A_101 : memref<640x32xf32, #tpu.memory_space<hbm>>) target_semaphore(%run_scoped3A_99 : memref<!tpu.dma_semaphore, #tpu.memory_space<semaphore_mem>>)
        %dma_wait3A_104 = arith.constant 0 : i32
        %dma_wait3A_105 = tpu.memref_slice %arg6[%mul3A_2, %dma_wait3A_104] : memref<10240x32xf32, #tpu.memory_space<hbm>> -> memref<640x32xf32, #tpu.memory_space<hbm>>
        %dma_wait3A_106 = arith.constant 0 : i32
        %dma_wait3A_107 = tpu.memref_slice %arg10[%mul3A_2, %dma_wait3A_106] : memref<10240x32xf32, #tpu.memory_space<vmem_shared>> -> memref<640x32xf32, #tpu.memory_space<vmem_shared>>
        tpu.wait_dma2 semaphore(%run_scoped3A_99 : memref<!tpu.dma_semaphore, #tpu.memory_space<semaphore_mem>>) src(%dma_wait3A_107 : memref<640x32xf32, #tpu.memory_space<vmem_shared>>) dst(%dma_wait3A_105 : memref<640x32xf32, #tpu.memory_space<hbm>>)
        tpu.yield
      }) : () -> ()
    } else {
    }
    return
  }
}

#map = affine_map<(d0, d1) -> (0, 0, 0)>
#map1 = affine_map<(d0, d1) -> (0)>
module attributes {stable_mosaic.version = 14 : i64} {
  func.func @deg_kernel(%arg0: i32, %arg1: i32, %arg2: memref<2x2560x125xi32, #tpu.memory_space<hbm>>, %arg3: memref<10240xf32, #tpu.memory_space<hbm>>, %arg4: memref<10240xf32, #tpu.memory_space<hbm>>, %arg5: memref<10240xf32, #tpu.memory_space<hbm>>, %arg6: memref<80x125xi32, #tpu.memory_space<vmem>>, %arg7: memref<128xf32, #tpu.memory_space<vmem>>, %arg8: memref<10240xf32, #tpu.memory_space<vmem_shared>>, %arg9: memref<!tpu.dma_semaphore, #tpu.memory_space<semaphore_mem>>, %arg10: memref<!tpu.dma_semaphore, #tpu.memory_space<semaphore_mem>>, %arg11: memref<!tpu.dma_semaphore, #tpu.memory_space<semaphore_mem>>, %arg12: memref<!tpu.dma_semaphore, #tpu.memory_space<semaphore_mem>>) attributes {dimension_semantics = [#tpu.dimension_semantics<core_parallel>, #tpu.dimension_semantics<subcore_parallel>], iteration_bounds = array<i64: 2, 16>, scalar_prefetch = 0 : i64, scratch_operands = 7 : i64, tpu.core_type = #tpu.core_type<sc_vector_subcore>, window_params = [{transform_indices = #map}, {transform_indices = #map1}, {transform_indices = #map1}, {transform_indices = #map1}]} {
    %mul3A = arith.constant 16 : i32
    %mul3A_0 = arith.muli %arg0, %mul3A : i32
    %add3A = arith.addi %mul3A_0, %arg1 : i32
    %mul3A_1 = arith.constant 640 : i32
    %mul3A_2 = arith.muli %arg1, %mul3A_1 : i32
    "tpu.region"() ({
      %run_scoped3A_95 = tpu.sem_alloc : memref<!tpu.dma_semaphore, #tpu.memory_space<semaphore_mem>>
      %dma_start3A = tpu.memref_slice %arg8[%mul3A_2] : memref<10240xf32, #tpu.memory_space<vmem_shared>> -> memref<640xf32, #tpu.memory_space<vmem_shared>>
      %dma_start3A_96 = tpu.memref_slice %arg3[%mul3A_2] : memref<10240xf32, #tpu.memory_space<hbm>> -> memref<640xf32, #tpu.memory_space<hbm>>
      tpu.enqueue_dma source(%dma_start3A_96 : memref<640xf32, #tpu.memory_space<hbm>>) target(%dma_start3A : memref<640xf32, #tpu.memory_space<vmem_shared>>) target_semaphore(%run_scoped3A_95 : memref<!tpu.dma_semaphore, #tpu.memory_space<semaphore_mem>>)
      %dma_wait3A_97 = tpu.memref_slice %arg8[%mul3A_2] : memref<10240xf32, #tpu.memory_space<vmem_shared>> -> memref<640xf32, #tpu.memory_space<vmem_shared>>
      %dma_wait3A_98 = tpu.memref_slice %arg3[%mul3A_2] : memref<10240xf32, #tpu.memory_space<hbm>> -> memref<640xf32, #tpu.memory_space<hbm>>
      tpu.wait_dma2 semaphore(%run_scoped3A_95 : memref<!tpu.dma_semaphore, #tpu.memory_space<semaphore_mem>>) src(%dma_wait3A_98 : memref<640xf32, #tpu.memory_space<hbm>>) dst(%dma_wait3A_97 : memref<640xf32, #tpu.memory_space<vmem_shared>>)
      tpu.yield
    }) : () -> ()
    %mul3A_3 = arith.constant 80 : i32
    %mul3A_4 = arith.muli %add3A, %mul3A_3 : i32
    %run_scoped3A = arith.constant 1 : i32
    "tpu.region"() ({
      %run_scoped3A_95 = tpu.sem_alloc : memref<!tpu.dma_semaphore, #tpu.memory_space<semaphore_mem>>
      %dma_start3A = arith.constant 0 : i32
      %dma_start3A_96 = tpu.memref_slice %arg2[%run_scoped3A, %mul3A_4, %dma_start3A] : memref<2x2560x125xi32, #tpu.memory_space<hbm>> -> memref<1x80x125xi32, #tpu.memory_space<hbm>>
      %dma_start3A_97 = tpu.memref_squeeze %dma_start3A_96 : memref<1x80x125xi32, #tpu.memory_space<hbm>> -> memref<80x125xi32, #tpu.memory_space<hbm>>
      %dma_start3A_98 = arith.constant 0 : i32
      %dma_start3A_99 = tpu.memref_slice %arg2[%run_scoped3A, %mul3A_4, %dma_start3A_98] : memref<2x2560x125xi32, #tpu.memory_space<hbm>> -> memref<1x80x125xi32, #tpu.memory_space<hbm>>
      %dma_start3A_100 = tpu.memref_squeeze %dma_start3A_99 : memref<1x80x125xi32, #tpu.memory_space<hbm>> -> memref<80x125xi32, #tpu.memory_space<hbm>>
      tpu.enqueue_dma source(%dma_start3A_100 : memref<80x125xi32, #tpu.memory_space<hbm>>) target(%arg6 : memref<80x125xi32, #tpu.memory_space<vmem>>) target_semaphore(%run_scoped3A_95 : memref<!tpu.dma_semaphore, #tpu.memory_space<semaphore_mem>>)
      %dma_wait3A_101 = arith.constant 0 : i32
      %dma_wait3A_102 = tpu.memref_slice %arg2[%run_scoped3A, %mul3A_4, %dma_wait3A_101] : memref<2x2560x125xi32, #tpu.memory_space<hbm>> -> memref<1x80x125xi32, #tpu.memory_space<hbm>>
      %dma_wait3A_103 = tpu.memref_squeeze %dma_wait3A_102 : memref<1x80x125xi32, #tpu.memory_space<hbm>> -> memref<80x125xi32, #tpu.memory_space<hbm>>
      %dma_wait3A_104 = arith.constant 0 : i32
      %dma_wait3A_105 = tpu.memref_slice %arg2[%run_scoped3A, %mul3A_4, %dma_wait3A_104] : memref<2x2560x125xi32, #tpu.memory_space<hbm>> -> memref<1x80x125xi32, #tpu.memory_space<hbm>>
      %dma_wait3A_106 = tpu.memref_squeeze %dma_wait3A_105 : memref<1x80x125xi32, #tpu.memory_space<hbm>> -> memref<80x125xi32, #tpu.memory_space<hbm>>
      tpu.wait_dma2 semaphore(%run_scoped3A_95 : memref<!tpu.dma_semaphore, #tpu.memory_space<semaphore_mem>>) src(%dma_wait3A_106 : memref<80x125xi32, #tpu.memory_space<hbm>>) dst(%arg6 : memref<80x125xi32, #tpu.memory_space<vmem>>)
      tpu.yield
    }) : () -> ()
    %broadcast_in_dim3A = arith.constant 1.000000e+00 : f32
    %broadcast_in_dim3A_5 = vector.broadcast %broadcast_in_dim3A : f32 to vector<16xf32>
    %swap3A = arith.constant 0 : index
    %swap3A_6 = tpu.vector_load %arg7[%swap3A] {strides = array<i32>} : memref<128xf32, #tpu.memory_space<vmem>>, vector<16xf32>,
    %swap3A_7 = vector.shape_cast %swap3A_6 : vector<16xf32> to vector<16xf32>
    %swap3A_8 = vector.shape_cast %broadcast_in_dim3A_5 : vector<16xf32> to vector<16xf32>
    tpu.vector_store %arg7[%swap3A], %swap3A_8 {strides = array<i32>} : memref<128xf32, #tpu.memory_space<vmem>>, vector<16xf32>,
    %broadcast_in_dim3A_9 = arith.constant 1.000000e+00 : f32
    %broadcast_in_dim3A_10 = vector.broadcast %broadcast_in_dim3A_9 : f32 to vector<16xf32>
    %swap3A_11 = arith.constant 16 : index
    %swap3A_12 = tpu.vector_load %arg7[%swap3A_11] {strides = array<i32>} : memref<128xf32, #tpu.memory_space<vmem>>, vector<16xf32>,
    %swap3A_13 = vector.shape_cast %swap3A_12 : vector<16xf32> to vector<16xf32>
    %swap3A_14 = vector.shape_cast %broadcast_in_dim3A_10 : vector<16xf32> to vector<16xf32>
    tpu.vector_store %arg7[%swap3A_11], %swap3A_14 {strides = array<i32>} : memref<128xf32, #tpu.memory_space<vmem>>, vector<16xf32>,
    %broadcast_in_dim3A_15 = arith.constant 1.000000e+00 : f32
    %broadcast_in_dim3A_16 = vector.broadcast %broadcast_in_dim3A_15 : f32 to vector<16xf32>
    %swap3A_17 = arith.constant 32 : index
    %swap3A_18 = tpu.vector_load %arg7[%swap3A_17] {strides = array<i32>} : memref<128xf32, #tpu.memory_space<vmem>>, vector<16xf32>,
    %swap3A_19 = vector.shape_cast %swap3A_18 : vector<16xf32> to vector<16xf32>
    %swap3A_20 = vector.shape_cast %broadcast_in_dim3A_16 : vector<16xf32> to vector<16xf32>
    tpu.vector_store %arg7[%swap3A_17], %swap3A_20 {strides = array<i32>} : memref<128xf32, #tpu.memory_space<vmem>>, vector<16xf32>,
    %broadcast_in_dim3A_21 = arith.constant 1.000000e+00 : f32
    %broadcast_in_dim3A_22 = vector.broadcast %broadcast_in_dim3A_21 : f32 to vector<16xf32>
    %swap3A_23 = arith.constant 48 : index
    %swap3A_24 = tpu.vector_load %arg7[%swap3A_23] {strides = array<i32>} : memref<128xf32, #tpu.memory_space<vmem>>, vector<16xf32>,
    %swap3A_25 = vector.shape_cast %swap3A_24 : vector<16xf32> to vector<16xf32>
    %swap3A_26 = vector.shape_cast %broadcast_in_dim3A_22 : vector<16xf32> to vector<16xf32>
    tpu.vector_store %arg7[%swap3A_23], %swap3A_26 {strides = array<i32>} : memref<128xf32, #tpu.memory_space<vmem>>, vector<16xf32>,
    %broadcast_in_dim3A_27 = arith.constant 1.000000e+00 : f32
    %broadcast_in_dim3A_28 = vector.broadcast %broadcast_in_dim3A_27 : f32 to vector<16xf32>
    %swap3A_29 = arith.constant 64 : index
    %swap3A_30 = tpu.vector_load %arg7[%swap3A_29] {strides = array<i32>} : memref<128xf32, #tpu.memory_space<vmem>>, vector<16xf32>,
    %swap3A_31 = vector.shape_cast %swap3A_30 : vector<16xf32> to vector<16xf32>
    %swap3A_32 = vector.shape_cast %broadcast_in_dim3A_28 : vector<16xf32> to vector<16xf32>
    tpu.vector_store %arg7[%swap3A_29], %swap3A_32 {strides = array<i32>} : memref<128xf32, #tpu.memory_space<vmem>>, vector<16xf32>,
    %broadcast_in_dim3A_33 = arith.constant 1.000000e+00 : f32
    %broadcast_in_dim3A_34 = vector.broadcast %broadcast_in_dim3A_33 : f32 to vector<16xf32>
    %swap3A_35 = arith.constant 80 : index
    %swap3A_36 = tpu.vector_load %arg7[%swap3A_35] {strides = array<i32>} : memref<128xf32, #tpu.memory_space<vmem>>, vector<16xf32>,
    %swap3A_37 = vector.shape_cast %swap3A_36 : vector<16xf32> to vector<16xf32>
    %swap3A_38 = vector.shape_cast %broadcast_in_dim3A_34 : vector<16xf32> to vector<16xf32>
    tpu.vector_store %arg7[%swap3A_35], %swap3A_38 {strides = array<i32>} : memref<128xf32, #tpu.memory_space<vmem>>, vector<16xf32>,
    %broadcast_in_dim3A_39 = arith.constant 1.000000e+00 : f32
    %broadcast_in_dim3A_40 = vector.broadcast %broadcast_in_dim3A_39 : f32 to vector<16xf32>
    %swap3A_41 = arith.constant 96 : index
    %swap3A_42 = tpu.vector_load %arg7[%swap3A_41] {strides = array<i32>} : memref<128xf32, #tpu.memory_space<vmem>>, vector<16xf32>,
    %swap3A_43 = vector.shape_cast %swap3A_42 : vector<16xf32> to vector<16xf32>
    %swap3A_44 = vector.shape_cast %broadcast_in_dim3A_40 : vector<16xf32> to vector<16xf32>
    tpu.vector_store %arg7[%swap3A_41], %swap3A_44 {strides = array<i32>} : memref<128xf32, #tpu.memory_space<vmem>>, vector<16xf32>,
    %broadcast_in_dim3A_45 = arith.constant 1.000000e+00 : f32
    %broadcast_in_dim3A_46 = vector.broadcast %broadcast_in_dim3A_45 : f32 to vector<16xf32>
    %swap3A_47 = arith.constant 112 : index
    %swap3A_48 = tpu.vector_load %arg7[%swap3A_47] {strides = array<i32>} : memref<128xf32, #tpu.memory_space<vmem>>, vector<16xf32>,
    %swap3A_49 = vector.shape_cast %swap3A_48 : vector<16xf32> to vector<16xf32>
    %swap3A_50 = vector.shape_cast %broadcast_in_dim3A_46 : vector<16xf32> to vector<16xf32>
    tpu.vector_store %arg7[%swap3A_47], %swap3A_50 {strides = array<i32>} : memref<128xf32, #tpu.memory_space<vmem>>, vector<16xf32>,
    %barrier3A = arith.constant 0 : index
    tpu.barrier barrier_id(%barrier3A)
    %scan3A = arith.constant 0 : i32
    %scan3A_51 = arith.constant 0 : i32
    %scan3A_52 = arith.constant 20 : i32
    %scan3A_53 = arith.addi %scan3A_51, %scan3A_52 : i32
    %scan3A_54 = arith.constant 1 : i32
    scf.for %scan3A_95 = %scan3A_51 to %scan3A_53 step %scan3A_54  : i32 {
      %gt3A = arith.constant 0 : i32
      %gt3A_96 = arith.cmpi sgt, %scan3A_95, %gt3A : i32
      %convert_element_type3A_97 = arith.extui %gt3A_96 : i1 to i32
      %cond3A_98 = arith.constant 0 : i32
      %cond3A_99 = arith.cmpi ne, %convert_element_type3A_97, %cond3A_98 : i32
      scf.if %cond3A_99 {
        %dma_wait3A_158 = arith.constant 0 : i32
        %dma_wait3A_159 = arith.constant 0 : i32
        %dma_wait3A_160 = tpu.memref_slice %arg7[%dma_wait3A_159] : memref<128xf32, #tpu.memory_space<vmem>> -> memref<125xf32, #tpu.memory_space<vmem>>
        %dma_wait3A_161 = arith.constant 0 : i32
        %dma_wait3A_162 = tpu.memref_slice %arg6[%dma_wait3A_158, %dma_wait3A_161] : memref<80x125xi32, #tpu.memory_space<vmem>> -> memref<1x125xi32, #tpu.memory_space<vmem>>
        %dma_wait3A_163 = tpu.memref_squeeze %dma_wait3A_162 : memref<1x125xi32, #tpu.memory_space<vmem>> -> memref<125xi32, #tpu.memory_space<vmem>>
        %dma_wait3A_164 = arith.constant 0 : i32
        %dma_wait3A_165 = tpu.memref_slice %arg8[%dma_wait3A_164] : memref<10240xf32, #tpu.memory_space<vmem_shared>> -> memref<10240xf32, #tpu.memory_space<vmem_shared>>
        tpu.wait_indirect_dma semaphore(%arg9 : memref<!tpu.dma_semaphore, #tpu.memory_space<semaphore_mem>>) src(%dma_wait3A_160 : memref<125xf32, #tpu.memory_space<vmem>>) dst(%dma_wait3A_165 : memref<10240xf32, #tpu.memory_space<vmem_shared>>)
      } else {
      }
      %mul3A_100 = arith.constant 4 : i32
      %mul3A_101 = arith.muli %mul3A_100, %scan3A_95 : i32
      %add3A_102 = arith.constant 0 : i32
      %add3A_103 = arith.addi %mul3A_101, %add3A_102 : i32
      %dma_start3A = arith.constant 0 : i32
      %dma_start3A_104 = tpu.memref_slice %arg7[%dma_start3A] : memref<128xf32, #tpu.memory_space<vmem>> -> memref<125xf32, #tpu.memory_space<vmem>>
      %dma_start3A_105 = arith.constant 0 : i32
      %dma_start3A_106 = tpu.memref_slice %arg6[%add3A_103, %dma_start3A_105] : memref<80x125xi32, #tpu.memory_space<vmem>> -> memref<1x125xi32, #tpu.memory_space<vmem>>
      %dma_start3A_107 = tpu.memref_squeeze %dma_start3A_106 : memref<1x125xi32, #tpu.memory_space<vmem>> -> memref<125xi32, #tpu.memory_space<vmem>>
      %dma_start3A_108 = arith.constant 0 : i32
      %dma_start3A_109 = tpu.memref_slice %arg8[%dma_start3A_108] : memref<10240xf32, #tpu.memory_space<vmem_shared>> -> memref<10240xf32, #tpu.memory_space<vmem_shared>>
      tpu.enqueue_indirect_dma source(%dma_start3A_104 : memref<125xf32, #tpu.memory_space<vmem>>) target(%dma_start3A_109 : memref<10240xf32, #tpu.memory_space<vmem_shared>>) offsets(%dma_start3A_107 : memref<125xi32, #tpu.memory_space<vmem>>) semaphore(%arg9 : memref<!tpu.dma_semaphore, #tpu.memory_space<semaphore_mem>>) {add = true}
      %gt3A_110 = arith.constant 0 : i32
      %gt3A_111 = arith.cmpi sgt, %scan3A_95, %gt3A_110 : i32
      %convert_element_type3A_112 = arith.extui %gt3A_111 : i1 to i32
      %cond3A_113 = arith.constant 0 : i32
      %cond3A_114 = arith.cmpi ne, %convert_element_type3A_112, %cond3A_113 : i32
      scf.if %cond3A_114 {
        %dma_wait3A_158 = arith.constant 0 : i32
        %dma_wait3A_159 = arith.constant 0 : i32
        %dma_wait3A_160 = tpu.memref_slice %arg7[%dma_wait3A_159] : memref<128xf32, #tpu.memory_space<vmem>> -> memref<125xf32, #tpu.memory_space<vmem>>
        %dma_wait3A_161 = arith.constant 0 : i32
        %dma_wait3A_162 = tpu.memref_slice %arg6[%dma_wait3A_158, %dma_wait3A_161] : memref<80x125xi32, #tpu.memory_space<vmem>> -> memref<1x125xi32, #tpu.memory_space<vmem>>
        %dma_wait3A_163 = tpu.memref_squeeze %dma_wait3A_162 : memref<1x125xi32, #tpu.memory_space<vmem>> -> memref<125xi32, #tpu.memory_space<vmem>>
        %dma_wait3A_164 = arith.constant 0 : i32
        %dma_wait3A_165 = tpu.memref_slice %arg8[%dma_wait3A_164] : memref<10240xf32, #tpu.memory_space<vmem_shared>> -> memref<10240xf32, #tpu.memory_space<vmem_shared>>
        tpu.wait_indirect_dma semaphore(%arg10 : memref<!tpu.dma_semaphore, #tpu.memory_space<semaphore_mem>>) src(%dma_wait3A_160 : memref<125xf32, #tpu.memory_space<vmem>>) dst(%dma_wait3A_165 : memref<10240xf32, #tpu.memory_space<vmem_shared>>)
      } else {
      }
      %mul3A_115 = arith.constant 4 : i32
      %mul3A_116 = arith.muli %mul3A_115, %scan3A_95 : i32
      %add3A_117 = arith.constant 1 : i32
      %add3A_118 = arith.addi %mul3A_116, %add3A_117 : i32
      %dma_start3A_119 = arith.constant 0 : i32
      %dma_start3A_120 = tpu.memref_slice %arg7[%dma_start3A_119] : memref<128xf32, #tpu.memory_space<vmem>> -> memref<125xf32, #tpu.memory_space<vmem>>
      %dma_start3A_121 = arith.constant 0 : i32
      %dma_start3A_122 = tpu.memref_slice %arg6[%add3A_118, %dma_start3A_121] : memref<80x125xi32, #tpu.memory_space<vmem>> -> memref<1x125xi32, #tpu.memory_space<vmem>>
      %dma_start3A_123 = tpu.memref_squeeze %dma_start3A_122 : memref<1x125xi32, #tpu.memory_space<vmem>> -> memref<125xi32, #tpu.memory_space<vmem>>
      %dma_start3A_124 = arith.constant 0 : i32
      %dma_start3A_125 = tpu.memref_slice %arg8[%dma_start3A_124] : memref<10240xf32, #tpu.memory_space<vmem_shared>> -> memref<10240xf32, #tpu.memory_space<vmem_shared>>
      tpu.enqueue_indirect_dma source(%dma_start3A_120 : memref<125xf32, #tpu.memory_space<vmem>>) target(%dma_start3A_125 : memref<10240xf32, #tpu.memory_space<vmem_shared>>) offsets(%dma_start3A_123 : memref<125xi32, #tpu.memory_space<vmem>>) semaphore(%arg10 : memref<!tpu.dma_semaphore, #tpu.memory_space<semaphore_mem>>) {add = true}
      %gt3A_126 = arith.constant 0 : i32
      %gt3A_127 = arith.cmpi sgt, %scan3A_95, %gt3A_126 : i32
      %convert_element_type3A_128 = arith.extui %gt3A_127 : i1 to i32
      %cond3A_129 = arith.constant 0 : i32
      %cond3A_130 = arith.cmpi ne, %convert_element_type3A_128, %cond3A_129 : i32
      scf.if %cond3A_130 {
        %dma_wait3A_158 = arith.constant 0 : i32
        %dma_wait3A_159 = arith.constant 0 : i32
        %dma_wait3A_160 = tpu.memref_slice %arg7[%dma_wait3A_159] : memref<128xf32, #tpu.memory_space<vmem>> -> memref<125xf32, #tpu.memory_space<vmem>>
        %dma_wait3A_161 = arith.constant 0 : i32
        %dma_wait3A_162 = tpu.memref_slice %arg6[%dma_wait3A_158, %dma_wait3A_161] : memref<80x125xi32, #tpu.memory_space<vmem>> -> memref<1x125xi32, #tpu.memory_space<vmem>>
        %dma_wait3A_163 = tpu.memref_squeeze %dma_wait3A_162 : memref<1x125xi32, #tpu.memory_space<vmem>> -> memref<125xi32, #tpu.memory_space<vmem>>
        %dma_wait3A_164 = arith.constant 0 : i32
        %dma_wait3A_165 = tpu.memref_slice %arg8[%dma_wait3A_164] : memref<10240xf32, #tpu.memory_space<vmem_shared>> -> memref<10240xf32, #tpu.memory_space<vmem_shared>>
        tpu.wait_indirect_dma semaphore(%arg11 : memref<!tpu.dma_semaphore, #tpu.memory_space<semaphore_mem>>) src(%dma_wait3A_160 : memref<125xf32, #tpu.memory_space<vmem>>) dst(%dma_wait3A_165 : memref<10240xf32, #tpu.memory_space<vmem_shared>>)
      } else {
      }
      %mul3A_131 = arith.constant 4 : i32
      %mul3A_132 = arith.muli %mul3A_131, %scan3A_95 : i32
      %add3A_133 = arith.constant 2 : i32
      %add3A_134 = arith.addi %mul3A_132, %add3A_133 : i32
      %dma_start3A_135 = arith.constant 0 : i32
      %dma_start3A_136 = tpu.memref_slice %arg7[%dma_start3A_135] : memref<128xf32, #tpu.memory_space<vmem>> -> memref<125xf32, #tpu.memory_space<vmem>>
      %dma_start3A_137 = arith.constant 0 : i32
      %dma_start3A_138 = tpu.memref_slice %arg6[%add3A_134, %dma_start3A_137] : memref<80x125xi32, #tpu.memory_space<vmem>> -> memref<1x125xi32, #tpu.memory_space<vmem>>
      %dma_start3A_139 = tpu.memref_squeeze %dma_start3A_138 : memref<1x125xi32, #tpu.memory_space<vmem>> -> memref<125xi32, #tpu.memory_space<vmem>>
      %dma_start3A_140 = arith.constant 0 : i32
      %dma_start3A_141 = tpu.memref_slice %arg8[%dma_start3A_140] : memref<10240xf32, #tpu.memory_space<vmem_shared>> -> memref<10240xf32, #tpu.memory_space<vmem_shared>>
      tpu.enqueue_indirect_dma source(%dma_start3A_136 : memref<125xf32, #tpu.memory_space<vmem>>) target(%dma_start3A_141 : memref<10240xf32, #tpu.memory_space<vmem_shared>>) offsets(%dma_start3A_139 : memref<125xi32, #tpu.memory_space<vmem>>) semaphore(%arg11 : memref<!tpu.dma_semaphore, #tpu.memory_space<semaphore_mem>>) {add = true}
      %gt3A_142 = arith.constant 0 : i32
      %gt3A_143 = arith.cmpi sgt, %scan3A_95, %gt3A_142 : i32
      %convert_element_type3A_144 = arith.extui %gt3A_143 : i1 to i32
      %cond3A_145 = arith.constant 0 : i32
      %cond3A_146 = arith.cmpi ne, %convert_element_type3A_144, %cond3A_145 : i32
      scf.if %cond3A_146 {
        %dma_wait3A_158 = arith.constant 0 : i32
        %dma_wait3A_159 = arith.constant 0 : i32
        %dma_wait3A_160 = tpu.memref_slice %arg7[%dma_wait3A_159] : memref<128xf32, #tpu.memory_space<vmem>> -> memref<125xf32, #tpu.memory_space<vmem>>
        %dma_wait3A_161 = arith.constant 0 : i32
        %dma_wait3A_162 = tpu.memref_slice %arg6[%dma_wait3A_158, %dma_wait3A_161] : memref<80x125xi32, #tpu.memory_space<vmem>> -> memref<1x125xi32, #tpu.memory_space<vmem>>
        %dma_wait3A_163 = tpu.memref_squeeze %dma_wait3A_162 : memref<1x125xi32, #tpu.memory_space<vmem>> -> memref<125xi32, #tpu.memory_space<vmem>>
        %dma_wait3A_164 = arith.constant 0 : i32
        %dma_wait3A_165 = tpu.memref_slice %arg8[%dma_wait3A_164] : memref<10240xf32, #tpu.memory_space<vmem_shared>> -> memref<10240xf32, #tpu.memory_space<vmem_shared>>
        tpu.wait_indirect_dma semaphore(%arg12 : memref<!tpu.dma_semaphore, #tpu.memory_space<semaphore_mem>>) src(%dma_wait3A_160 : memref<125xf32, #tpu.memory_space<vmem>>) dst(%dma_wait3A_165 : memref<10240xf32, #tpu.memory_space<vmem_shared>>)
      } else {
      }
      %mul3A_147 = arith.constant 4 : i32
      %mul3A_148 = arith.muli %mul3A_147, %scan3A_95 : i32
      %add3A_149 = arith.constant 3 : i32
      %add3A_150 = arith.addi %mul3A_148, %add3A_149 : i32
      %dma_start3A_151 = arith.constant 0 : i32
      %dma_start3A_152 = tpu.memref_slice %arg7[%dma_start3A_151] : memref<128xf32, #tpu.memory_space<vmem>> -> memref<125xf32, #tpu.memory_space<vmem>>
      %dma_start3A_153 = arith.constant 0 : i32
      %dma_start3A_154 = tpu.memref_slice %arg6[%add3A_150, %dma_start3A_153] : memref<80x125xi32, #tpu.memory_space<vmem>> -> memref<1x125xi32, #tpu.memory_space<vmem>>
      %dma_start3A_155 = tpu.memref_squeeze %dma_start3A_154 : memref<1x125xi32, #tpu.memory_space<vmem>> -> memref<125xi32, #tpu.memory_space<vmem>>
      %dma_start3A_156 = arith.constant 0 : i32
      %dma_start3A_157 = tpu.memref_slice %arg8[%dma_start3A_156] : memref<10240xf32, #tpu.memory_space<vmem_shared>> -> memref<10240xf32, #tpu.memory_space<vmem_shared>>
      tpu.enqueue_indirect_dma source(%dma_start3A_152 : memref<125xf32, #tpu.memory_space<vmem>>) target(%dma_start3A_157 : memref<10240xf32, #tpu.memory_space<vmem_shared>>) offsets(%dma_start3A_155 : memref<125xi32, #tpu.memory_space<vmem>>) semaphore(%arg12 : memref<!tpu.dma_semaphore, #tpu.memory_space<semaphore_mem>>) {add = true}
    }
    %scan3A_55 = arith.constant 20 : i32
    %dma_wait3A = arith.constant 0 : i32
    %dma_wait3A_56 = arith.constant 0 : i32
    %dma_wait3A_57 = tpu.memref_slice %arg7[%dma_wait3A_56] : memref<128xf32, #tpu.memory_space<vmem>> -> memref<125xf32, #tpu.memory_space<vmem>>
    %dma_wait3A_58 = arith.constant 0 : i32
    %dma_wait3A_59 = tpu.memref_slice %arg6[%dma_wait3A, %dma_wait3A_58] : memref<80x125xi32, #tpu.memory_space<vmem>> -> memref<1x125xi32, #tpu.memory_space<vmem>>
    %dma_wait3A_60 = tpu.memref_squeeze %dma_wait3A_59 : memref<1x125xi32, #tpu.memory_space<vmem>> -> memref<125xi32, #tpu.memory_space<vmem>>
    %dma_wait3A_61 = arith.constant 0 : i32
    %dma_wait3A_62 = tpu.memref_slice %arg8[%dma_wait3A_61] : memref<10240xf32, #tpu.memory_space<vmem_shared>> -> memref<10240xf32, #tpu.memory_space<vmem_shared>>
    tpu.wait_indirect_dma semaphore(%arg9 : memref<!tpu.dma_semaphore, #tpu.memory_space<semaphore_mem>>) src(%dma_wait3A_57 : memref<125xf32, #tpu.memory_space<vmem>>) dst(%dma_wait3A_62 : memref<10240xf32, #tpu.memory_space<vmem_shared>>)
    %dma_wait3A_63 = arith.constant 0 : i32
    %dma_wait3A_64 = arith.constant 0 : i32
    %dma_wait3A_65 = tpu.memref_slice %arg7[%dma_wait3A_64] : memref<128xf32, #tpu.memory_space<vmem>> -> memref<125xf32, #tpu.memory_space<vmem>>
    %dma_wait3A_66 = arith.constant 0 : i32
    %dma_wait3A_67 = tpu.memref_slice %arg6[%dma_wait3A_63, %dma_wait3A_66] : memref<80x125xi32, #tpu.memory_space<vmem>> -> memref<1x125xi32, #tpu.memory_space<vmem>>
    %dma_wait3A_68 = tpu.memref_squeeze %dma_wait3A_67 : memref<1x125xi32, #tpu.memory_space<vmem>> -> memref<125xi32, #tpu.memory_space<vmem>>
    %dma_wait3A_69 = arith.constant 0 : i32
    %dma_wait3A_70 = tpu.memref_slice %arg8[%dma_wait3A_69] : memref<10240xf32, #tpu.memory_space<vmem_shared>> -> memref<10240xf32, #tpu.memory_space<vmem_shared>>
    tpu.wait_indirect_dma semaphore(%arg10 : memref<!tpu.dma_semaphore, #tpu.memory_space<semaphore_mem>>) src(%dma_wait3A_65 : memref<125xf32, #tpu.memory_space<vmem>>) dst(%dma_wait3A_70 : memref<10240xf32, #tpu.memory_space<vmem_shared>>)
    %dma_wait3A_71 = arith.constant 0 : i32
    %dma_wait3A_72 = arith.constant 0 : i32
    %dma_wait3A_73 = tpu.memref_slice %arg7[%dma_wait3A_72] : memref<128xf32, #tpu.memory_space<vmem>> -> memref<125xf32, #tpu.memory_space<vmem>>
    %dma_wait3A_74 = arith.constant 0 : i32
    %dma_wait3A_75 = tpu.memref_slice %arg6[%dma_wait3A_71, %dma_wait3A_74] : memref<80x125xi32, #tpu.memory_space<vmem>> -> memref<1x125xi32, #tpu.memory_space<vmem>>
    %dma_wait3A_76 = tpu.memref_squeeze %dma_wait3A_75 : memref<1x125xi32, #tpu.memory_space<vmem>> -> memref<125xi32, #tpu.memory_space<vmem>>
    %dma_wait3A_77 = arith.constant 0 : i32
    %dma_wait3A_78 = tpu.memref_slice %arg8[%dma_wait3A_77] : memref<10240xf32, #tpu.memory_space<vmem_shared>> -> memref<10240xf32, #tpu.memory_space<vmem_shared>>
    tpu.wait_indirect_dma semaphore(%arg11 : memref<!tpu.dma_semaphore, #tpu.memory_space<semaphore_mem>>) src(%dma_wait3A_73 : memref<125xf32, #tpu.memory_space<vmem>>) dst(%dma_wait3A_78 : memref<10240xf32, #tpu.memory_space<vmem_shared>>)
    %dma_wait3A_79 = arith.constant 0 : i32
    %dma_wait3A_80 = arith.constant 0 : i32
    %dma_wait3A_81 = tpu.memref_slice %arg7[%dma_wait3A_80] : memref<128xf32, #tpu.memory_space<vmem>> -> memref<125xf32, #tpu.memory_space<vmem>>
    %dma_wait3A_82 = arith.constant 0 : i32
    %dma_wait3A_83 = tpu.memref_slice %arg6[%dma_wait3A_79, %dma_wait3A_82] : memref<80x125xi32, #tpu.memory_space<vmem>> -> memref<1x125xi32, #tpu.memory_space<vmem>>
    %dma_wait3A_84 = tpu.memref_squeeze %dma_wait3A_83 : memref<1x125xi32, #tpu.memory_space<vmem>> -> memref<125xi32, #tpu.memory_space<vmem>>
    %dma_wait3A_85 = arith.constant 0 : i32
    %dma_wait3A_86 = tpu.memref_slice %arg8[%dma_wait3A_85] : memref<10240xf32, #tpu.memory_space<vmem_shared>> -> memref<10240xf32, #tpu.memory_space<vmem_shared>>
    tpu.wait_indirect_dma semaphore(%arg12 : memref<!tpu.dma_semaphore, #tpu.memory_space<semaphore_mem>>) src(%dma_wait3A_81 : memref<125xf32, #tpu.memory_space<vmem>>) dst(%dma_wait3A_86 : memref<10240xf32, #tpu.memory_space<vmem_shared>>)
    %barrier3A_87 = arith.constant 0 : index
    tpu.barrier barrier_id(%barrier3A_87)
    %eq3A = arith.constant 0 : i32
    %eq3A_88 = arith.cmpi eq, %arg0, %eq3A : i32
    %convert_element_type3A = arith.extui %eq3A_88 : i1 to i32
    %cond3A = arith.constant 0 : i32
    %cond3A_89 = arith.cmpi ne, %convert_element_type3A, %cond3A : i32
    scf.if %cond3A_89 {
      "tpu.region"() ({
        %run_scoped3A_95 = tpu.sem_alloc : memref<!tpu.dma_semaphore, #tpu.memory_space<semaphore_mem>>
        %dma_start3A = tpu.memref_slice %arg4[%mul3A_2] : memref<10240xf32, #tpu.memory_space<hbm>> -> memref<640xf32, #tpu.memory_space<hbm>>
        %dma_start3A_96 = tpu.memref_slice %arg8[%mul3A_2] : memref<10240xf32, #tpu.memory_space<vmem_shared>> -> memref<640xf32, #tpu.memory_space<vmem_shared>>
        tpu.enqueue_dma source(%dma_start3A_96 : memref<640xf32, #tpu.memory_space<vmem_shared>>) target(%dma_start3A : memref<640xf32, #tpu.memory_space<hbm>>) target_semaphore(%run_scoped3A_95 : memref<!tpu.dma_semaphore, #tpu.memory_space<semaphore_mem>>)
        %dma_wait3A_97 = tpu.memref_slice %arg4[%mul3A_2] : memref<10240xf32, #tpu.memory_space<hbm>> -> memref<640xf32, #tpu.memory_space<hbm>>
        %dma_wait3A_98 = tpu.memref_slice %arg8[%mul3A_2] : memref<10240xf32, #tpu.memory_space<vmem_shared>> -> memref<640xf32, #tpu.memory_space<vmem_shared>>
        tpu.wait_dma2 semaphore(%run_scoped3A_95 : memref<!tpu.dma_semaphore, #tpu.memory_space<semaphore_mem>>) src(%dma_wait3A_98 : memref<640xf32, #tpu.memory_space<vmem_shared>>) dst(%dma_wait3A_97 : memref<640xf32, #tpu.memory_space<hbm>>)
        tpu.yield
      }) : () -> ()
    } else {
    }
    %eq3A_90 = arith.constant 1 : i32
    %eq3A_91 = arith.cmpi eq, %arg0, %eq3A_90 : i32
    %convert_element_type3A_92 = arith.extui %eq3A_91 : i1 to i32
    %cond3A_93 = arith.constant 0 : i32
    %cond3A_94 = arith.cmpi ne, %convert_element_type3A_92, %cond3A_93 : i32
    scf.if %cond3A_94 {
      "tpu.region"() ({
        %run_scoped3A_95 = tpu.sem_alloc : memref<!tpu.dma_semaphore, #tpu.memory_space<semaphore_mem>>
        %dma_start3A = tpu.memref_slice %arg5[%mul3A_2] : memref<10240xf32, #tpu.memory_space<hbm>> -> memref<640xf32, #tpu.memory_space<hbm>>
        %dma_start3A_96 = tpu.memref_slice %arg8[%mul3A_2] : memref<10240xf32, #tpu.memory_space<vmem_shared>> -> memref<640xf32, #tpu.memory_space<vmem_shared>>
        tpu.enqueue_dma source(%dma_start3A_96 : memref<640xf32, #tpu.memory_space<vmem_shared>>) target(%dma_start3A : memref<640xf32, #tpu.memory_space<hbm>>) target_semaphore(%run_scoped3A_95 : memref<!tpu.dma_semaphore, #tpu.memory_space<semaphore_mem>>)
        %dma_wait3A_97 = tpu.memref_slice %arg5[%mul3A_2] : memref<10240xf32, #tpu.memory_space<hbm>> -> memref<640xf32, #tpu.memory_space<hbm>>
        %dma_wait3A_98 = tpu.memref_slice %arg8[%mul3A_2] : memref<10240xf32, #tpu.memory_space<vmem_shared>> -> memref<640xf32, #tpu.memory_space<vmem_shared>>
        tpu.wait_dma2 semaphore(%run_scoped3A_95 : memref<!tpu.dma_semaphore, #tpu.memory_space<semaphore_mem>>) src(%dma_wait3A_98 : memref<640xf32, #tpu.memory_space<vmem_shared>>) dst(%dma_wait3A_97 : memref<640xf32, #tpu.memory_space<hbm>>)
        tpu.yield
      }) : () -> ()
    } else {
    }
    return
  }
}

#map = affine_map<(d0, d1) -> (0, 0)>
#map1 = affine_map<(d0, d1) -> (0, 0, 0)>
module attributes {stable_mosaic.version = 14 : i64} {
  func.func @gs_kernel(%arg0: i32, %arg1: i32, %arg2: memref<10240x16xf32, #tpu.memory_space<hbm>>, %arg3: memref<2x2560x125xi32, #tpu.memory_space<hbm>>, %arg4: memref<10240x16xf32, #tpu.memory_space<hbm>>, %arg5: memref<10240x16xf32, #tpu.memory_space<hbm>>, %arg6: memref<10240x16xf32, #tpu.memory_space<hbm>>, %arg7: memref<80x125xi32, #tpu.memory_space<vmem>>, %arg8: memref<80x125xi32, #tpu.memory_space<vmem>>, %arg9: memref<1000x16xf32, #tpu.memory_space<vmem>>, %arg10: memref<10240x16xf32, #tpu.memory_space<vmem_shared>>, %arg11: memref<!tpu.dma_semaphore, #tpu.memory_space<semaphore_mem>>, %arg12: memref<!tpu.dma_semaphore, #tpu.memory_space<semaphore_mem>>, %arg13: memref<!tpu.dma_semaphore, #tpu.memory_space<semaphore_mem>>, %arg14: memref<!tpu.dma_semaphore, #tpu.memory_space<semaphore_mem>>, %arg15: memref<!tpu.dma_semaphore, #tpu.memory_space<semaphore_mem>>, %arg16: memref<!tpu.dma_semaphore, #tpu.memory_space<semaphore_mem>>, %arg17: memref<!tpu.dma_semaphore, #tpu.memory_space<semaphore_mem>>, %arg18: memref<!tpu.dma_semaphore, #tpu.memory_space<semaphore_mem>>, %arg19: memref<!tpu.dma_semaphore, #tpu.memory_space<semaphore_mem>>, %arg20: memref<!tpu.dma_semaphore, #tpu.memory_space<semaphore_mem>>, %arg21: memref<!tpu.dma_semaphore, #tpu.memory_space<semaphore_mem>>, %arg22: memref<!tpu.dma_semaphore, #tpu.memory_space<semaphore_mem>>, %arg23: memref<!tpu.dma_semaphore, #tpu.memory_space<semaphore_mem>>, %arg24: memref<!tpu.dma_semaphore, #tpu.memory_space<semaphore_mem>>, %arg25: memref<!tpu.dma_semaphore, #tpu.memory_space<semaphore_mem>>, %arg26: memref<!tpu.dma_semaphore, #tpu.memory_space<semaphore_mem>>) attributes {dimension_semantics = [#tpu.dimension_semantics<core_parallel>, #tpu.dimension_semantics<subcore_parallel>], iteration_bounds = array<i64: 2, 16>, scalar_prefetch = 0 : i64, scratch_operands = 20 : i64, tpu.core_type = #tpu.core_type<sc_vector_subcore>, window_params = [{transform_indices = #map}, {transform_indices = #map1}, {transform_indices = #map}, {transform_indices = #map}, {transform_indices = #map}]} {
    %mul3A = arith.constant 16 : i32
    %mul3A_0 = arith.muli %arg0, %mul3A : i32
    %add3A = arith.addi %mul3A_0, %arg1 : i32
    %mul3A_1 = arith.constant 640 : i32
    %mul3A_2 = arith.muli %arg1, %mul3A_1 : i32
    "tpu.region"() ({
      %run_scoped3A_99 = tpu.sem_alloc : memref<!tpu.dma_semaphore, #tpu.memory_space<semaphore_mem>>
      %dma_start3A_100 = arith.constant 0 : i32
      %dma_start3A_101 = tpu.memref_slice %arg10[%mul3A_2, %dma_start3A_100] : memref<10240x16xf32, #tpu.memory_space<vmem_shared>> -> memref<640x16xf32, #tpu.memory_space<vmem_shared>>
      %dma_start3A_102 = arith.constant 0 : i32
      %dma_start3A_103 = tpu.memref_slice %arg4[%mul3A_2, %dma_start3A_102] : memref<10240x16xf32, #tpu.memory_space<hbm>> -> memref<640x16xf32, #tpu.memory_space<hbm>>
      tpu.enqueue_dma source(%dma_start3A_103 : memref<640x16xf32, #tpu.memory_space<hbm>>) target(%dma_start3A_101 : memref<640x16xf32, #tpu.memory_space<vmem_shared>>) target_semaphore(%run_scoped3A_99 : memref<!tpu.dma_semaphore, #tpu.memory_space<semaphore_mem>>)
      %dma_wait3A_104 = arith.constant 0 : i32
      %dma_wait3A_105 = tpu.memref_slice %arg10[%mul3A_2, %dma_wait3A_104] : memref<10240x16xf32, #tpu.memory_space<vmem_shared>> -> memref<640x16xf32, #tpu.memory_space<vmem_shared>>
      %dma_wait3A_106 = arith.constant 0 : i32
      %dma_wait3A_107 = tpu.memref_slice %arg4[%mul3A_2, %dma_wait3A_106] : memref<10240x16xf32, #tpu.memory_space<hbm>> -> memref<640x16xf32, #tpu.memory_space<hbm>>
      tpu.wait_dma2 semaphore(%run_scoped3A_99 : memref<!tpu.dma_semaphore, #tpu.memory_space<semaphore_mem>>) src(%dma_wait3A_107 : memref<640x16xf32, #tpu.memory_space<hbm>>) dst(%dma_wait3A_105 : memref<640x16xf32, #tpu.memory_space<vmem_shared>>)
      tpu.yield
    }) : () -> ()
    %mul3A_3 = arith.constant 80 : i32
    %mul3A_4 = arith.muli %add3A, %mul3A_3 : i32
    %run_scoped3A = arith.constant 0 : i32
    "tpu.region"() ({
      %run_scoped3A_99 = tpu.sem_alloc : memref<!tpu.dma_semaphore, #tpu.memory_space<semaphore_mem>>
      %dma_start3A_100 = arith.constant 0 : i32
      %dma_start3A_101 = tpu.memref_slice %arg3[%run_scoped3A, %mul3A_4, %dma_start3A_100] : memref<2x2560x125xi32, #tpu.memory_space<hbm>> -> memref<1x80x125xi32, #tpu.memory_space<hbm>>
      %dma_start3A_102 = tpu.memref_squeeze %dma_start3A_101 : memref<1x80x125xi32, #tpu.memory_space<hbm>> -> memref<80x125xi32, #tpu.memory_space<hbm>>
      %dma_start3A_103 = arith.constant 0 : i32
      %dma_start3A_104 = tpu.memref_slice %arg3[%run_scoped3A, %mul3A_4, %dma_start3A_103] : memref<2x2560x125xi32, #tpu.memory_space<hbm>> -> memref<1x80x125xi32, #tpu.memory_space<hbm>>
      %dma_start3A_105 = tpu.memref_squeeze %dma_start3A_104 : memref<1x80x125xi32, #tpu.memory_space<hbm>> -> memref<80x125xi32, #tpu.memory_space<hbm>>
      tpu.enqueue_dma source(%dma_start3A_105 : memref<80x125xi32, #tpu.memory_space<hbm>>) target(%arg7 : memref<80x125xi32, #tpu.memory_space<vmem>>) target_semaphore(%run_scoped3A_99 : memref<!tpu.dma_semaphore, #tpu.memory_space<semaphore_mem>>)
      %dma_wait3A_106 = arith.constant 0 : i32
      %dma_wait3A_107 = tpu.memref_slice %arg3[%run_scoped3A, %mul3A_4, %dma_wait3A_106] : memref<2x2560x125xi32, #tpu.memory_space<hbm>> -> memref<1x80x125xi32, #tpu.memory_space<hbm>>
      %dma_wait3A_108 = tpu.memref_squeeze %dma_wait3A_107 : memref<1x80x125xi32, #tpu.memory_space<hbm>> -> memref<80x125xi32, #tpu.memory_space<hbm>>
      %dma_wait3A_109 = arith.constant 0 : i32
      %dma_wait3A_110 = tpu.memref_slice %arg3[%run_scoped3A, %mul3A_4, %dma_wait3A_109] : memref<2x2560x125xi32, #tpu.memory_space<hbm>> -> memref<1x80x125xi32, #tpu.memory_space<hbm>>
      %dma_wait3A_111 = tpu.memref_squeeze %dma_wait3A_110 : memref<1x80x125xi32, #tpu.memory_space<hbm>> -> memref<80x125xi32, #tpu.memory_space<hbm>>
      tpu.wait_dma2 semaphore(%run_scoped3A_99 : memref<!tpu.dma_semaphore, #tpu.memory_space<semaphore_mem>>) src(%dma_wait3A_111 : memref<80x125xi32, #tpu.memory_space<hbm>>) dst(%arg7 : memref<80x125xi32, #tpu.memory_space<vmem>>)
      tpu.yield
    }) : () -> ()
    %mul3A_5 = arith.constant 80 : i32
    %mul3A_6 = arith.muli %add3A, %mul3A_5 : i32
    %run_scoped3A_7 = arith.constant 1 : i32
    "tpu.region"() ({
      %run_scoped3A_99 = tpu.sem_alloc : memref<!tpu.dma_semaphore, #tpu.memory_space<semaphore_mem>>
      %dma_start3A_100 = arith.constant 0 : i32
      %dma_start3A_101 = tpu.memref_slice %arg3[%run_scoped3A_7, %mul3A_6, %dma_start3A_100] : memref<2x2560x125xi32, #tpu.memory_space<hbm>> -> memref<1x80x125xi32, #tpu.memory_space<hbm>>
      %dma_start3A_102 = tpu.memref_squeeze %dma_start3A_101 : memref<1x80x125xi32, #tpu.memory_space<hbm>> -> memref<80x125xi32, #tpu.memory_space<hbm>>
      %dma_start3A_103 = arith.constant 0 : i32
      %dma_start3A_104 = tpu.memref_slice %arg3[%run_scoped3A_7, %mul3A_6, %dma_start3A_103] : memref<2x2560x125xi32, #tpu.memory_space<hbm>> -> memref<1x80x125xi32, #tpu.memory_space<hbm>>
      %dma_start3A_105 = tpu.memref_squeeze %dma_start3A_104 : memref<1x80x125xi32, #tpu.memory_space<hbm>> -> memref<80x125xi32, #tpu.memory_space<hbm>>
      tpu.enqueue_dma source(%dma_start3A_105 : memref<80x125xi32, #tpu.memory_space<hbm>>) target(%arg8 : memref<80x125xi32, #tpu.memory_space<vmem>>) target_semaphore(%run_scoped3A_99 : memref<!tpu.dma_semaphore, #tpu.memory_space<semaphore_mem>>)
      %dma_wait3A_106 = arith.constant 0 : i32
      %dma_wait3A_107 = tpu.memref_slice %arg3[%run_scoped3A_7, %mul3A_6, %dma_wait3A_106] : memref<2x2560x125xi32, #tpu.memory_space<hbm>> -> memref<1x80x125xi32, #tpu.memory_space<hbm>>
      %dma_wait3A_108 = tpu.memref_squeeze %dma_wait3A_107 : memref<1x80x125xi32, #tpu.memory_space<hbm>> -> memref<80x125xi32, #tpu.memory_space<hbm>>
      %dma_wait3A_109 = arith.constant 0 : i32
      %dma_wait3A_110 = tpu.memref_slice %arg3[%run_scoped3A_7, %mul3A_6, %dma_wait3A_109] : memref<2x2560x125xi32, #tpu.memory_space<hbm>> -> memref<1x80x125xi32, #tpu.memory_space<hbm>>
      %dma_wait3A_111 = tpu.memref_squeeze %dma_wait3A_110 : memref<1x80x125xi32, #tpu.memory_space<hbm>> -> memref<80x125xi32, #tpu.memory_space<hbm>>
      tpu.wait_dma2 semaphore(%run_scoped3A_99 : memref<!tpu.dma_semaphore, #tpu.memory_space<semaphore_mem>>) src(%dma_wait3A_111 : memref<80x125xi32, #tpu.memory_space<hbm>>) dst(%arg8 : memref<80x125xi32, #tpu.memory_space<vmem>>)
      tpu.yield
    }) : () -> ()
    %barrier3A = arith.constant 0 : index
    tpu.barrier barrier_id(%barrier3A)
    %dma_start3A = arith.constant 0 : i32
    %dma_start3A_8 = arith.constant 0 : i32
    %dma_start3A_9 = arith.constant 0 : i32
    %dma_start3A_10 = tpu.memref_slice %arg9[%dma_start3A_8, %dma_start3A_9] : memref<1000x16xf32, #tpu.memory_space<vmem>> -> memref<125x16xf32, #tpu.memory_space<vmem>>
    %dma_start3A_11 = arith.constant 0 : i32
    %dma_start3A_12 = tpu.memref_slice %arg7[%dma_start3A, %dma_start3A_11] : memref<80x125xi32, #tpu.memory_space<vmem>> -> memref<1x125xi32, #tpu.memory_space<vmem>>
    %dma_start3A_13 = tpu.memref_squeeze %dma_start3A_12 : memref<1x125xi32, #tpu.memory_space<vmem>> -> memref<125xi32, #tpu.memory_space<vmem>>
    %dma_start3A_14 = arith.constant 0 : i32
    %dma_start3A_15 = arith.constant 0 : i32
    %dma_start3A_16 = tpu.memref_slice %arg2[%dma_start3A_14, %dma_start3A_15] : memref<10240x16xf32, #tpu.memory_space<hbm>> -> memref<10240x16xf32, #tpu.memory_space<hbm>>
    tpu.enqueue_indirect_dma source(%dma_start3A_16 : memref<10240x16xf32, #tpu.memory_space<hbm>>) target(%dma_start3A_10 : memref<125x16xf32, #tpu.memory_space<vmem>>) offsets(%dma_start3A_13 : memref<125xi32, #tpu.memory_space<vmem>>) semaphore(%arg11 : memref<!tpu.dma_semaphore, #tpu.memory_space<semaphore_mem>>)
    %dma_start3A_17 = arith.constant 1 : i32
    %dma_start3A_18 = arith.constant 125 : i32
    %dma_start3A_19 = arith.constant 0 : i32
    %dma_start3A_20 = tpu.memref_slice %arg9[%dma_start3A_18, %dma_start3A_19] : memref<1000x16xf32, #tpu.memory_space<vmem>> -> memref<125x16xf32, #tpu.memory_space<vmem>>
    %dma_start3A_21 = arith.constant 0 : i32
    %dma_start3A_22 = tpu.memref_slice %arg7[%dma_start3A_17, %dma_start3A_21] : memref<80x125xi32, #tpu.memory_space<vmem>> -> memref<1x125xi32, #tpu.memory_space<vmem>>
    %dma_start3A_23 = tpu.memref_squeeze %dma_start3A_22 : memref<1x125xi32, #tpu.memory_space<vmem>> -> memref<125xi32, #tpu.memory_space<vmem>>
    %dma_start3A_24 = arith.constant 0 : i32
    %dma_start3A_25 = arith.constant 0 : i32
    %dma_start3A_26 = tpu.memref_slice %arg2[%dma_start3A_24, %dma_start3A_25] : memref<10240x16xf32, #tpu.memory_space<hbm>> -> memref<10240x16xf32, #tpu.memory_space<hbm>>
    tpu.enqueue_indirect_dma source(%dma_start3A_26 : memref<10240x16xf32, #tpu.memory_space<hbm>>) target(%dma_start3A_20 : memref<125x16xf32, #tpu.memory_space<vmem>>) offsets(%dma_start3A_23 : memref<125xi32, #tpu.memory_space<vmem>>) semaphore(%arg12 : memref<!tpu.dma_semaphore, #tpu.memory_space<semaphore_mem>>)
    %dma_start3A_27 = arith.constant 2 : i32
    %dma_start3A_28 = arith.constant 250 : i32
    %dma_start3A_29 = arith.constant 0 : i32
    %dma_start3A_30 = tpu.memref_slice %arg9[%dma_start3A_28, %dma_start3A_29] : memref<1000x16xf32, #tpu.memory_space<vmem>> -> memref<125x16xf32, #tpu.memory_space<vmem>>
    %dma_start3A_31 = arith.constant 0 : i32
    %dma_start3A_32 = tpu.memref_slice %arg7[%dma_start3A_27, %dma_start3A_31] : memref<80x125xi32, #tpu.memory_space<vmem>> -> memref<1x125xi32, #tpu.memory_space<vmem>>
    %dma_start3A_33 = tpu.memref_squeeze %dma_start3A_32 : memref<1x125xi32, #tpu.memory_space<vmem>> -> memref<125xi32, #tpu.memory_space<vmem>>
    %dma_start3A_34 = arith.constant 0 : i32
    %dma_start3A_35 = arith.constant 0 : i32
    %dma_start3A_36 = tpu.memref_slice %arg2[%dma_start3A_34, %dma_start3A_35] : memref<10240x16xf32, #tpu.memory_space<hbm>> -> memref<10240x16xf32, #tpu.memory_space<hbm>>
    tpu.enqueue_indirect_dma source(%dma_start3A_36 : memref<10240x16xf32, #tpu.memory_space<hbm>>) target(%dma_start3A_30 : memref<125x16xf32, #tpu.memory_space<vmem>>) offsets(%dma_start3A_33 : memref<125xi32, #tpu.memory_space<vmem>>) semaphore(%arg13 : memref<!tpu.dma_semaphore, #tpu.memory_space<semaphore_mem>>)
    %dma_start3A_37 = arith.constant 3 : i32
    %dma_start3A_38 = arith.constant 375 : i32
    %dma_start3A_39 = arith.constant 0 : i32
    %dma_start3A_40 = tpu.memref_slice %arg9[%dma_start3A_38, %dma_start3A_39] : memref<1000x16xf32, #tpu.memory_space<vmem>> -> memref<125x16xf32, #tpu.memory_space<vmem>>
    %dma_start3A_41 = arith.constant 0 : i32
    %dma_start3A_42 = tpu.memref_slice %arg7[%dma_start3A_37, %dma_start3A_41] : memref<80x125xi32, #tpu.memory_space<vmem>> -> memref<1x125xi32, #tpu.memory_space<vmem>>
    %dma_start3A_43 = tpu.memref_squeeze %dma_start3A_42 : memref<1x125xi32, #tpu.memory_space<vmem>> -> memref<125xi32, #tpu.memory_space<vmem>>
    %dma_start3A_44 = arith.constant 0 : i32
    %dma_start3A_45 = arith.constant 0 : i32
    %dma_start3A_46 = tpu.memref_slice %arg2[%dma_start3A_44, %dma_start3A_45] : memref<10240x16xf32, #tpu.memory_space<hbm>> -> memref<10240x16xf32, #tpu.memory_space<hbm>>
    tpu.enqueue_indirect_dma source(%dma_start3A_46 : memref<10240x16xf32, #tpu.memory_space<hbm>>) target(%dma_start3A_40 : memref<125x16xf32, #tpu.memory_space<vmem>>) offsets(%dma_start3A_43 : memref<125xi32, #tpu.memory_space<vmem>>) semaphore(%arg14 : memref<!tpu.dma_semaphore, #tpu.memory_space<semaphore_mem>>)
    %scan3A = arith.constant 0 : i32
    %scan3A_47 = arith.constant 0 : i32
    %scan3A_48 = arith.constant 10 : i32
    %scan3A_49 = arith.addi %scan3A_47, %scan3A_48 : i32
    %scan3A_50 = arith.constant 1 : i32
    scf.for %scan3A_99 = %scan3A_47 to %scan3A_49 step %scan3A_50  : i32 {
      %mul3A_100 = arith.constant 2 : i32
      %mul3A_101 = arith.muli %mul3A_100, %scan3A_99 : i32
      %add3A_102 = arith.constant 0 : i32
      %add3A_103 = arith.addi %mul3A_101, %add3A_102 : i32
      %gt3A = arith.constant 0 : i32
      %gt3A_104 = arith.cmpi sgt, %scan3A_99, %gt3A : i32
      %convert_element_type3A_105 = arith.extui %gt3A_104 : i1 to i32
      %cond3A_106 = arith.constant 0 : i32
      %cond3A_107 = arith.cmpi ne, %convert_element_type3A_105, %cond3A_106 : i32
      scf.if %cond3A_107 {
        %dma_wait3A_422 = arith.constant 0 : i32
        %dma_wait3A_423 = arith.constant 500 : i32
        %dma_wait3A_424 = arith.constant 0 : i32
        %dma_wait3A_425 = tpu.memref_slice %arg9[%dma_wait3A_423, %dma_wait3A_424] : memref<1000x16xf32, #tpu.memory_space<vmem>> -> memref<125x16xf32, #tpu.memory_space<vmem>>
        %dma_wait3A_426 = arith.constant 0 : i32
        %dma_wait3A_427 = tpu.memref_slice %arg8[%dma_wait3A_422, %dma_wait3A_426] : memref<80x125xi32, #tpu.memory_space<vmem>> -> memref<1x125xi32, #tpu.memory_space<vmem>>
        %dma_wait3A_428 = tpu.memref_squeeze %dma_wait3A_427 : memref<1x125xi32, #tpu.memory_space<vmem>> -> memref<125xi32, #tpu.memory_space<vmem>>
        %dma_wait3A_429 = arith.constant 0 : i32
        %dma_wait3A_430 = arith.constant 0 : i32
        %dma_wait3A_431 = tpu.memref_slice %arg10[%dma_wait3A_429, %dma_wait3A_430] : memref<10240x16xf32, #tpu.memory_space<vmem_shared>> -> memref<10240x16xf32, #tpu.memory_space<vmem_shared>>
        tpu.wait_indirect_dma semaphore(%arg23 : memref<!tpu.dma_semaphore, #tpu.memory_space<semaphore_mem>>) src(%dma_wait3A_425 : memref<125x16xf32, #tpu.memory_space<vmem>>) dst(%dma_wait3A_431 : memref<10240x16xf32, #tpu.memory_space<vmem_shared>>)
      } else {
      }
      %add3A_108 = arith.constant 1 : i32
      %add3A_109 = arith.addi %add3A_103, %add3A_108 : i32
      %mul3A_110 = arith.constant 4 : i32
      %mul3A_111 = arith.muli %add3A_109, %mul3A_110 : i32
      %add3A_112 = arith.constant 0 : i32
      %add3A_113 = arith.addi %mul3A_111, %add3A_112 : i32
      %dma_start3A_114 = arith.constant 500 : i32
      %dma_start3A_115 = arith.constant 0 : i32
      %dma_start3A_116 = tpu.memref_slice %arg9[%dma_start3A_114, %dma_start3A_115] : memref<1000x16xf32, #tpu.memory_space<vmem>> -> memref<125x16xf32, #tpu.memory_space<vmem>>
      %dma_start3A_117 = arith.constant 0 : i32
      %dma_start3A_118 = tpu.memref_slice %arg7[%add3A_113, %dma_start3A_117] : memref<80x125xi32, #tpu.memory_space<vmem>> -> memref<1x125xi32, #tpu.memory_space<vmem>>
      %dma_start3A_119 = tpu.memref_squeeze %dma_start3A_118 : memref<1x125xi32, #tpu.memory_space<vmem>> -> memref<125xi32, #tpu.memory_space<vmem>>
      %dma_start3A_120 = arith.constant 0 : i32
      %dma_start3A_121 = arith.constant 0 : i32
      %dma_start3A_122 = tpu.memref_slice %arg2[%dma_start3A_120, %dma_start3A_121] : memref<10240x16xf32, #tpu.memory_space<hbm>> -> memref<10240x16xf32, #tpu.memory_space<hbm>>
      tpu.enqueue_indirect_dma source(%dma_start3A_122 : memref<10240x16xf32, #tpu.memory_space<hbm>>) target(%dma_start3A_116 : memref<125x16xf32, #tpu.memory_space<vmem>>) offsets(%dma_start3A_119 : memref<125xi32, #tpu.memory_space<vmem>>) semaphore(%arg15 : memref<!tpu.dma_semaphore, #tpu.memory_space<semaphore_mem>>)
      %gt3A_123 = arith.constant 0 : i32
      %gt3A_124 = arith.cmpi sgt, %scan3A_99, %gt3A_123 : i32
      %convert_element_type3A_125 = arith.extui %gt3A_124 : i1 to i32
      %cond3A_126 = arith.constant 0 : i32
      %cond3A_127 = arith.cmpi ne, %convert_element_type3A_125, %cond3A_126 : i32
      scf.if %cond3A_127 {
        %dma_wait3A_422 = arith.constant 0 : i32
        %dma_wait3A_423 = arith.constant 625 : i32
        %dma_wait3A_424 = arith.constant 0 : i32
        %dma_wait3A_425 = tpu.memref_slice %arg9[%dma_wait3A_423, %dma_wait3A_424] : memref<1000x16xf32, #tpu.memory_space<vmem>> -> memref<125x16xf32, #tpu.memory_space<vmem>>
        %dma_wait3A_426 = arith.constant 0 : i32
        %dma_wait3A_427 = tpu.memref_slice %arg8[%dma_wait3A_422, %dma_wait3A_426] : memref<80x125xi32, #tpu.memory_space<vmem>> -> memref<1x125xi32, #tpu.memory_space<vmem>>
        %dma_wait3A_428 = tpu.memref_squeeze %dma_wait3A_427 : memref<1x125xi32, #tpu.memory_space<vmem>> -> memref<125xi32, #tpu.memory_space<vmem>>
        %dma_wait3A_429 = arith.constant 0 : i32
        %dma_wait3A_430 = arith.constant 0 : i32
        %dma_wait3A_431 = tpu.memref_slice %arg10[%dma_wait3A_429, %dma_wait3A_430] : memref<10240x16xf32, #tpu.memory_space<vmem_shared>> -> memref<10240x16xf32, #tpu.memory_space<vmem_shared>>
        tpu.wait_indirect_dma semaphore(%arg24 : memref<!tpu.dma_semaphore, #tpu.memory_space<semaphore_mem>>) src(%dma_wait3A_425 : memref<125x16xf32, #tpu.memory_space<vmem>>) dst(%dma_wait3A_431 : memref<10240x16xf32, #tpu.memory_space<vmem_shared>>)
      } else {
      }
      %add3A_128 = arith.constant 1 : i32
      %add3A_129 = arith.addi %add3A_103, %add3A_128 : i32
      %mul3A_130 = arith.constant 4 : i32
      %mul3A_131 = arith.muli %add3A_129, %mul3A_130 : i32
      %add3A_132 = arith.constant 1 : i32
      %add3A_133 = arith.addi %mul3A_131, %add3A_132 : i32
      %dma_start3A_134 = arith.constant 625 : i32
      %dma_start3A_135 = arith.constant 0 : i32
      %dma_start3A_136 = tpu.memref_slice %arg9[%dma_start3A_134, %dma_start3A_135] : memref<1000x16xf32, #tpu.memory_space<vmem>> -> memref<125x16xf32, #tpu.memory_space<vmem>>
      %dma_start3A_137 = arith.constant 0 : i32
      %dma_start3A_138 = tpu.memref_slice %arg7[%add3A_133, %dma_start3A_137] : memref<80x125xi32, #tpu.memory_space<vmem>> -> memref<1x125xi32, #tpu.memory_space<vmem>>
      %dma_start3A_139 = tpu.memref_squeeze %dma_start3A_138 : memref<1x125xi32, #tpu.memory_space<vmem>> -> memref<125xi32, #tpu.memory_space<vmem>>
      %dma_start3A_140 = arith.constant 0 : i32
      %dma_start3A_141 = arith.constant 0 : i32
      %dma_start3A_142 = tpu.memref_slice %arg2[%dma_start3A_140, %dma_start3A_141] : memref<10240x16xf32, #tpu.memory_space<hbm>> -> memref<10240x16xf32, #tpu.memory_space<hbm>>
      tpu.enqueue_indirect_dma source(%dma_start3A_142 : memref<10240x16xf32, #tpu.memory_space<hbm>>) target(%dma_start3A_136 : memref<125x16xf32, #tpu.memory_space<vmem>>) offsets(%dma_start3A_139 : memref<125xi32, #tpu.memory_space<vmem>>) semaphore(%arg16 : memref<!tpu.dma_semaphore, #tpu.memory_space<semaphore_mem>>)
      %gt3A_143 = arith.constant 0 : i32
      %gt3A_144 = arith.cmpi sgt, %scan3A_99, %gt3A_143 : i32
      %convert_element_type3A_145 = arith.extui %gt3A_144 : i1 to i32
      %cond3A_146 = arith.constant 0 : i32
      %cond3A_147 = arith.cmpi ne, %convert_element_type3A_145, %cond3A_146 : i32
      scf.if %cond3A_147 {
        %dma_wait3A_422 = arith.constant 0 : i32
        %dma_wait3A_423 = arith.constant 750 : i32
        %dma_wait3A_424 = arith.constant 0 : i32
        %dma_wait3A_425 = tpu.memref_slice %arg9[%dma_wait3A_423, %dma_wait3A_424] : memref<1000x16xf32, #tpu.memory_space<vmem>> -> memref<125x16xf32, #tpu.memory_space<vmem>>
        %dma_wait3A_426 = arith.constant 0 : i32
        %dma_wait3A_427 = tpu.memref_slice %arg8[%dma_wait3A_422, %dma_wait3A_426] : memref<80x125xi32, #tpu.memory_space<vmem>> -> memref<1x125xi32, #tpu.memory_space<vmem>>
        %dma_wait3A_428 = tpu.memref_squeeze %dma_wait3A_427 : memref<1x125xi32, #tpu.memory_space<vmem>> -> memref<125xi32, #tpu.memory_space<vmem>>
        %dma_wait3A_429 = arith.constant 0 : i32
        %dma_wait3A_430 = arith.constant 0 : i32
        %dma_wait3A_431 = tpu.memref_slice %arg10[%dma_wait3A_429, %dma_wait3A_430] : memref<10240x16xf32, #tpu.memory_space<vmem_shared>> -> memref<10240x16xf32, #tpu.memory_space<vmem_shared>>
        tpu.wait_indirect_dma semaphore(%arg25 : memref<!tpu.dma_semaphore, #tpu.memory_space<semaphore_mem>>) src(%dma_wait3A_425 : memref<125x16xf32, #tpu.memory_space<vmem>>) dst(%dma_wait3A_431 : memref<10240x16xf32, #tpu.memory_space<vmem_shared>>)
      } else {
      }
      %add3A_148 = arith.constant 1 : i32
      %add3A_149 = arith.addi %add3A_103, %add3A_148 : i32
      %mul3A_150 = arith.constant 4 : i32
      %mul3A_151 = arith.muli %add3A_149, %mul3A_150 : i32
      %add3A_152 = arith.constant 2 : i32
      %add3A_153 = arith.addi %mul3A_151, %add3A_152 : i32
      %dma_start3A_154 = arith.constant 750 : i32
      %dma_start3A_155 = arith.constant 0 : i32
      %dma_start3A_156 = tpu.memref_slice %arg9[%dma_start3A_154, %dma_start3A_155] : memref<1000x16xf32, #tpu.memory_space<vmem>> -> memref<125x16xf32, #tpu.memory_space<vmem>>
      %dma_start3A_157 = arith.constant 0 : i32
      %dma_start3A_158 = tpu.memref_slice %arg7[%add3A_153, %dma_start3A_157] : memref<80x125xi32, #tpu.memory_space<vmem>> -> memref<1x125xi32, #tpu.memory_space<vmem>>
      %dma_start3A_159 = tpu.memref_squeeze %dma_start3A_158 : memref<1x125xi32, #tpu.memory_space<vmem>> -> memref<125xi32, #tpu.memory_space<vmem>>
      %dma_start3A_160 = arith.constant 0 : i32
      %dma_start3A_161 = arith.constant 0 : i32
      %dma_start3A_162 = tpu.memref_slice %arg2[%dma_start3A_160, %dma_start3A_161] : memref<10240x16xf32, #tpu.memory_space<hbm>> -> memref<10240x16xf32, #tpu.memory_space<hbm>>
      tpu.enqueue_indirect_dma source(%dma_start3A_162 : memref<10240x16xf32, #tpu.memory_space<hbm>>) target(%dma_start3A_156 : memref<125x16xf32, #tpu.memory_space<vmem>>) offsets(%dma_start3A_159 : memref<125xi32, #tpu.memory_space<vmem>>) semaphore(%arg17 : memref<!tpu.dma_semaphore, #tpu.memory_space<semaphore_mem>>)
      %gt3A_163 = arith.constant 0 : i32
      %gt3A_164 = arith.cmpi sgt, %scan3A_99, %gt3A_163 : i32
      %convert_element_type3A_165 = arith.extui %gt3A_164 : i1 to i32
      %cond3A_166 = arith.constant 0 : i32
      %cond3A_167 = arith.cmpi ne, %convert_element_type3A_165, %cond3A_166 : i32
      scf.if %cond3A_167 {
        %dma_wait3A_422 = arith.constant 0 : i32
        %dma_wait3A_423 = arith.constant 875 : i32
        %dma_wait3A_424 = arith.constant 0 : i32
        %dma_wait3A_425 = tpu.memref_slice %arg9[%dma_wait3A_423, %dma_wait3A_424] : memref<1000x16xf32, #tpu.memory_space<vmem>> -> memref<125x16xf32, #tpu.memory_space<vmem>>
        %dma_wait3A_426 = arith.constant 0 : i32
        %dma_wait3A_427 = tpu.memref_slice %arg8[%dma_wait3A_422, %dma_wait3A_426] : memref<80x125xi32, #tpu.memory_space<vmem>> -> memref<1x125xi32, #tpu.memory_space<vmem>>
        %dma_wait3A_428 = tpu.memref_squeeze %dma_wait3A_427 : memref<1x125xi32, #tpu.memory_space<vmem>> -> memref<125xi32, #tpu.memory_space<vmem>>
        %dma_wait3A_429 = arith.constant 0 : i32
        %dma_wait3A_430 = arith.constant 0 : i32
        %dma_wait3A_431 = tpu.memref_slice %arg10[%dma_wait3A_429, %dma_wait3A_430] : memref<10240x16xf32, #tpu.memory_space<vmem_shared>> -> memref<10240x16xf32, #tpu.memory_space<vmem_shared>>
        tpu.wait_indirect_dma semaphore(%arg26 : memref<!tpu.dma_semaphore, #tpu.memory_space<semaphore_mem>>) src(%dma_wait3A_425 : memref<125x16xf32, #tpu.memory_space<vmem>>) dst(%dma_wait3A_431 : memref<10240x16xf32, #tpu.memory_space<vmem_shared>>)
      } else {
      }
      %add3A_168 = arith.constant 1 : i32
      %add3A_169 = arith.addi %add3A_103, %add3A_168 : i32
      %mul3A_170 = arith.constant 4 : i32
      %mul3A_171 = arith.muli %add3A_169, %mul3A_170 : i32
      %add3A_172 = arith.constant 3 : i32
      %add3A_173 = arith.addi %mul3A_171, %add3A_172 : i32
      %dma_start3A_174 = arith.constant 875 : i32
      %dma_start3A_175 = arith.constant 0 : i32
      %dma_start3A_176 = tpu.memref_slice %arg9[%dma_start3A_174, %dma_start3A_175] : memref<1000x16xf32, #tpu.memory_space<vmem>> -> memref<125x16xf32, #tpu.memory_space<vmem>>
      %dma_start3A_177 = arith.constant 0 : i32
      %dma_start3A_178 = tpu.memref_slice %arg7[%add3A_173, %dma_start3A_177] : memref<80x125xi32, #tpu.memory_space<vmem>> -> memref<1x125xi32, #tpu.memory_space<vmem>>
      %dma_start3A_179 = tpu.memref_squeeze %dma_start3A_178 : memref<1x125xi32, #tpu.memory_space<vmem>> -> memref<125xi32, #tpu.memory_space<vmem>>
      %dma_start3A_180 = arith.constant 0 : i32
      %dma_start3A_181 = arith.constant 0 : i32
      %dma_start3A_182 = tpu.memref_slice %arg2[%dma_start3A_180, %dma_start3A_181] : memref<10240x16xf32, #tpu.memory_space<hbm>> -> memref<10240x16xf32, #tpu.memory_space<hbm>>
      tpu.enqueue_indirect_dma source(%dma_start3A_182 : memref<10240x16xf32, #tpu.memory_space<hbm>>) target(%dma_start3A_176 : memref<125x16xf32, #tpu.memory_space<vmem>>) offsets(%dma_start3A_179 : memref<125xi32, #tpu.memory_space<vmem>>) semaphore(%arg18 : memref<!tpu.dma_semaphore, #tpu.memory_space<semaphore_mem>>)
      %mul3A_183 = arith.constant 4 : i32
      %mul3A_184 = arith.muli %add3A_103, %mul3A_183 : i32
      %add3A_185 = arith.constant 0 : i32
      %add3A_186 = arith.addi %mul3A_184, %add3A_185 : i32
      %dma_wait3A_187 = arith.constant 0 : i32
      %dma_wait3A_188 = arith.constant 0 : i32
      %dma_wait3A_189 = tpu.memref_slice %arg9[%dma_wait3A_187, %dma_wait3A_188] : memref<1000x16xf32, #tpu.memory_space<vmem>> -> memref<125x16xf32, #tpu.memory_space<vmem>>
      %dma_wait3A_190 = arith.constant 0 : i32
      %dma_wait3A_191 = tpu.memref_slice %arg7[%add3A_186, %dma_wait3A_190] : memref<80x125xi32, #tpu.memory_space<vmem>> -> memref<1x125xi32, #tpu.memory_space<vmem>>
      %dma_wait3A_192 = tpu.memref_squeeze %dma_wait3A_191 : memref<1x125xi32, #tpu.memory_space<vmem>> -> memref<125xi32, #tpu.memory_space<vmem>>
      %dma_wait3A_193 = arith.constant 0 : i32
      %dma_wait3A_194 = arith.constant 0 : i32
      %dma_wait3A_195 = tpu.memref_slice %arg2[%dma_wait3A_193, %dma_wait3A_194] : memref<10240x16xf32, #tpu.memory_space<hbm>> -> memref<10240x16xf32, #tpu.memory_space<hbm>>
      tpu.wait_indirect_dma semaphore(%arg11 : memref<!tpu.dma_semaphore, #tpu.memory_space<semaphore_mem>>) src(%dma_wait3A_195 : memref<10240x16xf32, #tpu.memory_space<hbm>>) dst(%dma_wait3A_189 : memref<125x16xf32, #tpu.memory_space<vmem>>)
      %dma_start3A_196 = arith.constant 0 : i32
      %dma_start3A_197 = arith.constant 0 : i32
      %dma_start3A_198 = tpu.memref_slice %arg9[%dma_start3A_196, %dma_start3A_197] : memref<1000x16xf32, #tpu.memory_space<vmem>> -> memref<125x16xf32, #tpu.memory_space<vmem>>
      %dma_start3A_199 = arith.constant 0 : i32
      %dma_start3A_200 = tpu.memref_slice %arg8[%add3A_186, %dma_start3A_199] : memref<80x125xi32, #tpu.memory_space<vmem>> -> memref<1x125xi32, #tpu.memory_space<vmem>>
      %dma_start3A_201 = tpu.memref_squeeze %dma_start3A_200 : memref<1x125xi32, #tpu.memory_space<vmem>> -> memref<125xi32, #tpu.memory_space<vmem>>
      %dma_start3A_202 = arith.constant 0 : i32
      %dma_start3A_203 = arith.constant 0 : i32
      %dma_start3A_204 = tpu.memref_slice %arg10[%dma_start3A_202, %dma_start3A_203] : memref<10240x16xf32, #tpu.memory_space<vmem_shared>> -> memref<10240x16xf32, #tpu.memory_space<vmem_shared>>
      tpu.enqueue_indirect_dma source(%dma_start3A_198 : memref<125x16xf32, #tpu.memory_space<vmem>>) target(%dma_start3A_204 : memref<10240x16xf32, #tpu.memory_space<vmem_shared>>) offsets(%dma_start3A_201 : memref<125xi32, #tpu.memory_space<vmem>>) semaphore(%arg19 : memref<!tpu.dma_semaphore, #tpu.memory_space<semaphore_mem>>) {add = true}
      %mul3A_205 = arith.constant 4 : i32
      %mul3A_206 = arith.muli %add3A_103, %mul3A_205 : i32
      %add3A_207 = arith.constant 1 : i32
      %add3A_208 = arith.addi %mul3A_206, %add3A_207 : i32
      %dma_wait3A_209 = arith.constant 125 : i32
      %dma_wait3A_210 = arith.constant 0 : i32
      %dma_wait3A_211 = tpu.memref_slice %arg9[%dma_wait3A_209, %dma_wait3A_210] : memref<1000x16xf32, #tpu.memory_space<vmem>> -> memref<125x16xf32, #tpu.memory_space<vmem>>
      %dma_wait3A_212 = arith.constant 0 : i32
      %dma_wait3A_213 = tpu.memref_slice %arg7[%add3A_208, %dma_wait3A_212] : memref<80x125xi32, #tpu.memory_space<vmem>> -> memref<1x125xi32, #tpu.memory_space<vmem>>
      %dma_wait3A_214 = tpu.memref_squeeze %dma_wait3A_213 : memref<1x125xi32, #tpu.memory_space<vmem>> -> memref<125xi32, #tpu.memory_space<vmem>>
      %dma_wait3A_215 = arith.constant 0 : i32
      %dma_wait3A_216 = arith.constant 0 : i32
      %dma_wait3A_217 = tpu.memref_slice %arg2[%dma_wait3A_215, %dma_wait3A_216] : memref<10240x16xf32, #tpu.memory_space<hbm>> -> memref<10240x16xf32, #tpu.memory_space<hbm>>
      tpu.wait_indirect_dma semaphore(%arg12 : memref<!tpu.dma_semaphore, #tpu.memory_space<semaphore_mem>>) src(%dma_wait3A_217 : memref<10240x16xf32, #tpu.memory_space<hbm>>) dst(%dma_wait3A_211 : memref<125x16xf32, #tpu.memory_space<vmem>>)
      %dma_start3A_218 = arith.constant 125 : i32
      %dma_start3A_219 = arith.constant 0 : i32
      %dma_start3A_220 = tpu.memref_slice %arg9[%dma_start3A_218, %dma_start3A_219] : memref<1000x16xf32, #tpu.memory_space<vmem>> -> memref<125x16xf32, #tpu.memory_space<vmem>>
      %dma_start3A_221 = arith.constant 0 : i32
      %dma_start3A_222 = tpu.memref_slice %arg8[%add3A_208, %dma_start3A_221] : memref<80x125xi32, #tpu.memory_space<vmem>> -> memref<1x125xi32, #tpu.memory_space<vmem>>
      %dma_start3A_223 = tpu.memref_squeeze %dma_start3A_222 : memref<1x125xi32, #tpu.memory_space<vmem>> -> memref<125xi32, #tpu.memory_space<vmem>>
      %dma_start3A_224 = arith.constant 0 : i32
      %dma_start3A_225 = arith.constant 0 : i32
      %dma_start3A_226 = tpu.memref_slice %arg10[%dma_start3A_224, %dma_start3A_225] : memref<10240x16xf32, #tpu.memory_space<vmem_shared>> -> memref<10240x16xf32, #tpu.memory_space<vmem_shared>>
      tpu.enqueue_indirect_dma source(%dma_start3A_220 : memref<125x16xf32, #tpu.memory_space<vmem>>) target(%dma_start3A_226 : memref<10240x16xf32, #tpu.memory_space<vmem_shared>>) offsets(%dma_start3A_223 : memref<125xi32, #tpu.memory_space<vmem>>) semaphore(%arg20 : memref<!tpu.dma_semaphore, #tpu.memory_space<semaphore_mem>>) {add = true}
      %mul3A_227 = arith.constant 4 : i32
      %mul3A_228 = arith.muli %add3A_103, %mul3A_227 : i32
      %add3A_229 = arith.constant 2 : i32
      %add3A_230 = arith.addi %mul3A_228, %add3A_229 : i32
      %dma_wait3A_231 = arith.constant 250 : i32
      %dma_wait3A_232 = arith.constant 0 : i32
      %dma_wait3A_233 = tpu.memref_slice %arg9[%dma_wait3A_231, %dma_wait3A_232] : memref<1000x16xf32, #tpu.memory_space<vmem>> -> memref<125x16xf32, #tpu.memory_space<vmem>>
      %dma_wait3A_234 = arith.constant 0 : i32
      %dma_wait3A_235 = tpu.memref_slice %arg7[%add3A_230, %dma_wait3A_234] : memref<80x125xi32, #tpu.memory_space<vmem>> -> memref<1x125xi32, #tpu.memory_space<vmem>>
      %dma_wait3A_236 = tpu.memref_squeeze %dma_wait3A_235 : memref<1x125xi32, #tpu.memory_space<vmem>> -> memref<125xi32, #tpu.memory_space<vmem>>
      %dma_wait3A_237 = arith.constant 0 : i32
      %dma_wait3A_238 = arith.constant 0 : i32
      %dma_wait3A_239 = tpu.memref_slice %arg2[%dma_wait3A_237, %dma_wait3A_238] : memref<10240x16xf32, #tpu.memory_space<hbm>> -> memref<10240x16xf32, #tpu.memory_space<hbm>>
      tpu.wait_indirect_dma semaphore(%arg13 : memref<!tpu.dma_semaphore, #tpu.memory_space<semaphore_mem>>) src(%dma_wait3A_239 : memref<10240x16xf32, #tpu.memory_space<hbm>>) dst(%dma_wait3A_233 : memref<125x16xf32, #tpu.memory_space<vmem>>)
      %dma_start3A_240 = arith.constant 250 : i32
      %dma_start3A_241 = arith.constant 0 : i32
      %dma_start3A_242 = tpu.memref_slice %arg9[%dma_start3A_240, %dma_start3A_241] : memref<1000x16xf32, #tpu.memory_space<vmem>> -> memref<125x16xf32, #tpu.memory_space<vmem>>
      %dma_start3A_243 = arith.constant 0 : i32
      %dma_start3A_244 = tpu.memref_slice %arg8[%add3A_230, %dma_start3A_243] : memref<80x125xi32, #tpu.memory_space<vmem>> -> memref<1x125xi32, #tpu.memory_space<vmem>>
      %dma_start3A_245 = tpu.memref_squeeze %dma_start3A_244 : memref<1x125xi32, #tpu.memory_space<vmem>> -> memref<125xi32, #tpu.memory_space<vmem>>
      %dma_start3A_246 = arith.constant 0 : i32
      %dma_start3A_247 = arith.constant 0 : i32
      %dma_start3A_248 = tpu.memref_slice %arg10[%dma_start3A_246, %dma_start3A_247] : memref<10240x16xf32, #tpu.memory_space<vmem_shared>> -> memref<10240x16xf32, #tpu.memory_space<vmem_shared>>
      tpu.enqueue_indirect_dma source(%dma_start3A_242 : memref<125x16xf32, #tpu.memory_space<vmem>>) target(%dma_start3A_248 : memref<10240x16xf32, #tpu.memory_space<vmem_shared>>) offsets(%dma_start3A_245 : memref<125xi32, #tpu.memory_space<vmem>>) semaphore(%arg21 : memref<!tpu.dma_semaphore, #tpu.memory_space<semaphore_mem>>) {add = true}
      %mul3A_249 = arith.constant 4 : i32
      %mul3A_250 = arith.muli %add3A_103, %mul3A_249 : i32
      %add3A_251 = arith.constant 3 : i32
      %add3A_252 = arith.addi %mul3A_250, %add3A_251 : i32
      %dma_wait3A_253 = arith.constant 375 : i32
      %dma_wait3A_254 = arith.constant 0 : i32
      %dma_wait3A_255 = tpu.memref_slice %arg9[%dma_wait3A_253, %dma_wait3A_254] : memref<1000x16xf32, #tpu.memory_space<vmem>> -> memref<125x16xf32, #tpu.memory_space<vmem>>
      %dma_wait3A_256 = arith.constant 0 : i32
      %dma_wait3A_257 = tpu.memref_slice %arg7[%add3A_252, %dma_wait3A_256] : memref<80x125xi32, #tpu.memory_space<vmem>> -> memref<1x125xi32, #tpu.memory_space<vmem>>
      %dma_wait3A_258 = tpu.memref_squeeze %dma_wait3A_257 : memref<1x125xi32, #tpu.memory_space<vmem>> -> memref<125xi32, #tpu.memory_space<vmem>>
      %dma_wait3A_259 = arith.constant 0 : i32
      %dma_wait3A_260 = arith.constant 0 : i32
      %dma_wait3A_261 = tpu.memref_slice %arg2[%dma_wait3A_259, %dma_wait3A_260] : memref<10240x16xf32, #tpu.memory_space<hbm>> -> memref<10240x16xf32, #tpu.memory_space<hbm>>
      tpu.wait_indirect_dma semaphore(%arg14 : memref<!tpu.dma_semaphore, #tpu.memory_space<semaphore_mem>>) src(%dma_wait3A_261 : memref<10240x16xf32, #tpu.memory_space<hbm>>) dst(%dma_wait3A_255 : memref<125x16xf32, #tpu.memory_space<vmem>>)
      %dma_start3A_262 = arith.constant 375 : i32
      %dma_start3A_263 = arith.constant 0 : i32
      %dma_start3A_264 = tpu.memref_slice %arg9[%dma_start3A_262, %dma_start3A_263] : memref<1000x16xf32, #tpu.memory_space<vmem>> -> memref<125x16xf32, #tpu.memory_space<vmem>>
      %dma_start3A_265 = arith.constant 0 : i32
      %dma_start3A_266 = tpu.memref_slice %arg8[%add3A_252, %dma_start3A_265] : memref<80x125xi32, #tpu.memory_space<vmem>> -> memref<1x125xi32, #tpu.memory_space<vmem>>
      %dma_start3A_267 = tpu.memref_squeeze %dma_start3A_266 : memref<1x125xi32, #tpu.memory_space<vmem>> -> memref<125xi32, #tpu.memory_space<vmem>>
      %dma_start3A_268 = arith.constant 0 : i32
      %dma_start3A_269 = arith.constant 0 : i32
      %dma_start3A_270 = tpu.memref_slice %arg10[%dma_start3A_268, %dma_start3A_269] : memref<10240x16xf32, #tpu.memory_space<vmem_shared>> -> memref<10240x16xf32, #tpu.memory_space<vmem_shared>>
      tpu.enqueue_indirect_dma source(%dma_start3A_264 : memref<125x16xf32, #tpu.memory_space<vmem>>) target(%dma_start3A_270 : memref<10240x16xf32, #tpu.memory_space<vmem_shared>>) offsets(%dma_start3A_267 : memref<125xi32, #tpu.memory_space<vmem>>) semaphore(%arg22 : memref<!tpu.dma_semaphore, #tpu.memory_space<semaphore_mem>>) {add = true}
      %mul3A_271 = arith.constant 2 : i32
      %mul3A_272 = arith.muli %mul3A_271, %scan3A_99 : i32
      %add3A_273 = arith.constant 1 : i32
      %add3A_274 = arith.addi %mul3A_272, %add3A_273 : i32
      %dma_wait3A_275 = arith.constant 0 : i32
      %dma_wait3A_276 = arith.constant 0 : i32
      %dma_wait3A_277 = arith.constant 0 : i32
      %dma_wait3A_278 = tpu.memref_slice %arg9[%dma_wait3A_276, %dma_wait3A_277] : memref<1000x16xf32, #tpu.memory_space<vmem>> -> memref<125x16xf32, #tpu.memory_space<vmem>>
      %dma_wait3A_279 = arith.constant 0 : i32
      %dma_wait3A_280 = tpu.memref_slice %arg8[%dma_wait3A_275, %dma_wait3A_279] : memref<80x125xi32, #tpu.memory_space<vmem>> -> memref<1x125xi32, #tpu.memory_space<vmem>>
      %dma_wait3A_281 = tpu.memref_squeeze %dma_wait3A_280 : memref<1x125xi32, #tpu.memory_space<vmem>> -> memref<125xi32, #tpu.memory_space<vmem>>
      %dma_wait3A_282 = arith.constant 0 : i32
      %dma_wait3A_283 = arith.constant 0 : i32
      %dma_wait3A_284 = tpu.memref_slice %arg10[%dma_wait3A_282, %dma_wait3A_283] : memref<10240x16xf32, #tpu.memory_space<vmem_shared>> -> memref<10240x16xf32, #tpu.memory_space<vmem_shared>>
      tpu.wait_indirect_dma semaphore(%arg19 : memref<!tpu.dma_semaphore, #tpu.memory_space<semaphore_mem>>) src(%dma_wait3A_278 : memref<125x16xf32, #tpu.memory_space<vmem>>) dst(%dma_wait3A_284 : memref<10240x16xf32, #tpu.memory_space<vmem_shared>>)
      %lt3A = arith.constant 9 : i32
      %lt3A_285 = arith.cmpi slt, %scan3A_99, %lt3A : i32
      %convert_element_type3A_286 = arith.extui %lt3A_285 : i1 to i32
      %cond3A_287 = arith.constant 0 : i32
      %cond3A_288 = arith.cmpi ne, %convert_element_type3A_286, %cond3A_287 : i32
      scf.if %cond3A_288 {
        %add3A_422 = arith.constant 1 : i32
        %add3A_423 = arith.addi %add3A_274, %add3A_422 : i32
        %mul3A_424 = arith.constant 4 : i32
        %mul3A_425 = arith.muli %add3A_423, %mul3A_424 : i32
        %add3A_426 = arith.constant 0 : i32
        %add3A_427 = arith.addi %mul3A_425, %add3A_426 : i32
        %dma_start3A_428 = arith.constant 0 : i32
        %dma_start3A_429 = arith.constant 0 : i32
        %dma_start3A_430 = tpu.memref_slice %arg9[%dma_start3A_428, %dma_start3A_429] : memref<1000x16xf32, #tpu.memory_space<vmem>> -> memref<125x16xf32, #tpu.memory_space<vmem>>
        %dma_start3A_431 = arith.constant 0 : i32
        %dma_start3A_432 = tpu.memref_slice %arg7[%add3A_427, %dma_start3A_431] : memref<80x125xi32, #tpu.memory_space<vmem>> -> memref<1x125xi32, #tpu.memory_space<vmem>>
        %dma_start3A_433 = tpu.memref_squeeze %dma_start3A_432 : memref<1x125xi32, #tpu.memory_space<vmem>> -> memref<125xi32, #tpu.memory_space<vmem>>
        %dma_start3A_434 = arith.constant 0 : i32
        %dma_start3A_435 = arith.constant 0 : i32
        %dma_start3A_436 = tpu.memref_slice %arg2[%dma_start3A_434, %dma_start3A_435] : memref<10240x16xf32, #tpu.memory_space<hbm>> -> memref<10240x16xf32, #tpu.memory_space<hbm>>
        tpu.enqueue_indirect_dma source(%dma_start3A_436 : memref<10240x16xf32, #tpu.memory_space<hbm>>) target(%dma_start3A_430 : memref<125x16xf32, #tpu.memory_space<vmem>>) offsets(%dma_start3A_433 : memref<125xi32, #tpu.memory_space<vmem>>) semaphore(%arg11 : memref<!tpu.dma_semaphore, #tpu.memory_space<semaphore_mem>>)
      } else {
      }
      %dma_wait3A_289 = arith.constant 0 : i32
      %dma_wait3A_290 = arith.constant 125 : i32
      %dma_wait3A_291 = arith.constant 0 : i32
      %dma_wait3A_292 = tpu.memref_slice %arg9[%dma_wait3A_290, %dma_wait3A_291] : memref<1000x16xf32, #tpu.memory_space<vmem>> -> memref<125x16xf32, #tpu.memory_space<vmem>>
      %dma_wait3A_293 = arith.constant 0 : i32
      %dma_wait3A_294 = tpu.memref_slice %arg8[%dma_wait3A_289, %dma_wait3A_293] : memref<80x125xi32, #tpu.memory_space<vmem>> -> memref<1x125xi32, #tpu.memory_space<vmem>>
      %dma_wait3A_295 = tpu.memref_squeeze %dma_wait3A_294 : memref<1x125xi32, #tpu.memory_space<vmem>> -> memref<125xi32, #tpu.memory_space<vmem>>
      %dma_wait3A_296 = arith.constant 0 : i32
      %dma_wait3A_297 = arith.constant 0 : i32
      %dma_wait3A_298 = tpu.memref_slice %arg10[%dma_wait3A_296, %dma_wait3A_297] : memref<10240x16xf32, #tpu.memory_space<vmem_shared>> -> memref<10240x16xf32, #tpu.memory_space<vmem_shared>>
      tpu.wait_indirect_dma semaphore(%arg20 : memref<!tpu.dma_semaphore, #tpu.memory_space<semaphore_mem>>) src(%dma_wait3A_292 : memref<125x16xf32, #tpu.memory_space<vmem>>) dst(%dma_wait3A_298 : memref<10240x16xf32, #tpu.memory_space<vmem_shared>>)
      %lt3A_299 = arith.constant 9 : i32
      %lt3A_300 = arith.cmpi slt, %scan3A_99, %lt3A_299 : i32
      %convert_element_type3A_301 = arith.extui %lt3A_300 : i1 to i32
      %cond3A_302 = arith.constant 0 : i32
      %cond3A_303 = arith.cmpi ne, %convert_element_type3A_301, %cond3A_302 : i32
      scf.if %cond3A_303 {
        %add3A_422 = arith.constant 1 : i32
        %add3A_423 = arith.addi %add3A_274, %add3A_422 : i32
        %mul3A_424 = arith.constant 4 : i32
        %mul3A_425 = arith.muli %add3A_423, %mul3A_424 : i32
        %add3A_426 = arith.constant 1 : i32
        %add3A_427 = arith.addi %mul3A_425, %add3A_426 : i32
        %dma_start3A_428 = arith.constant 125 : i32
        %dma_start3A_429 = arith.constant 0 : i32
        %dma_start3A_430 = tpu.memref_slice %arg9[%dma_start3A_428, %dma_start3A_429] : memref<1000x16xf32, #tpu.memory_space<vmem>> -> memref<125x16xf32, #tpu.memory_space<vmem>>
        %dma_start3A_431 = arith.constant 0 : i32
        %dma_start3A_432 = tpu.memref_slice %arg7[%add3A_427, %dma_start3A_431] : memref<80x125xi32, #tpu.memory_space<vmem>> -> memref<1x125xi32, #tpu.memory_space<vmem>>
        %dma_start3A_433 = tpu.memref_squeeze %dma_start3A_432 : memref<1x125xi32, #tpu.memory_space<vmem>> -> memref<125xi32, #tpu.memory_space<vmem>>
        %dma_start3A_434 = arith.constant 0 : i32
        %dma_start3A_435 = arith.constant 0 : i32
        %dma_start3A_436 = tpu.memref_slice %arg2[%dma_start3A_434, %dma_start3A_435] : memref<10240x16xf32, #tpu.memory_space<hbm>> -> memref<10240x16xf32, #tpu.memory_space<hbm>>
        tpu.enqueue_indirect_dma source(%dma_start3A_436 : memref<10240x16xf32, #tpu.memory_space<hbm>>) target(%dma_start3A_430 : memref<125x16xf32, #tpu.memory_space<vmem>>) offsets(%dma_start3A_433 : memref<125xi32, #tpu.memory_space<vmem>>) semaphore(%arg12 : memref<!tpu.dma_semaphore, #tpu.memory_space<semaphore_mem>>)
      } else {
      }
      %dma_wait3A_304 = arith.constant 0 : i32
      %dma_wait3A_305 = arith.constant 250 : i32
      %dma_wait3A_306 = arith.constant 0 : i32
      %dma_wait3A_307 = tpu.memref_slice %arg9[%dma_wait3A_305, %dma_wait3A_306] : memref<1000x16xf32, #tpu.memory_space<vmem>> -> memref<125x16xf32, #tpu.memory_space<vmem>>
      %dma_wait3A_308 = arith.constant 0 : i32
      %dma_wait3A_309 = tpu.memref_slice %arg8[%dma_wait3A_304, %dma_wait3A_308] : memref<80x125xi32, #tpu.memory_space<vmem>> -> memref<1x125xi32, #tpu.memory_space<vmem>>
      %dma_wait3A_310 = tpu.memref_squeeze %dma_wait3A_309 : memref<1x125xi32, #tpu.memory_space<vmem>> -> memref<125xi32, #tpu.memory_space<vmem>>
      %dma_wait3A_311 = arith.constant 0 : i32
      %dma_wait3A_312 = arith.constant 0 : i32
      %dma_wait3A_313 = tpu.memref_slice %arg10[%dma_wait3A_311, %dma_wait3A_312] : memref<10240x16xf32, #tpu.memory_space<vmem_shared>> -> memref<10240x16xf32, #tpu.memory_space<vmem_shared>>
      tpu.wait_indirect_dma semaphore(%arg21 : memref<!tpu.dma_semaphore, #tpu.memory_space<semaphore_mem>>) src(%dma_wait3A_307 : memref<125x16xf32, #tpu.memory_space<vmem>>) dst(%dma_wait3A_313 : memref<10240x16xf32, #tpu.memory_space<vmem_shared>>)
      %lt3A_314 = arith.constant 9 : i32
      %lt3A_315 = arith.cmpi slt, %scan3A_99, %lt3A_314 : i32
      %convert_element_type3A_316 = arith.extui %lt3A_315 : i1 to i32
      %cond3A_317 = arith.constant 0 : i32
      %cond3A_318 = arith.cmpi ne, %convert_element_type3A_316, %cond3A_317 : i32
      scf.if %cond3A_318 {
        %add3A_422 = arith.constant 1 : i32
        %add3A_423 = arith.addi %add3A_274, %add3A_422 : i32
        %mul3A_424 = arith.constant 4 : i32
        %mul3A_425 = arith.muli %add3A_423, %mul3A_424 : i32
        %add3A_426 = arith.constant 2 : i32
        %add3A_427 = arith.addi %mul3A_425, %add3A_426 : i32
        %dma_start3A_428 = arith.constant 250 : i32
        %dma_start3A_429 = arith.constant 0 : i32
        %dma_start3A_430 = tpu.memref_slice %arg9[%dma_start3A_428, %dma_start3A_429] : memref<1000x16xf32, #tpu.memory_space<vmem>> -> memref<125x16xf32, #tpu.memory_space<vmem>>
        %dma_start3A_431 = arith.constant 0 : i32
        %dma_start3A_432 = tpu.memref_slice %arg7[%add3A_427, %dma_start3A_431] : memref<80x125xi32, #tpu.memory_space<vmem>> -> memref<1x125xi32, #tpu.memory_space<vmem>>
        %dma_start3A_433 = tpu.memref_squeeze %dma_start3A_432 : memref<1x125xi32, #tpu.memory_space<vmem>> -> memref<125xi32, #tpu.memory_space<vmem>>
        %dma_start3A_434 = arith.constant 0 : i32
        %dma_start3A_435 = arith.constant 0 : i32
        %dma_start3A_436 = tpu.memref_slice %arg2[%dma_start3A_434, %dma_start3A_435] : memref<10240x16xf32, #tpu.memory_space<hbm>> -> memref<10240x16xf32, #tpu.memory_space<hbm>>
        tpu.enqueue_indirect_dma source(%dma_start3A_436 : memref<10240x16xf32, #tpu.memory_space<hbm>>) target(%dma_start3A_430 : memref<125x16xf32, #tpu.memory_space<vmem>>) offsets(%dma_start3A_433 : memref<125xi32, #tpu.memory_space<vmem>>) semaphore(%arg13 : memref<!tpu.dma_semaphore, #tpu.memory_space<semaphore_mem>>)
      } else {
      }
      %dma_wait3A_319 = arith.constant 0 : i32
      %dma_wait3A_320 = arith.constant 375 : i32
      %dma_wait3A_321 = arith.constant 0 : i32
      %dma_wait3A_322 = tpu.memref_slice %arg9[%dma_wait3A_320, %dma_wait3A_321] : memref<1000x16xf32, #tpu.memory_space<vmem>> -> memref<125x16xf32, #tpu.memory_space<vmem>>
      %dma_wait3A_323 = arith.constant 0 : i32
      %dma_wait3A_324 = tpu.memref_slice %arg8[%dma_wait3A_319, %dma_wait3A_323] : memref<80x125xi32, #tpu.memory_space<vmem>> -> memref<1x125xi32, #tpu.memory_space<vmem>>
      %dma_wait3A_325 = tpu.memref_squeeze %dma_wait3A_324 : memref<1x125xi32, #tpu.memory_space<vmem>> -> memref<125xi32, #tpu.memory_space<vmem>>
      %dma_wait3A_326 = arith.constant 0 : i32
      %dma_wait3A_327 = arith.constant 0 : i32
      %dma_wait3A_328 = tpu.memref_slice %arg10[%dma_wait3A_326, %dma_wait3A_327] : memref<10240x16xf32, #tpu.memory_space<vmem_shared>> -> memref<10240x16xf32, #tpu.memory_space<vmem_shared>>
      tpu.wait_indirect_dma semaphore(%arg22 : memref<!tpu.dma_semaphore, #tpu.memory_space<semaphore_mem>>) src(%dma_wait3A_322 : memref<125x16xf32, #tpu.memory_space<vmem>>) dst(%dma_wait3A_328 : memref<10240x16xf32, #tpu.memory_space<vmem_shared>>)
      %lt3A_329 = arith.constant 9 : i32
      %lt3A_330 = arith.cmpi slt, %scan3A_99, %lt3A_329 : i32
      %convert_element_type3A_331 = arith.extui %lt3A_330 : i1 to i32
      %cond3A_332 = arith.constant 0 : i32
      %cond3A_333 = arith.cmpi ne, %convert_element_type3A_331, %cond3A_332 : i32
      scf.if %cond3A_333 {
        %add3A_422 = arith.constant 1 : i32
        %add3A_423 = arith.addi %add3A_274, %add3A_422 : i32
        %mul3A_424 = arith.constant 4 : i32
        %mul3A_425 = arith.muli %add3A_423, %mul3A_424 : i32
        %add3A_426 = arith.constant 3 : i32
        %add3A_427 = arith.addi %mul3A_425, %add3A_426 : i32
        %dma_start3A_428 = arith.constant 375 : i32
        %dma_start3A_429 = arith.constant 0 : i32
        %dma_start3A_430 = tpu.memref_slice %arg9[%dma_start3A_428, %dma_start3A_429] : memref<1000x16xf32, #tpu.memory_space<vmem>> -> memref<125x16xf32, #tpu.memory_space<vmem>>
        %dma_start3A_431 = arith.constant 0 : i32
        %dma_start3A_432 = tpu.memref_slice %arg7[%add3A_427, %dma_start3A_431] : memref<80x125xi32, #tpu.memory_space<vmem>> -> memref<1x125xi32, #tpu.memory_space<vmem>>
        %dma_start3A_433 = tpu.memref_squeeze %dma_start3A_432 : memref<1x125xi32, #tpu.memory_space<vmem>> -> memref<125xi32, #tpu.memory_space<vmem>>
        %dma_start3A_434 = arith.constant 0 : i32
        %dma_start3A_435 = arith.constant 0 : i32
        %dma_start3A_436 = tpu.memref_slice %arg2[%dma_start3A_434, %dma_start3A_435] : memref<10240x16xf32, #tpu.memory_space<hbm>> -> memref<10240x16xf32, #tpu.memory_space<hbm>>
        tpu.enqueue_indirect_dma source(%dma_start3A_436 : memref<10240x16xf32, #tpu.memory_space<hbm>>) target(%dma_start3A_430 : memref<125x16xf32, #tpu.memory_space<vmem>>) offsets(%dma_start3A_433 : memref<125xi32, #tpu.memory_space<vmem>>) semaphore(%arg14 : memref<!tpu.dma_semaphore, #tpu.memory_space<semaphore_mem>>)
      } else {
      }
      %mul3A_334 = arith.constant 4 : i32
      %mul3A_335 = arith.muli %add3A_274, %mul3A_334 : i32
      %add3A_336 = arith.constant 0 : i32
      %add3A_337 = arith.addi %mul3A_335, %add3A_336 : i32
      %dma_wait3A_338 = arith.constant 500 : i32
      %dma_wait3A_339 = arith.constant 0 : i32
      %dma_wait3A_340 = tpu.memref_slice %arg9[%dma_wait3A_338, %dma_wait3A_339] : memref<1000x16xf32, #tpu.memory_space<vmem>> -> memref<125x16xf32, #tpu.memory_space<vmem>>
      %dma_wait3A_341 = arith.constant 0 : i32
      %dma_wait3A_342 = tpu.memref_slice %arg7[%add3A_337, %dma_wait3A_341] : memref<80x125xi32, #tpu.memory_space<vmem>> -> memref<1x125xi32, #tpu.memory_space<vmem>>
      %dma_wait3A_343 = tpu.memref_squeeze %dma_wait3A_342 : memref<1x125xi32, #tpu.memory_space<vmem>> -> memref<125xi32, #tpu.memory_space<vmem>>
      %dma_wait3A_344 = arith.constant 0 : i32
      %dma_wait3A_345 = arith.constant 0 : i32
      %dma_wait3A_346 = tpu.memref_slice %arg2[%dma_wait3A_344, %dma_wait3A_345] : memref<10240x16xf32, #tpu.memory_space<hbm>> -> memref<10240x16xf32, #tpu.memory_space<hbm>>
      tpu.wait_indirect_dma semaphore(%arg15 : memref<!tpu.dma_semaphore, #tpu.memory_space<semaphore_mem>>) src(%dma_wait3A_346 : memref<10240x16xf32, #tpu.memory_space<hbm>>) dst(%dma_wait3A_340 : memref<125x16xf32, #tpu.memory_space<vmem>>)
      %dma_start3A_347 = arith.constant 500 : i32
      %dma_start3A_348 = arith.constant 0 : i32
      %dma_start3A_349 = tpu.memref_slice %arg9[%dma_start3A_347, %dma_start3A_348] : memref<1000x16xf32, #tpu.memory_space<vmem>> -> memref<125x16xf32, #tpu.memory_space<vmem>>
      %dma_start3A_350 = arith.constant 0 : i32
      %dma_start3A_351 = tpu.memref_slice %arg8[%add3A_337, %dma_start3A_350] : memref<80x125xi32, #tpu.memory_space<vmem>> -> memref<1x125xi32, #tpu.memory_space<vmem>>
      %dma_start3A_352 = tpu.memref_squeeze %dma_start3A_351 : memref<1x125xi32, #tpu.memory_space<vmem>> -> memref<125xi32, #tpu.memory_space<vmem>>
      %dma_start3A_353 = arith.constant 0 : i32
      %dma_start3A_354 = arith.constant 0 : i32
      %dma_start3A_355 = tpu.memref_slice %arg10[%dma_start3A_353, %dma_start3A_354] : memref<10240x16xf32, #tpu.memory_space<vmem_shared>> -> memref<10240x16xf32, #tpu.memory_space<vmem_shared>>
      tpu.enqueue_indirect_dma source(%dma_start3A_349 : memref<125x16xf32, #tpu.memory_space<vmem>>) target(%dma_start3A_355 : memref<10240x16xf32, #tpu.memory_space<vmem_shared>>) offsets(%dma_start3A_352 : memref<125xi32, #tpu.memory_space<vmem>>) semaphore(%arg23 : memref<!tpu.dma_semaphore, #tpu.memory_space<semaphore_mem>>) {add = true}
      %mul3A_356 = arith.constant 4 : i32
      %mul3A_357 = arith.muli %add3A_274, %mul3A_356 : i32
      %add3A_358 = arith.constant 1 : i32
      %add3A_359 = arith.addi %mul3A_357, %add3A_358 : i32
      %dma_wait3A_360 = arith.constant 625 : i32
      %dma_wait3A_361 = arith.constant 0 : i32
      %dma_wait3A_362 = tpu.memref_slice %arg9[%dma_wait3A_360, %dma_wait3A_361] : memref<1000x16xf32, #tpu.memory_space<vmem>> -> memref<125x16xf32, #tpu.memory_space<vmem>>
      %dma_wait3A_363 = arith.constant 0 : i32
      %dma_wait3A_364 = tpu.memref_slice %arg7[%add3A_359, %dma_wait3A_363] : memref<80x125xi32, #tpu.memory_space<vmem>> -> memref<1x125xi32, #tpu.memory_space<vmem>>
      %dma_wait3A_365 = tpu.memref_squeeze %dma_wait3A_364 : memref<1x125xi32, #tpu.memory_space<vmem>> -> memref<125xi32, #tpu.memory_space<vmem>>
      %dma_wait3A_366 = arith.constant 0 : i32
      %dma_wait3A_367 = arith.constant 0 : i32
      %dma_wait3A_368 = tpu.memref_slice %arg2[%dma_wait3A_366, %dma_wait3A_367] : memref<10240x16xf32, #tpu.memory_space<hbm>> -> memref<10240x16xf32, #tpu.memory_space<hbm>>
      tpu.wait_indirect_dma semaphore(%arg16 : memref<!tpu.dma_semaphore, #tpu.memory_space<semaphore_mem>>) src(%dma_wait3A_368 : memref<10240x16xf32, #tpu.memory_space<hbm>>) dst(%dma_wait3A_362 : memref<125x16xf32, #tpu.memory_space<vmem>>)
      %dma_start3A_369 = arith.constant 625 : i32
      %dma_start3A_370 = arith.constant 0 : i32
      %dma_start3A_371 = tpu.memref_slice %arg9[%dma_start3A_369, %dma_start3A_370] : memref<1000x16xf32, #tpu.memory_space<vmem>> -> memref<125x16xf32, #tpu.memory_space<vmem>>
      %dma_start3A_372 = arith.constant 0 : i32
      %dma_start3A_373 = tpu.memref_slice %arg8[%add3A_359, %dma_start3A_372] : memref<80x125xi32, #tpu.memory_space<vmem>> -> memref<1x125xi32, #tpu.memory_space<vmem>>
      %dma_start3A_374 = tpu.memref_squeeze %dma_start3A_373 : memref<1x125xi32, #tpu.memory_space<vmem>> -> memref<125xi32, #tpu.memory_space<vmem>>
      %dma_start3A_375 = arith.constant 0 : i32
      %dma_start3A_376 = arith.constant 0 : i32
      %dma_start3A_377 = tpu.memref_slice %arg10[%dma_start3A_375, %dma_start3A_376] : memref<10240x16xf32, #tpu.memory_space<vmem_shared>> -> memref<10240x16xf32, #tpu.memory_space<vmem_shared>>
      tpu.enqueue_indirect_dma source(%dma_start3A_371 : memref<125x16xf32, #tpu.memory_space<vmem>>) target(%dma_start3A_377 : memref<10240x16xf32, #tpu.memory_space<vmem_shared>>) offsets(%dma_start3A_374 : memref<125xi32, #tpu.memory_space<vmem>>) semaphore(%arg24 : memref<!tpu.dma_semaphore, #tpu.memory_space<semaphore_mem>>) {add = true}
      %mul3A_378 = arith.constant 4 : i32
      %mul3A_379 = arith.muli %add3A_274, %mul3A_378 : i32
      %add3A_380 = arith.constant 2 : i32
      %add3A_381 = arith.addi %mul3A_379, %add3A_380 : i32
      %dma_wait3A_382 = arith.constant 750 : i32
      %dma_wait3A_383 = arith.constant 0 : i32
      %dma_wait3A_384 = tpu.memref_slice %arg9[%dma_wait3A_382, %dma_wait3A_383] : memref<1000x16xf32, #tpu.memory_space<vmem>> -> memref<125x16xf32, #tpu.memory_space<vmem>>
      %dma_wait3A_385 = arith.constant 0 : i32
      %dma_wait3A_386 = tpu.memref_slice %arg7[%add3A_381, %dma_wait3A_385] : memref<80x125xi32, #tpu.memory_space<vmem>> -> memref<1x125xi32, #tpu.memory_space<vmem>>
      %dma_wait3A_387 = tpu.memref_squeeze %dma_wait3A_386 : memref<1x125xi32, #tpu.memory_space<vmem>> -> memref<125xi32, #tpu.memory_space<vmem>>
      %dma_wait3A_388 = arith.constant 0 : i32
      %dma_wait3A_389 = arith.constant 0 : i32
      %dma_wait3A_390 = tpu.memref_slice %arg2[%dma_wait3A_388, %dma_wait3A_389] : memref<10240x16xf32, #tpu.memory_space<hbm>> -> memref<10240x16xf32, #tpu.memory_space<hbm>>
      tpu.wait_indirect_dma semaphore(%arg17 : memref<!tpu.dma_semaphore, #tpu.memory_space<semaphore_mem>>) src(%dma_wait3A_390 : memref<10240x16xf32, #tpu.memory_space<hbm>>) dst(%dma_wait3A_384 : memref<125x16xf32, #tpu.memory_space<vmem>>)
      %dma_start3A_391 = arith.constant 750 : i32
      %dma_start3A_392 = arith.constant 0 : i32
      %dma_start3A_393 = tpu.memref_slice %arg9[%dma_start3A_391, %dma_start3A_392] : memref<1000x16xf32, #tpu.memory_space<vmem>> -> memref<125x16xf32, #tpu.memory_space<vmem>>
      %dma_start3A_394 = arith.constant 0 : i32
      %dma_start3A_395 = tpu.memref_slice %arg8[%add3A_381, %dma_start3A_394] : memref<80x125xi32, #tpu.memory_space<vmem>> -> memref<1x125xi32, #tpu.memory_space<vmem>>
      %dma_start3A_396 = tpu.memref_squeeze %dma_start3A_395 : memref<1x125xi32, #tpu.memory_space<vmem>> -> memref<125xi32, #tpu.memory_space<vmem>>
      %dma_start3A_397 = arith.constant 0 : i32
      %dma_start3A_398 = arith.constant 0 : i32
      %dma_start3A_399 = tpu.memref_slice %arg10[%dma_start3A_397, %dma_start3A_398] : memref<10240x16xf32, #tpu.memory_space<vmem_shared>> -> memref<10240x16xf32, #tpu.memory_space<vmem_shared>>
      tpu.enqueue_indirect_dma source(%dma_start3A_393 : memref<125x16xf32, #tpu.memory_space<vmem>>) target(%dma_start3A_399 : memref<10240x16xf32, #tpu.memory_space<vmem_shared>>) offsets(%dma_start3A_396 : memref<125xi32, #tpu.memory_space<vmem>>) semaphore(%arg25 : memref<!tpu.dma_semaphore, #tpu.memory_space<semaphore_mem>>) {add = true}
      %mul3A_400 = arith.constant 4 : i32
      %mul3A_401 = arith.muli %add3A_274, %mul3A_400 : i32
      %add3A_402 = arith.constant 3 : i32
      %add3A_403 = arith.addi %mul3A_401, %add3A_402 : i32
      %dma_wait3A_404 = arith.constant 875 : i32
      %dma_wait3A_405 = arith.constant 0 : i32
      %dma_wait3A_406 = tpu.memref_slice %arg9[%dma_wait3A_404, %dma_wait3A_405] : memref<1000x16xf32, #tpu.memory_space<vmem>> -> memref<125x16xf32, #tpu.memory_space<vmem>>
      %dma_wait3A_407 = arith.constant 0 : i32
      %dma_wait3A_408 = tpu.memref_slice %arg7[%add3A_403, %dma_wait3A_407] : memref<80x125xi32, #tpu.memory_space<vmem>> -> memref<1x125xi32, #tpu.memory_space<vmem>>
      %dma_wait3A_409 = tpu.memref_squeeze %dma_wait3A_408 : memref<1x125xi32, #tpu.memory_space<vmem>> -> memref<125xi32, #tpu.memory_space<vmem>>
      %dma_wait3A_410 = arith.constant 0 : i32
      %dma_wait3A_411 = arith.constant 0 : i32
      %dma_wait3A_412 = tpu.memref_slice %arg2[%dma_wait3A_410, %dma_wait3A_411] : memref<10240x16xf32, #tpu.memory_space<hbm>> -> memref<10240x16xf32, #tpu.memory_space<hbm>>
      tpu.wait_indirect_dma semaphore(%arg18 : memref<!tpu.dma_semaphore, #tpu.memory_space<semaphore_mem>>) src(%dma_wait3A_412 : memref<10240x16xf32, #tpu.memory_space<hbm>>) dst(%dma_wait3A_406 : memref<125x16xf32, #tpu.memory_space<vmem>>)
      %dma_start3A_413 = arith.constant 875 : i32
      %dma_start3A_414 = arith.constant 0 : i32
      %dma_start3A_415 = tpu.memref_slice %arg9[%dma_start3A_413, %dma_start3A_414] : memref<1000x16xf32, #tpu.memory_space<vmem>> -> memref<125x16xf32, #tpu.memory_space<vmem>>
      %dma_start3A_416 = arith.constant 0 : i32
      %dma_start3A_417 = tpu.memref_slice %arg8[%add3A_403, %dma_start3A_416] : memref<80x125xi32, #tpu.memory_space<vmem>> -> memref<1x125xi32, #tpu.memory_space<vmem>>
      %dma_start3A_418 = tpu.memref_squeeze %dma_start3A_417 : memref<1x125xi32, #tpu.memory_space<vmem>> -> memref<125xi32, #tpu.memory_space<vmem>>
      %dma_start3A_419 = arith.constant 0 : i32
      %dma_start3A_420 = arith.constant 0 : i32
      %dma_start3A_421 = tpu.memref_slice %arg10[%dma_start3A_419, %dma_start3A_420] : memref<10240x16xf32, #tpu.memory_space<vmem_shared>> -> memref<10240x16xf32, #tpu.memory_space<vmem_shared>>
      tpu.enqueue_indirect_dma source(%dma_start3A_415 : memref<125x16xf32, #tpu.memory_space<vmem>>) target(%dma_start3A_421 : memref<10240x16xf32, #tpu.memory_space<vmem_shared>>) offsets(%dma_start3A_418 : memref<125xi32, #tpu.memory_space<vmem>>) semaphore(%arg26 : memref<!tpu.dma_semaphore, #tpu.memory_space<semaphore_mem>>) {add = true}
    }
    %scan3A_51 = arith.constant 10 : i32
    %dma_wait3A = arith.constant 0 : i32
    %dma_wait3A_52 = arith.constant 500 : i32
    %dma_wait3A_53 = arith.constant 0 : i32
    %dma_wait3A_54 = tpu.memref_slice %arg9[%dma_wait3A_52, %dma_wait3A_53] : memref<1000x16xf32, #tpu.memory_space<vmem>> -> memref<125x16xf32, #tpu.memory_space<vmem>>
    %dma_wait3A_55 = arith.constant 0 : i32
    %dma_wait3A_56 = tpu.memref_slice %arg8[%dma_wait3A, %dma_wait3A_55] : memref<80x125xi32, #tpu.memory_space<vmem>> -> memref<1x125xi32, #tpu.memory_space<vmem>>
    %dma_wait3A_57 = tpu.memref_squeeze %dma_wait3A_56 : memref<1x125xi32, #tpu.memory_space<vmem>> -> memref<125xi32, #tpu.memory_space<vmem>>
    %dma_wait3A_58 = arith.constant 0 : i32
    %dma_wait3A_59 = arith.constant 0 : i32
    %dma_wait3A_60 = tpu.memref_slice %arg10[%dma_wait3A_58, %dma_wait3A_59] : memref<10240x16xf32, #tpu.memory_space<vmem_shared>> -> memref<10240x16xf32, #tpu.memory_space<vmem_shared>>
    tpu.wait_indirect_dma semaphore(%arg23 : memref<!tpu.dma_semaphore, #tpu.memory_space<semaphore_mem>>) src(%dma_wait3A_54 : memref<125x16xf32, #tpu.memory_space<vmem>>) dst(%dma_wait3A_60 : memref<10240x16xf32, #tpu.memory_space<vmem_shared>>)
    %dma_wait3A_61 = arith.constant 0 : i32
    %dma_wait3A_62 = arith.constant 625 : i32
    %dma_wait3A_63 = arith.constant 0 : i32
    %dma_wait3A_64 = tpu.memref_slice %arg9[%dma_wait3A_62, %dma_wait3A_63] : memref<1000x16xf32, #tpu.memory_space<vmem>> -> memref<125x16xf32, #tpu.memory_space<vmem>>
    %dma_wait3A_65 = arith.constant 0 : i32
    %dma_wait3A_66 = tpu.memref_slice %arg8[%dma_wait3A_61, %dma_wait3A_65] : memref<80x125xi32, #tpu.memory_space<vmem>> -> memref<1x125xi32, #tpu.memory_space<vmem>>
    %dma_wait3A_67 = tpu.memref_squeeze %dma_wait3A_66 : memref<1x125xi32, #tpu.memory_space<vmem>> -> memref<125xi32, #tpu.memory_space<vmem>>
    %dma_wait3A_68 = arith.constant 0 : i32
    %dma_wait3A_69 = arith.constant 0 : i32
    %dma_wait3A_70 = tpu.memref_slice %arg10[%dma_wait3A_68, %dma_wait3A_69] : memref<10240x16xf32, #tpu.memory_space<vmem_shared>> -> memref<10240x16xf32, #tpu.memory_space<vmem_shared>>
    tpu.wait_indirect_dma semaphore(%arg24 : memref<!tpu.dma_semaphore, #tpu.memory_space<semaphore_mem>>) src(%dma_wait3A_64 : memref<125x16xf32, #tpu.memory_space<vmem>>) dst(%dma_wait3A_70 : memref<10240x16xf32, #tpu.memory_space<vmem_shared>>)
    %dma_wait3A_71 = arith.constant 0 : i32
    %dma_wait3A_72 = arith.constant 750 : i32
    %dma_wait3A_73 = arith.constant 0 : i32
    %dma_wait3A_74 = tpu.memref_slice %arg9[%dma_wait3A_72, %dma_wait3A_73] : memref<1000x16xf32, #tpu.memory_space<vmem>> -> memref<125x16xf32, #tpu.memory_space<vmem>>
    %dma_wait3A_75 = arith.constant 0 : i32
    %dma_wait3A_76 = tpu.memref_slice %arg8[%dma_wait3A_71, %dma_wait3A_75] : memref<80x125xi32, #tpu.memory_space<vmem>> -> memref<1x125xi32, #tpu.memory_space<vmem>>
    %dma_wait3A_77 = tpu.memref_squeeze %dma_wait3A_76 : memref<1x125xi32, #tpu.memory_space<vmem>> -> memref<125xi32, #tpu.memory_space<vmem>>
    %dma_wait3A_78 = arith.constant 0 : i32
    %dma_wait3A_79 = arith.constant 0 : i32
    %dma_wait3A_80 = tpu.memref_slice %arg10[%dma_wait3A_78, %dma_wait3A_79] : memref<10240x16xf32, #tpu.memory_space<vmem_shared>> -> memref<10240x16xf32, #tpu.memory_space<vmem_shared>>
    tpu.wait_indirect_dma semaphore(%arg25 : memref<!tpu.dma_semaphore, #tpu.memory_space<semaphore_mem>>) src(%dma_wait3A_74 : memref<125x16xf32, #tpu.memory_space<vmem>>) dst(%dma_wait3A_80 : memref<10240x16xf32, #tpu.memory_space<vmem_shared>>)
    %dma_wait3A_81 = arith.constant 0 : i32
    %dma_wait3A_82 = arith.constant 875 : i32
    %dma_wait3A_83 = arith.constant 0 : i32
    %dma_wait3A_84 = tpu.memref_slice %arg9[%dma_wait3A_82, %dma_wait3A_83] : memref<1000x16xf32, #tpu.memory_space<vmem>> -> memref<125x16xf32, #tpu.memory_space<vmem>>
    %dma_wait3A_85 = arith.constant 0 : i32
    %dma_wait3A_86 = tpu.memref_slice %arg8[%dma_wait3A_81, %dma_wait3A_85] : memref<80x125xi32, #tpu.memory_space<vmem>> -> memref<1x125xi32, #tpu.memory_space<vmem>>
    %dma_wait3A_87 = tpu.memref_squeeze %dma_wait3A_86 : memref<1x125xi32, #tpu.memory_space<vmem>> -> memref<125xi32, #tpu.memory_space<vmem>>
    %dma_wait3A_88 = arith.constant 0 : i32
    %dma_wait3A_89 = arith.constant 0 : i32
    %dma_wait3A_90 = tpu.memref_slice %arg10[%dma_wait3A_88, %dma_wait3A_89] : memref<10240x16xf32, #tpu.memory_space<vmem_shared>> -> memref<10240x16xf32, #tpu.memory_space<vmem_shared>>
    tpu.wait_indirect_dma semaphore(%arg26 : memref<!tpu.dma_semaphore, #tpu.memory_space<semaphore_mem>>) src(%dma_wait3A_84 : memref<125x16xf32, #tpu.memory_space<vmem>>) dst(%dma_wait3A_90 : memref<10240x16xf32, #tpu.memory_space<vmem_shared>>)
    %barrier3A_91 = arith.constant 0 : index
    tpu.barrier barrier_id(%barrier3A_91)
    %eq3A = arith.constant 0 : i32
    %eq3A_92 = arith.cmpi eq, %arg0, %eq3A : i32
    %convert_element_type3A = arith.extui %eq3A_92 : i1 to i32
    %cond3A = arith.constant 0 : i32
    %cond3A_93 = arith.cmpi ne, %convert_element_type3A, %cond3A : i32
    scf.if %cond3A_93 {
      "tpu.region"() ({
        %run_scoped3A_99 = tpu.sem_alloc : memref<!tpu.dma_semaphore, #tpu.memory_space<semaphore_mem>>
        %dma_start3A_100 = arith.constant 0 : i32
        %dma_start3A_101 = tpu.memref_slice %arg5[%mul3A_2, %dma_start3A_100] : memref<10240x16xf32, #tpu.memory_space<hbm>> -> memref<640x16xf32, #tpu.memory_space<hbm>>
        %dma_start3A_102 = arith.constant 0 : i32
        %dma_start3A_103 = tpu.memref_slice %arg10[%mul3A_2, %dma_start3A_102] : memref<10240x16xf32, #tpu.memory_space<vmem_shared>> -> memref<640x16xf32, #tpu.memory_space<vmem_shared>>
        tpu.enqueue_dma source(%dma_start3A_103 : memref<640x16xf32, #tpu.memory_space<vmem_shared>>) target(%dma_start3A_101 : memref<640x16xf32, #tpu.memory_space<hbm>>) target_semaphore(%run_scoped3A_99 : memref<!tpu.dma_semaphore, #tpu.memory_space<semaphore_mem>>)
        %dma_wait3A_104 = arith.constant 0 : i32
        %dma_wait3A_105 = tpu.memref_slice %arg5[%mul3A_2, %dma_wait3A_104] : memref<10240x16xf32, #tpu.memory_space<hbm>> -> memref<640x16xf32, #tpu.memory_space<hbm>>
        %dma_wait3A_106 = arith.constant 0 : i32
        %dma_wait3A_107 = tpu.memref_slice %arg10[%mul3A_2, %dma_wait3A_106] : memref<10240x16xf32, #tpu.memory_space<vmem_shared>> -> memref<640x16xf32, #tpu.memory_space<vmem_shared>>
        tpu.wait_dma2 semaphore(%run_scoped3A_99 : memref<!tpu.dma_semaphore, #tpu.memory_space<semaphore_mem>>) src(%dma_wait3A_107 : memref<640x16xf32, #tpu.memory_space<vmem_shared>>) dst(%dma_wait3A_105 : memref<640x16xf32, #tpu.memory_space<hbm>>)
        tpu.yield
      }) : () -> ()
    } else {
    }
    %eq3A_94 = arith.constant 1 : i32
    %eq3A_95 = arith.cmpi eq, %arg0, %eq3A_94 : i32
    %convert_element_type3A_96 = arith.extui %eq3A_95 : i1 to i32
    %cond3A_97 = arith.constant 0 : i32
    %cond3A_98 = arith.cmpi ne, %convert_element_type3A_96, %cond3A_97 : i32
    scf.if %cond3A_98 {
      "tpu.region"() ({
        %run_scoped3A_99 = tpu.sem_alloc : memref<!tpu.dma_semaphore, #tpu.memory_space<semaphore_mem>>
        %dma_start3A_100 = arith.constant 0 : i32
        %dma_start3A_101 = tpu.memref_slice %arg6[%mul3A_2, %dma_start3A_100] : memref<10240x16xf32, #tpu.memory_space<hbm>> -> memref<640x16xf32, #tpu.memory_space<hbm>>
        %dma_start3A_102 = arith.constant 0 : i32
        %dma_start3A_103 = tpu.memref_slice %arg10[%mul3A_2, %dma_start3A_102] : memref<10240x16xf32, #tpu.memory_space<vmem_shared>> -> memref<640x16xf32, #tpu.memory_space<vmem_shared>>
        tpu.enqueue_dma source(%dma_start3A_103 : memref<640x16xf32, #tpu.memory_space<vmem_shared>>) target(%dma_start3A_101 : memref<640x16xf32, #tpu.memory_space<hbm>>) target_semaphore(%run_scoped3A_99 : memref<!tpu.dma_semaphore, #tpu.memory_space<semaphore_mem>>)
        %dma_wait3A_104 = arith.constant 0 : i32
        %dma_wait3A_105 = tpu.memref_slice %arg6[%mul3A_2, %dma_wait3A_104] : memref<10240x16xf32, #tpu.memory_space<hbm>> -> memref<640x16xf32, #tpu.memory_space<hbm>>
        %dma_wait3A_106 = arith.constant 0 : i32
        %dma_wait3A_107 = tpu.memref_slice %arg10[%mul3A_2, %dma_wait3A_106] : memref<10240x16xf32, #tpu.memory_space<vmem_shared>> -> memref<640x16xf32, #tpu.memory_space<vmem_shared>>
        tpu.wait_dma2 semaphore(%run_scoped3A_99 : memref<!tpu.dma_semaphore, #tpu.memory_space<semaphore_mem>>) src(%dma_wait3A_107 : memref<640x16xf32, #tpu.memory_space<vmem_shared>>) dst(%dma_wait3A_105 : memref<640x16xf32, #tpu.memory_space<hbm>>)
        tpu.yield
      }) : () -> ()
    } else {
    }
    return
  }
}

#map = affine_map<(d0, d1) -> (0, 0)>
#map1 = affine_map<(d0, d1) -> (0, 0, 0)>
module attributes {stable_mosaic.version = 14 : i64} {
  func.func @gs_kernel(%arg0: i32, %arg1: i32, %arg2: memref<10240x48xf32, #tpu.memory_space<hbm>>, %arg3: memref<2x2560x125xi32, #tpu.memory_space<hbm>>, %arg4: memref<10240x48xf32, #tpu.memory_space<hbm>>, %arg5: memref<10240x48xf32, #tpu.memory_space<hbm>>, %arg6: memref<10240x48xf32, #tpu.memory_space<hbm>>, %arg7: memref<80x125xi32, #tpu.memory_space<vmem>>, %arg8: memref<80x125xi32, #tpu.memory_space<vmem>>, %arg9: memref<1000x48xf32, #tpu.memory_space<vmem>>, %arg10: memref<10240x48xf32, #tpu.memory_space<vmem_shared>>, %arg11: memref<!tpu.dma_semaphore, #tpu.memory_space<semaphore_mem>>, %arg12: memref<!tpu.dma_semaphore, #tpu.memory_space<semaphore_mem>>, %arg13: memref<!tpu.dma_semaphore, #tpu.memory_space<semaphore_mem>>, %arg14: memref<!tpu.dma_semaphore, #tpu.memory_space<semaphore_mem>>, %arg15: memref<!tpu.dma_semaphore, #tpu.memory_space<semaphore_mem>>, %arg16: memref<!tpu.dma_semaphore, #tpu.memory_space<semaphore_mem>>, %arg17: memref<!tpu.dma_semaphore, #tpu.memory_space<semaphore_mem>>, %arg18: memref<!tpu.dma_semaphore, #tpu.memory_space<semaphore_mem>>, %arg19: memref<!tpu.dma_semaphore, #tpu.memory_space<semaphore_mem>>, %arg20: memref<!tpu.dma_semaphore, #tpu.memory_space<semaphore_mem>>, %arg21: memref<!tpu.dma_semaphore, #tpu.memory_space<semaphore_mem>>, %arg22: memref<!tpu.dma_semaphore, #tpu.memory_space<semaphore_mem>>, %arg23: memref<!tpu.dma_semaphore, #tpu.memory_space<semaphore_mem>>, %arg24: memref<!tpu.dma_semaphore, #tpu.memory_space<semaphore_mem>>, %arg25: memref<!tpu.dma_semaphore, #tpu.memory_space<semaphore_mem>>, %arg26: memref<!tpu.dma_semaphore, #tpu.memory_space<semaphore_mem>>) attributes {dimension_semantics = [#tpu.dimension_semantics<core_parallel>, #tpu.dimension_semantics<subcore_parallel>], iteration_bounds = array<i64: 2, 16>, scalar_prefetch = 0 : i64, scratch_operands = 20 : i64, tpu.core_type = #tpu.core_type<sc_vector_subcore>, window_params = [{transform_indices = #map}, {transform_indices = #map1}, {transform_indices = #map}, {transform_indices = #map}, {transform_indices = #map}]} {
    %mul3A = arith.constant 16 : i32
    %mul3A_0 = arith.muli %arg0, %mul3A : i32
    %add3A = arith.addi %mul3A_0, %arg1 : i32
    %mul3A_1 = arith.constant 640 : i32
    %mul3A_2 = arith.muli %arg1, %mul3A_1 : i32
    "tpu.region"() ({
      %run_scoped3A_99 = tpu.sem_alloc : memref<!tpu.dma_semaphore, #tpu.memory_space<semaphore_mem>>
      %dma_start3A_100 = arith.constant 0 : i32
      %dma_start3A_101 = tpu.memref_slice %arg10[%mul3A_2, %dma_start3A_100] : memref<10240x48xf32, #tpu.memory_space<vmem_shared>> -> memref<640x48xf32, #tpu.memory_space<vmem_shared>>
      %dma_start3A_102 = arith.constant 0 : i32
      %dma_start3A_103 = tpu.memref_slice %arg4[%mul3A_2, %dma_start3A_102] : memref<10240x48xf32, #tpu.memory_space<hbm>> -> memref<640x48xf32, #tpu.memory_space<hbm>>
      tpu.enqueue_dma source(%dma_start3A_103 : memref<640x48xf32, #tpu.memory_space<hbm>>) target(%dma_start3A_101 : memref<640x48xf32, #tpu.memory_space<vmem_shared>>) target_semaphore(%run_scoped3A_99 : memref<!tpu.dma_semaphore, #tpu.memory_space<semaphore_mem>>)
      %dma_wait3A_104 = arith.constant 0 : i32
      %dma_wait3A_105 = tpu.memref_slice %arg10[%mul3A_2, %dma_wait3A_104] : memref<10240x48xf32, #tpu.memory_space<vmem_shared>> -> memref<640x48xf32, #tpu.memory_space<vmem_shared>>
      %dma_wait3A_106 = arith.constant 0 : i32
      %dma_wait3A_107 = tpu.memref_slice %arg4[%mul3A_2, %dma_wait3A_106] : memref<10240x48xf32, #tpu.memory_space<hbm>> -> memref<640x48xf32, #tpu.memory_space<hbm>>
      tpu.wait_dma2 semaphore(%run_scoped3A_99 : memref<!tpu.dma_semaphore, #tpu.memory_space<semaphore_mem>>) src(%dma_wait3A_107 : memref<640x48xf32, #tpu.memory_space<hbm>>) dst(%dma_wait3A_105 : memref<640x48xf32, #tpu.memory_space<vmem_shared>>)
      tpu.yield
    }) : () -> ()
    %mul3A_3 = arith.constant 80 : i32
    %mul3A_4 = arith.muli %add3A, %mul3A_3 : i32
    %run_scoped3A = arith.constant 0 : i32
    "tpu.region"() ({
      %run_scoped3A_99 = tpu.sem_alloc : memref<!tpu.dma_semaphore, #tpu.memory_space<semaphore_mem>>
      %dma_start3A_100 = arith.constant 0 : i32
      %dma_start3A_101 = tpu.memref_slice %arg3[%run_scoped3A, %mul3A_4, %dma_start3A_100] : memref<2x2560x125xi32, #tpu.memory_space<hbm>> -> memref<1x80x125xi32, #tpu.memory_space<hbm>>
      %dma_start3A_102 = tpu.memref_squeeze %dma_start3A_101 : memref<1x80x125xi32, #tpu.memory_space<hbm>> -> memref<80x125xi32, #tpu.memory_space<hbm>>
      %dma_start3A_103 = arith.constant 0 : i32
      %dma_start3A_104 = tpu.memref_slice %arg3[%run_scoped3A, %mul3A_4, %dma_start3A_103] : memref<2x2560x125xi32, #tpu.memory_space<hbm>> -> memref<1x80x125xi32, #tpu.memory_space<hbm>>
      %dma_start3A_105 = tpu.memref_squeeze %dma_start3A_104 : memref<1x80x125xi32, #tpu.memory_space<hbm>> -> memref<80x125xi32, #tpu.memory_space<hbm>>
      tpu.enqueue_dma source(%dma_start3A_105 : memref<80x125xi32, #tpu.memory_space<hbm>>) target(%arg7 : memref<80x125xi32, #tpu.memory_space<vmem>>) target_semaphore(%run_scoped3A_99 : memref<!tpu.dma_semaphore, #tpu.memory_space<semaphore_mem>>)
      %dma_wait3A_106 = arith.constant 0 : i32
      %dma_wait3A_107 = tpu.memref_slice %arg3[%run_scoped3A, %mul3A_4, %dma_wait3A_106] : memref<2x2560x125xi32, #tpu.memory_space<hbm>> -> memref<1x80x125xi32, #tpu.memory_space<hbm>>
      %dma_wait3A_108 = tpu.memref_squeeze %dma_wait3A_107 : memref<1x80x125xi32, #tpu.memory_space<hbm>> -> memref<80x125xi32, #tpu.memory_space<hbm>>
      %dma_wait3A_109 = arith.constant 0 : i32
      %dma_wait3A_110 = tpu.memref_slice %arg3[%run_scoped3A, %mul3A_4, %dma_wait3A_109] : memref<2x2560x125xi32, #tpu.memory_space<hbm>> -> memref<1x80x125xi32, #tpu.memory_space<hbm>>
      %dma_wait3A_111 = tpu.memref_squeeze %dma_wait3A_110 : memref<1x80x125xi32, #tpu.memory_space<hbm>> -> memref<80x125xi32, #tpu.memory_space<hbm>>
      tpu.wait_dma2 semaphore(%run_scoped3A_99 : memref<!tpu.dma_semaphore, #tpu.memory_space<semaphore_mem>>) src(%dma_wait3A_111 : memref<80x125xi32, #tpu.memory_space<hbm>>) dst(%arg7 : memref<80x125xi32, #tpu.memory_space<vmem>>)
      tpu.yield
    }) : () -> ()
    %mul3A_5 = arith.constant 80 : i32
    %mul3A_6 = arith.muli %add3A, %mul3A_5 : i32
    %run_scoped3A_7 = arith.constant 1 : i32
    "tpu.region"() ({
      %run_scoped3A_99 = tpu.sem_alloc : memref<!tpu.dma_semaphore, #tpu.memory_space<semaphore_mem>>
      %dma_start3A_100 = arith.constant 0 : i32
      %dma_start3A_101 = tpu.memref_slice %arg3[%run_scoped3A_7, %mul3A_6, %dma_start3A_100] : memref<2x2560x125xi32, #tpu.memory_space<hbm>> -> memref<1x80x125xi32, #tpu.memory_space<hbm>>
      %dma_start3A_102 = tpu.memref_squeeze %dma_start3A_101 : memref<1x80x125xi32, #tpu.memory_space<hbm>> -> memref<80x125xi32, #tpu.memory_space<hbm>>
      %dma_start3A_103 = arith.constant 0 : i32
      %dma_start3A_104 = tpu.memref_slice %arg3[%run_scoped3A_7, %mul3A_6, %dma_start3A_103] : memref<2x2560x125xi32, #tpu.memory_space<hbm>> -> memref<1x80x125xi32, #tpu.memory_space<hbm>>
      %dma_start3A_105 = tpu.memref_squeeze %dma_start3A_104 : memref<1x80x125xi32, #tpu.memory_space<hbm>> -> memref<80x125xi32, #tpu.memory_space<hbm>>
      tpu.enqueue_dma source(%dma_start3A_105 : memref<80x125xi32, #tpu.memory_space<hbm>>) target(%arg8 : memref<80x125xi32, #tpu.memory_space<vmem>>) target_semaphore(%run_scoped3A_99 : memref<!tpu.dma_semaphore, #tpu.memory_space<semaphore_mem>>)
      %dma_wait3A_106 = arith.constant 0 : i32
      %dma_wait3A_107 = tpu.memref_slice %arg3[%run_scoped3A_7, %mul3A_6, %dma_wait3A_106] : memref<2x2560x125xi32, #tpu.memory_space<hbm>> -> memref<1x80x125xi32, #tpu.memory_space<hbm>>
      %dma_wait3A_108 = tpu.memref_squeeze %dma_wait3A_107 : memref<1x80x125xi32, #tpu.memory_space<hbm>> -> memref<80x125xi32, #tpu.memory_space<hbm>>
      %dma_wait3A_109 = arith.constant 0 : i32
      %dma_wait3A_110 = tpu.memref_slice %arg3[%run_scoped3A_7, %mul3A_6, %dma_wait3A_109] : memref<2x2560x125xi32, #tpu.memory_space<hbm>> -> memref<1x80x125xi32, #tpu.memory_space<hbm>>
      %dma_wait3A_111 = tpu.memref_squeeze %dma_wait3A_110 : memref<1x80x125xi32, #tpu.memory_space<hbm>> -> memref<80x125xi32, #tpu.memory_space<hbm>>
      tpu.wait_dma2 semaphore(%run_scoped3A_99 : memref<!tpu.dma_semaphore, #tpu.memory_space<semaphore_mem>>) src(%dma_wait3A_111 : memref<80x125xi32, #tpu.memory_space<hbm>>) dst(%arg8 : memref<80x125xi32, #tpu.memory_space<vmem>>)
      tpu.yield
    }) : () -> ()
    %barrier3A = arith.constant 0 : index
    tpu.barrier barrier_id(%barrier3A)
    %dma_start3A = arith.constant 0 : i32
    %dma_start3A_8 = arith.constant 0 : i32
    %dma_start3A_9 = arith.constant 0 : i32
    %dma_start3A_10 = tpu.memref_slice %arg9[%dma_start3A_8, %dma_start3A_9] : memref<1000x48xf32, #tpu.memory_space<vmem>> -> memref<125x48xf32, #tpu.memory_space<vmem>>
    %dma_start3A_11 = arith.constant 0 : i32
    %dma_start3A_12 = tpu.memref_slice %arg7[%dma_start3A, %dma_start3A_11] : memref<80x125xi32, #tpu.memory_space<vmem>> -> memref<1x125xi32, #tpu.memory_space<vmem>>
    %dma_start3A_13 = tpu.memref_squeeze %dma_start3A_12 : memref<1x125xi32, #tpu.memory_space<vmem>> -> memref<125xi32, #tpu.memory_space<vmem>>
    %dma_start3A_14 = arith.constant 0 : i32
    %dma_start3A_15 = arith.constant 0 : i32
    %dma_start3A_16 = tpu.memref_slice %arg2[%dma_start3A_14, %dma_start3A_15] : memref<10240x48xf32, #tpu.memory_space<hbm>> -> memref<10240x48xf32, #tpu.memory_space<hbm>>
    tpu.enqueue_indirect_dma source(%dma_start3A_16 : memref<10240x48xf32, #tpu.memory_space<hbm>>) target(%dma_start3A_10 : memref<125x48xf32, #tpu.memory_space<vmem>>) offsets(%dma_start3A_13 : memref<125xi32, #tpu.memory_space<vmem>>) semaphore(%arg11 : memref<!tpu.dma_semaphore, #tpu.memory_space<semaphore_mem>>)
    %dma_start3A_17 = arith.constant 1 : i32
    %dma_start3A_18 = arith.constant 125 : i32
    %dma_start3A_19 = arith.constant 0 : i32
    %dma_start3A_20 = tpu.memref_slice %arg9[%dma_start3A_18, %dma_start3A_19] : memref<1000x48xf32, #tpu.memory_space<vmem>> -> memref<125x48xf32, #tpu.memory_space<vmem>>
    %dma_start3A_21 = arith.constant 0 : i32
    %dma_start3A_22 = tpu.memref_slice %arg7[%dma_start3A_17, %dma_start3A_21] : memref<80x125xi32, #tpu.memory_space<vmem>> -> memref<1x125xi32, #tpu.memory_space<vmem>>
    %dma_start3A_23 = tpu.memref_squeeze %dma_start3A_22 : memref<1x125xi32, #tpu.memory_space<vmem>> -> memref<125xi32, #tpu.memory_space<vmem>>
    %dma_start3A_24 = arith.constant 0 : i32
    %dma_start3A_25 = arith.constant 0 : i32
    %dma_start3A_26 = tpu.memref_slice %arg2[%dma_start3A_24, %dma_start3A_25] : memref<10240x48xf32, #tpu.memory_space<hbm>> -> memref<10240x48xf32, #tpu.memory_space<hbm>>
    tpu.enqueue_indirect_dma source(%dma_start3A_26 : memref<10240x48xf32, #tpu.memory_space<hbm>>) target(%dma_start3A_20 : memref<125x48xf32, #tpu.memory_space<vmem>>) offsets(%dma_start3A_23 : memref<125xi32, #tpu.memory_space<vmem>>) semaphore(%arg12 : memref<!tpu.dma_semaphore, #tpu.memory_space<semaphore_mem>>)
    %dma_start3A_27 = arith.constant 2 : i32
    %dma_start3A_28 = arith.constant 250 : i32
    %dma_start3A_29 = arith.constant 0 : i32
    %dma_start3A_30 = tpu.memref_slice %arg9[%dma_start3A_28, %dma_start3A_29] : memref<1000x48xf32, #tpu.memory_space<vmem>> -> memref<125x48xf32, #tpu.memory_space<vmem>>
    %dma_start3A_31 = arith.constant 0 : i32
    %dma_start3A_32 = tpu.memref_slice %arg7[%dma_start3A_27, %dma_start3A_31] : memref<80x125xi32, #tpu.memory_space<vmem>> -> memref<1x125xi32, #tpu.memory_space<vmem>>
    %dma_start3A_33 = tpu.memref_squeeze %dma_start3A_32 : memref<1x125xi32, #tpu.memory_space<vmem>> -> memref<125xi32, #tpu.memory_space<vmem>>
    %dma_start3A_34 = arith.constant 0 : i32
    %dma_start3A_35 = arith.constant 0 : i32
    %dma_start3A_36 = tpu.memref_slice %arg2[%dma_start3A_34, %dma_start3A_35] : memref<10240x48xf32, #tpu.memory_space<hbm>> -> memref<10240x48xf32, #tpu.memory_space<hbm>>
    tpu.enqueue_indirect_dma source(%dma_start3A_36 : memref<10240x48xf32, #tpu.memory_space<hbm>>) target(%dma_start3A_30 : memref<125x48xf32, #tpu.memory_space<vmem>>) offsets(%dma_start3A_33 : memref<125xi32, #tpu.memory_space<vmem>>) semaphore(%arg13 : memref<!tpu.dma_semaphore, #tpu.memory_space<semaphore_mem>>)
    %dma_start3A_37 = arith.constant 3 : i32
    %dma_start3A_38 = arith.constant 375 : i32
    %dma_start3A_39 = arith.constant 0 : i32
    %dma_start3A_40 = tpu.memref_slice %arg9[%dma_start3A_38, %dma_start3A_39] : memref<1000x48xf32, #tpu.memory_space<vmem>> -> memref<125x48xf32, #tpu.memory_space<vmem>>
    %dma_start3A_41 = arith.constant 0 : i32
    %dma_start3A_42 = tpu.memref_slice %arg7[%dma_start3A_37, %dma_start3A_41] : memref<80x125xi32, #tpu.memory_space<vmem>> -> memref<1x125xi32, #tpu.memory_space<vmem>>
    %dma_start3A_43 = tpu.memref_squeeze %dma_start3A_42 : memref<1x125xi32, #tpu.memory_space<vmem>> -> memref<125xi32, #tpu.memory_space<vmem>>
    %dma_start3A_44 = arith.constant 0 : i32
    %dma_start3A_45 = arith.constant 0 : i32
    %dma_start3A_46 = tpu.memref_slice %arg2[%dma_start3A_44, %dma_start3A_45] : memref<10240x48xf32, #tpu.memory_space<hbm>> -> memref<10240x48xf32, #tpu.memory_space<hbm>>
    tpu.enqueue_indirect_dma source(%dma_start3A_46 : memref<10240x48xf32, #tpu.memory_space<hbm>>) target(%dma_start3A_40 : memref<125x48xf32, #tpu.memory_space<vmem>>) offsets(%dma_start3A_43 : memref<125xi32, #tpu.memory_space<vmem>>) semaphore(%arg14 : memref<!tpu.dma_semaphore, #tpu.memory_space<semaphore_mem>>)
    %scan3A = arith.constant 0 : i32
    %scan3A_47 = arith.constant 0 : i32
    %scan3A_48 = arith.constant 10 : i32
    %scan3A_49 = arith.addi %scan3A_47, %scan3A_48 : i32
    %scan3A_50 = arith.constant 1 : i32
    scf.for %scan3A_99 = %scan3A_47 to %scan3A_49 step %scan3A_50  : i32 {
      %mul3A_100 = arith.constant 2 : i32
      %mul3A_101 = arith.muli %mul3A_100, %scan3A_99 : i32
      %add3A_102 = arith.constant 0 : i32
      %add3A_103 = arith.addi %mul3A_101, %add3A_102 : i32
      %gt3A = arith.constant 0 : i32
      %gt3A_104 = arith.cmpi sgt, %scan3A_99, %gt3A : i32
      %convert_element_type3A_105 = arith.extui %gt3A_104 : i1 to i32
      %cond3A_106 = arith.constant 0 : i32
      %cond3A_107 = arith.cmpi ne, %convert_element_type3A_105, %cond3A_106 : i32
      scf.if %cond3A_107 {
        %dma_wait3A_422 = arith.constant 0 : i32
        %dma_wait3A_423 = arith.constant 500 : i32
        %dma_wait3A_424 = arith.constant 0 : i32
        %dma_wait3A_425 = tpu.memref_slice %arg9[%dma_wait3A_423, %dma_wait3A_424] : memref<1000x48xf32, #tpu.memory_space<vmem>> -> memref<125x48xf32, #tpu.memory_space<vmem>>
        %dma_wait3A_426 = arith.constant 0 : i32
        %dma_wait3A_427 = tpu.memref_slice %arg8[%dma_wait3A_422, %dma_wait3A_426] : memref<80x125xi32, #tpu.memory_space<vmem>> -> memref<1x125xi32, #tpu.memory_space<vmem>>
        %dma_wait3A_428 = tpu.memref_squeeze %dma_wait3A_427 : memref<1x125xi32, #tpu.memory_space<vmem>> -> memref<125xi32, #tpu.memory_space<vmem>>
        %dma_wait3A_429 = arith.constant 0 : i32
        %dma_wait3A_430 = arith.constant 0 : i32
        %dma_wait3A_431 = tpu.memref_slice %arg10[%dma_wait3A_429, %dma_wait3A_430] : memref<10240x48xf32, #tpu.memory_space<vmem_shared>> -> memref<10240x48xf32, #tpu.memory_space<vmem_shared>>
        tpu.wait_indirect_dma semaphore(%arg23 : memref<!tpu.dma_semaphore, #tpu.memory_space<semaphore_mem>>) src(%dma_wait3A_425 : memref<125x48xf32, #tpu.memory_space<vmem>>) dst(%dma_wait3A_431 : memref<10240x48xf32, #tpu.memory_space<vmem_shared>>)
      } else {
      }
      %add3A_108 = arith.constant 1 : i32
      %add3A_109 = arith.addi %add3A_103, %add3A_108 : i32
      %mul3A_110 = arith.constant 4 : i32
      %mul3A_111 = arith.muli %add3A_109, %mul3A_110 : i32
      %add3A_112 = arith.constant 0 : i32
      %add3A_113 = arith.addi %mul3A_111, %add3A_112 : i32
      %dma_start3A_114 = arith.constant 500 : i32
      %dma_start3A_115 = arith.constant 0 : i32
      %dma_start3A_116 = tpu.memref_slice %arg9[%dma_start3A_114, %dma_start3A_115] : memref<1000x48xf32, #tpu.memory_space<vmem>> -> memref<125x48xf32, #tpu.memory_space<vmem>>
      %dma_start3A_117 = arith.constant 0 : i32
      %dma_start3A_118 = tpu.memref_slice %arg7[%add3A_113, %dma_start3A_117] : memref<80x125xi32, #tpu.memory_space<vmem>> -> memref<1x125xi32, #tpu.memory_space<vmem>>
      %dma_start3A_119 = tpu.memref_squeeze %dma_start3A_118 : memref<1x125xi32, #tpu.memory_space<vmem>> -> memref<125xi32, #tpu.memory_space<vmem>>
      %dma_start3A_120 = arith.constant 0 : i32
      %dma_start3A_121 = arith.constant 0 : i32
      %dma_start3A_122 = tpu.memref_slice %arg2[%dma_start3A_120, %dma_start3A_121] : memref<10240x48xf32, #tpu.memory_space<hbm>> -> memref<10240x48xf32, #tpu.memory_space<hbm>>
      tpu.enqueue_indirect_dma source(%dma_start3A_122 : memref<10240x48xf32, #tpu.memory_space<hbm>>) target(%dma_start3A_116 : memref<125x48xf32, #tpu.memory_space<vmem>>) offsets(%dma_start3A_119 : memref<125xi32, #tpu.memory_space<vmem>>) semaphore(%arg15 : memref<!tpu.dma_semaphore, #tpu.memory_space<semaphore_mem>>)
      %gt3A_123 = arith.constant 0 : i32
      %gt3A_124 = arith.cmpi sgt, %scan3A_99, %gt3A_123 : i32
      %convert_element_type3A_125 = arith.extui %gt3A_124 : i1 to i32
      %cond3A_126 = arith.constant 0 : i32
      %cond3A_127 = arith.cmpi ne, %convert_element_type3A_125, %cond3A_126 : i32
      scf.if %cond3A_127 {
        %dma_wait3A_422 = arith.constant 0 : i32
        %dma_wait3A_423 = arith.constant 625 : i32
        %dma_wait3A_424 = arith.constant 0 : i32
        %dma_wait3A_425 = tpu.memref_slice %arg9[%dma_wait3A_423, %dma_wait3A_424] : memref<1000x48xf32, #tpu.memory_space<vmem>> -> memref<125x48xf32, #tpu.memory_space<vmem>>
        %dma_wait3A_426 = arith.constant 0 : i32
        %dma_wait3A_427 = tpu.memref_slice %arg8[%dma_wait3A_422, %dma_wait3A_426] : memref<80x125xi32, #tpu.memory_space<vmem>> -> memref<1x125xi32, #tpu.memory_space<vmem>>
        %dma_wait3A_428 = tpu.memref_squeeze %dma_wait3A_427 : memref<1x125xi32, #tpu.memory_space<vmem>> -> memref<125xi32, #tpu.memory_space<vmem>>
        %dma_wait3A_429 = arith.constant 0 : i32
        %dma_wait3A_430 = arith.constant 0 : i32
        %dma_wait3A_431 = tpu.memref_slice %arg10[%dma_wait3A_429, %dma_wait3A_430] : memref<10240x48xf32, #tpu.memory_space<vmem_shared>> -> memref<10240x48xf32, #tpu.memory_space<vmem_shared>>
        tpu.wait_indirect_dma semaphore(%arg24 : memref<!tpu.dma_semaphore, #tpu.memory_space<semaphore_mem>>) src(%dma_wait3A_425 : memref<125x48xf32, #tpu.memory_space<vmem>>) dst(%dma_wait3A_431 : memref<10240x48xf32, #tpu.memory_space<vmem_shared>>)
      } else {
      }
      %add3A_128 = arith.constant 1 : i32
      %add3A_129 = arith.addi %add3A_103, %add3A_128 : i32
      %mul3A_130 = arith.constant 4 : i32
      %mul3A_131 = arith.muli %add3A_129, %mul3A_130 : i32
      %add3A_132 = arith.constant 1 : i32
      %add3A_133 = arith.addi %mul3A_131, %add3A_132 : i32
      %dma_start3A_134 = arith.constant 625 : i32
      %dma_start3A_135 = arith.constant 0 : i32
      %dma_start3A_136 = tpu.memref_slice %arg9[%dma_start3A_134, %dma_start3A_135] : memref<1000x48xf32, #tpu.memory_space<vmem>> -> memref<125x48xf32, #tpu.memory_space<vmem>>
      %dma_start3A_137 = arith.constant 0 : i32
      %dma_start3A_138 = tpu.memref_slice %arg7[%add3A_133, %dma_start3A_137] : memref<80x125xi32, #tpu.memory_space<vmem>> -> memref<1x125xi32, #tpu.memory_space<vmem>>
      %dma_start3A_139 = tpu.memref_squeeze %dma_start3A_138 : memref<1x125xi32, #tpu.memory_space<vmem>> -> memref<125xi32, #tpu.memory_space<vmem>>
      %dma_start3A_140 = arith.constant 0 : i32
      %dma_start3A_141 = arith.constant 0 : i32
      %dma_start3A_142 = tpu.memref_slice %arg2[%dma_start3A_140, %dma_start3A_141] : memref<10240x48xf32, #tpu.memory_space<hbm>> -> memref<10240x48xf32, #tpu.memory_space<hbm>>
      tpu.enqueue_indirect_dma source(%dma_start3A_142 : memref<10240x48xf32, #tpu.memory_space<hbm>>) target(%dma_start3A_136 : memref<125x48xf32, #tpu.memory_space<vmem>>) offsets(%dma_start3A_139 : memref<125xi32, #tpu.memory_space<vmem>>) semaphore(%arg16 : memref<!tpu.dma_semaphore, #tpu.memory_space<semaphore_mem>>)
      %gt3A_143 = arith.constant 0 : i32
      %gt3A_144 = arith.cmpi sgt, %scan3A_99, %gt3A_143 : i32
      %convert_element_type3A_145 = arith.extui %gt3A_144 : i1 to i32
      %cond3A_146 = arith.constant 0 : i32
      %cond3A_147 = arith.cmpi ne, %convert_element_type3A_145, %cond3A_146 : i32
      scf.if %cond3A_147 {
        %dma_wait3A_422 = arith.constant 0 : i32
        %dma_wait3A_423 = arith.constant 750 : i32
        %dma_wait3A_424 = arith.constant 0 : i32
        %dma_wait3A_425 = tpu.memref_slice %arg9[%dma_wait3A_423, %dma_wait3A_424] : memref<1000x48xf32, #tpu.memory_space<vmem>> -> memref<125x48xf32, #tpu.memory_space<vmem>>
        %dma_wait3A_426 = arith.constant 0 : i32
        %dma_wait3A_427 = tpu.memref_slice %arg8[%dma_wait3A_422, %dma_wait3A_426] : memref<80x125xi32, #tpu.memory_space<vmem>> -> memref<1x125xi32, #tpu.memory_space<vmem>>
        %dma_wait3A_428 = tpu.memref_squeeze %dma_wait3A_427 : memref<1x125xi32, #tpu.memory_space<vmem>> -> memref<125xi32, #tpu.memory_space<vmem>>
        %dma_wait3A_429 = arith.constant 0 : i32
        %dma_wait3A_430 = arith.constant 0 : i32
        %dma_wait3A_431 = tpu.memref_slice %arg10[%dma_wait3A_429, %dma_wait3A_430] : memref<10240x48xf32, #tpu.memory_space<vmem_shared>> -> memref<10240x48xf32, #tpu.memory_space<vmem_shared>>
        tpu.wait_indirect_dma semaphore(%arg25 : memref<!tpu.dma_semaphore, #tpu.memory_space<semaphore_mem>>) src(%dma_wait3A_425 : memref<125x48xf32, #tpu.memory_space<vmem>>) dst(%dma_wait3A_431 : memref<10240x48xf32, #tpu.memory_space<vmem_shared>>)
      } else {
      }
      %add3A_148 = arith.constant 1 : i32
      %add3A_149 = arith.addi %add3A_103, %add3A_148 : i32
      %mul3A_150 = arith.constant 4 : i32
      %mul3A_151 = arith.muli %add3A_149, %mul3A_150 : i32
      %add3A_152 = arith.constant 2 : i32
      %add3A_153 = arith.addi %mul3A_151, %add3A_152 : i32
      %dma_start3A_154 = arith.constant 750 : i32
      %dma_start3A_155 = arith.constant 0 : i32
      %dma_start3A_156 = tpu.memref_slice %arg9[%dma_start3A_154, %dma_start3A_155] : memref<1000x48xf32, #tpu.memory_space<vmem>> -> memref<125x48xf32, #tpu.memory_space<vmem>>
      %dma_start3A_157 = arith.constant 0 : i32
      %dma_start3A_158 = tpu.memref_slice %arg7[%add3A_153, %dma_start3A_157] : memref<80x125xi32, #tpu.memory_space<vmem>> -> memref<1x125xi32, #tpu.memory_space<vmem>>
      %dma_start3A_159 = tpu.memref_squeeze %dma_start3A_158 : memref<1x125xi32, #tpu.memory_space<vmem>> -> memref<125xi32, #tpu.memory_space<vmem>>
      %dma_start3A_160 = arith.constant 0 : i32
      %dma_start3A_161 = arith.constant 0 : i32
      %dma_start3A_162 = tpu.memref_slice %arg2[%dma_start3A_160, %dma_start3A_161] : memref<10240x48xf32, #tpu.memory_space<hbm>> -> memref<10240x48xf32, #tpu.memory_space<hbm>>
      tpu.enqueue_indirect_dma source(%dma_start3A_162 : memref<10240x48xf32, #tpu.memory_space<hbm>>) target(%dma_start3A_156 : memref<125x48xf32, #tpu.memory_space<vmem>>) offsets(%dma_start3A_159 : memref<125xi32, #tpu.memory_space<vmem>>) semaphore(%arg17 : memref<!tpu.dma_semaphore, #tpu.memory_space<semaphore_mem>>)
      %gt3A_163 = arith.constant 0 : i32
      %gt3A_164 = arith.cmpi sgt, %scan3A_99, %gt3A_163 : i32
      %convert_element_type3A_165 = arith.extui %gt3A_164 : i1 to i32
      %cond3A_166 = arith.constant 0 : i32
      %cond3A_167 = arith.cmpi ne, %convert_element_type3A_165, %cond3A_166 : i32
      scf.if %cond3A_167 {
        %dma_wait3A_422 = arith.constant 0 : i32
        %dma_wait3A_423 = arith.constant 875 : i32
        %dma_wait3A_424 = arith.constant 0 : i32
        %dma_wait3A_425 = tpu.memref_slice %arg9[%dma_wait3A_423, %dma_wait3A_424] : memref<1000x48xf32, #tpu.memory_space<vmem>> -> memref<125x48xf32, #tpu.memory_space<vmem>>
        %dma_wait3A_426 = arith.constant 0 : i32
        %dma_wait3A_427 = tpu.memref_slice %arg8[%dma_wait3A_422, %dma_wait3A_426] : memref<80x125xi32, #tpu.memory_space<vmem>> -> memref<1x125xi32, #tpu.memory_space<vmem>>
        %dma_wait3A_428 = tpu.memref_squeeze %dma_wait3A_427 : memref<1x125xi32, #tpu.memory_space<vmem>> -> memref<125xi32, #tpu.memory_space<vmem>>
        %dma_wait3A_429 = arith.constant 0 : i32
        %dma_wait3A_430 = arith.constant 0 : i32
        %dma_wait3A_431 = tpu.memref_slice %arg10[%dma_wait3A_429, %dma_wait3A_430] : memref<10240x48xf32, #tpu.memory_space<vmem_shared>> -> memref<10240x48xf32, #tpu.memory_space<vmem_shared>>
        tpu.wait_indirect_dma semaphore(%arg26 : memref<!tpu.dma_semaphore, #tpu.memory_space<semaphore_mem>>) src(%dma_wait3A_425 : memref<125x48xf32, #tpu.memory_space<vmem>>) dst(%dma_wait3A_431 : memref<10240x48xf32, #tpu.memory_space<vmem_shared>>)
      } else {
      }
      %add3A_168 = arith.constant 1 : i32
      %add3A_169 = arith.addi %add3A_103, %add3A_168 : i32
      %mul3A_170 = arith.constant 4 : i32
      %mul3A_171 = arith.muli %add3A_169, %mul3A_170 : i32
      %add3A_172 = arith.constant 3 : i32
      %add3A_173 = arith.addi %mul3A_171, %add3A_172 : i32
      %dma_start3A_174 = arith.constant 875 : i32
      %dma_start3A_175 = arith.constant 0 : i32
      %dma_start3A_176 = tpu.memref_slice %arg9[%dma_start3A_174, %dma_start3A_175] : memref<1000x48xf32, #tpu.memory_space<vmem>> -> memref<125x48xf32, #tpu.memory_space<vmem>>
      %dma_start3A_177 = arith.constant 0 : i32
      %dma_start3A_178 = tpu.memref_slice %arg7[%add3A_173, %dma_start3A_177] : memref<80x125xi32, #tpu.memory_space<vmem>> -> memref<1x125xi32, #tpu.memory_space<vmem>>
      %dma_start3A_179 = tpu.memref_squeeze %dma_start3A_178 : memref<1x125xi32, #tpu.memory_space<vmem>> -> memref<125xi32, #tpu.memory_space<vmem>>
      %dma_start3A_180 = arith.constant 0 : i32
      %dma_start3A_181 = arith.constant 0 : i32
      %dma_start3A_182 = tpu.memref_slice %arg2[%dma_start3A_180, %dma_start3A_181] : memref<10240x48xf32, #tpu.memory_space<hbm>> -> memref<10240x48xf32, #tpu.memory_space<hbm>>
      tpu.enqueue_indirect_dma source(%dma_start3A_182 : memref<10240x48xf32, #tpu.memory_space<hbm>>) target(%dma_start3A_176 : memref<125x48xf32, #tpu.memory_space<vmem>>) offsets(%dma_start3A_179 : memref<125xi32, #tpu.memory_space<vmem>>) semaphore(%arg18 : memref<!tpu.dma_semaphore, #tpu.memory_space<semaphore_mem>>)
      %mul3A_183 = arith.constant 4 : i32
      %mul3A_184 = arith.muli %add3A_103, %mul3A_183 : i32
      %add3A_185 = arith.constant 0 : i32
      %add3A_186 = arith.addi %mul3A_184, %add3A_185 : i32
      %dma_wait3A_187 = arith.constant 0 : i32
      %dma_wait3A_188 = arith.constant 0 : i32
      %dma_wait3A_189 = tpu.memref_slice %arg9[%dma_wait3A_187, %dma_wait3A_188] : memref<1000x48xf32, #tpu.memory_space<vmem>> -> memref<125x48xf32, #tpu.memory_space<vmem>>
      %dma_wait3A_190 = arith.constant 0 : i32
      %dma_wait3A_191 = tpu.memref_slice %arg7[%add3A_186, %dma_wait3A_190] : memref<80x125xi32, #tpu.memory_space<vmem>> -> memref<1x125xi32, #tpu.memory_space<vmem>>
      %dma_wait3A_192 = tpu.memref_squeeze %dma_wait3A_191 : memref<1x125xi32, #tpu.memory_space<vmem>> -> memref<125xi32, #tpu.memory_space<vmem>>
      %dma_wait3A_193 = arith.constant 0 : i32
      %dma_wait3A_194 = arith.constant 0 : i32
      %dma_wait3A_195 = tpu.memref_slice %arg2[%dma_wait3A_193, %dma_wait3A_194] : memref<10240x48xf32, #tpu.memory_space<hbm>> -> memref<10240x48xf32, #tpu.memory_space<hbm>>
      tpu.wait_indirect_dma semaphore(%arg11 : memref<!tpu.dma_semaphore, #tpu.memory_space<semaphore_mem>>) src(%dma_wait3A_195 : memref<10240x48xf32, #tpu.memory_space<hbm>>) dst(%dma_wait3A_189 : memref<125x48xf32, #tpu.memory_space<vmem>>)
      %dma_start3A_196 = arith.constant 0 : i32
      %dma_start3A_197 = arith.constant 0 : i32
      %dma_start3A_198 = tpu.memref_slice %arg9[%dma_start3A_196, %dma_start3A_197] : memref<1000x48xf32, #tpu.memory_space<vmem>> -> memref<125x48xf32, #tpu.memory_space<vmem>>
      %dma_start3A_199 = arith.constant 0 : i32
      %dma_start3A_200 = tpu.memref_slice %arg8[%add3A_186, %dma_start3A_199] : memref<80x125xi32, #tpu.memory_space<vmem>> -> memref<1x125xi32, #tpu.memory_space<vmem>>
      %dma_start3A_201 = tpu.memref_squeeze %dma_start3A_200 : memref<1x125xi32, #tpu.memory_space<vmem>> -> memref<125xi32, #tpu.memory_space<vmem>>
      %dma_start3A_202 = arith.constant 0 : i32
      %dma_start3A_203 = arith.constant 0 : i32
      %dma_start3A_204 = tpu.memref_slice %arg10[%dma_start3A_202, %dma_start3A_203] : memref<10240x48xf32, #tpu.memory_space<vmem_shared>> -> memref<10240x48xf32, #tpu.memory_space<vmem_shared>>
      tpu.enqueue_indirect_dma source(%dma_start3A_198 : memref<125x48xf32, #tpu.memory_space<vmem>>) target(%dma_start3A_204 : memref<10240x48xf32, #tpu.memory_space<vmem_shared>>) offsets(%dma_start3A_201 : memref<125xi32, #tpu.memory_space<vmem>>) semaphore(%arg19 : memref<!tpu.dma_semaphore, #tpu.memory_space<semaphore_mem>>) {add = true}
      %mul3A_205 = arith.constant 4 : i32
      %mul3A_206 = arith.muli %add3A_103, %mul3A_205 : i32
      %add3A_207 = arith.constant 1 : i32
      %add3A_208 = arith.addi %mul3A_206, %add3A_207 : i32
      %dma_wait3A_209 = arith.constant 125 : i32
      %dma_wait3A_210 = arith.constant 0 : i32
      %dma_wait3A_211 = tpu.memref_slice %arg9[%dma_wait3A_209, %dma_wait3A_210] : memref<1000x48xf32, #tpu.memory_space<vmem>> -> memref<125x48xf32, #tpu.memory_space<vmem>>
      %dma_wait3A_212 = arith.constant 0 : i32
      %dma_wait3A_213 = tpu.memref_slice %arg7[%add3A_208, %dma_wait3A_212] : memref<80x125xi32, #tpu.memory_space<vmem>> -> memref<1x125xi32, #tpu.memory_space<vmem>>
      %dma_wait3A_214 = tpu.memref_squeeze %dma_wait3A_213 : memref<1x125xi32, #tpu.memory_space<vmem>> -> memref<125xi32, #tpu.memory_space<vmem>>
      %dma_wait3A_215 = arith.constant 0 : i32
      %dma_wait3A_216 = arith.constant 0 : i32
      %dma_wait3A_217 = tpu.memref_slice %arg2[%dma_wait3A_215, %dma_wait3A_216] : memref<10240x48xf32, #tpu.memory_space<hbm>> -> memref<10240x48xf32, #tpu.memory_space<hbm>>
      tpu.wait_indirect_dma semaphore(%arg12 : memref<!tpu.dma_semaphore, #tpu.memory_space<semaphore_mem>>) src(%dma_wait3A_217 : memref<10240x48xf32, #tpu.memory_space<hbm>>) dst(%dma_wait3A_211 : memref<125x48xf32, #tpu.memory_space<vmem>>)
      %dma_start3A_218 = arith.constant 125 : i32
      %dma_start3A_219 = arith.constant 0 : i32
      %dma_start3A_220 = tpu.memref_slice %arg9[%dma_start3A_218, %dma_start3A_219] : memref<1000x48xf32, #tpu.memory_space<vmem>> -> memref<125x48xf32, #tpu.memory_space<vmem>>
      %dma_start3A_221 = arith.constant 0 : i32
      %dma_start3A_222 = tpu.memref_slice %arg8[%add3A_208, %dma_start3A_221] : memref<80x125xi32, #tpu.memory_space<vmem>> -> memref<1x125xi32, #tpu.memory_space<vmem>>
      %dma_start3A_223 = tpu.memref_squeeze %dma_start3A_222 : memref<1x125xi32, #tpu.memory_space<vmem>> -> memref<125xi32, #tpu.memory_space<vmem>>
      %dma_start3A_224 = arith.constant 0 : i32
      %dma_start3A_225 = arith.constant 0 : i32
      %dma_start3A_226 = tpu.memref_slice %arg10[%dma_start3A_224, %dma_start3A_225] : memref<10240x48xf32, #tpu.memory_space<vmem_shared>> -> memref<10240x48xf32, #tpu.memory_space<vmem_shared>>
      tpu.enqueue_indirect_dma source(%dma_start3A_220 : memref<125x48xf32, #tpu.memory_space<vmem>>) target(%dma_start3A_226 : memref<10240x48xf32, #tpu.memory_space<vmem_shared>>) offsets(%dma_start3A_223 : memref<125xi32, #tpu.memory_space<vmem>>) semaphore(%arg20 : memref<!tpu.dma_semaphore, #tpu.memory_space<semaphore_mem>>) {add = true}
      %mul3A_227 = arith.constant 4 : i32
      %mul3A_228 = arith.muli %add3A_103, %mul3A_227 : i32
      %add3A_229 = arith.constant 2 : i32
      %add3A_230 = arith.addi %mul3A_228, %add3A_229 : i32
      %dma_wait3A_231 = arith.constant 250 : i32
      %dma_wait3A_232 = arith.constant 0 : i32
      %dma_wait3A_233 = tpu.memref_slice %arg9[%dma_wait3A_231, %dma_wait3A_232] : memref<1000x48xf32, #tpu.memory_space<vmem>> -> memref<125x48xf32, #tpu.memory_space<vmem>>
      %dma_wait3A_234 = arith.constant 0 : i32
      %dma_wait3A_235 = tpu.memref_slice %arg7[%add3A_230, %dma_wait3A_234] : memref<80x125xi32, #tpu.memory_space<vmem>> -> memref<1x125xi32, #tpu.memory_space<vmem>>
      %dma_wait3A_236 = tpu.memref_squeeze %dma_wait3A_235 : memref<1x125xi32, #tpu.memory_space<vmem>> -> memref<125xi32, #tpu.memory_space<vmem>>
      %dma_wait3A_237 = arith.constant 0 : i32
      %dma_wait3A_238 = arith.constant 0 : i32
      %dma_wait3A_239 = tpu.memref_slice %arg2[%dma_wait3A_237, %dma_wait3A_238] : memref<10240x48xf32, #tpu.memory_space<hbm>> -> memref<10240x48xf32, #tpu.memory_space<hbm>>
      tpu.wait_indirect_dma semaphore(%arg13 : memref<!tpu.dma_semaphore, #tpu.memory_space<semaphore_mem>>) src(%dma_wait3A_239 : memref<10240x48xf32, #tpu.memory_space<hbm>>) dst(%dma_wait3A_233 : memref<125x48xf32, #tpu.memory_space<vmem>>)
      %dma_start3A_240 = arith.constant 250 : i32
      %dma_start3A_241 = arith.constant 0 : i32
      %dma_start3A_242 = tpu.memref_slice %arg9[%dma_start3A_240, %dma_start3A_241] : memref<1000x48xf32, #tpu.memory_space<vmem>> -> memref<125x48xf32, #tpu.memory_space<vmem>>
      %dma_start3A_243 = arith.constant 0 : i32
      %dma_start3A_244 = tpu.memref_slice %arg8[%add3A_230, %dma_start3A_243] : memref<80x125xi32, #tpu.memory_space<vmem>> -> memref<1x125xi32, #tpu.memory_space<vmem>>
      %dma_start3A_245 = tpu.memref_squeeze %dma_start3A_244 : memref<1x125xi32, #tpu.memory_space<vmem>> -> memref<125xi32, #tpu.memory_space<vmem>>
      %dma_start3A_246 = arith.constant 0 : i32
      %dma_start3A_247 = arith.constant 0 : i32
      %dma_start3A_248 = tpu.memref_slice %arg10[%dma_start3A_246, %dma_start3A_247] : memref<10240x48xf32, #tpu.memory_space<vmem_shared>> -> memref<10240x48xf32, #tpu.memory_space<vmem_shared>>
      tpu.enqueue_indirect_dma source(%dma_start3A_242 : memref<125x48xf32, #tpu.memory_space<vmem>>) target(%dma_start3A_248 : memref<10240x48xf32, #tpu.memory_space<vmem_shared>>) offsets(%dma_start3A_245 : memref<125xi32, #tpu.memory_space<vmem>>) semaphore(%arg21 : memref<!tpu.dma_semaphore, #tpu.memory_space<semaphore_mem>>) {add = true}
      %mul3A_249 = arith.constant 4 : i32
      %mul3A_250 = arith.muli %add3A_103, %mul3A_249 : i32
      %add3A_251 = arith.constant 3 : i32
      %add3A_252 = arith.addi %mul3A_250, %add3A_251 : i32
      %dma_wait3A_253 = arith.constant 375 : i32
      %dma_wait3A_254 = arith.constant 0 : i32
      %dma_wait3A_255 = tpu.memref_slice %arg9[%dma_wait3A_253, %dma_wait3A_254] : memref<1000x48xf32, #tpu.memory_space<vmem>> -> memref<125x48xf32, #tpu.memory_space<vmem>>
      %dma_wait3A_256 = arith.constant 0 : i32
      %dma_wait3A_257 = tpu.memref_slice %arg7[%add3A_252, %dma_wait3A_256] : memref<80x125xi32, #tpu.memory_space<vmem>> -> memref<1x125xi32, #tpu.memory_space<vmem>>
      %dma_wait3A_258 = tpu.memref_squeeze %dma_wait3A_257 : memref<1x125xi32, #tpu.memory_space<vmem>> -> memref<125xi32, #tpu.memory_space<vmem>>
      %dma_wait3A_259 = arith.constant 0 : i32
      %dma_wait3A_260 = arith.constant 0 : i32
      %dma_wait3A_261 = tpu.memref_slice %arg2[%dma_wait3A_259, %dma_wait3A_260] : memref<10240x48xf32, #tpu.memory_space<hbm>> -> memref<10240x48xf32, #tpu.memory_space<hbm>>
      tpu.wait_indirect_dma semaphore(%arg14 : memref<!tpu.dma_semaphore, #tpu.memory_space<semaphore_mem>>) src(%dma_wait3A_261 : memref<10240x48xf32, #tpu.memory_space<hbm>>) dst(%dma_wait3A_255 : memref<125x48xf32, #tpu.memory_space<vmem>>)
      %dma_start3A_262 = arith.constant 375 : i32
      %dma_start3A_263 = arith.constant 0 : i32
      %dma_start3A_264 = tpu.memref_slice %arg9[%dma_start3A_262, %dma_start3A_263] : memref<1000x48xf32, #tpu.memory_space<vmem>> -> memref<125x48xf32, #tpu.memory_space<vmem>>
      %dma_start3A_265 = arith.constant 0 : i32
      %dma_start3A_266 = tpu.memref_slice %arg8[%add3A_252, %dma_start3A_265] : memref<80x125xi32, #tpu.memory_space<vmem>> -> memref<1x125xi32, #tpu.memory_space<vmem>>
      %dma_start3A_267 = tpu.memref_squeeze %dma_start3A_266 : memref<1x125xi32, #tpu.memory_space<vmem>> -> memref<125xi32, #tpu.memory_space<vmem>>
      %dma_start3A_268 = arith.constant 0 : i32
      %dma_start3A_269 = arith.constant 0 : i32
      %dma_start3A_270 = tpu.memref_slice %arg10[%dma_start3A_268, %dma_start3A_269] : memref<10240x48xf32, #tpu.memory_space<vmem_shared>> -> memref<10240x48xf32, #tpu.memory_space<vmem_shared>>
      tpu.enqueue_indirect_dma source(%dma_start3A_264 : memref<125x48xf32, #tpu.memory_space<vmem>>) target(%dma_start3A_270 : memref<10240x48xf32, #tpu.memory_space<vmem_shared>>) offsets(%dma_start3A_267 : memref<125xi32, #tpu.memory_space<vmem>>) semaphore(%arg22 : memref<!tpu.dma_semaphore, #tpu.memory_space<semaphore_mem>>) {add = true}
      %mul3A_271 = arith.constant 2 : i32
      %mul3A_272 = arith.muli %mul3A_271, %scan3A_99 : i32
      %add3A_273 = arith.constant 1 : i32
      %add3A_274 = arith.addi %mul3A_272, %add3A_273 : i32
      %dma_wait3A_275 = arith.constant 0 : i32
      %dma_wait3A_276 = arith.constant 0 : i32
      %dma_wait3A_277 = arith.constant 0 : i32
      %dma_wait3A_278 = tpu.memref_slice %arg9[%dma_wait3A_276, %dma_wait3A_277] : memref<1000x48xf32, #tpu.memory_space<vmem>> -> memref<125x48xf32, #tpu.memory_space<vmem>>
      %dma_wait3A_279 = arith.constant 0 : i32
      %dma_wait3A_280 = tpu.memref_slice %arg8[%dma_wait3A_275, %dma_wait3A_279] : memref<80x125xi32, #tpu.memory_space<vmem>> -> memref<1x125xi32, #tpu.memory_space<vmem>>
      %dma_wait3A_281 = tpu.memref_squeeze %dma_wait3A_280 : memref<1x125xi32, #tpu.memory_space<vmem>> -> memref<125xi32, #tpu.memory_space<vmem>>
      %dma_wait3A_282 = arith.constant 0 : i32
      %dma_wait3A_283 = arith.constant 0 : i32
      %dma_wait3A_284 = tpu.memref_slice %arg10[%dma_wait3A_282, %dma_wait3A_283] : memref<10240x48xf32, #tpu.memory_space<vmem_shared>> -> memref<10240x48xf32, #tpu.memory_space<vmem_shared>>
      tpu.wait_indirect_dma semaphore(%arg19 : memref<!tpu.dma_semaphore, #tpu.memory_space<semaphore_mem>>) src(%dma_wait3A_278 : memref<125x48xf32, #tpu.memory_space<vmem>>) dst(%dma_wait3A_284 : memref<10240x48xf32, #tpu.memory_space<vmem_shared>>)
      %lt3A = arith.constant 9 : i32
      %lt3A_285 = arith.cmpi slt, %scan3A_99, %lt3A : i32
      %convert_element_type3A_286 = arith.extui %lt3A_285 : i1 to i32
      %cond3A_287 = arith.constant 0 : i32
      %cond3A_288 = arith.cmpi ne, %convert_element_type3A_286, %cond3A_287 : i32
      scf.if %cond3A_288 {
        %add3A_422 = arith.constant 1 : i32
        %add3A_423 = arith.addi %add3A_274, %add3A_422 : i32
        %mul3A_424 = arith.constant 4 : i32
        %mul3A_425 = arith.muli %add3A_423, %mul3A_424 : i32
        %add3A_426 = arith.constant 0 : i32
        %add3A_427 = arith.addi %mul3A_425, %add3A_426 : i32
        %dma_start3A_428 = arith.constant 0 : i32
        %dma_start3A_429 = arith.constant 0 : i32
        %dma_start3A_430 = tpu.memref_slice %arg9[%dma_start3A_428, %dma_start3A_429] : memref<1000x48xf32, #tpu.memory_space<vmem>> -> memref<125x48xf32, #tpu.memory_space<vmem>>
        %dma_start3A_431 = arith.constant 0 : i32
        %dma_start3A_432 = tpu.memref_slice %arg7[%add3A_427, %dma_start3A_431] : memref<80x125xi32, #tpu.memory_space<vmem>> -> memref<1x125xi32, #tpu.memory_space<vmem>>
        %dma_start3A_433 = tpu.memref_squeeze %dma_start3A_432 : memref<1x125xi32, #tpu.memory_space<vmem>> -> memref<125xi32, #tpu.memory_space<vmem>>
        %dma_start3A_434 = arith.constant 0 : i32
        %dma_start3A_435 = arith.constant 0 : i32
        %dma_start3A_436 = tpu.memref_slice %arg2[%dma_start3A_434, %dma_start3A_435] : memref<10240x48xf32, #tpu.memory_space<hbm>> -> memref<10240x48xf32, #tpu.memory_space<hbm>>
        tpu.enqueue_indirect_dma source(%dma_start3A_436 : memref<10240x48xf32, #tpu.memory_space<hbm>>) target(%dma_start3A_430 : memref<125x48xf32, #tpu.memory_space<vmem>>) offsets(%dma_start3A_433 : memref<125xi32, #tpu.memory_space<vmem>>) semaphore(%arg11 : memref<!tpu.dma_semaphore, #tpu.memory_space<semaphore_mem>>)
      } else {
      }
      %dma_wait3A_289 = arith.constant 0 : i32
      %dma_wait3A_290 = arith.constant 125 : i32
      %dma_wait3A_291 = arith.constant 0 : i32
      %dma_wait3A_292 = tpu.memref_slice %arg9[%dma_wait3A_290, %dma_wait3A_291] : memref<1000x48xf32, #tpu.memory_space<vmem>> -> memref<125x48xf32, #tpu.memory_space<vmem>>
      %dma_wait3A_293 = arith.constant 0 : i32
      %dma_wait3A_294 = tpu.memref_slice %arg8[%dma_wait3A_289, %dma_wait3A_293] : memref<80x125xi32, #tpu.memory_space<vmem>> -> memref<1x125xi32, #tpu.memory_space<vmem>>
      %dma_wait3A_295 = tpu.memref_squeeze %dma_wait3A_294 : memref<1x125xi32, #tpu.memory_space<vmem>> -> memref<125xi32, #tpu.memory_space<vmem>>
      %dma_wait3A_296 = arith.constant 0 : i32
      %dma_wait3A_297 = arith.constant 0 : i32
      %dma_wait3A_298 = tpu.memref_slice %arg10[%dma_wait3A_296, %dma_wait3A_297] : memref<10240x48xf32, #tpu.memory_space<vmem_shared>> -> memref<10240x48xf32, #tpu.memory_space<vmem_shared>>
      tpu.wait_indirect_dma semaphore(%arg20 : memref<!tpu.dma_semaphore, #tpu.memory_space<semaphore_mem>>) src(%dma_wait3A_292 : memref<125x48xf32, #tpu.memory_space<vmem>>) dst(%dma_wait3A_298 : memref<10240x48xf32, #tpu.memory_space<vmem_shared>>)
      %lt3A_299 = arith.constant 9 : i32
      %lt3A_300 = arith.cmpi slt, %scan3A_99, %lt3A_299 : i32
      %convert_element_type3A_301 = arith.extui %lt3A_300 : i1 to i32
      %cond3A_302 = arith.constant 0 : i32
      %cond3A_303 = arith.cmpi ne, %convert_element_type3A_301, %cond3A_302 : i32
      scf.if %cond3A_303 {
        %add3A_422 = arith.constant 1 : i32
        %add3A_423 = arith.addi %add3A_274, %add3A_422 : i32
        %mul3A_424 = arith.constant 4 : i32
        %mul3A_425 = arith.muli %add3A_423, %mul3A_424 : i32
        %add3A_426 = arith.constant 1 : i32
        %add3A_427 = arith.addi %mul3A_425, %add3A_426 : i32
        %dma_start3A_428 = arith.constant 125 : i32
        %dma_start3A_429 = arith.constant 0 : i32
        %dma_start3A_430 = tpu.memref_slice %arg9[%dma_start3A_428, %dma_start3A_429] : memref<1000x48xf32, #tpu.memory_space<vmem>> -> memref<125x48xf32, #tpu.memory_space<vmem>>
        %dma_start3A_431 = arith.constant 0 : i32
        %dma_start3A_432 = tpu.memref_slice %arg7[%add3A_427, %dma_start3A_431] : memref<80x125xi32, #tpu.memory_space<vmem>> -> memref<1x125xi32, #tpu.memory_space<vmem>>
        %dma_start3A_433 = tpu.memref_squeeze %dma_start3A_432 : memref<1x125xi32, #tpu.memory_space<vmem>> -> memref<125xi32, #tpu.memory_space<vmem>>
        %dma_start3A_434 = arith.constant 0 : i32
        %dma_start3A_435 = arith.constant 0 : i32
        %dma_start3A_436 = tpu.memref_slice %arg2[%dma_start3A_434, %dma_start3A_435] : memref<10240x48xf32, #tpu.memory_space<hbm>> -> memref<10240x48xf32, #tpu.memory_space<hbm>>
        tpu.enqueue_indirect_dma source(%dma_start3A_436 : memref<10240x48xf32, #tpu.memory_space<hbm>>) target(%dma_start3A_430 : memref<125x48xf32, #tpu.memory_space<vmem>>) offsets(%dma_start3A_433 : memref<125xi32, #tpu.memory_space<vmem>>) semaphore(%arg12 : memref<!tpu.dma_semaphore, #tpu.memory_space<semaphore_mem>>)
      } else {
      }
      %dma_wait3A_304 = arith.constant 0 : i32
      %dma_wait3A_305 = arith.constant 250 : i32
      %dma_wait3A_306 = arith.constant 0 : i32
      %dma_wait3A_307 = tpu.memref_slice %arg9[%dma_wait3A_305, %dma_wait3A_306] : memref<1000x48xf32, #tpu.memory_space<vmem>> -> memref<125x48xf32, #tpu.memory_space<vmem>>
      %dma_wait3A_308 = arith.constant 0 : i32
      %dma_wait3A_309 = tpu.memref_slice %arg8[%dma_wait3A_304, %dma_wait3A_308] : memref<80x125xi32, #tpu.memory_space<vmem>> -> memref<1x125xi32, #tpu.memory_space<vmem>>
      %dma_wait3A_310 = tpu.memref_squeeze %dma_wait3A_309 : memref<1x125xi32, #tpu.memory_space<vmem>> -> memref<125xi32, #tpu.memory_space<vmem>>
      %dma_wait3A_311 = arith.constant 0 : i32
      %dma_wait3A_312 = arith.constant 0 : i32
      %dma_wait3A_313 = tpu.memref_slice %arg10[%dma_wait3A_311, %dma_wait3A_312] : memref<10240x48xf32, #tpu.memory_space<vmem_shared>> -> memref<10240x48xf32, #tpu.memory_space<vmem_shared>>
      tpu.wait_indirect_dma semaphore(%arg21 : memref<!tpu.dma_semaphore, #tpu.memory_space<semaphore_mem>>) src(%dma_wait3A_307 : memref<125x48xf32, #tpu.memory_space<vmem>>) dst(%dma_wait3A_313 : memref<10240x48xf32, #tpu.memory_space<vmem_shared>>)
      %lt3A_314 = arith.constant 9 : i32
      %lt3A_315 = arith.cmpi slt, %scan3A_99, %lt3A_314 : i32
      %convert_element_type3A_316 = arith.extui %lt3A_315 : i1 to i32
      %cond3A_317 = arith.constant 0 : i32
      %cond3A_318 = arith.cmpi ne, %convert_element_type3A_316, %cond3A_317 : i32
      scf.if %cond3A_318 {
        %add3A_422 = arith.constant 1 : i32
        %add3A_423 = arith.addi %add3A_274, %add3A_422 : i32
        %mul3A_424 = arith.constant 4 : i32
        %mul3A_425 = arith.muli %add3A_423, %mul3A_424 : i32
        %add3A_426 = arith.constant 2 : i32
        %add3A_427 = arith.addi %mul3A_425, %add3A_426 : i32
        %dma_start3A_428 = arith.constant 250 : i32
        %dma_start3A_429 = arith.constant 0 : i32
        %dma_start3A_430 = tpu.memref_slice %arg9[%dma_start3A_428, %dma_start3A_429] : memref<1000x48xf32, #tpu.memory_space<vmem>> -> memref<125x48xf32, #tpu.memory_space<vmem>>
        %dma_start3A_431 = arith.constant 0 : i32
        %dma_start3A_432 = tpu.memref_slice %arg7[%add3A_427, %dma_start3A_431] : memref<80x125xi32, #tpu.memory_space<vmem>> -> memref<1x125xi32, #tpu.memory_space<vmem>>
        %dma_start3A_433 = tpu.memref_squeeze %dma_start3A_432 : memref<1x125xi32, #tpu.memory_space<vmem>> -> memref<125xi32, #tpu.memory_space<vmem>>
        %dma_start3A_434 = arith.constant 0 : i32
        %dma_start3A_435 = arith.constant 0 : i32
        %dma_start3A_436 = tpu.memref_slice %arg2[%dma_start3A_434, %dma_start3A_435] : memref<10240x48xf32, #tpu.memory_space<hbm>> -> memref<10240x48xf32, #tpu.memory_space<hbm>>
        tpu.enqueue_indirect_dma source(%dma_start3A_436 : memref<10240x48xf32, #tpu.memory_space<hbm>>) target(%dma_start3A_430 : memref<125x48xf32, #tpu.memory_space<vmem>>) offsets(%dma_start3A_433 : memref<125xi32, #tpu.memory_space<vmem>>) semaphore(%arg13 : memref<!tpu.dma_semaphore, #tpu.memory_space<semaphore_mem>>)
      } else {
      }
      %dma_wait3A_319 = arith.constant 0 : i32
      %dma_wait3A_320 = arith.constant 375 : i32
      %dma_wait3A_321 = arith.constant 0 : i32
      %dma_wait3A_322 = tpu.memref_slice %arg9[%dma_wait3A_320, %dma_wait3A_321] : memref<1000x48xf32, #tpu.memory_space<vmem>> -> memref<125x48xf32, #tpu.memory_space<vmem>>
      %dma_wait3A_323 = arith.constant 0 : i32
      %dma_wait3A_324 = tpu.memref_slice %arg8[%dma_wait3A_319, %dma_wait3A_323] : memref<80x125xi32, #tpu.memory_space<vmem>> -> memref<1x125xi32, #tpu.memory_space<vmem>>
      %dma_wait3A_325 = tpu.memref_squeeze %dma_wait3A_324 : memref<1x125xi32, #tpu.memory_space<vmem>> -> memref<125xi32, #tpu.memory_space<vmem>>
      %dma_wait3A_326 = arith.constant 0 : i32
      %dma_wait3A_327 = arith.constant 0 : i32
      %dma_wait3A_328 = tpu.memref_slice %arg10[%dma_wait3A_326, %dma_wait3A_327] : memref<10240x48xf32, #tpu.memory_space<vmem_shared>> -> memref<10240x48xf32, #tpu.memory_space<vmem_shared>>
      tpu.wait_indirect_dma semaphore(%arg22 : memref<!tpu.dma_semaphore, #tpu.memory_space<semaphore_mem>>) src(%dma_wait3A_322 : memref<125x48xf32, #tpu.memory_space<vmem>>) dst(%dma_wait3A_328 : memref<10240x48xf32, #tpu.memory_space<vmem_shared>>)
      %lt3A_329 = arith.constant 9 : i32
      %lt3A_330 = arith.cmpi slt, %scan3A_99, %lt3A_329 : i32
      %convert_element_type3A_331 = arith.extui %lt3A_330 : i1 to i32
      %cond3A_332 = arith.constant 0 : i32
      %cond3A_333 = arith.cmpi ne, %convert_element_type3A_331, %cond3A_332 : i32
      scf.if %cond3A_333 {
        %add3A_422 = arith.constant 1 : i32
        %add3A_423 = arith.addi %add3A_274, %add3A_422 : i32
        %mul3A_424 = arith.constant 4 : i32
        %mul3A_425 = arith.muli %add3A_423, %mul3A_424 : i32
        %add3A_426 = arith.constant 3 : i32
        %add3A_427 = arith.addi %mul3A_425, %add3A_426 : i32
        %dma_start3A_428 = arith.constant 375 : i32
        %dma_start3A_429 = arith.constant 0 : i32
        %dma_start3A_430 = tpu.memref_slice %arg9[%dma_start3A_428, %dma_start3A_429] : memref<1000x48xf32, #tpu.memory_space<vmem>> -> memref<125x48xf32, #tpu.memory_space<vmem>>
        %dma_start3A_431 = arith.constant 0 : i32
        %dma_start3A_432 = tpu.memref_slice %arg7[%add3A_427, %dma_start3A_431] : memref<80x125xi32, #tpu.memory_space<vmem>> -> memref<1x125xi32, #tpu.memory_space<vmem>>
        %dma_start3A_433 = tpu.memref_squeeze %dma_start3A_432 : memref<1x125xi32, #tpu.memory_space<vmem>> -> memref<125xi32, #tpu.memory_space<vmem>>
        %dma_start3A_434 = arith.constant 0 : i32
        %dma_start3A_435 = arith.constant 0 : i32
        %dma_start3A_436 = tpu.memref_slice %arg2[%dma_start3A_434, %dma_start3A_435] : memref<10240x48xf32, #tpu.memory_space<hbm>> -> memref<10240x48xf32, #tpu.memory_space<hbm>>
        tpu.enqueue_indirect_dma source(%dma_start3A_436 : memref<10240x48xf32, #tpu.memory_space<hbm>>) target(%dma_start3A_430 : memref<125x48xf32, #tpu.memory_space<vmem>>) offsets(%dma_start3A_433 : memref<125xi32, #tpu.memory_space<vmem>>) semaphore(%arg14 : memref<!tpu.dma_semaphore, #tpu.memory_space<semaphore_mem>>)
      } else {
      }
      %mul3A_334 = arith.constant 4 : i32
      %mul3A_335 = arith.muli %add3A_274, %mul3A_334 : i32
      %add3A_336 = arith.constant 0 : i32
      %add3A_337 = arith.addi %mul3A_335, %add3A_336 : i32
      %dma_wait3A_338 = arith.constant 500 : i32
      %dma_wait3A_339 = arith.constant 0 : i32
      %dma_wait3A_340 = tpu.memref_slice %arg9[%dma_wait3A_338, %dma_wait3A_339] : memref<1000x48xf32, #tpu.memory_space<vmem>> -> memref<125x48xf32, #tpu.memory_space<vmem>>
      %dma_wait3A_341 = arith.constant 0 : i32
      %dma_wait3A_342 = tpu.memref_slice %arg7[%add3A_337, %dma_wait3A_341] : memref<80x125xi32, #tpu.memory_space<vmem>> -> memref<1x125xi32, #tpu.memory_space<vmem>>
      %dma_wait3A_343 = tpu.memref_squeeze %dma_wait3A_342 : memref<1x125xi32, #tpu.memory_space<vmem>> -> memref<125xi32, #tpu.memory_space<vmem>>
      %dma_wait3A_344 = arith.constant 0 : i32
      %dma_wait3A_345 = arith.constant 0 : i32
      %dma_wait3A_346 = tpu.memref_slice %arg2[%dma_wait3A_344, %dma_wait3A_345] : memref<10240x48xf32, #tpu.memory_space<hbm>> -> memref<10240x48xf32, #tpu.memory_space<hbm>>
      tpu.wait_indirect_dma semaphore(%arg15 : memref<!tpu.dma_semaphore, #tpu.memory_space<semaphore_mem>>) src(%dma_wait3A_346 : memref<10240x48xf32, #tpu.memory_space<hbm>>) dst(%dma_wait3A_340 : memref<125x48xf32, #tpu.memory_space<vmem>>)
      %dma_start3A_347 = arith.constant 500 : i32
      %dma_start3A_348 = arith.constant 0 : i32
      %dma_start3A_349 = tpu.memref_slice %arg9[%dma_start3A_347, %dma_start3A_348] : memref<1000x48xf32, #tpu.memory_space<vmem>> -> memref<125x48xf32, #tpu.memory_space<vmem>>
      %dma_start3A_350 = arith.constant 0 : i32
      %dma_start3A_351 = tpu.memref_slice %arg8[%add3A_337, %dma_start3A_350] : memref<80x125xi32, #tpu.memory_space<vmem>> -> memref<1x125xi32, #tpu.memory_space<vmem>>
      %dma_start3A_352 = tpu.memref_squeeze %dma_start3A_351 : memref<1x125xi32, #tpu.memory_space<vmem>> -> memref<125xi32, #tpu.memory_space<vmem>>
      %dma_start3A_353 = arith.constant 0 : i32
      %dma_start3A_354 = arith.constant 0 : i32
      %dma_start3A_355 = tpu.memref_slice %arg10[%dma_start3A_353, %dma_start3A_354] : memref<10240x48xf32, #tpu.memory_space<vmem_shared>> -> memref<10240x48xf32, #tpu.memory_space<vmem_shared>>
      tpu.enqueue_indirect_dma source(%dma_start3A_349 : memref<125x48xf32, #tpu.memory_space<vmem>>) target(%dma_start3A_355 : memref<10240x48xf32, #tpu.memory_space<vmem_shared>>) offsets(%dma_start3A_352 : memref<125xi32, #tpu.memory_space<vmem>>) semaphore(%arg23 : memref<!tpu.dma_semaphore, #tpu.memory_space<semaphore_mem>>) {add = true}
      %mul3A_356 = arith.constant 4 : i32
      %mul3A_357 = arith.muli %add3A_274, %mul3A_356 : i32
      %add3A_358 = arith.constant 1 : i32
      %add3A_359 = arith.addi %mul3A_357, %add3A_358 : i32
      %dma_wait3A_360 = arith.constant 625 : i32
      %dma_wait3A_361 = arith.constant 0 : i32
      %dma_wait3A_362 = tpu.memref_slice %arg9[%dma_wait3A_360, %dma_wait3A_361] : memref<1000x48xf32, #tpu.memory_space<vmem>> -> memref<125x48xf32, #tpu.memory_space<vmem>>
      %dma_wait3A_363 = arith.constant 0 : i32
      %dma_wait3A_364 = tpu.memref_slice %arg7[%add3A_359, %dma_wait3A_363] : memref<80x125xi32, #tpu.memory_space<vmem>> -> memref<1x125xi32, #tpu.memory_space<vmem>>
      %dma_wait3A_365 = tpu.memref_squeeze %dma_wait3A_364 : memref<1x125xi32, #tpu.memory_space<vmem>> -> memref<125xi32, #tpu.memory_space<vmem>>
      %dma_wait3A_366 = arith.constant 0 : i32
      %dma_wait3A_367 = arith.constant 0 : i32
      %dma_wait3A_368 = tpu.memref_slice %arg2[%dma_wait3A_366, %dma_wait3A_367] : memref<10240x48xf32, #tpu.memory_space<hbm>> -> memref<10240x48xf32, #tpu.memory_space<hbm>>
      tpu.wait_indirect_dma semaphore(%arg16 : memref<!tpu.dma_semaphore, #tpu.memory_space<semaphore_mem>>) src(%dma_wait3A_368 : memref<10240x48xf32, #tpu.memory_space<hbm>>) dst(%dma_wait3A_362 : memref<125x48xf32, #tpu.memory_space<vmem>>)
      %dma_start3A_369 = arith.constant 625 : i32
      %dma_start3A_370 = arith.constant 0 : i32
      %dma_start3A_371 = tpu.memref_slice %arg9[%dma_start3A_369, %dma_start3A_370] : memref<1000x48xf32, #tpu.memory_space<vmem>> -> memref<125x48xf32, #tpu.memory_space<vmem>>
      %dma_start3A_372 = arith.constant 0 : i32
      %dma_start3A_373 = tpu.memref_slice %arg8[%add3A_359, %dma_start3A_372] : memref<80x125xi32, #tpu.memory_space<vmem>> -> memref<1x125xi32, #tpu.memory_space<vmem>>
      %dma_start3A_374 = tpu.memref_squeeze %dma_start3A_373 : memref<1x125xi32, #tpu.memory_space<vmem>> -> memref<125xi32, #tpu.memory_space<vmem>>
      %dma_start3A_375 = arith.constant 0 : i32
      %dma_start3A_376 = arith.constant 0 : i32
      %dma_start3A_377 = tpu.memref_slice %arg10[%dma_start3A_375, %dma_start3A_376] : memref<10240x48xf32, #tpu.memory_space<vmem_shared>> -> memref<10240x48xf32, #tpu.memory_space<vmem_shared>>
      tpu.enqueue_indirect_dma source(%dma_start3A_371 : memref<125x48xf32, #tpu.memory_space<vmem>>) target(%dma_start3A_377 : memref<10240x48xf32, #tpu.memory_space<vmem_shared>>) offsets(%dma_start3A_374 : memref<125xi32, #tpu.memory_space<vmem>>) semaphore(%arg24 : memref<!tpu.dma_semaphore, #tpu.memory_space<semaphore_mem>>) {add = true}
      %mul3A_378 = arith.constant 4 : i32
      %mul3A_379 = arith.muli %add3A_274, %mul3A_378 : i32
      %add3A_380 = arith.constant 2 : i32
      %add3A_381 = arith.addi %mul3A_379, %add3A_380 : i32
      %dma_wait3A_382 = arith.constant 750 : i32
      %dma_wait3A_383 = arith.constant 0 : i32
      %dma_wait3A_384 = tpu.memref_slice %arg9[%dma_wait3A_382, %dma_wait3A_383] : memref<1000x48xf32, #tpu.memory_space<vmem>> -> memref<125x48xf32, #tpu.memory_space<vmem>>
      %dma_wait3A_385 = arith.constant 0 : i32
      %dma_wait3A_386 = tpu.memref_slice %arg7[%add3A_381, %dma_wait3A_385] : memref<80x125xi32, #tpu.memory_space<vmem>> -> memref<1x125xi32, #tpu.memory_space<vmem>>
      %dma_wait3A_387 = tpu.memref_squeeze %dma_wait3A_386 : memref<1x125xi32, #tpu.memory_space<vmem>> -> memref<125xi32, #tpu.memory_space<vmem>>
      %dma_wait3A_388 = arith.constant 0 : i32
      %dma_wait3A_389 = arith.constant 0 : i32
      %dma_wait3A_390 = tpu.memref_slice %arg2[%dma_wait3A_388, %dma_wait3A_389] : memref<10240x48xf32, #tpu.memory_space<hbm>> -> memref<10240x48xf32, #tpu.memory_space<hbm>>
      tpu.wait_indirect_dma semaphore(%arg17 : memref<!tpu.dma_semaphore, #tpu.memory_space<semaphore_mem>>) src(%dma_wait3A_390 : memref<10240x48xf32, #tpu.memory_space<hbm>>) dst(%dma_wait3A_384 : memref<125x48xf32, #tpu.memory_space<vmem>>)
      %dma_start3A_391 = arith.constant 750 : i32
      %dma_start3A_392 = arith.constant 0 : i32
      %dma_start3A_393 = tpu.memref_slice %arg9[%dma_start3A_391, %dma_start3A_392] : memref<1000x48xf32, #tpu.memory_space<vmem>> -> memref<125x48xf32, #tpu.memory_space<vmem>>
      %dma_start3A_394 = arith.constant 0 : i32
      %dma_start3A_395 = tpu.memref_slice %arg8[%add3A_381, %dma_start3A_394] : memref<80x125xi32, #tpu.memory_space<vmem>> -> memref<1x125xi32, #tpu.memory_space<vmem>>
      %dma_start3A_396 = tpu.memref_squeeze %dma_start3A_395 : memref<1x125xi32, #tpu.memory_space<vmem>> -> memref<125xi32, #tpu.memory_space<vmem>>
      %dma_start3A_397 = arith.constant 0 : i32
      %dma_start3A_398 = arith.constant 0 : i32
      %dma_start3A_399 = tpu.memref_slice %arg10[%dma_start3A_397, %dma_start3A_398] : memref<10240x48xf32, #tpu.memory_space<vmem_shared>> -> memref<10240x48xf32, #tpu.memory_space<vmem_shared>>
      tpu.enqueue_indirect_dma source(%dma_start3A_393 : memref<125x48xf32, #tpu.memory_space<vmem>>) target(%dma_start3A_399 : memref<10240x48xf32, #tpu.memory_space<vmem_shared>>) offsets(%dma_start3A_396 : memref<125xi32, #tpu.memory_space<vmem>>) semaphore(%arg25 : memref<!tpu.dma_semaphore, #tpu.memory_space<semaphore_mem>>) {add = true}
      %mul3A_400 = arith.constant 4 : i32
      %mul3A_401 = arith.muli %add3A_274, %mul3A_400 : i32
      %add3A_402 = arith.constant 3 : i32
      %add3A_403 = arith.addi %mul3A_401, %add3A_402 : i32
      %dma_wait3A_404 = arith.constant 875 : i32
      %dma_wait3A_405 = arith.constant 0 : i32
      %dma_wait3A_406 = tpu.memref_slice %arg9[%dma_wait3A_404, %dma_wait3A_405] : memref<1000x48xf32, #tpu.memory_space<vmem>> -> memref<125x48xf32, #tpu.memory_space<vmem>>
      %dma_wait3A_407 = arith.constant 0 : i32
      %dma_wait3A_408 = tpu.memref_slice %arg7[%add3A_403, %dma_wait3A_407] : memref<80x125xi32, #tpu.memory_space<vmem>> -> memref<1x125xi32, #tpu.memory_space<vmem>>
      %dma_wait3A_409 = tpu.memref_squeeze %dma_wait3A_408 : memref<1x125xi32, #tpu.memory_space<vmem>> -> memref<125xi32, #tpu.memory_space<vmem>>
      %dma_wait3A_410 = arith.constant 0 : i32
      %dma_wait3A_411 = arith.constant 0 : i32
      %dma_wait3A_412 = tpu.memref_slice %arg2[%dma_wait3A_410, %dma_wait3A_411] : memref<10240x48xf32, #tpu.memory_space<hbm>> -> memref<10240x48xf32, #tpu.memory_space<hbm>>
      tpu.wait_indirect_dma semaphore(%arg18 : memref<!tpu.dma_semaphore, #tpu.memory_space<semaphore_mem>>) src(%dma_wait3A_412 : memref<10240x48xf32, #tpu.memory_space<hbm>>) dst(%dma_wait3A_406 : memref<125x48xf32, #tpu.memory_space<vmem>>)
      %dma_start3A_413 = arith.constant 875 : i32
      %dma_start3A_414 = arith.constant 0 : i32
      %dma_start3A_415 = tpu.memref_slice %arg9[%dma_start3A_413, %dma_start3A_414] : memref<1000x48xf32, #tpu.memory_space<vmem>> -> memref<125x48xf32, #tpu.memory_space<vmem>>
      %dma_start3A_416 = arith.constant 0 : i32
      %dma_start3A_417 = tpu.memref_slice %arg8[%add3A_403, %dma_start3A_416] : memref<80x125xi32, #tpu.memory_space<vmem>> -> memref<1x125xi32, #tpu.memory_space<vmem>>
      %dma_start3A_418 = tpu.memref_squeeze %dma_start3A_417 : memref<1x125xi32, #tpu.memory_space<vmem>> -> memref<125xi32, #tpu.memory_space<vmem>>
      %dma_start3A_419 = arith.constant 0 : i32
      %dma_start3A_420 = arith.constant 0 : i32
      %dma_start3A_421 = tpu.memref_slice %arg10[%dma_start3A_419, %dma_start3A_420] : memref<10240x48xf32, #tpu.memory_space<vmem_shared>> -> memref<10240x48xf32, #tpu.memory_space<vmem_shared>>
      tpu.enqueue_indirect_dma source(%dma_start3A_415 : memref<125x48xf32, #tpu.memory_space<vmem>>) target(%dma_start3A_421 : memref<10240x48xf32, #tpu.memory_space<vmem_shared>>) offsets(%dma_start3A_418 : memref<125xi32, #tpu.memory_space<vmem>>) semaphore(%arg26 : memref<!tpu.dma_semaphore, #tpu.memory_space<semaphore_mem>>) {add = true}
    }
    %scan3A_51 = arith.constant 10 : i32
    %dma_wait3A = arith.constant 0 : i32
    %dma_wait3A_52 = arith.constant 500 : i32
    %dma_wait3A_53 = arith.constant 0 : i32
    %dma_wait3A_54 = tpu.memref_slice %arg9[%dma_wait3A_52, %dma_wait3A_53] : memref<1000x48xf32, #tpu.memory_space<vmem>> -> memref<125x48xf32, #tpu.memory_space<vmem>>
    %dma_wait3A_55 = arith.constant 0 : i32
    %dma_wait3A_56 = tpu.memref_slice %arg8[%dma_wait3A, %dma_wait3A_55] : memref<80x125xi32, #tpu.memory_space<vmem>> -> memref<1x125xi32, #tpu.memory_space<vmem>>
    %dma_wait3A_57 = tpu.memref_squeeze %dma_wait3A_56 : memref<1x125xi32, #tpu.memory_space<vmem>> -> memref<125xi32, #tpu.memory_space<vmem>>
    %dma_wait3A_58 = arith.constant 0 : i32
    %dma_wait3A_59 = arith.constant 0 : i32
    %dma_wait3A_60 = tpu.memref_slice %arg10[%dma_wait3A_58, %dma_wait3A_59] : memref<10240x48xf32, #tpu.memory_space<vmem_shared>> -> memref<10240x48xf32, #tpu.memory_space<vmem_shared>>
    tpu.wait_indirect_dma semaphore(%arg23 : memref<!tpu.dma_semaphore, #tpu.memory_space<semaphore_mem>>) src(%dma_wait3A_54 : memref<125x48xf32, #tpu.memory_space<vmem>>) dst(%dma_wait3A_60 : memref<10240x48xf32, #tpu.memory_space<vmem_shared>>)
    %dma_wait3A_61 = arith.constant 0 : i32
    %dma_wait3A_62 = arith.constant 625 : i32
    %dma_wait3A_63 = arith.constant 0 : i32
    %dma_wait3A_64 = tpu.memref_slice %arg9[%dma_wait3A_62, %dma_wait3A_63] : memref<1000x48xf32, #tpu.memory_space<vmem>> -> memref<125x48xf32, #tpu.memory_space<vmem>>
    %dma_wait3A_65 = arith.constant 0 : i32
    %dma_wait3A_66 = tpu.memref_slice %arg8[%dma_wait3A_61, %dma_wait3A_65] : memref<80x125xi32, #tpu.memory_space<vmem>> -> memref<1x125xi32, #tpu.memory_space<vmem>>
    %dma_wait3A_67 = tpu.memref_squeeze %dma_wait3A_66 : memref<1x125xi32, #tpu.memory_space<vmem>> -> memref<125xi32, #tpu.memory_space<vmem>>
    %dma_wait3A_68 = arith.constant 0 : i32
    %dma_wait3A_69 = arith.constant 0 : i32
    %dma_wait3A_70 = tpu.memref_slice %arg10[%dma_wait3A_68, %dma_wait3A_69] : memref<10240x48xf32, #tpu.memory_space<vmem_shared>> -> memref<10240x48xf32, #tpu.memory_space<vmem_shared>>
    tpu.wait_indirect_dma semaphore(%arg24 : memref<!tpu.dma_semaphore, #tpu.memory_space<semaphore_mem>>) src(%dma_wait3A_64 : memref<125x48xf32, #tpu.memory_space<vmem>>) dst(%dma_wait3A_70 : memref<10240x48xf32, #tpu.memory_space<vmem_shared>>)
    %dma_wait3A_71 = arith.constant 0 : i32
    %dma_wait3A_72 = arith.constant 750 : i32
    %dma_wait3A_73 = arith.constant 0 : i32
    %dma_wait3A_74 = tpu.memref_slice %arg9[%dma_wait3A_72, %dma_wait3A_73] : memref<1000x48xf32, #tpu.memory_space<vmem>> -> memref<125x48xf32, #tpu.memory_space<vmem>>
    %dma_wait3A_75 = arith.constant 0 : i32
    %dma_wait3A_76 = tpu.memref_slice %arg8[%dma_wait3A_71, %dma_wait3A_75] : memref<80x125xi32, #tpu.memory_space<vmem>> -> memref<1x125xi32, #tpu.memory_space<vmem>>
    %dma_wait3A_77 = tpu.memref_squeeze %dma_wait3A_76 : memref<1x125xi32, #tpu.memory_space<vmem>> -> memref<125xi32, #tpu.memory_space<vmem>>
    %dma_wait3A_78 = arith.constant 0 : i32
    %dma_wait3A_79 = arith.constant 0 : i32
    %dma_wait3A_80 = tpu.memref_slice %arg10[%dma_wait3A_78, %dma_wait3A_79] : memref<10240x48xf32, #tpu.memory_space<vmem_shared>> -> memref<10240x48xf32, #tpu.memory_space<vmem_shared>>
    tpu.wait_indirect_dma semaphore(%arg25 : memref<!tpu.dma_semaphore, #tpu.memory_space<semaphore_mem>>) src(%dma_wait3A_74 : memref<125x48xf32, #tpu.memory_space<vmem>>) dst(%dma_wait3A_80 : memref<10240x48xf32, #tpu.memory_space<vmem_shared>>)
    %dma_wait3A_81 = arith.constant 0 : i32
    %dma_wait3A_82 = arith.constant 875 : i32
    %dma_wait3A_83 = arith.constant 0 : i32
    %dma_wait3A_84 = tpu.memref_slice %arg9[%dma_wait3A_82, %dma_wait3A_83] : memref<1000x48xf32, #tpu.memory_space<vmem>> -> memref<125x48xf32, #tpu.memory_space<vmem>>
    %dma_wait3A_85 = arith.constant 0 : i32
    %dma_wait3A_86 = tpu.memref_slice %arg8[%dma_wait3A_81, %dma_wait3A_85] : memref<80x125xi32, #tpu.memory_space<vmem>> -> memref<1x125xi32, #tpu.memory_space<vmem>>
    %dma_wait3A_87 = tpu.memref_squeeze %dma_wait3A_86 : memref<1x125xi32, #tpu.memory_space<vmem>> -> memref<125xi32, #tpu.memory_space<vmem>>
    %dma_wait3A_88 = arith.constant 0 : i32
    %dma_wait3A_89 = arith.constant 0 : i32
    %dma_wait3A_90 = tpu.memref_slice %arg10[%dma_wait3A_88, %dma_wait3A_89] : memref<10240x48xf32, #tpu.memory_space<vmem_shared>> -> memref<10240x48xf32, #tpu.memory_space<vmem_shared>>
    tpu.wait_indirect_dma semaphore(%arg26 : memref<!tpu.dma_semaphore, #tpu.memory_space<semaphore_mem>>) src(%dma_wait3A_84 : memref<125x48xf32, #tpu.memory_space<vmem>>) dst(%dma_wait3A_90 : memref<10240x48xf32, #tpu.memory_space<vmem_shared>>)
    %barrier3A_91 = arith.constant 0 : index
    tpu.barrier barrier_id(%barrier3A_91)
    %eq3A = arith.constant 0 : i32
    %eq3A_92 = arith.cmpi eq, %arg0, %eq3A : i32
    %convert_element_type3A = arith.extui %eq3A_92 : i1 to i32
    %cond3A = arith.constant 0 : i32
    %cond3A_93 = arith.cmpi ne, %convert_element_type3A, %cond3A : i32
    scf.if %cond3A_93 {
      "tpu.region"() ({
        %run_scoped3A_99 = tpu.sem_alloc : memref<!tpu.dma_semaphore, #tpu.memory_space<semaphore_mem>>
        %dma_start3A_100 = arith.constant 0 : i32
        %dma_start3A_101 = tpu.memref_slice %arg5[%mul3A_2, %dma_start3A_100] : memref<10240x48xf32, #tpu.memory_space<hbm>> -> memref<640x48xf32, #tpu.memory_space<hbm>>
        %dma_start3A_102 = arith.constant 0 : i32
        %dma_start3A_103 = tpu.memref_slice %arg10[%mul3A_2, %dma_start3A_102] : memref<10240x48xf32, #tpu.memory_space<vmem_shared>> -> memref<640x48xf32, #tpu.memory_space<vmem_shared>>
        tpu.enqueue_dma source(%dma_start3A_103 : memref<640x48xf32, #tpu.memory_space<vmem_shared>>) target(%dma_start3A_101 : memref<640x48xf32, #tpu.memory_space<hbm>>) target_semaphore(%run_scoped3A_99 : memref<!tpu.dma_semaphore, #tpu.memory_space<semaphore_mem>>)
        %dma_wait3A_104 = arith.constant 0 : i32
        %dma_wait3A_105 = tpu.memref_slice %arg5[%mul3A_2, %dma_wait3A_104] : memref<10240x48xf32, #tpu.memory_space<hbm>> -> memref<640x48xf32, #tpu.memory_space<hbm>>
        %dma_wait3A_106 = arith.constant 0 : i32
        %dma_wait3A_107 = tpu.memref_slice %arg10[%mul3A_2, %dma_wait3A_106] : memref<10240x48xf32, #tpu.memory_space<vmem_shared>> -> memref<640x48xf32, #tpu.memory_space<vmem_shared>>
        tpu.wait_dma2 semaphore(%run_scoped3A_99 : memref<!tpu.dma_semaphore, #tpu.memory_space<semaphore_mem>>) src(%dma_wait3A_107 : memref<640x48xf32, #tpu.memory_space<vmem_shared>>) dst(%dma_wait3A_105 : memref<640x48xf32, #tpu.memory_space<hbm>>)
        tpu.yield
      }) : () -> ()
    } else {
    }
    %eq3A_94 = arith.constant 1 : i32
    %eq3A_95 = arith.cmpi eq, %arg0, %eq3A_94 : i32
    %convert_element_type3A_96 = arith.extui %eq3A_95 : i1 to i32
    %cond3A_97 = arith.constant 0 : i32
    %cond3A_98 = arith.cmpi ne, %convert_element_type3A_96, %cond3A_97 : i32
    scf.if %cond3A_98 {
      "tpu.region"() ({
        %run_scoped3A_99 = tpu.sem_alloc : memref<!tpu.dma_semaphore, #tpu.memory_space<semaphore_mem>>
        %dma_start3A_100 = arith.constant 0 : i32
        %dma_start3A_101 = tpu.memref_slice %arg6[%mul3A_2, %dma_start3A_100] : memref<10240x48xf32, #tpu.memory_space<hbm>> -> memref<640x48xf32, #tpu.memory_space<hbm>>
        %dma_start3A_102 = arith.constant 0 : i32
        %dma_start3A_103 = tpu.memref_slice %arg10[%mul3A_2, %dma_start3A_102] : memref<10240x48xf32, #tpu.memory_space<vmem_shared>> -> memref<640x48xf32, #tpu.memory_space<vmem_shared>>
        tpu.enqueue_dma source(%dma_start3A_103 : memref<640x48xf32, #tpu.memory_space<vmem_shared>>) target(%dma_start3A_101 : memref<640x48xf32, #tpu.memory_space<hbm>>) target_semaphore(%run_scoped3A_99 : memref<!tpu.dma_semaphore, #tpu.memory_space<semaphore_mem>>)
        %dma_wait3A_104 = arith.constant 0 : i32
        %dma_wait3A_105 = tpu.memref_slice %arg6[%mul3A_2, %dma_wait3A_104] : memref<10240x48xf32, #tpu.memory_space<hbm>> -> memref<640x48xf32, #tpu.memory_space<hbm>>
        %dma_wait3A_106 = arith.constant 0 : i32
        %dma_wait3A_107 = tpu.memref_slice %arg10[%mul3A_2, %dma_wait3A_106] : memref<10240x48xf32, #tpu.memory_space<vmem_shared>> -> memref<640x48xf32, #tpu.memory_space<vmem_shared>>
        tpu.wait_dma2 semaphore(%run_scoped3A_99 : memref<!tpu.dma_semaphore, #tpu.memory_space<semaphore_mem>>) src(%dma_wait3A_107 : memref<640x48xf32, #tpu.memory_space<vmem_shared>>) dst(%dma_wait3A_105 : memref<640x48xf32, #tpu.memory_space<hbm>>)
        tpu.yield
      }) : () -> ()
    } else {
    }
    return
  }
}

module attributes {stable_mosaic.version = 14 : i64} {
  func.func @_tc_first(%arg0: i32, %arg1: memref<2048x128xf32, #tpu.memory_space<vmem>>, %arg2: memref<1024x256xf32, #tpu.memory_space<vmem>>, %arg3: memref<16x128xf32, #tpu.memory_space<vmem>>, %arg4: memref<16x128xf32, #tpu.memory_space<vmem>>, %arg5: memref<512x128xf32, #tpu.memory_space<vmem>>, %arg6: memref<2048x1xf32, #tpu.memory_space<vmem>>) attributes {dimension_semantics = [#tpu.dimension_semantics<arbitrary>], iteration_bounds = array<i64: 5>, scalar_prefetch = 0 : i64, scratch_operands = 0 : i64, tpu.core_type = #tpu.core_type<tc>, window_params = [{transform_indices = @transform_0, window_bounds = array<i64: 2048, 128>}, {pipeline_mode = #tpu.pipeline_mode<synchronous>, transform_indices = @transform_1, window_bounds = array<i64: 1024, 256>}, {transform_indices = @transform_2, window_bounds = array<i64: 16, 128>}, {transform_indices = @transform_3, window_bounds = array<i64: 16, 128>}, {transform_indices = @transform_4, window_bounds = array<i64: 512, 128>}, {transform_indices = @transform_5, window_bounds = array<i64: 2048, 1>}]} {
    %get3A = arith.constant 0 : index
    %get3A_0 = arith.constant 0 : index
    %get3A_1 = vector.load %arg3[%get3A, %get3A_0] : memref<16x128xf32, #tpu.memory_space<vmem>>, vector<16x128xf32>
    %get3A_2 = arith.constant 0 : index
    %get3A_3 = arith.constant 0 : index
    %get3A_4 = vector.load %arg4[%get3A_2, %get3A_3] : memref<16x128xf32, #tpu.memory_space<vmem>>, vector<16x128xf32>
    %add3A = arith.addf %get3A_1, %get3A_4 : vector<16x128xf32>
    %add3A_5 = arith.constant 1.000000e+00 : f32
    %add3A_6 = vector.broadcast %add3A_5 : f32 to vector<16x128xf32>
    %add3A_7 = arith.addf %add3A, %add3A_6 : vector<16x128xf32>
    %rsqrt3A = math.rsqrt %add3A_7 : vector<16x128xf32>
    %iota3A = tpu.iota {dimensions = array<i32: 0>} : vector<2048x16xi32>
    %jit3A = arith.constant 128 : i32
    %div3A = vector.broadcast %jit3A : i32 to vector<2048x16xi32>
    %div3A_8 = arith.divsi %iota3A, %div3A : vector<2048x16xi32>
    %sign3A = arith.constant 0 : i32
    %sign3A_9 = vector.broadcast %sign3A : i32 to vector<2048x16xi32>
    %sign3A_10 = arith.cmpi sgt, %iota3A, %sign3A_9 : vector<2048x16xi32>
    %sign3A_11 = arith.extui %sign3A_10 : vector<2048x16xi1> to vector<2048x16xi32>
    %sign3A_12 = arith.constant 0 : i32
    %sign3A_13 = vector.broadcast %sign3A_12 : i32 to vector<2048x16xi32>
    %sign3A_14 = arith.cmpi slt, %iota3A, %sign3A_13 : vector<2048x16xi32>
    %sign3A_15 = arith.extui %sign3A_14 : vector<2048x16xi1> to vector<2048x16xi32>
    %sign3A_16 = arith.subi %sign3A_11, %sign3A_15 : vector<2048x16xi32>
    %sign3A_17 = arith.constant 0 : i32
    %sign3A_18 = arith.cmpi sgt, %jit3A, %sign3A_17 : i32
    %sign3A_19 = arith.extui %sign3A_18 : i1 to i32
    %sign3A_20 = arith.constant 0 : i32
    %sign3A_21 = arith.cmpi slt, %jit3A, %sign3A_20 : i32
    %sign3A_22 = arith.extui %sign3A_21 : i1 to i32
    %sign3A_23 = arith.subi %sign3A_19, %sign3A_22 : i32
    %ne3A = vector.broadcast %sign3A_23 : i32 to vector<2048x16xi32>
    %ne3A_24 = arith.cmpi ne, %sign3A_16, %ne3A : vector<2048x16xi32>
    %rem3A = vector.broadcast %jit3A : i32 to vector<2048x16xi32>
    %rem3A_25 = arith.remsi %iota3A, %rem3A : vector<2048x16xi32>
    %ne3A_26 = arith.constant 0 : i32
    %ne3A_27 = vector.broadcast %ne3A_26 : i32 to vector<2048x16xi32>
    %ne3A_28 = arith.cmpi ne, %rem3A_25, %ne3A_27 : vector<2048x16xi32>
    %and3A = arith.andi %ne3A_24, %ne3A_28 : vector<2048x16xi1>
    %sub3A = arith.constant 1 : i32
    %sub3A_29 = vector.broadcast %sub3A : i32 to vector<2048x16xi32>
    %sub3A_30 = arith.subi %div3A_8, %sub3A_29 : vector<2048x16xi32>
    %select_n3A = arith.select %and3A, %sub3A_30, %div3A_8 : vector<2048x16xi1>, vector<2048x16xi32>
    %iota3A_31 = tpu.iota {dimensions = array<i32: 1>} : vector<2048x16xi32>
    %eq3A = arith.cmpi eq, %select_n3A, %iota3A_31 : vector<2048x16xi32>
    %convert_element_type3A = arith.extui %eq3A : vector<2048x16xi1> to vector<2048x16xi32>
    %convert_element_type3A_32 = arith.sitofp %convert_element_type3A : vector<2048x16xi32> to vector<2048x16xf32>
    %dot_general3A = arith.constant dense<0.000000e+00> : vector<2048x128xf32>
    %dot_general3A_33 = tpu.matmul %convert_element_type3A_32, %rsqrt3A, %dot_general3A {dimension_numbers = #tpu.dot_dimension_numbers<[1], [0], [0], [1], [0, 0, 1, 1], [], []>, transpose_lhs_hint = false} : vector<2048x16xf32>, vector<16x128xf32>, vector<2048x128xf32> -> vector<2048x128xf32>
    %iota3A_34 = tpu.iota {dimensions = array<i32: 1>} : vector<2048x128xi32>
    %iota3A_35 = tpu.iota {dimensions = array<i32: 0>} : vector<2048x128xi32>
    %jit3A_36 = arith.constant 128 : i32
    %eq3A_37 = arith.constant 0 : i32
    %eq3A_38 = arith.cmpi eq, %jit3A_36, %eq3A_37 : i32
    %jit3A_39 = arith.constant 1 : i32
    %select_n3A_40 = arith.select %eq3A_38, %jit3A_39, %jit3A_36 : i32
    %rem3A_41 = vector.broadcast %select_n3A_40 : i32 to vector<2048x128xi32>
    %rem3A_42 = arith.remsi %iota3A_35, %rem3A_41 : vector<2048x128xi32>
    %ne3A_43 = arith.constant 0 : i32
    %ne3A_44 = vector.broadcast %ne3A_43 : i32 to vector<2048x128xi32>
    %ne3A_45 = arith.cmpi ne, %rem3A_42, %ne3A_44 : vector<2048x128xi32>
    %lt3A = arith.constant 0 : i32
    %lt3A_46 = vector.broadcast %lt3A : i32 to vector<2048x128xi32>
    %lt3A_47 = arith.cmpi slt, %rem3A_42, %lt3A_46 : vector<2048x128xi32>
    %lt3A_48 = arith.constant 0 : i32
    %lt3A_49 = arith.cmpi slt, %select_n3A_40, %lt3A_48 : i32
    %ne3A_50 = vector.broadcast %lt3A_49 : i1 to vector<2048x128xi1>
    %ne3A_51 = vector.broadcast %ne3A_50 : vector<2048x128xi1> to vector<2048x128xi1>
    %ne3A_52 = arith.xori %lt3A_47, %ne3A_51 : vector<2048x128xi1>
    %and3A_53 = arith.andi %ne3A_52, %ne3A_45 : vector<2048x128xi1>
    %add3A_54 = vector.broadcast %select_n3A_40 : i32 to vector<2048x128xi32>
    %add3A_55 = arith.addi %rem3A_42, %add3A_54 : vector<2048x128xi32>
    %select_n3A_56 = arith.select %and3A_53, %add3A_55, %rem3A_42 : vector<2048x128xi1>, vector<2048x128xi32>
    %eq3A_57 = arith.cmpi eq, %iota3A_34, %select_n3A_56 : vector<2048x128xi32>
    %jit3A_58 = arith.constant 0.000000e+00 : f32
    %broadcast_in_dim3A = vector.broadcast %jit3A_58 : f32 to vector<2048x128xf32>
    %select_n3A_59 = arith.select %eq3A_57, %dot_general3A_33, %broadcast_in_dim3A : vector<2048x128xi1>, vector<2048x128xf32>
    %reduce_sum3A = arith.constant dense<0.000000e+00> : vector<2048xf32>
    %reduce_sum3A_60 = vector.multi_reduction <add>, %select_n3A_59, %reduce_sum3A [1] : vector<2048x128xf32> to vector<2048xf32>
    %broadcast_in_dim3A_61 = vector.shape_cast %reduce_sum3A_60 : vector<2048xf32> to vector<2048x1xf32>
    %swap3A = arith.constant 0 : index
    %swap3A_62 = arith.constant 0 : index
    %swap3A_63 = vector.load %arg6[%swap3A, %swap3A_62] : memref<2048x1xf32, #tpu.memory_space<vmem>>, vector<2048x1xf32>
    tpu.vector_store %arg6[%swap3A, %swap3A_62], %broadcast_in_dim3A_61 {strides = array<i32>} : memref<2048x1xf32, #tpu.memory_space<vmem>>, vector<2048x1xf32>,
    %get3A_64 = arith.constant 0 : index
    %get3A_65 = arith.constant 0 : index
    %get3A_66 = vector.load %arg1[%get3A_64, %get3A_65] : memref<2048x128xf32, #tpu.memory_space<vmem>>, vector<2048x128xf32>
    %reshape3A = vector.shape_cast %get3A_66 : vector<2048x128xf32> to vector<256x1024xf32>
    %get3A_67 = arith.constant 0 : index
    %get3A_68 = arith.constant 0 : index
    %get3A_69 = vector.load %arg2[%get3A_67, %get3A_68] : memref<1024x256xf32, #tpu.memory_space<vmem>>, vector<1024x256xf32>
    %dot_general3A_70 = arith.constant dense<0.000000e+00> : vector<256x256xf32>
    %dot_general3A_71 = tpu.matmul %reshape3A, %get3A_69, %dot_general3A_70 {dimension_numbers = #tpu.dot_dimension_numbers<[1], [0], [0], [1], [0, 0, 1, 1], [], []>, transpose_lhs_hint = false} : vector<256x1024xf32>, vector<1024x256xf32>, vector<256x256xf32> -> vector<256x256xf32>
    %reshape3A_72 = vector.shape_cast %broadcast_in_dim3A_61 : vector<2048x1xf32> to vector<256x8x1xf32>
    %broadcast_in_dim3A_73 = vector.shape_cast %reshape3A_72 : vector<256x8x1xf32> to vector<256x8x1xf32>
    %broadcast_in_dim3A_74 = vector.broadcast %broadcast_in_dim3A_73 : vector<256x8x1xf32> to vector<256x8x32xf32>
    %reshape3A_75 = vector.shape_cast %broadcast_in_dim3A_74 : vector<256x8x32xf32> to vector<256x256xf32>
    %mul3A = arith.mulf %dot_general3A_71, %reshape3A_75 : vector<256x256xf32>
    %mul3A_76 = arith.constant 2048 : i32
    %mul3A_77 = arith.muli %arg0, %mul3A_76 : i32
    %iota3A_78 = tpu.iota {dimensions = array<i32: 0>} : vector<256x256xi32>
    %mul3A_79 = arith.constant 8 : i32
    %mul3A_80 = vector.broadcast %mul3A_79 : i32 to vector<256x256xi32>
    %mul3A_81 = arith.muli %mul3A_80, %iota3A_78 : vector<256x256xi32>
    %add3A_82 = vector.broadcast %mul3A_77 : i32 to vector<256x256xi32>
    %add3A_83 = arith.addi %add3A_82, %mul3A_81 : vector<256x256xi32>
    %iota3A_84 = tpu.iota {dimensions = array<i32: 1>} : vector<256x256xi32>
    %jit3A_85 = arith.constant 32 : i32
    %div3A_86 = vector.broadcast %jit3A_85 : i32 to vector<256x256xi32>
    %div3A_87 = arith.divsi %iota3A_84, %div3A_86 : vector<256x256xi32>
    %sign3A_88 = arith.constant 0 : i32
    %sign3A_89 = vector.broadcast %sign3A_88 : i32 to vector<256x256xi32>
    %sign3A_90 = arith.cmpi sgt, %iota3A_84, %sign3A_89 : vector<256x256xi32>
    %sign3A_91 = arith.extui %sign3A_90 : vector<256x256xi1> to vector<256x256xi32>
    %sign3A_92 = arith.constant 0 : i32
    %sign3A_93 = vector.broadcast %sign3A_92 : i32 to vector<256x256xi32>
    %sign3A_94 = arith.cmpi slt, %iota3A_84, %sign3A_93 : vector<256x256xi32>
    %sign3A_95 = arith.extui %sign3A_94 : vector<256x256xi1> to vector<256x256xi32>
    %sign3A_96 = arith.subi %sign3A_91, %sign3A_95 : vector<256x256xi32>
    %sign3A_97 = arith.constant 0 : i32
    %sign3A_98 = arith.cmpi sgt, %jit3A_85, %sign3A_97 : i32
    %sign3A_99 = arith.extui %sign3A_98 : i1 to i32
    %sign3A_100 = arith.constant 0 : i32
    %sign3A_101 = arith.cmpi slt, %jit3A_85, %sign3A_100 : i32
    %sign3A_102 = arith.extui %sign3A_101 : i1 to i32
    %sign3A_103 = arith.subi %sign3A_99, %sign3A_102 : i32
    %ne3A_104 = vector.broadcast %sign3A_103 : i32 to vector<256x256xi32>
    %ne3A_105 = arith.cmpi ne, %sign3A_96, %ne3A_104 : vector<256x256xi32>
    %rem3A_106 = vector.broadcast %jit3A_85 : i32 to vector<256x256xi32>
    %rem3A_107 = arith.remsi %iota3A_84, %rem3A_106 : vector<256x256xi32>
    %ne3A_108 = arith.constant 0 : i32
    %ne3A_109 = vector.broadcast %ne3A_108 : i32 to vector<256x256xi32>
    %ne3A_110 = arith.cmpi ne, %rem3A_107, %ne3A_109 : vector<256x256xi32>
    %and3A_111 = arith.andi %ne3A_105, %ne3A_110 : vector<256x256xi1>
    %sub3A_112 = arith.constant 1 : i32
    %sub3A_113 = vector.broadcast %sub3A_112 : i32 to vector<256x256xi32>
    %sub3A_114 = arith.subi %div3A_87, %sub3A_113 : vector<256x256xi32>
    %select_n3A_115 = arith.select %and3A_111, %sub3A_114, %div3A_87 : vector<256x256xi1>, vector<256x256xi32>
    %add3A_116 = arith.addi %add3A_83, %select_n3A_115 : vector<256x256xi32>
    %lt3A_117 = arith.constant 10000 : i32
    %lt3A_118 = vector.broadcast %lt3A_117 : i32 to vector<256x256xi32>
    %lt3A_119 = arith.cmpi slt, %add3A_116, %lt3A_118 : vector<256x256xi32>
    %jit3A_120 = arith.constant 0.000000e+00 : f32
    %broadcast_in_dim3A_121 = vector.broadcast %jit3A_120 : f32 to vector<256x256xf32>
    %select_n3A_122 = arith.select %lt3A_119, %mul3A, %broadcast_in_dim3A_121 : vector<256x256xi1>, vector<256x256xf32>
    %reshape3A_123 = vector.shape_cast %select_n3A_122 : vector<256x256xf32> to vector<512x128xf32>
    %swap3A_124 = arith.constant 0 : index
    %swap3A_125 = arith.constant 0 : index
    %swap3A_126 = vector.load %arg5[%swap3A_124, %swap3A_125] : memref<512x128xf32, #tpu.memory_space<vmem>>, vector<512x128xf32>
    tpu.vector_store %arg5[%swap3A_124, %swap3A_125], %reshape3A_123 {strides = array<i32>} : memref<512x128xf32, #tpu.memory_space<vmem>>, vector<512x128xf32>,
    return
  }
  func.func @transform_0(%arg0: i32) -> (i32, i32) {
    %c0_i32 = arith.constant 0 : i32
    %c0_i32_0 = arith.constant 0 : i32
    return %arg0, %c0_i32 : i32, i32
  }
  func.func @transform_1(%arg0: i32) -> (i32, i32) {
    %c0_i32 = arith.constant 0 : i32
    %c0_i32_0 = arith.constant 0 : i32
    %c0_i32_1 = arith.constant 0 : i32
    return %c0_i32, %c0_i32_0 : i32, i32
  }
  func.func @transform_2(%arg0: i32) -> (i32, i32) {
    %c0_i32 = arith.constant 0 : i32
    %c0_i32_0 = arith.constant 0 : i32
    return %arg0, %c0_i32 : i32, i32
  }
  func.func @transform_3(%arg0: i32) -> (i32, i32) {
    %c0_i32 = arith.constant 0 : i32
    %c0_i32_0 = arith.constant 0 : i32
    return %arg0, %c0_i32 : i32, i32
  }
  func.func @transform_4(%arg0: i32) -> (i32, i32) {
    %c0_i32 = arith.constant 0 : i32
    %c0_i32_0 = arith.constant 0 : i32
    return %arg0, %c0_i32 : i32, i32
  }
  func.func @transform_5(%arg0: i32) -> (i32, i32) {
    %c0_i32 = arith.constant 0 : i32
    %c0_i32_0 = arith.constant 0 : i32
    return %arg0, %c0_i32 : i32, i32
  }
}

module attributes {stable_mosaic.version = 14 : i64} {
  func.func @body(%arg0: i32, %arg1: memref<512x128xf32, #tpu.memory_space<vmem>>, %arg2: memref<512x128xf32, #tpu.memory_space<vmem>>, %arg3: memref<512x128xf32, #tpu.memory_space<vmem>>, %arg4: memref<2048x1xf32, #tpu.memory_space<vmem>>, %arg5: memref<32xf32, #tpu.memory_space<vmem>>, %arg6: memref<32xf32, #tpu.memory_space<vmem>>, %arg7: memref<32xf32, #tpu.memory_space<vmem>>, %arg8: memref<256x128xf32, #tpu.memory_space<vmem>>, %arg9: memref<256x128xf32, #tpu.memory_space<vmem>>) attributes {dimension_semantics = [#tpu.dimension_semantics<arbitrary>], iteration_bounds = array<i64: 5>, scalar_prefetch = 0 : i64, scratch_operands = 0 : i64, tpu.core_type = #tpu.core_type<tc>, window_params = [{transform_indices = @transform_0, window_bounds = array<i64: 512, 128>}, {transform_indices = @transform_1, window_bounds = array<i64: 512, 128>}, {transform_indices = @transform_2, window_bounds = array<i64: 512, 128>}, {transform_indices = @transform_3, window_bounds = array<i64: 2048, 1>}, {pipeline_mode = #tpu.pipeline_mode<synchronous>, transform_indices = @transform_4, window_bounds = array<i64: 32>}, {pipeline_mode = #tpu.pipeline_mode<synchronous>, transform_indices = @transform_5, window_bounds = array<i64: 32>}, {pipeline_mode = #tpu.pipeline_mode<synchronous>, transform_indices = @transform_6, window_bounds = array<i64: 32>}, {pipeline_mode = #tpu.pipeline_mode<synchronous>, transform_indices = @transform_7, window_bounds = array<i64: 256, 128>}, {transform_indices = @transform_8, window_bounds = array<i64: 256, 128>}]} {
    %get3A = arith.constant 0 : index
    %get3A_0 = arith.constant 0 : index
    %get3A_1 = vector.load %arg4[%get3A, %get3A_0] : memref<2048x1xf32, #tpu.memory_space<vmem>>, vector<2048x1xf32>
    %get3A_2 = arith.constant 0 : index
    %get3A_3 = arith.constant 0 : index
    %get3A_4 = vector.load %arg1[%get3A_2, %get3A_3] : memref<512x128xf32, #tpu.memory_space<vmem>>, vector<512x128xf32>
    %get3A_5 = arith.constant 0 : index
    %get3A_6 = arith.constant 0 : index
    %get3A_7 = vector.load %arg2[%get3A_5, %get3A_6] : memref<512x128xf32, #tpu.memory_space<vmem>>, vector<512x128xf32>
    %add3A = arith.addf %get3A_4, %get3A_7 : vector<512x128xf32>
    %get3A_8 = arith.constant 0 : index
    %get3A_9 = arith.constant 0 : index
    %get3A_10 = vector.load %arg3[%get3A_8, %get3A_9] : memref<512x128xf32, #tpu.memory_space<vmem>>, vector<512x128xf32>
    %add3A_11 = arith.addf %add3A, %get3A_10 : vector<512x128xf32>
    %reshape3A = vector.shape_cast %add3A_11 : vector<512x128xf32> to vector<256x256xf32>
    %reshape3A_12 = vector.shape_cast %get3A_1 : vector<2048x1xf32> to vector<256x8x1xf32>
    %broadcast_in_dim3A = vector.shape_cast %reshape3A_12 : vector<256x8x1xf32> to vector<256x8x1xf32>
    %broadcast_in_dim3A_13 = vector.broadcast %broadcast_in_dim3A : vector<256x8x1xf32> to vector<256x8x32xf32>
    %reshape3A_14 = vector.shape_cast %broadcast_in_dim3A_13 : vector<256x8x32xf32> to vector<256x256xf32>
    %mul3A = arith.mulf %reshape3A_14, %reshape3A : vector<256x256xf32>
    %get3A_15 = arith.constant 0 : index
    %get3A_16 = vector.load %arg5[%get3A_15] : memref<32xf32, #tpu.memory_space<vmem>>, vector<32xf32>
    %reshape3A_17 = vector.shape_cast %get3A_16 : vector<32xf32> to vector<1x1x32xf32>
    %broadcast_in_dim3A_18 = vector.shape_cast %reshape3A_17 : vector<1x1x32xf32> to vector<1x1x32xf32>
    %broadcast_in_dim3A_19 = vector.broadcast %broadcast_in_dim3A_18 : vector<1x1x32xf32> to vector<1x8x32xf32>
    %reshape3A_20 = vector.shape_cast %broadcast_in_dim3A_19 : vector<1x8x32xf32> to vector<1x256xf32>
    %add3A_21 = vector.broadcast %reshape3A_20 : vector<1x256xf32> to vector<256x256xf32>
    %add3A_22 = arith.addf %mul3A, %add3A_21 : vector<256x256xf32>
    %get3A_23 = arith.constant 0 : index
    %get3A_24 = vector.load %arg6[%get3A_23] : memref<32xf32, #tpu.memory_space<vmem>>, vector<32xf32>
    %reshape3A_25 = vector.shape_cast %get3A_24 : vector<32xf32> to vector<1x1x32xf32>
    %broadcast_in_dim3A_26 = vector.shape_cast %reshape3A_25 : vector<1x1x32xf32> to vector<1x1x32xf32>
    %broadcast_in_dim3A_27 = vector.broadcast %broadcast_in_dim3A_26 : vector<1x1x32xf32> to vector<1x8x32xf32>
    %reshape3A_28 = vector.shape_cast %broadcast_in_dim3A_27 : vector<1x8x32xf32> to vector<1x256xf32>
    %mul3A_29 = arith.constant 0.999994993 : f32
    %mul3A_30 = vector.broadcast %mul3A_29 : f32 to vector<1x256xf32>
    %mul3A_31 = arith.mulf %reshape3A_28, %mul3A_30 : vector<1x256xf32>
    %mul3A_32 = vector.broadcast %mul3A_31 : vector<1x256xf32> to vector<256x256xf32>
    %mul3A_33 = arith.mulf %add3A_22, %mul3A_32 : vector<256x256xf32>
    %get3A_34 = arith.constant 0 : index
    %get3A_35 = vector.load %arg7[%get3A_34] : memref<32xf32, #tpu.memory_space<vmem>>, vector<32xf32>
    %reshape3A_36 = vector.shape_cast %get3A_35 : vector<32xf32> to vector<1x1x32xf32>
    %broadcast_in_dim3A_37 = vector.shape_cast %reshape3A_36 : vector<1x1x32xf32> to vector<1x1x32xf32>
    %broadcast_in_dim3A_38 = vector.broadcast %broadcast_in_dim3A_37 : vector<1x1x32xf32> to vector<1x8x32xf32>
    %reshape3A_39 = vector.shape_cast %broadcast_in_dim3A_38 : vector<1x8x32xf32> to vector<1x256xf32>
    %add3A_40 = vector.broadcast %reshape3A_39 : vector<1x256xf32> to vector<256x256xf32>
    %add3A_41 = arith.addf %mul3A_33, %add3A_40 : vector<256x256xf32>
    %max3A = arith.constant 0.000000e+00 : f32
    %max3A_42 = vector.broadcast %max3A : f32 to vector<256x256xf32>
    %max3A_43 = arith.maximumf %add3A_41, %max3A_42 : vector<256x256xf32>
    %get3A_44 = arith.constant 0 : index
    %get3A_45 = arith.constant 0 : index
    %get3A_46 = vector.load %arg8[%get3A_44, %get3A_45] : memref<256x128xf32, #tpu.memory_space<vmem>>, vector<256x128xf32>
    %dot_general3A = arith.constant dense<0.000000e+00> : vector<256x128xf32>
    %dot_general3A_47 = tpu.matmul %max3A_43, %get3A_46, %dot_general3A {dimension_numbers = #tpu.dot_dimension_numbers<[1], [0], [0], [1], [0, 0, 1, 1], [], []>, transpose_lhs_hint = false} : vector<256x256xf32>, vector<256x128xf32>, vector<256x128xf32> -> vector<256x128xf32>
    %reshape3A_48 = vector.shape_cast %get3A_1 : vector<2048x1xf32> to vector<256x8x1xf32>
    %broadcast_in_dim3A_49 = vector.shape_cast %reshape3A_48 : vector<256x8x1xf32> to vector<256x8x1xf32>
    %broadcast_in_dim3A_50 = vector.broadcast %broadcast_in_dim3A_49 : vector<256x8x1xf32> to vector<256x8x16xf32>
    %reshape3A_51 = vector.shape_cast %broadcast_in_dim3A_50 : vector<256x8x16xf32> to vector<256x128xf32>
    %mul3A_52 = arith.mulf %dot_general3A_47, %reshape3A_51 : vector<256x128xf32>
    %swap3A = arith.constant 0 : index
    %swap3A_53 = arith.constant 0 : index
    %swap3A_54 = vector.load %arg9[%swap3A, %swap3A_53] : memref<256x128xf32, #tpu.memory_space<vmem>>, vector<256x128xf32>
    tpu.vector_store %arg9[%swap3A, %swap3A_53], %mul3A_52 {strides = array<i32>} : memref<256x128xf32, #tpu.memory_space<vmem>>, vector<256x128xf32>,
    return
  }
  func.func @transform_0(%arg0: i32) -> (i32, i32) {
    %c0_i32 = arith.constant 0 : i32
    %c0_i32_0 = arith.constant 0 : i32
    return %arg0, %c0_i32 : i32, i32
  }
  func.func @transform_1(%arg0: i32) -> (i32, i32) {
    %c0_i32 = arith.constant 0 : i32
    %c0_i32_0 = arith.constant 0 : i32
    return %arg0, %c0_i32 : i32, i32
  }
  func.func @transform_2(%arg0: i32) -> (i32, i32) {
    %c0_i32 = arith.constant 0 : i32
    %c0_i32_0 = arith.constant 0 : i32
    return %arg0, %c0_i32 : i32, i32
  }
  func.func @transform_3(%arg0: i32) -> (i32, i32) {
    %c0_i32 = arith.constant 0 : i32
    %c0_i32_0 = arith.constant 0 : i32
    return %arg0, %c0_i32 : i32, i32
  }
  func.func @transform_4(%arg0: i32) -> i32 {
    %c0_i32 = arith.constant 0 : i32
    %c0_i32_0 = arith.constant 0 : i32
    return %c0_i32 : i32
  }
  func.func @transform_5(%arg0: i32) -> i32 {
    %c0_i32 = arith.constant 0 : i32
    %c0_i32_0 = arith.constant 0 : i32
    return %c0_i32 : i32
  }
  func.func @transform_6(%arg0: i32) -> i32 {
    %c0_i32 = arith.constant 0 : i32
    %c0_i32_0 = arith.constant 0 : i32
    return %c0_i32 : i32
  }
  func.func @transform_7(%arg0: i32) -> (i32, i32) {
    %c0_i32 = arith.constant 0 : i32
    %c0_i32_0 = arith.constant 0 : i32
    %c0_i32_1 = arith.constant 0 : i32
    return %c0_i32, %c0_i32_0 : i32, i32
  }
  func.func @transform_8(%arg0: i32) -> (i32, i32) {
    %c0_i32 = arith.constant 0 : i32
    %c0_i32_0 = arith.constant 0 : i32
    return %arg0, %c0_i32 : i32, i32
  }
}

module attributes {stable_mosaic.version = 14 : i64} {
  func.func @body(%arg0: i32, %arg1: memref<256x128xf32, #tpu.memory_space<vmem>>, %arg2: memref<256x128xf32, #tpu.memory_space<vmem>>, %arg3: memref<256x128xf32, #tpu.memory_space<vmem>>, %arg4: memref<2048x1xf32, #tpu.memory_space<vmem>>, %arg5: memref<16xf32, #tpu.memory_space<vmem>>, %arg6: memref<16xf32, #tpu.memory_space<vmem>>, %arg7: memref<16xf32, #tpu.memory_space<vmem>>, %arg8: memref<128x384xf32, #tpu.memory_space<vmem>>, %arg9: memref<768x128xf32, #tpu.memory_space<vmem>>) attributes {dimension_semantics = [#tpu.dimension_semantics<arbitrary>], iteration_bounds = array<i64: 5>, scalar_prefetch = 0 : i64, scratch_operands = 0 : i64, tpu.core_type = #tpu.core_type<tc>, window_params = [{transform_indices = @transform_0, window_bounds = array<i64: 256, 128>}, {transform_indices = @transform_1, window_bounds = array<i64: 256, 128>}, {transform_indices = @transform_2, window_bounds = array<i64: 256, 128>}, {transform_indices = @transform_3, window_bounds = array<i64: 2048, 1>}, {pipeline_mode = #tpu.pipeline_mode<synchronous>, transform_indices = @transform_4, window_bounds = array<i64: 16>}, {pipeline_mode = #tpu.pipeline_mode<synchronous>, transform_indices = @transform_5, window_bounds = array<i64: 16>}, {pipeline_mode = #tpu.pipeline_mode<synchronous>, transform_indices = @transform_6, window_bounds = array<i64: 16>}, {pipeline_mode = #tpu.pipeline_mode<synchronous>, transform_indices = @transform_7, window_bounds = array<i64: 128, 384>}, {transform_indices = @transform_8, window_bounds = array<i64: 768, 128>}]} {
    %get3A = arith.constant 0 : index
    %get3A_0 = arith.constant 0 : index
    %get3A_1 = vector.load %arg4[%get3A, %get3A_0] : memref<2048x1xf32, #tpu.memory_space<vmem>>, vector<2048x1xf32>
    %get3A_2 = arith.constant 0 : index
    %get3A_3 = arith.constant 0 : index
    %get3A_4 = vector.load %arg1[%get3A_2, %get3A_3] : memref<256x128xf32, #tpu.memory_space<vmem>>, vector<256x128xf32>
    %get3A_5 = arith.constant 0 : index
    %get3A_6 = arith.constant 0 : index
    %get3A_7 = vector.load %arg2[%get3A_5, %get3A_6] : memref<256x128xf32, #tpu.memory_space<vmem>>, vector<256x128xf32>
    %add3A = arith.addf %get3A_4, %get3A_7 : vector<256x128xf32>
    %get3A_8 = arith.constant 0 : index
    %get3A_9 = arith.constant 0 : index
    %get3A_10 = vector.load %arg3[%get3A_8, %get3A_9] : memref<256x128xf32, #tpu.memory_space<vmem>>, vector<256x128xf32>
    %add3A_11 = arith.addf %add3A, %get3A_10 : vector<256x128xf32>
    %reshape3A = vector.shape_cast %get3A_1 : vector<2048x1xf32> to vector<256x8x1xf32>
    %broadcast_in_dim3A = vector.shape_cast %reshape3A : vector<256x8x1xf32> to vector<256x8x1xf32>
    %broadcast_in_dim3A_12 = vector.broadcast %broadcast_in_dim3A : vector<256x8x1xf32> to vector<256x8x16xf32>
    %reshape3A_13 = vector.shape_cast %broadcast_in_dim3A_12 : vector<256x8x16xf32> to vector<256x128xf32>
    %mul3A = arith.mulf %reshape3A_13, %add3A_11 : vector<256x128xf32>
    %get3A_14 = arith.constant 0 : index
    %get3A_15 = vector.load %arg5[%get3A_14] : memref<16xf32, #tpu.memory_space<vmem>>, vector<16xf32>
    %reshape3A_16 = vector.shape_cast %get3A_15 : vector<16xf32> to vector<1x1x16xf32>
    %broadcast_in_dim3A_17 = vector.shape_cast %reshape3A_16 : vector<1x1x16xf32> to vector<1x1x16xf32>
    %broadcast_in_dim3A_18 = vector.broadcast %broadcast_in_dim3A_17 : vector<1x1x16xf32> to vector<1x8x16xf32>
    %reshape3A_19 = vector.shape_cast %broadcast_in_dim3A_18 : vector<1x8x16xf32> to vector<1x128xf32>
    %add3A_20 = vector.broadcast %reshape3A_19 : vector<1x128xf32> to vector<256x128xf32>
    %add3A_21 = arith.addf %mul3A, %add3A_20 : vector<256x128xf32>
    %get3A_22 = arith.constant 0 : index
    %get3A_23 = vector.load %arg6[%get3A_22] : memref<16xf32, #tpu.memory_space<vmem>>, vector<16xf32>
    %reshape3A_24 = vector.shape_cast %get3A_23 : vector<16xf32> to vector<1x1x16xf32>
    %broadcast_in_dim3A_25 = vector.shape_cast %reshape3A_24 : vector<1x1x16xf32> to vector<1x1x16xf32>
    %broadcast_in_dim3A_26 = vector.broadcast %broadcast_in_dim3A_25 : vector<1x1x16xf32> to vector<1x8x16xf32>
    %reshape3A_27 = vector.shape_cast %broadcast_in_dim3A_26 : vector<1x8x16xf32> to vector<1x128xf32>
    %mul3A_28 = arith.constant 0.999994993 : f32
    %mul3A_29 = vector.broadcast %mul3A_28 : f32 to vector<1x128xf32>
    %mul3A_30 = arith.mulf %reshape3A_27, %mul3A_29 : vector<1x128xf32>
    %mul3A_31 = vector.broadcast %mul3A_30 : vector<1x128xf32> to vector<256x128xf32>
    %mul3A_32 = arith.mulf %add3A_21, %mul3A_31 : vector<256x128xf32>
    %get3A_33 = arith.constant 0 : index
    %get3A_34 = vector.load %arg7[%get3A_33] : memref<16xf32, #tpu.memory_space<vmem>>, vector<16xf32>
    %reshape3A_35 = vector.shape_cast %get3A_34 : vector<16xf32> to vector<1x1x16xf32>
    %broadcast_in_dim3A_36 = vector.shape_cast %reshape3A_35 : vector<1x1x16xf32> to vector<1x1x16xf32>
    %broadcast_in_dim3A_37 = vector.broadcast %broadcast_in_dim3A_36 : vector<1x1x16xf32> to vector<1x8x16xf32>
    %reshape3A_38 = vector.shape_cast %broadcast_in_dim3A_37 : vector<1x8x16xf32> to vector<1x128xf32>
    %add3A_39 = vector.broadcast %reshape3A_38 : vector<1x128xf32> to vector<256x128xf32>
    %add3A_40 = arith.addf %mul3A_32, %add3A_39 : vector<256x128xf32>
    %max3A = arith.constant 0.000000e+00 : f32
    %max3A_41 = vector.broadcast %max3A : f32 to vector<256x128xf32>
    %max3A_42 = arith.maximumf %add3A_40, %max3A_41 : vector<256x128xf32>
    %get3A_43 = arith.constant 0 : index
    %get3A_44 = arith.constant 0 : index
    %get3A_45 = vector.load %arg8[%get3A_43, %get3A_44] : memref<128x384xf32, #tpu.memory_space<vmem>>, vector<128x384xf32>
    %dot_general3A = arith.constant dense<0.000000e+00> : vector<256x384xf32>
    %dot_general3A_46 = tpu.matmul %max3A_42, %get3A_45, %dot_general3A {dimension_numbers = #tpu.dot_dimension_numbers<[1], [0], [0], [1], [0, 0, 1, 1], [], []>, transpose_lhs_hint = false} : vector<256x128xf32>, vector<128x384xf32>, vector<256x384xf32> -> vector<256x384xf32>
    %reshape3A_47 = vector.shape_cast %get3A_1 : vector<2048x1xf32> to vector<256x8x1xf32>
    %broadcast_in_dim3A_48 = vector.shape_cast %reshape3A_47 : vector<256x8x1xf32> to vector<256x8x1xf32>
    %broadcast_in_dim3A_49 = vector.broadcast %broadcast_in_dim3A_48 : vector<256x8x1xf32> to vector<256x8x48xf32>
    %reshape3A_50 = vector.shape_cast %broadcast_in_dim3A_49 : vector<256x8x48xf32> to vector<256x384xf32>
    %mul3A_51 = arith.mulf %dot_general3A_46, %reshape3A_50 : vector<256x384xf32>
    %reshape3A_52 = vector.shape_cast %mul3A_51 : vector<256x384xf32> to vector<768x128xf32>
    %swap3A = arith.constant 0 : index
    %swap3A_53 = arith.constant 0 : index
    %swap3A_54 = vector.load %arg9[%swap3A, %swap3A_53] : memref<768x128xf32, #tpu.memory_space<vmem>>, vector<768x128xf32>
    tpu.vector_store %arg9[%swap3A, %swap3A_53], %reshape3A_52 {strides = array<i32>} : memref<768x128xf32, #tpu.memory_space<vmem>>, vector<768x128xf32>,
    return
  }
  func.func @transform_0(%arg0: i32) -> (i32, i32) {
    %c0_i32 = arith.constant 0 : i32
    %c0_i32_0 = arith.constant 0 : i32
    return %arg0, %c0_i32 : i32, i32
  }
  func.func @transform_1(%arg0: i32) -> (i32, i32) {
    %c0_i32 = arith.constant 0 : i32
    %c0_i32_0 = arith.constant 0 : i32
    return %arg0, %c0_i32 : i32, i32
  }
  func.func @transform_2(%arg0: i32) -> (i32, i32) {
    %c0_i32 = arith.constant 0 : i32
    %c0_i32_0 = arith.constant 0 : i32
    return %arg0, %c0_i32 : i32, i32
  }
  func.func @transform_3(%arg0: i32) -> (i32, i32) {
    %c0_i32 = arith.constant 0 : i32
    %c0_i32_0 = arith.constant 0 : i32
    return %arg0, %c0_i32 : i32, i32
  }
  func.func @transform_4(%arg0: i32) -> i32 {
    %c0_i32 = arith.constant 0 : i32
    %c0_i32_0 = arith.constant 0 : i32
    return %c0_i32 : i32
  }
  func.func @transform_5(%arg0: i32) -> i32 {
    %c0_i32 = arith.constant 0 : i32
    %c0_i32_0 = arith.constant 0 : i32
    return %c0_i32 : i32
  }
  func.func @transform_6(%arg0: i32) -> i32 {
    %c0_i32 = arith.constant 0 : i32
    %c0_i32_0 = arith.constant 0 : i32
    return %c0_i32 : i32
  }
  func.func @transform_7(%arg0: i32) -> (i32, i32) {
    %c0_i32 = arith.constant 0 : i32
    %c0_i32_0 = arith.constant 0 : i32
    %c0_i32_1 = arith.constant 0 : i32
    return %c0_i32, %c0_i32_0 : i32, i32
  }
  func.func @transform_8(%arg0: i32) -> (i32, i32) {
    %c0_i32 = arith.constant 0 : i32
    %c0_i32_0 = arith.constant 0 : i32
    return %arg0, %c0_i32 : i32, i32
  }
}

module attributes {stable_mosaic.version = 14 : i64} {
  func.func @_tc_last(%arg0: i32, %arg1: memref<768x128xf32, #tpu.memory_space<vmem>>, %arg2: memref<768x128xf32, #tpu.memory_space<vmem>>, %arg3: memref<768x128xf32, #tpu.memory_space<vmem>>, %arg4: memref<2048x1xf32, #tpu.memory_space<vmem>>, %arg5: memref<48xf32, #tpu.memory_space<vmem>>, %arg6: memref<768x128xf32, #tpu.memory_space<vmem>>) attributes {dimension_semantics = [#tpu.dimension_semantics<arbitrary>], iteration_bounds = array<i64: 5>, scalar_prefetch = 0 : i64, scratch_operands = 0 : i64, tpu.core_type = #tpu.core_type<tc>, window_params = [{transform_indices = @transform_0, window_bounds = array<i64: 768, 128>}, {transform_indices = @transform_1, window_bounds = array<i64: 768, 128>}, {transform_indices = @transform_2, window_bounds = array<i64: 768, 128>}, {transform_indices = @transform_3, window_bounds = array<i64: 2048, 1>}, {pipeline_mode = #tpu.pipeline_mode<synchronous>, transform_indices = @transform_4, window_bounds = array<i64: 48>}, {transform_indices = @transform_5, window_bounds = array<i64: 768, 128>}]} {
    %get3A = arith.constant 0 : index
    %get3A_0 = vector.load %arg5[%get3A] : memref<48xf32, #tpu.memory_space<vmem>>, vector<48xf32>
    %reshape3A = vector.shape_cast %get3A_0 : vector<48xf32> to vector<1x1x48xf32>
    %broadcast_in_dim3A = vector.shape_cast %reshape3A : vector<1x1x48xf32> to vector<1x1x48xf32>
    %broadcast_in_dim3A_1 = vector.broadcast %broadcast_in_dim3A : vector<1x1x48xf32> to vector<1x8x48xf32>
    %reshape3A_2 = vector.shape_cast %broadcast_in_dim3A_1 : vector<1x8x48xf32> to vector<1x384xf32>
    %get3A_3 = arith.constant 0 : index
    %get3A_4 = arith.constant 0 : index
    %get3A_5 = vector.load %arg1[%get3A_3, %get3A_4] : memref<768x128xf32, #tpu.memory_space<vmem>>, vector<768x128xf32>
    %get3A_6 = arith.constant 0 : index
    %get3A_7 = arith.constant 0 : index
    %get3A_8 = vector.load %arg2[%get3A_6, %get3A_7] : memref<768x128xf32, #tpu.memory_space<vmem>>, vector<768x128xf32>
    %add3A = arith.addf %get3A_5, %get3A_8 : vector<768x128xf32>
    %get3A_9 = arith.constant 0 : index
    %get3A_10 = arith.constant 0 : index
    %get3A_11 = vector.load %arg3[%get3A_9, %get3A_10] : memref<768x128xf32, #tpu.memory_space<vmem>>, vector<768x128xf32>
    %add3A_12 = arith.addf %add3A, %get3A_11 : vector<768x128xf32>
    %reshape3A_13 = vector.shape_cast %add3A_12 : vector<768x128xf32> to vector<256x384xf32>
    %get3A_14 = arith.constant 0 : index
    %get3A_15 = arith.constant 0 : index
    %get3A_16 = vector.load %arg4[%get3A_14, %get3A_15] : memref<2048x1xf32, #tpu.memory_space<vmem>>, vector<2048x1xf32>
    %reshape3A_17 = vector.shape_cast %get3A_16 : vector<2048x1xf32> to vector<256x8x1xf32>
    %broadcast_in_dim3A_18 = vector.shape_cast %reshape3A_17 : vector<256x8x1xf32> to vector<256x8x1xf32>
    %broadcast_in_dim3A_19 = vector.broadcast %broadcast_in_dim3A_18 : vector<256x8x1xf32> to vector<256x8x48xf32>
    %reshape3A_20 = vector.shape_cast %broadcast_in_dim3A_19 : vector<256x8x48xf32> to vector<256x384xf32>
    %mul3A = arith.mulf %reshape3A_20, %reshape3A_13 : vector<256x384xf32>
    %add3A_21 = vector.broadcast %reshape3A_2 : vector<1x384xf32> to vector<256x384xf32>
    %add3A_22 = arith.addf %mul3A, %add3A_21 : vector<256x384xf32>
    %max3A = arith.constant 0.000000e+00 : f32
    %max3A_23 = vector.broadcast %max3A : f32 to vector<256x384xf32>
    %max3A_24 = arith.maximumf %add3A_22, %max3A_23 : vector<256x384xf32>
    %reshape3A_25 = vector.shape_cast %max3A_24 : vector<256x384xf32> to vector<768x128xf32>
    %swap3A = arith.constant 0 : index
    %swap3A_26 = arith.constant 0 : index
    %swap3A_27 = vector.load %arg6[%swap3A, %swap3A_26] : memref<768x128xf32, #tpu.memory_space<vmem>>, vector<768x128xf32>
    tpu.vector_store %arg6[%swap3A, %swap3A_26], %reshape3A_25 {strides = array<i32>} : memref<768x128xf32, #tpu.memory_space<vmem>>, vector<768x128xf32>,
    return
  }
  func.func @transform_0(%arg0: i32) -> (i32, i32) {
    %c0_i32 = arith.constant 0 : i32
    %c0_i32_0 = arith.constant 0 : i32
    return %arg0, %c0_i32 : i32, i32
  }
  func.func @transform_1(%arg0: i32) -> (i32, i32) {
    %c0_i32 = arith.constant 0 : i32
    %c0_i32_0 = arith.constant 0 : i32
    return %arg0, %c0_i32 : i32, i32
  }
  func.func @transform_2(%arg0: i32) -> (i32, i32) {
    %c0_i32 = arith.constant 0 : i32
    %c0_i32_0 = arith.constant 0 : i32
    return %arg0, %c0_i32 : i32, i32
  }
  func.func @transform_3(%arg0: i32) -> (i32, i32) {
    %c0_i32 = arith.constant 0 : i32
    %c0_i32_0 = arith.constant 0 : i32
    return %arg0, %c0_i32 : i32, i32
  }
  func.func @transform_4(%arg0: i32) -> i32 {
    %c0_i32 = arith.constant 0 : i32
    %c0_i32_0 = arith.constant 0 : i32
    return %c0_i32 : i32
  }
  func.func @transform_5(%arg0: i32) -> (i32, i32) {
    %c0_i32 = arith.constant 0 : i32
    %c0_i32_0 = arith.constant 0 : i32
    return %arg0, %c0_i32 : i32, i32
  }
}

</mosaic_0001>

<sc_bundles>
// kernel: kernel.10.cloned.1.call-start
scs
__scs_entry_jumppad:
0x0: {  	(pc) =	sbr.rel $0x88, $3  }
0x1: {  	(tag) =	ssettag $0x0;
	lr =	simm.s32 $0x1  }
0x2: {  	[smem:$0x3F95] =	sst lr;
	_ =	strace $0xD0000000  }
0x3: {  	_ = 	snop  }
0x4: {  	_ = 	snop  }
0x5: {  	_ = 	snop  }
0x6: {  	_ = 	snop  }
0x7: {  	_ = 	snop  }
__scs_overlays_trampoline_lowered:
0x8: {  	[smem:$0x3FA4] =	sst s0  }
0x9: {  	[smem:$0x3FA5] =	sst s1  }
0xa: {  	[smem:$0x3FA6] =	sst s2  }
0xb: {  	[smem:$0x3FA7] =	sst s3  }
0xc: {  	[smem:$0x3FA8] =	sst s4  }
0xd: {  	[smem:$0x3FA9] =	sst s5  }
0xe: {  	[smem:$0x3FAA] =	sst s6  }
0xf: {  	[smem:$0x3FAB] =	sst s7  }
0x10: {  	[smem:$0x3FAC] =	sst s8  }
0x11: {  	[smem:$0x3FAD] =	sst s9;
	s0 =	simm.s32 @!p0 $0x0  }
0x12: {  	s1 =	sld [smem:$0x3F93];
	s0 =	simm.s32 @p0 $0x1  }
0x13: {  	[smem:$0x3FAE] =	sst s0;
	s0 =	simm.s32 @!p1 $0x0  }
0x14: {  	s2 =	sld [smem:$0x3F92];
	s0 =	simm.s32 @p1 $0x1  }
0x15: {  	[smem:$0x3FAF] =	sst s0;
	s0 =	simm.s32 @!p2 $0x0  }
0x16: {  	s3 =	sld [smem:$0x3FDB];
	s0 =	simm.s32 @p2 $0x1  }
0x17: {  	s4 =	simm.s32 $0x1BF5;
	[smem:$0x3FB1] =	sst s0  }
0x18: {  	s0 =	sld [smem:$0x3F94];
	_ =	swait.ge [sflag:s4], $0x0  }
0x19: {  	s7 =	sld [smem:$0x3F95]  }
0x1a: {  	s8 =	sadd.s32 $0xFFFFE003, lr  }
0x1b: {  	s9 =	sadd.s32 $0xFFFFFEF7, lr;
	s5 =	simm.s32 $0xFFFFFFFF;
	p2 =	slt.u32 s8, $0xFFFFF086  }
0x1c: {  	p1 =	slt.u32 s9, $0xF7A;
	s5 =	simm.s32 @!p2 $0x0  }
0x1d: {  	s5 =	simm.s32 @p1 $0x1;
	p0 =	seq.s32 s7, s2  }
0x1e: {  	s7 =	smul.u32 @!p0 $0xF7A, s2;
	p2 =	seq.s32 @!p0 s5, $0x0  }
0x1f: {  	s9 =	smul.u32 $0xF7A, s1;
	s8 =	simm.s32 @!p0 $0x1BF5;
	p2 =	por !p2, p0  }
0x20: {  	[sflag:s8] =	ssyncset.s32 @!p0 $0xFFFFF086;
	s6 =	sadd.s32 @!p0 s3, s7;
	s7 =	simm.s32 @!p0 $0x108  }
0x21: {  	s3 =	sadd.s32 s3, s9;
	s6 =	sadd.s32 @!p0 $0x88, s6;
	s7 =	simm.s32 @p2 $0x1082  }
0x22: {  	[simem:s7], [sflag:s8] =	dma.local @!p0 [hbm:s6], $0xF7A  }
0x23: {  	s9 =	sor.u32 $0xD0000000, s2;
	s6 =	simm.s32 $0x108;
	_ =	swait.ge @!p0 [sflag:s8], $0x0  }
0x24: {  	s3 =	sadd.s32 $0x88, s3;
	s6 =	simm.s32 @!p1 $0x1082;
	[sflag:s4] =	ssyncset.s32 $0xFFFFF086  }
0x25: {  	[simem:s6], [sflag:s4] =	dma.local [hbm:s3], $0xF7A  }
0x26: {  	[smem:$0x3F95] =	sst s1;
	(tag) =	ssettag s2;
	_ =	strace s9  }
0x27: {  	s1 =	sld [smem:$0x3FA5]  }
0x28: {  	s2 =	sld [smem:$0x3FA6]  }
0x29: {  	s4 =	sld [smem:$0x3FA8]  }
0x2a: {  	p0 =	seq.s32 s5, $0x0;
	s5 =	sld [smem:$0x3FA9]  }
0x2b: {  	s6 =	sld [smem:$0x3FAA]  }
0x2c: {  	s7 =	sld [smem:$0x3FAB]  }
0x2d: {  	s3 =	simm.s32 $0x108;
	s8 =	sld [smem:$0x3FAC]  }
0x2e: {  	s3 =	simm.s32 @!p0 $0x1082;
	s9 =	sld [smem:$0x3FAD]  }
0x2f: {  	lr =	sadd.s32 s0, s3;
	s0 =	sld [smem:$0x3FA4]  }
0x30: {  	s3 =	sld [smem:$0x3FA7]  }
0x31: {  	[smem:$0x3FB0] =	sst s10  }
0x32: {  	s10 =	sld [smem:$0x3FAE];
	_ =	sdelay $0x3  }
0x33: {  	p0 =	seq.s32 s10, $0x1;
	s10 =	sld [smem:$0x3FB0];
	_ =	sdelay $0x3  }
0x34: {  	[smem:$0x3FB0] =	sst s10  }
0x35: {  	s10 =	sld [smem:$0x3FAF];
	_ =	sdelay $0x3  }
0x36: {  	p1 =	seq.s32 s10, $0x1;
	s10 =	sld [smem:$0x3FB0];
	_ =	sdelay $0x3  }
0x37: {  	[smem:$0x3FB0] =	sst s10  }
0x38: {  	s10 =	sld [smem:$0x3FB1]  }
0x39: {  	_ = 	snop;
	(pc) =	sbr.ind lr, $3  }
0x3a: {  	_ = 	snop  }
0x3b: {  	_ = 	snop  }
0x3c: {  	p2 =	seq.s32 s10, $0x1;
	s10 =	sld [smem:$0x3FB0]  }
0x3d: {  	_ =	shalt  }
0x3e: {  	_ =	shalt  }
0x3f: {  	_ =	shalt  }
0x40: {  	_ =	shalt  }
0x41: {  	_ =	shalt  }
0x42: {  	_ =	shalt  }
0x43: {  	_ =	shalt  }
0x44: {  	_ =	shalt  }
0x45: {  	_ =	shalt  }
0x46: {  	_ =	shalt  }
0x47: {  	_ =	shalt  }
0x48: {  	_ =	shalt  }
0x49: {  	_ =	shalt  }
0x4a: {  	_ =	shalt  }
0x4b: {  	_ =	shalt  }
0x4c: {  	_ =	shalt  }
0x4d: {  	_ =	shalt  }
0x4e: {  	_ =	shalt  }
0x4f: {  	_ =	shalt  }
0x50: {  	_ =	shalt  }
0x51: {  	_ =	shalt  }
0x52: {  	_ =	shalt  }
0x53: {  	_ =	shalt  }
0x54: {  	_ =	shalt  }
0x55: {  	_ =	shalt  }
0x56: {  	_ =	shalt  }
0x57: {  	_ =	shalt  }
0x58: {  	_ =	shalt  }
0x59: {  	_ =	shalt  }
0x5a: {  	_ =	shalt  }
0x5b: {  	_ =	shalt  }
0x5c: {  	_ =	shalt  }
0x5d: {  	_ =	shalt  }
0x5e: {  	_ =	shalt  }
0x5f: {  	_ =	shalt  }
0x60: {  	_ =	shalt  }
0x61: {  	_ =	shalt  }
0x62: {  	_ =	shalt  }
0x63: {  	_ =	shalt  }
0x64: {  	_ =	shalt  }
0x65: {  	_ =	shalt  }
0x66: {  	_ =	shalt  }
0x67: {  	_ =	shalt  }
0x68: {  	_ =	shalt  }
0x69: {  	_ =	shalt  }
0x6a: {  	_ =	shalt  }
0x6b: {  	_ =	shalt  }
0x6c: {  	_ =	shalt  }
0x6d: {  	_ =	shalt  }
0x6e: {  	_ =	shalt  }
0x6f: {  	_ =	shalt  }
0x70: {  	_ =	shalt  }
0x71: {  	_ =	shalt  }
0x72: {  	_ =	shalt  }
0x73: {  	_ =	shalt  }
0x74: {  	_ =	shalt  }
0x75: {  	_ =	shalt  }
0x76: {  	_ =	shalt  }
0x77: {  	_ =	shalt  }
0x78: {  	_ =	shalt  }
0x79: {  	_ =	shalt  }
0x7a: {  	_ =	shalt  }
0x7b: {  	_ =	shalt  }
0x7c: {  	_ =	shalt  }
0x7d: {  	_ =	shalt  }
0x7e: {  	_ =	shalt  }
0x7f: {  	_ =	shalt  }
0x80: {  	_ =	shalt  }
0x81: {  	_ =	shalt  }
0x82: {  	_ =	shalt  }
0x83: {  	_ =	shalt  }
0x84: {  	_ =	shalt  }
0x85: {  	_ =	shalt  }
0x86: {  	_ =	shalt  }
0x87: {  	_ =	shalt  }
.Lfunc_end0:
.L_simem_size_0:
called_computation_lowered:
.L_overlay_start_0:
0x88: {  	s2 =	sld [smem:$0x3FD9]  }
0x89: {  	s3 =	sld [smem:$0x3FFE];
	_ =	sdelay $0x1  }
0x8a: {  	s1 =	srdreg.scid  }
0x8b: {  	s0 =	sand.u32 $0x1, s1  }
0x8c: {  	s17 =	sshll.u32 s0, $0xA;
	s2 =	sadd.s32 s3, s2  }
0x8d: {  	s2 =	sadd.s32 s2, s17  }
0x8e: {  	[smem:$0x3FBC] =	sst s2  }
0x8f: {  	_ = 	snop  }
0x90: {  	s2 =	sld [smem:$0x3FD0];
	(tm) =	ssettm $0x1  }
0x91: {  	s18 =	sld [smem:$0x3FFB];
	_ =	sdelay $0x3  }
0x92: {  	_ =	strace s18  }
0x93: {  	s3 =	sld [smem:$0x3FFC];
	_ =	sdelay $0x3  }
0x94: {  	_ =	strace s3  }
0x95: {  	s3 =	sld [smem:$0x3FFD];
	_ =	sdelay $0x3  }
0x96: {  	_ =	strace s3  }
0x97: {  	_ =	strace $0x8FFFFFFF  }
0x98: {  	s19 =	sld [smem:$0x3FDB];
	_ =	sdelay $0x1  }
0x99: {  	s4 =	simm.s32 $_scs_section_size  }
0x9a: {  	s5 =	simm.s32 $_size__tile_overlayer_lowered;
	s6 =	simm.s32 $_tile_overlayer_lowered  }
0x9b: {  	s22 =	simm.s32 $0x1BFF;
	s21 =	sshll.u32 s6, $0x1;
	s3 =	sadd.s32 s4, s19  }
0x9c: {  	s7 =	simm.s32 $0x0;
	s20 =	sshll.u32 s5, $0x1;
	s5 =	sadd.s32 s21, s3  }
0x9d: {  	[timem:s7], [sflag:s22] =	dma.local [hbm:s5], s20  }
0x9e: {  	_ =	swait.ge [sflag:s22], s20  }
0x9f: {  	s4 =	ssub.s32 $0x0, s20;
	[sflag:s22] =	ssyncset.done $0x0  }
0xa0: {  	[sflag:s22] =	ssyncadd.s32 s4;
	_ =	sdelay $0x1  }
0xa1: {  	s23 =	simm.s32 $0x1B8B  }
0xa2: {  	_ =	swait.ge [sflag:s23], $0x1  }
0xa3: {  	[sflag:s23] =	ssyncset.done $0x0  }
0xa4: {  	s25 =	simm.s32 $0x1B8E;
	s24 =	sld [smem:$0x3FFE];
	[sflag:s23] =	ssyncadd.s32 $0xFFFFFFFF  }
0xa5: {  	s26 =	simm.s32 $execute0_lowered;
	[smem:$0x3FD2] =	sst s25  }
0xa6: {  	s5 =	sshll.u32 s26, $0x1;
	_ =	strace $0x80000046;
	[dreg:$0x1] =	wrdreg $0xFFFFFFFF  }
0xa7: {  	s28 =	simm.s32 $_size_execute0_lowered;
	s3 =	sadd.s32 s3, s5;
	[dreg:$0x0] =	wrdreg $0x0  }
0xa8: {  	s5 =	sshll.u32 s28, $0x1;
	[dreg:$0x2] =	wrdreg s3  }
0xa9: {  	[dreg:$0x3] =	wrdreg s5  }
0xaa: {  	[dreg:$0x4] =	wrdreg $0xC0  }
0xab: {  	_ =	task [dreg:s7], $0x5FFFF  }
0xac: {  	[dreg:$0x1] =	wrdreg $0xFFFFFFFF  }
0xad: {  	[dreg:$0x0] =	wrdreg $0x60  }
0xae: {  	[dreg:$0x2] =	wrdreg s24  }
0xaf: {  	[dreg:$0x3] =	wrdreg s2  }
0xb0: {  	[dreg:$0x4] =	wrdreg $0x28800  }
0xb1: {  	[dreg:$0x5] =	wrdreg $0x9  }
0xb2: {  	_ =	task.clear_ibuf [dreg:s7], $0x6FFFF;
	_ =	strace $0x90000046  }
0xb3: {  	s29 =	simm.s32 $0x9;
	_ =	strace $0x80000048  }
0xb4: {  	_ =	swait.ge [sflag:s29], $0x1  }
0xb5: {  	[sflag:s29] =	ssyncadd.s32 $0xFFFFFFFF  }
0xb6: {  	_ =	strace $0x90000048  }
0xb7: {  	_ =	sfence  }
0xb8: {  	s30 =	sld [smem:$0x0];
	_ =	sdelay $0x2  }
0xb9: {  	s31 =	sshll.u32 s1, $0xD;
	s1 =	sshrl.u32 s1, $0x2  }
0xba: {  	s3 =	sand.u32 $0x4000, s31;
	s1 =	sadd.s32 s1, s30  }
0xbb: {  	s0 =	sor.u32 s3, s0;
	s1 =	sshll.u32 s1, $0x11  }
0xbc: {  	s0 =	sor.u32 s1, s0  }
0xbd: {  	s0 =	sadd.s32 $0x8F2B, s0  }
0xbe: {  	[sflag:s0] =	ssyncadd.remote.s32 $0x1  }
0xbf: {  	_ =	sfence.sel $0xFFFF  }
0xc0: {  	[dreg:$0x0] =	wrdreg $0xFFFFFFFF;
	(pc) =	sbr.abs _section_cstart, $3  }
0xc1: {  	[dreg:$0x1] =	wrdreg $0xFFFFFFFF  }
0xc2: {  	_ =	task.clear_ibuf [dreg:s7], $0x2FFFF;
	_ =	strace $0x9FFFFFFF  }
0xc3: {  	(tm) =	ssettm $0x7FFFFFFF  }
tec
execute0_lowered:
.L_overlay_start_1:
0x0: {  	(tag) =	ssettag $0x1  }
0x1: {  	s6 =	rddreg [dreg:$0x0]  }
0x2: {  	s4 =	rddreg [dreg:$0x1]  }
0x3: {  	s1 =	rddreg [dreg:$0x2];
	s2 =	srdreg.scid  }
0x4: {  	s0 =	rddreg [dreg:$0x3];
	s3 =	simm.s32 $0x0;
	s11 =	simm.s32 $0x1A000  }
0x5: {  	s12 =	simm.s32 $0x2800;
	s13 =	simm.s32 $0x80;
	s14 =	simm.s32 $0x100  }
0x6: {  	s15 =	simm.s32 $0x180;
	s16 =	simm.s32 $0x1;
	s17 =	simm.s32 $0x2  }
0x7: {  	s18 =	simm.s32 $0x3;
	s19 =	simm.s32 $0x4;
	s20 =	simm.s32 $0x0  }
0x8: {  	s5 =	sand.u32 $0x1, s2;
	[smem:$0x7FF] =	sst s3;
	s2 =	stileid.u32  }
0x9: {  	s7 =	ssub.s32 $0x2, s5;
	s9 =	smul.u32 $0x280, s2;
	s10 =	sshll.u32 s5, $0x4  }
0xa: {  	p0 =	seq.s32 s5, $0x1;
	s8 =	sshrl.u32 s7, $0x1;
	s29 =	sor.u32 s2, s10  }
0xb: {  	s31 =	sshll.u32 s2, $0x6;
	s7 =	ssub.s32 s7, s8;
	s8 =	smul.u32 $0x2800, s29  }
0xc: {  	_ =	strace $0x80000047;
	s11 =	simm.s32 @!p0 $0x19A00;
	s5 =	sor.u32 $0x1C05, s31  }
0xd: {  	s10 =	simm.s32 $0x5;
	s30 =	sadd.s32 s9, s1;
	s8 =	sshrl.u32 s8, $0x3  }
0xe: {  	s9 =	sshrl.u32 s9, $0x3;
	s11 =	sadd.s32 s11, s6;
	s8 =	sadd.s32 s6, s8  }
0xf: {  	s4 =	sadd.s32 s4, s9;
	s7 =	smax.u32 s7, $0x1;
	s6 =	sadd.s32 $0xFA00, s8  }
0x10: {  	v0 =	vimm.f32 $1.000000000e+00;
	s8 =	sadd.s32 s11, s9;
	s9 =	sshrl.u32 s30, $0x3;
	s11 =	simm.s32 $0x7D  }
.LBB2_1:
0x11: {  	[spmem:s9], [sflag:s5] =	dma.local [hbm:s4], $0x50  }
0x12: {  	_ =	swait.ge [sflag:s10], $0x50  }
0x13: {  	[sflag:s10] =	ssyncset.done $0x0  }
0x14: {  	[sflag:s10] =	ssyncadd.s32 $0xFFFFFFB0  }
0x15: {  	[tilespmem:s3], [sflag:$0x5] =	stream.linear.gather [hbm4b:s6+s3], $0x2800, $0x38;
	[tilespmem:$0x2B00] =	vst v63  }
0x16: {  	_ =	swait.ge [sflag:s10], $0x2800  }
0x17: {  	[sflag:s10] =	ssyncset.done $0x0  }
0x18: {  	[sflag:s10] =	ssyncadd.s32 $0xFFFFD800  }
0x19: {  	[tilespmem:$0x2800] =	vst v0  }
0x1a: {  	[tilespmem:$0x2810] =	vst v0  }
0x1b: {  	[tilespmem:$0x2820] =	vst v0  }
0x1c: {  	[tilespmem:$0x2830] =	vst v0  }
0x1d: {  	[tilespmem:$0x2840] =	vst v0  }
0x1e: {  	[tilespmem:$0x2850] =	vst v0  }
0x1f: {  	[tilespmem:$0x2860] =	vst v0  }
0x20: {  	[tilespmem:$0x2870] =	vst v0  }
0x21: {  	[bflag:$0x0] =	sbarrier.arrive $0xFFFF  }
0x22: {  	[spmem:s1] =	stream.indirect.scatter.add.f32 [tilespmem:s12], [sflag:$0x1], $0x1, s3, s11, $0xb8;
	[tilespmem:$0x2B00] =	vst v63  }
0x23: {  	_ = 	snop  }
0x24: {  	[spmem:s1] =	stream.indirect.scatter.add.f32 [tilespmem:s12], [sflag:$0x2], $0x1, s13, s11, $0xb8;
	[tilespmem:$0x2B00] =	vst v63  }
0x25: {  	_ = 	snop  }
0x26: {  	[spmem:s1] =	stream.indirect.scatter.add.f32 [tilespmem:s12], [sflag:$0x3], $0x1, s14, s11, $0xb8;
	[tilespmem:$0x2B00] =	vst v63  }
0x27: {  	_ = 	snop  }
0x28: {  	[spmem:s1] =	stream.indirect.scatter.add.f32 [tilespmem:s12], [sflag:$0x4], $0x1, s15, s11, $0xb8;
	[tilespmem:$0x2B00] =	vst v63  }
0x29: {  	_ =	swait.ge [sflag:s16], $0x7D  }
0x2a: {  	[sflag:s16] =	ssyncset.done $0x0  }
0x2b: {  	s21 =	simm.s32 $0x200;
	[sflag:s16] =	ssyncadd.s32 $0xFFFFFF83  }
0x2c: {  	[spmem:s1] =	stream.indirect.scatter.add.f32 [tilespmem:s12], [sflag:$0x1], $0x1, s21, s11, $0xb8;
	[tilespmem:$0x2B00] =	vst v63  }
0x2d: {  	_ =	swait.ge [sflag:s17], $0x7D  }
0x2e: {  	[sflag:s17] =	ssyncset.done $0x0  }
0x2f: {  	s30 =	simm.s32 $0x280;
	[sflag:s17] =	ssyncadd.s32 $0xFFFFFF83  }
0x30: {  	[spmem:s1] =	stream.indirect.scatter.add.f32 [tilespmem:s12], [sflag:$0x2], $0x1, s30, s11, $0xb8;
	[tilespmem:$0x2B00] =	vst v63  }
0x31: {  	_ =	swait.ge [sflag:s18], $0x7D  }
0x32: {  	[sflag:s18] =	ssyncset.done $0x0  }
0x33: {  	s31 =	simm.s32 $0x300;
	[sflag:s18] =	ssyncadd.s32 $0xFFFFFF83  }
0x34: {  	[spmem:s1] =	stream.indirect.scatter.add.f32 [tilespmem:s12], [sflag:$0x3], $0x1, s31, s11, $0xb8;
	[tilespmem:$0x2B00] =	vst v63  }
0x35: {  	_ =	swait.ge [sflag:s19], $0x7D  }
0x36: {  	[sflag:s19] =	ssyncset.done $0x0  }
0x37: {  	s22 =	simm.s32 $0x380;
	s21 =	simm.s32 $0xFFFF7000;
	[sflag:s19] =	ssyncadd.s32 $0xFFFFFF83  }
.LBB2_2:
0x38: {  	[spmem:s1] =	stream.indirect.scatter.add.f32 [tilespmem:s12], [sflag:$0x4], $0x1, s22, s11, $0xb8;
	[tilespmem:$0x2B00] =	vst v63  }
0x39: {  	s22 =	smov.u32 s21  }
0x3a: {  	p0 =	sne.s32 s21, $0xFFFFF800;
	s21 =	sadd.s32 $0x800, s21;
	_ =	swait.ge [sflag:s16], $0x7D  }
0x3b: {  	s22 =	sshra.s32 s22, $0x2;
	[sflag:s16] =	ssyncset.done $0x0  }
0x3c: {  	s23 =	sadd.s32 $0x2800, s22;
	[sflag:s16] =	ssyncadd.s32 $0xFFFFFF83  }
0x3d: {  	[spmem:s1] =	stream.indirect.scatter.add.f32 [tilespmem:s12], [sflag:$0x1], $0x1, s23, s11, $0xb8;
	[tilespmem:$0x2B00] =	vst v63  }
0x3e: {  	_ =	swait.ge [sflag:s17], $0x7D  }
0x3f: {  	[sflag:s17] =	ssyncset.done $0x0  }
0x40: {  	s23 =	sadd.s32 $0x2880, s22;
	[sflag:s17] =	ssyncadd.s32 $0xFFFFFF83  }
0x41: {  	[spmem:s1] =	stream.indirect.scatter.add.f32 [tilespmem:s12], [sflag:$0x2], $0x1, s23, s11, $0xb8;
	[tilespmem:$0x2B00] =	vst v63  }
0x42: {  	_ =	swait.ge [sflag:s18], $0x7D  }
0x43: {  	[sflag:s18] =	ssyncset.done $0x0  }
.Ltmp0:
0x44: {  	s23 =	sadd.s32 $0x2900, s22;
	[sflag:s18] =	ssyncadd.s32 $0xFFFFFF83;
	(pc) =	sbr.rel @p0 .LBB2_2-.Ltmp0, $4  }
0x45: {  	[spmem:s1] =	stream.indirect.scatter.add.f32 [tilespmem:s12], [sflag:$0x3], $0x1, s23, s11, $0xb8;
	[tilespmem:$0x2B00] =	vst v63  }
0x46: {  	_ =	swait.ge [sflag:s19], $0x7D  }
0x47: {  	[sflag:s19] =	ssyncset.done $0x0  }
0x48: {  	s22 =	sadd.s32 $0x2980, s22;
	[sflag:s19] =	ssyncadd.s32 $0xFFFFFF83  }
0x49: {  	[spmem:s1] =	stream.indirect.scatter.add.f32 [tilespmem:s12], [sflag:$0x4], $0x1, s22, s11, $0xb8;
	[tilespmem:$0x2B00] =	vst v63  }
0x4a: {  	_ =	swait.ge [sflag:s16], $0x7D  }
0x4b: {  	[sflag:s16] =	ssyncset.done $0x0  }
0x4c: {  	[sflag:s16] =	ssyncadd.s32 $0xFFFFFF83  }
0x4d: {  	_ =	swait.ge [sflag:s17], $0x7D  }
0x4e: {  	[sflag:s17] =	ssyncset.done $0x0  }
0x4f: {  	[sflag:s17] =	ssyncadd.s32 $0xFFFFFF83  }
0x50: {  	_ =	swait.ge [sflag:s18], $0x7D  }
0x51: {  	[sflag:s18] =	ssyncset.done $0x0  }
0x52: {  	[sflag:s18] =	ssyncadd.s32 $0xFFFFFF83  }
0x53: {  	_ =	swait.ge [sflag:s19], $0x7D  }
0x54: {  	s20 =	sadd.s32 $0x1, s20;
	[sflag:s19] =	ssyncset.done $0x0  }
0x55: {  	p0 =	sne.s32 s20, s7;
	[sflag:s19] =	ssyncadd.s32 $0xFFFFFF83  }
.Ltmp1:
0x56: {  	[bflag:$0x0] =	sbarrier.arrive $0xFFFF;
	(pc) =	sbr.rel @p0 .LBB2_1-.Ltmp1, $4  }
0x57: {  	[hbm:s8], [sflag:s5] =	dma.local [spmem:s9], $0x50  }
0x58: {  	_ =	swait.ge [sflag:s10], $0x50  }
0x59: {  	[sflag:s10] =	ssyncset.done $0x0  }
0x5a: {  	[sflag:s10] =	ssyncadd.s32 $0xFFFFFFB0  }
0x5b: {  	_ =	sfence.sel $0x180000  }
0x5c: {  	[bflag:$0x0] =	sbarrier.arrive $0xFFFF  }
0x5d: {  	p0 =	sne.s32 s2, $0x0;
	_ =	strace $0x90000047  }
0x5e: {  	s0 =	sadd.s32 @!p0 $0x100000, s0;
	[bflag:$0x2] =	sbarrier.arrive $0xFFFF  }
0x5f: {  	[sflag:s0] =	ssyncadd.tile.s32 @!p0 $0x1;
	_ =	shalt  }
.Lfunc_end2:
_tile_overlayer_lowered:
.L_overlay_start_2:
0x60: {  	(tag) =	ssettag $0x2  }
0x61: {  	s0 =	rddreg [dreg:$0x0];
	s2 =	stileid.u32  }
0x62: {  	s1 =	rddreg [dreg:$0x1];
	p0 =	sne.s32 s2, $0x0  }
0x63: {  	s3 =	rddreg [dreg:$0x2];
	[bflag:$0x3] =	sbarrier.arrive $0xFFFF;
	s2 =	simm.s32 @!p0 $0x1C05  }
0x64: {  	[timem:s3], [sflag:s2] =	dma.local @!p0 [hbm:s0], s1  }
0x65: {  	s0 =	simm.s32 @!p0 $0x5  }
0x66: {  	_ =	swait.ge @!p0 [sflag:s0], s1  }
0x67: {  	s1 =	ssub.s32 @!p0 $0x0, s1;
	[sflag:s0] =	ssyncset.done @!p0 $0x0  }
0x68: {  	[sflag:s0] =	ssyncadd.s32 @!p0 s1  }
0x69: {  	[bflag:$0x3] =	sbarrier.arrive $0xFFFF  }
0x6a: {  	_ =	shalt  }

// kernel: kernel.13.cloned.1.call-start
scs
__scs_entry_jumppad:
0x0: {  	(pc) =	sbr.rel $0x88, $3  }
0x1: {  	(tag) =	ssettag $0x0;
	lr =	simm.s32 $0x1  }
0x2: {  	[smem:$0x3F95] =	sst lr;
	_ =	strace $0xD0000000  }
0x3: {  	_ = 	snop  }
0x4: {  	_ = 	snop  }
0x5: {  	_ = 	snop  }
0x6: {  	_ = 	snop  }
0x7: {  	_ = 	snop  }
__scs_overlays_trampoline_lowered:
0x8: {  	[smem:$0x3FA4] =	sst s0  }
0x9: {  	[smem:$0x3FA5] =	sst s1  }
0xa: {  	[smem:$0x3FA6] =	sst s2  }
0xb: {  	[smem:$0x3FA7] =	sst s3  }
0xc: {  	[smem:$0x3FA8] =	sst s4  }
0xd: {  	[smem:$0x3FA9] =	sst s5  }
0xe: {  	[smem:$0x3FAA] =	sst s6  }
0xf: {  	[smem:$0x3FAB] =	sst s7  }
0x10: {  	[smem:$0x3FAC] =	sst s8  }
0x11: {  	[smem:$0x3FAD] =	sst s9;
	s0 =	simm.s32 @!p0 $0x0  }
0x12: {  	s1 =	sld [smem:$0x3F93];
	s0 =	simm.s32 @p0 $0x1  }
0x13: {  	[smem:$0x3FAE] =	sst s0;
	s0 =	simm.s32 @!p1 $0x0  }
0x14: {  	s2 =	sld [smem:$0x3F92];
	s0 =	simm.s32 @p1 $0x1  }
0x15: {  	[smem:$0x3FAF] =	sst s0;
	s0 =	simm.s32 @!p2 $0x0  }
0x16: {  	s3 =	sld [smem:$0x3FDB];
	s0 =	simm.s32 @p2 $0x1  }
0x17: {  	s4 =	simm.s32 $0x1BF5;
	[smem:$0x3FB1] =	sst s0  }
0x18: {  	s0 =	sld [smem:$0x3F94];
	_ =	swait.ge [sflag:s4], $0x0  }
0x19: {  	s7 =	sld [smem:$0x3F95]  }
0x1a: {  	s8 =	sadd.s32 $0xFFFFE003, lr  }
0x1b: {  	s9 =	sadd.s32 $0xFFFFFEF7, lr;
	s5 =	simm.s32 $0xFFFFFFFF;
	p2 =	slt.u32 s8, $0xFFFFF086  }
0x1c: {  	p1 =	slt.u32 s9, $0xF7A;
	s5 =	simm.s32 @!p2 $0x0  }
0x1d: {  	s5 =	simm.s32 @p1 $0x1;
	p0 =	seq.s32 s7, s2  }
0x1e: {  	s7 =	smul.u32 @!p0 $0xF7A, s2;
	p2 =	seq.s32 @!p0 s5, $0x0  }
0x1f: {  	s9 =	smul.u32 $0xF7A, s1;
	s8 =	simm.s32 @!p0 $0x1BF5;
	p2 =	por !p2, p0  }
0x20: {  	[sflag:s8] =	ssyncset.s32 @!p0 $0xFFFFF086;
	s6 =	sadd.s32 @!p0 s3, s7;
	s7 =	simm.s32 @!p0 $0x108  }
0x21: {  	s3 =	sadd.s32 s3, s9;
	s6 =	sadd.s32 @!p0 $0x88, s6;
	s7 =	simm.s32 @p2 $0x1082  }
0x22: {  	[simem:s7], [sflag:s8] =	dma.local @!p0 [hbm:s6], $0xF7A  }
0x23: {  	s9 =	sor.u32 $0xD0000000, s2;
	s6 =	simm.s32 $0x108;
	_ =	swait.ge @!p0 [sflag:s8], $0x0  }
0x24: {  	s3 =	sadd.s32 $0x88, s3;
	s6 =	simm.s32 @!p1 $0x1082;
	[sflag:s4] =	ssyncset.s32 $0xFFFFF086  }
0x25: {  	[simem:s6], [sflag:s4] =	dma.local [hbm:s3], $0xF7A  }
0x26: {  	[smem:$0x3F95] =	sst s1;
	(tag) =	ssettag s2;
	_ =	strace s9  }
0x27: {  	s1 =	sld [smem:$0x3FA5]  }
0x28: {  	s2 =	sld [smem:$0x3FA6]  }
0x29: {  	s4 =	sld [smem:$0x3FA8]  }
0x2a: {  	p0 =	seq.s32 s5, $0x0;
	s5 =	sld [smem:$0x3FA9]  }
0x2b: {  	s6 =	sld [smem:$0x3FAA]  }
0x2c: {  	s7 =	sld [smem:$0x3FAB]  }
0x2d: {  	s3 =	simm.s32 $0x108;
	s8 =	sld [smem:$0x3FAC]  }
0x2e: {  	s3 =	simm.s32 @!p0 $0x1082;
	s9 =	sld [smem:$0x3FAD]  }
0x2f: {  	lr =	sadd.s32 s0, s3;
	s0 =	sld [smem:$0x3FA4]  }
0x30: {  	s3 =	sld [smem:$0x3FA7]  }
0x31: {  	[smem:$0x3FB0] =	sst s10  }
0x32: {  	s10 =	sld [smem:$0x3FAE];
	_ =	sdelay $0x3  }
0x33: {  	p0 =	seq.s32 s10, $0x1;
	s10 =	sld [smem:$0x3FB0];
	_ =	sdelay $0x3  }
0x34: {  	[smem:$0x3FB0] =	sst s10  }
0x35: {  	s10 =	sld [smem:$0x3FAF];
	_ =	sdelay $0x3  }
0x36: {  	p1 =	seq.s32 s10, $0x1;
	s10 =	sld [smem:$0x3FB0];
	_ =	sdelay $0x3  }
0x37: {  	[smem:$0x3FB0] =	sst s10  }
0x38: {  	s10 =	sld [smem:$0x3FB1]  }
0x39: {  	_ = 	snop;
	(pc) =	sbr.ind lr, $3  }
0x3a: {  	_ = 	snop  }
0x3b: {  	_ = 	snop  }
0x3c: {  	p2 =	seq.s32 s10, $0x1;
	s10 =	sld [smem:$0x3FB0]  }
0x3d: {  	_ =	shalt  }
0x3e: {  	_ =	shalt  }
0x3f: {  	_ =	shalt  }
0x40: {  	_ =	shalt  }
0x41: {  	_ =	shalt  }
0x42: {  	_ =	shalt  }
0x43: {  	_ =	shalt  }
0x44: {  	_ =	shalt  }
0x45: {  	_ =	shalt  }
0x46: {  	_ =	shalt  }
0x47: {  	_ =	shalt  }
0x48: {  	_ =	shalt  }
0x49: {  	_ =	shalt  }
0x4a: {  	_ =	shalt  }
0x4b: {  	_ =	shalt  }
0x4c: {  	_ =	shalt  }
0x4d: {  	_ =	shalt  }
0x4e: {  	_ =	shalt  }
0x4f: {  	_ =	shalt  }
0x50: {  	_ =	shalt  }
0x51: {  	_ =	shalt  }
0x52: {  	_ =	shalt  }
0x53: {  	_ =	shalt  }
0x54: {  	_ =	shalt  }
0x55: {  	_ =	shalt  }
0x56: {  	_ =	shalt  }
0x57: {  	_ =	shalt  }
0x58: {  	_ =	shalt  }
0x59: {  	_ =	shalt  }
0x5a: {  	_ =	shalt  }
0x5b: {  	_ =	shalt  }
0x5c: {  	_ =	shalt  }
0x5d: {  	_ =	shalt  }
0x5e: {  	_ =	shalt  }
0x5f: {  	_ =	shalt  }
0x60: {  	_ =	shalt  }
0x61: {  	_ =	shalt  }
0x62: {  	_ =	shalt  }
0x63: {  	_ =	shalt  }
0x64: {  	_ =	shalt  }
0x65: {  	_ =	shalt  }
0x66: {  	_ =	shalt  }
0x67: {  	_ =	shalt  }
0x68: {  	_ =	shalt  }
0x69: {  	_ =	shalt  }
0x6a: {  	_ =	shalt  }
0x6b: {  	_ =	shalt  }
0x6c: {  	_ =	shalt  }
0x6d: {  	_ =	shalt  }
0x6e: {  	_ =	shalt  }
0x6f: {  	_ =	shalt  }
0x70: {  	_ =	shalt  }
0x71: {  	_ =	shalt  }
0x72: {  	_ =	shalt  }
0x73: {  	_ =	shalt  }
0x74: {  	_ =	shalt  }
0x75: {  	_ =	shalt  }
0x76: {  	_ =	shalt  }
0x77: {  	_ =	shalt  }
0x78: {  	_ =	shalt  }
0x79: {  	_ =	shalt  }
0x7a: {  	_ =	shalt  }
0x7b: {  	_ =	shalt  }
0x7c: {  	_ =	shalt  }
0x7d: {  	_ =	shalt  }
0x7e: {  	_ =	shalt  }
0x7f: {  	_ =	shalt  }
0x80: {  	_ =	shalt  }
0x81: {  	_ =	shalt  }
0x82: {  	_ =	shalt  }
0x83: {  	_ =	shalt  }
0x84: {  	_ =	shalt  }
0x85: {  	_ =	shalt  }
0x86: {  	_ =	shalt  }
0x87: {  	_ =	shalt  }
.Lfunc_end0:
.L_simem_size_0:
called_computation.1_lowered:
.L_overlay_start_0:
0x88: {  	s2 =	sld [smem:$0x3FD9]  }
0x89: {  	s3 =	sld [smem:$0x3FFE];
	_ =	sdelay $0x1  }
0x8a: {  	s1 =	srdreg.scid  }
0x8b: {  	s0 =	sand.u32 $0x1, s1  }
0x8c: {  	s17 =	sshll.u32 s0, $0xA;
	s2 =	sadd.s32 s3, s2  }
0x8d: {  	s2 =	sadd.s32 s2, s17  }
0x8e: {  	[smem:$0x3FBC] =	sst s2  }
0x8f: {  	_ = 	snop  }
0x90: {  	s2 =	sld [smem:$0x3FD0];
	(tm) =	ssettm $0x1  }
0x91: {  	s18 =	sld [smem:$0x3FFB];
	_ =	sdelay $0x3  }
0x92: {  	_ =	strace s18  }
0x93: {  	s3 =	sld [smem:$0x3FFC];
	_ =	sdelay $0x3  }
0x94: {  	_ =	strace s3  }
0x95: {  	s3 =	sld [smem:$0x3FFD];
	_ =	sdelay $0x3  }
0x96: {  	_ =	strace s3  }
0x97: {  	_ =	strace $0x8FFFFFFF  }
0x98: {  	s19 =	sld [smem:$0x3FDB];
	_ =	sdelay $0x1  }
0x99: {  	s4 =	simm.s32 $_scs_section_size  }
0x9a: {  	s5 =	simm.s32 $_size__tile_overlayer_lowered;
	s6 =	simm.s32 $_tile_overlayer_lowered  }
0x9b: {  	s22 =	simm.s32 $0x1BFF;
	s21 =	sshll.u32 s6, $0x1;
	s3 =	sadd.s32 s4, s19  }
0x9c: {  	s7 =	simm.s32 $0x0;
	s20 =	sshll.u32 s5, $0x1;
	s5 =	sadd.s32 s21, s3  }
0x9d: {  	[timem:s7], [sflag:s22] =	dma.local [hbm:s5], s20  }
0x9e: {  	_ =	swait.ge [sflag:s22], s20  }
0x9f: {  	s4 =	ssub.s32 $0x0, s20;
	[sflag:s22] =	ssyncset.done $0x0  }
0xa0: {  	[sflag:s22] =	ssyncadd.s32 s4;
	_ =	sdelay $0x1  }
0xa1: {  	s23 =	simm.s32 $0x1B8B  }
0xa2: {  	_ =	swait.ge [sflag:s23], $0x1  }
0xa3: {  	[sflag:s23] =	ssyncset.done $0x0  }
0xa4: {  	s25 =	simm.s32 $0x1B8E;
	s24 =	sld [smem:$0x3FFE];
	[sflag:s23] =	ssyncadd.s32 $0xFFFFFFFF  }
0xa5: {  	s26 =	simm.s32 $execute0_lowered;
	[smem:$0x3FD2] =	sst s25  }
0xa6: {  	s5 =	sshll.u32 s26, $0x1;
	_ =	strace $0x80000049;
	[dreg:$0x1] =	wrdreg $0xFFFFFFFF  }
0xa7: {  	s28 =	simm.s32 $_size_execute0_lowered;
	s3 =	sadd.s32 s3, s5;
	[dreg:$0x0] =	wrdreg $0x0  }
0xa8: {  	s5 =	sshll.u32 s28, $0x1;
	[dreg:$0x2] =	wrdreg s3  }
0xa9: {  	[dreg:$0x3] =	wrdreg s5  }
0xaa: {  	[dreg:$0x4] =	wrdreg $0xC0  }
0xab: {  	_ =	task [dreg:s7], $0x5FFFF  }
0xac: {  	[dreg:$0x1] =	wrdreg $0xFFFFFFFF  }
0xad: {  	[dreg:$0x0] =	wrdreg $0x60  }
0xae: {  	[dreg:$0x2] =	wrdreg s2  }
0xaf: {  	[dreg:$0x3] =	wrdreg s24  }
0xb0: {  	[dreg:$0x4] =	wrdreg $0xCD000  }
0xb1: {  	[dreg:$0x5] =	wrdreg $0x9  }
0xb2: {  	_ =	task.clear_ibuf [dreg:s7], $0x6FFFF;
	_ =	strace $0x90000049  }
0xb3: {  	s29 =	simm.s32 $0x9;
	_ =	strace $0x8000004B  }
0xb4: {  	_ =	swait.ge [sflag:s29], $0x1  }
0xb5: {  	[sflag:s29] =	ssyncadd.s32 $0xFFFFFFFF  }
0xb6: {  	_ =	strace $0x9000004B  }
0xb7: {  	_ =	sfence  }
0xb8: {  	s30 =	sld [smem:$0x0];
	_ =	sdelay $0x2  }
0xb9: {  	s31 =	sshll.u32 s1, $0xD;
	s1 =	sshrl.u32 s1, $0x2  }
0xba: {  	s3 =	sand.u32 $0x4000, s31;
	s1 =	sadd.s32 s1, s30  }
0xbb: {  	s0 =	sor.u32 s3, s0;
	s1 =	sshll.u32 s1, $0x11  }
0xbc: {  	s0 =	sor.u32 s1, s0  }
0xbd: {  	s0 =	sadd.s32 $0x8F2B, s0  }
0xbe: {  	[sflag:s0] =	ssyncadd.remote.s32 $0x1  }
0xbf: {  	_ =	sfence.sel $0xFFFF  }
0xc0: {  	[dreg:$0x0] =	wrdreg $0xFFFFFFFF;
	(pc) =	sbr.abs _section_cstart, $3  }
0xc1: {  	[dreg:$0x1] =	wrdreg $0xFFFFFFFF  }
0xc2: {  	_ =	task.clear_ibuf [dreg:s7], $0x2FFFF;
	_ =	strace $0x9FFFFFFF  }
0xc3: {  	(tm) =	ssettm $0x7FFFFFFF  }
tec
execute0_lowered:
.L_overlay_start_1:
0x0: {  	(tag) =	ssettag $0x1  }
0x1: {  	s0 =	srdreg.scid;
	s1 =	rddreg [dreg:$0x0]  }
0x2: {  	s2 =	rddreg [dreg:$0x1];
	s10 =	stileid.u32  }
0x3: {  	s3 =	rddreg [dreg:$0x2];
	s18 =	simm.s32 $0x0;
	s12 =	simm.s32 $0x11  }
0x4: {  	s14 =	simm.s32 $0x7D;
	s15 =	simm.s32 $0x5000;
	s17 =	simm.s32 $0x5FA0  }
0x5: {  	s24 =	simm.s32 $0x8E80;
	s25 =	simm.s32 $0x9E20;
	s26 =	simm.s32 $0xADC0  }
0x6: {  	s28 =	simm.s32 $0x9;
	s29 =	simm.s32 $0x5;
	s30 =	simm.s32 $0x6  }
0x7: {  	s31 =	simm.s32 $0x7;
	s0 =	sand.u32 $0x1, s0;
	[smem:$0x7FF] =	sst s18  }
0x8: {  	s6 =	smul.u32 $0x5000, s10;
	s19 =	sshll.u32 s10, $0x6;
	s4 =	sshll.u32 s0, $0x4  }
0x9: {  	_ =	strace $0x8000004A;
	s7 =	ssub.s32 $0x2, s0;
	[dreg:$0x4] =	wrdreg s24  }
0xa: {  	p0 =	seq.s32 s0, $0x1;
	s0 =	simm.s32 $0x2DA00;
	[dreg:$0x5] =	wrdreg s25  }
0xb: {  	s24 =	simm.s32 $0x2;
	[dreg:$0x6] =	wrdreg s26;
	s5 =	sor.u32 s10, s4  }
0xc: {  	s25 =	simm.s32 $0x3;
	s26 =	simm.s32 $0x4;
	s5 =	smul.u32 $0x2800, s5  }
0xd: {  	s8 =	sshrl.u32 s6, $0x3;
	s9 =	sshrl.u32 s7, $0x1;
	s20 =	sadd.s32 s6, s3  }
0xe: {  	s4 =	sor.u32 $0x1C11, s19;
	s7 =	ssub.s32 s7, s9;
	s5 =	sshrl.u32 s5, $0x3  }
0xf: {  	s23 =	smax.u32 s7, $0x1;
	s5 =	sadd.s32 s5, s2;
	s2 =	sadd.s32 s8, s2  }
0x10: {  	s0 =	simm.s32 @!p0 $0x23A00;
	[dreg:$0xa] =	wrdreg s23;
	s21 =	sadd.s32 $0x19A00, s2  }
0x11: {  	s19 =	simm.s32 $0x6F40;
	s22 =	sadd.s32 $0x5A00, s5;
	[dreg:$0x7] =	wrdreg s21  }
0x12: {  	s23 =	simm.s32 $0x1;
	s5 =	sadd.s32 $0xFA00, s5;
	[dreg:$0x8] =	wrdreg s22  }
0x13: {  	s0 =	sadd.s32 s0, s2;
	s2 =	simm.s32 $0x8;
	[dreg:$0x9] =	wrdreg s5  }
0x14: {  	[dreg:$0xb] =	wrdreg s0;
	s5 =	sshrl.u32 s20, $0x3;
	s21 =	simm.s32 $0x7EE0  }
0x15: {  	s22 =	simm.s32 $0xBD60;
	s20 =	simm.s32 $0x0;
	[dreg:$0xc] =	wrdreg s5  }
.LBB2_1:
0x16: {  	s0 =	rddreg [dreg:$0x7]  }
0x17: {  	[spmem:s5], [sflag:s4] =	dma.local [hbm:s0], $0xA00  }
0x18: {  	_ =	swait.ge [sflag:s12], $0xA00  }
0x19: {  	[sflag:s12] =	ssyncset.done $0x0  }
0x1a: {  	s9 =	simm.s32 $0x0;
	s10 =	rddreg [dreg:$0x8];
	[sflag:s12] =	ssyncadd.s32 $0xFFFFF600  }
0x1b: {  	[tilespmem:s9], [sflag:$0x11] =	stream.linear.gather [hbm4b:s10+s9], $0x2800, $0x38;
	[tilespmem:$0x11D00] =	vst v63  }
0x1c: {  	_ =	swait.ge [sflag:s12], $0x2800  }
0x1d: {  	[sflag:s12] =	ssyncset.done $0x0  }
0x1e: {  	s16 =	simm.s32 $0x2800;
	s13 =	rddreg [dreg:$0x9];
	[sflag:s12] =	ssyncadd.s32 $0xFFFFD800  }
0x1f: {  	[tilespmem:s16], [sflag:$0x11] =	stream.linear.gather [hbm4b:s13+s9], $0x2800, $0x38;
	[tilespmem:$0x11D00] =	vst v63  }
0x20: {  	_ =	swait.ge [sflag:s12], $0x2800  }
0x21: {  	[sflag:s12] =	ssyncset.done $0x0  }
0x22: {  	[sflag:s12] =	ssyncadd.s32 $0xFFFFD800  }
0x23: {  	[bflag:$0x0] =	sbarrier.arrive $0xFFFF  }
0x24: {  	[tilespmem:s15], [sflag:$0x1] =	stream.indirect.gather [hbm4b:s1+s14], $0x20, s9, s14, $0xb8;
	[tilespmem:$0x11D00] =	vst v63  }
0x25: {  	s18 =	simm.s32 $0x80  }
0x26: {  	[tilespmem:s17], [sflag:$0x2] =	stream.indirect.gather [hbm4b:s1+s14], $0x20, s18, s14, $0xb8;
	[tilespmem:$0x11D00] =	vst v63  }
0x27: {  	s11 =	smov.u32 s4;
	s4 =	simm.s32 $0x100  }
0x28: {  	[tilespmem:s19], [sflag:$0x3] =	stream.indirect.gather [hbm4b:s1+s14], $0x20, s4, s14, $0xb8;
	[tilespmem:$0x11D00] =	vst v63  }
0x29: {  	p0 =	por $0x0, $0x0;
	s5 =	simm.s32 $0x180  }
0x2a: {  	[tilespmem:s21], [sflag:$0x4] =	stream.indirect.gather [hbm4b:s1+s14], $0x20, s5, s14, $0xb8;
	[tilespmem:$0x11D00] =	vst v63  }
0x2b: {  	s5 =	simm.s32 @p0 $0xD  }
0x2c: {  	_ =	swait.ge @p0 [sflag:s5], $0xFA0  }
0x2d: {  	s7 =	simm.s32 @p0 $0xE;
	s8 =	simm.s32 @p0 $0x8E80;
	[sflag:s5] =	ssyncset.done @p0 $0x0  }
0x2e: {  	s9 =	simm.s32 @p0 $0x7D;
	[sflag:s5] =	ssyncadd.s32 @p0 $0xFFFFF060;
	s5 =	simm.s32 @p0 $0x200  }
0x2f: {  	[tilespmem:s8], [sflag:$0x5] =	stream.indirect.gather @p0 [hbm4b:s1+s9], $0x20, s5, s9, $0xb8;
	[tilespmem:$0x11D00] =	vst v63  }
0x30: {  	_ =	swait.ge @p0 [sflag:s7], $0xFA0  }
0x31: {  	s5 =	simm.s32 @p0 $0x280;
	[sflag:s7] =	ssyncset.done @p0 $0x0  }
0x32: {  	s8 =	simm.s32 @p0 $0xF;
	[sflag:s7] =	ssyncadd.s32 @p0 $0xFFFFF060;
	s7 =	simm.s32 @p0 $0x9E20  }
0x33: {  	[tilespmem:s7], [sflag:$0x6] =	stream.indirect.gather @p0 [hbm4b:s1+s9], $0x20, s5, s9, $0xb8;
	[tilespmem:$0x11D00] =	vst v63  }
0x34: {  	_ =	swait.ge @p0 [sflag:s8], $0xFA0  }
0x35: {  	s5 =	simm.s32 @p0 $0x300;
	[sflag:s8] =	ssyncset.done @p0 $0x0  }
0x36: {  	s7 =	simm.s32 @p0 $0xADC0;
	[sflag:s8] =	ssyncadd.s32 @p0 $0xFFFFF060;
	s8 =	simm.s32 @p0 $0x10  }
0x37: {  	[tilespmem:s7], [sflag:$0x7] =	stream.indirect.gather @p0 [hbm4b:s1+s9], $0x20, s5, s9, $0xb8;
	[tilespmem:$0x11D00] =	vst v63  }
0x38: {  	_ =	swait.ge @p0 [sflag:s8], $0xFA0  }
0x39: {  	s5 =	simm.s32 @!p0 $0x8E80;
	[sflag:s8] =	ssyncset.done @p0 $0x0  }
0x3a: {  	s7 =	simm.s32 @!p0 $0x7D;
	[sflag:s8] =	ssyncadd.s32 @p0 $0xFFFFF060;
	s8 =	simm.s32 @!p0 $0x200  }
0x3b: {  	[tilespmem:s5], [sflag:$0x5] =	stream.indirect.gather @!p0 [hbm4b:s1+s7], $0x20, s8, s7, $0xb8;
	[tilespmem:$0x11D00] =	vst v63  }
0x3c: {  	s5 =	simm.s32 @!p0 $0x280;
	s8 =	simm.s32 @!p0 $0x9E20  }
0x3d: {  	[tilespmem:s8], [sflag:$0x6] =	stream.indirect.gather @!p0 [hbm4b:s1+s7], $0x20, s5, s7, $0xb8;
	[tilespmem:$0x11D00] =	vst v63  }
0x3e: {  	s9 =	simm.s32 @!p0 $0xADC0;
	s5 =	simm.s32 $0x380;
	s8 =	simm.s32 @!p0 $0x300  }
0x3f: {  	[tilespmem:s9], [sflag:$0x7] =	stream.indirect.gather @!p0 [hbm4b:s1+s7], $0x20, s8, s7, $0xb8;
	[tilespmem:$0x11D00] =	vst v63  }
0x40: {  	s5 =	simm.s32 @!p0 $0x380  }
0x41: {  	[tilespmem:s22], [sflag:$0x8] =	stream.indirect.gather [hbm4b:s1+s14], $0x20, s5, s14, $0xb8;
	[tilespmem:$0x11D00] =	vst v63  }
0x42: {  	_ =	swait.ge [sflag:s23], $0xFA0  }
0x43: {  	[sflag:s23] =	ssyncset.done $0x0  }
0x44: {  	s6 =	simm.s32 $0x2800;
	[sflag:s23] =	ssyncadd.s32 $0xFFFFF060  }
0x45: {  	[spmem:s3] =	stream.indirect.scatter.add.f32 [tilespmem:s15], [sflag:$0x9], $0x20, s6, s14, $0xb8;
	[tilespmem:$0x11D00] =	vst v63  }
0x46: {  	_ =	swait.ge [sflag:s24], $0xFA0  }
0x47: {  	[sflag:s24] =	ssyncset.done $0x0  }
0x48: {  	s8 =	simm.s32 $0x2880;
	[sflag:s24] =	ssyncadd.s32 $0xFFFFF060  }
0x49: {  	[spmem:s3] =	stream.indirect.scatter.add.f32 [tilespmem:s17], [sflag:$0xA], $0x20, s8, s14, $0xb8;
	[tilespmem:$0x11D00] =	vst v63  }
0x4a: {  	_ =	swait.ge [sflag:s25], $0xFA0  }
0x4b: {  	[sflag:s25] =	ssyncset.done $0x0  }
0x4c: {  	s9 =	simm.s32 $0x2900;
	[sflag:s25] =	ssyncadd.s32 $0xFFFFF060  }
0x4d: {  	[spmem:s3] =	stream.indirect.scatter.add.f32 [tilespmem:s19], [sflag:$0xB], $0x20, s9, s14, $0xb8;
	[tilespmem:$0x11D00] =	vst v63  }
0x4e: {  	_ =	swait.ge [sflag:s26], $0xFA0  }
0x4f: {  	[sflag:s26] =	ssyncset.done $0x0  }
0x50: {  	s10 =	simm.s32 $0x2980;
	[sflag:s26] =	ssyncadd.s32 $0xFFFFF060  }
0x51: {  	[spmem:s3] =	stream.indirect.scatter.add.f32 [tilespmem:s21], [sflag:$0xC], $0x20, s10, s14, $0xb8;
	[tilespmem:$0x11D00] =	vst v63  }
0x52: {  	_ =	swait.ge [sflag:s28], $0xFA0  }
0x53: {  	p1 =	por $0x0, $0x0;
	[sflag:s28] =	ssyncset.done $0x0  }
0x54: {  	s7 =	simm.s32 @p1 $0xA;
	[sflag:s28] =	ssyncadd.s32 $0xFFFFF060  }
0x55: {  	_ =	swait.ge @p1 [sflag:s7], $0xFA0  }
0x56: {  	[sflag:s7] =	ssyncset.done @p1 $0x0  }
0x57: {  	[sflag:s7] =	ssyncadd.s32 @p1 $0xFFFFF060;
	s7 =	simm.s32 @p1 $0xB  }
0x58: {  	_ =	swait.ge @p1 [sflag:s7], $0xFA0  }
0x59: {  	[sflag:s7] =	ssyncset.done @p1 $0x0  }
0x5a: {  	[sflag:s7] =	ssyncadd.s32 @p1 $0xFFFFF060;
	s7 =	simm.s32 @p1 $0xC  }
0x5b: {  	_ =	swait.ge @p1 [sflag:s7], $0xFA0  }
0x5c: {  	s8 =	simm.s32 @!p1 $0x400;
	[sflag:s7] =	ssyncset.done @p1 $0x0  }
0x5d: {  	s9 =	simm.s32 @!p1 $0x5000;
	[sflag:s7] =	ssyncadd.s32 @p1 $0xFFFFF060;
	s7 =	simm.s32 @!p1 $0x7D  }
0x5e: {  	[tilespmem:s9], [sflag:$0x1] =	stream.indirect.gather @!p1 [hbm4b:s1+s7], $0x20, s8, s7, $0xb8;
	[tilespmem:$0x11D00] =	vst v63  }
0x5f: {  	s8 =	simm.s32 @!p1 $0xA  }
0x60: {  	_ =	swait.ge @!p1 [sflag:s8], $0xFA0  }
0x61: {  	[sflag:s8] =	ssyncset.done @!p1 $0x0  }
0x62: {  	s9 =	simm.s32 @!p1 $0x480;
	[sflag:s8] =	ssyncadd.s32 @!p1 $0xFFFFF060;
	s8 =	simm.s32 @!p1 $0x5FA0  }
0x63: {  	[tilespmem:s8], [sflag:$0x2] =	stream.indirect.gather @!p1 [hbm4b:s1+s7], $0x20, s9, s7, $0xb8;
	[tilespmem:$0x11D00] =	vst v63  }
0x64: {  	s8 =	simm.s32 @!p1 $0xB  }
0x65: {  	_ =	swait.ge @!p1 [sflag:s8], $0xFA0  }
0x66: {  	[sflag:s8] =	ssyncset.done @!p1 $0x0  }
0x67: {  	s9 =	simm.s32 @!p1 $0x500;
	[sflag:s8] =	ssyncadd.s32 @!p1 $0xFFFFF060;
	s8 =	simm.s32 @!p1 $0x6F40  }
0x68: {  	[tilespmem:s8], [sflag:$0x3] =	stream.indirect.gather @!p1 [hbm4b:s1+s7], $0x20, s9, s7, $0xb8;
	[tilespmem:$0x11D00] =	vst v63  }
0x69: {  	s8 =	simm.s32 @!p1 $0xC  }
0x6a: {  	_ =	swait.ge @!p1 [sflag:s8], $0xFA0  }
0x6b: {  	[sflag:s8] =	ssyncset.done @!p1 $0x0  }
0x6c: {  	s9 =	simm.s32 @!p1 $0x580;
	[sflag:s8] =	ssyncadd.s32 @!p1 $0xFFFFF060;
	s8 =	simm.s32 @!p1 $0x7EE0  }
0x6d: {  	[tilespmem:s8], [sflag:$0x4] =	stream.indirect.gather @!p1 [hbm4b:s1+s7], $0x20, s9, s7, $0xb8;
	[tilespmem:$0x11D00] =	vst v63  }
0x6e: {  	s7 =	simm.s32 @p0 $0x200;
	_ =	swait.ge [sflag:s29], $0xFA0  }
0x6f: {  	s7 =	simm.s32 @!p0 $0x200;
	[sflag:s29] =	ssyncset.done $0x0  }
0x70: {  	s13 =	rddreg [dreg:$0x4];
	s7 =	sadd.s32 $0x2800, s7;
	[sflag:s29] =	ssyncadd.s32 $0xFFFFF060  }
0x71: {  	[spmem:s3] =	stream.indirect.scatter.add.f32 [tilespmem:s13], [sflag:$0xD], $0x20, s7, s14, $0xb8;
	[tilespmem:$0x11D00] =	vst v63  }
0x72: {  	s7 =	simm.s32 @p0 $0x280;
	_ =	swait.ge [sflag:s30], $0xFA0  }
0x73: {  	s7 =	simm.s32 @!p0 $0x280;
	[sflag:s30] =	ssyncset.done $0x0  }
0x74: {  	s16 =	rddreg [dreg:$0x5];
	s7 =	sadd.s32 $0x2800, s7;
	[sflag:s30] =	ssyncadd.s32 $0xFFFFF060  }
0x75: {  	[spmem:s3] =	stream.indirect.scatter.add.f32 [tilespmem:s16], [sflag:$0xE], $0x20, s7, s14, $0xb8;
	[tilespmem:$0x11D00] =	vst v63  }
0x76: {  	s8 =	simm.s32 @p0 $0x300;
	_ =	swait.ge [sflag:s31], $0xFA0  }
0x77: {  	s5 =	sadd.s32 $0x2800, s5;
	s8 =	simm.s32 @!p0 $0x300;
	[sflag:s31] =	ssyncset.done $0x0  }
0x78: {  	s8 =	sadd.s32 $0x2800, s8;
	s18 =	rddreg [dreg:$0x6];
	[sflag:s31] =	ssyncadd.s32 $0xFFFFF060  }
0x79: {  	[spmem:s3] =	stream.indirect.scatter.add.f32 [tilespmem:s18], [sflag:$0xF], $0x20, s8, s14, $0xb8;
	[tilespmem:$0x11D00] =	vst v63  }
0x7a: {  	s9 =	simm.s32 $0x780;
	p0 =	por $0x1, $0x1;
	_ =	swait.ge [sflag:s2], $0xFA0  }
0x7b: {  	s7 =	simm.s32 $0x1000;
	s8 =	simm.s32 $0x2000;
	[sflag:s2] =	ssyncset.done $0x0  }
.LBB2_2:
0x7c: {  	s4 =	simm.s32 @p0 $0xD;
	[sflag:s2] =	ssyncadd.s32 $0xFFFFF060  }
0x7d: {  	[spmem:s3] =	stream.indirect.scatter.add.f32 [tilespmem:s22], [sflag:$0x10], $0x20, s5, s14, $0xb8;
	[tilespmem:$0x11D00] =	vst v63  }
0x7e: {  	s0 =	sshra.s32 @p0 s7, $0x2;
	_ =	swait.ge @p0 [sflag:s4], $0xFA0  }
0x7f: {  	s13 =	simm.s32 @p0 $0x8E80;
	s16 =	simm.s32 @p0 $0x7D;
	[sflag:s4] =	ssyncset.done @p0 $0x0  }
0x80: {  	s5 =	simm.s32 @p0 $0xE;
	[sflag:s4] =	ssyncadd.s32 @p0 $0xFFFFF060;
	s4 =	sadd.s32 @p0 $0x200, s0  }
0x81: {  	[tilespmem:s13], [sflag:$0x5] =	stream.indirect.gather @p0 [hbm4b:s1+s16], $0x20, s4, s16, $0xb8;
	[tilespmem:$0x11D00] =	vst v63  }
0x82: {  	_ =	swait.ge @p0 [sflag:s5], $0xFA0  }
0x83: {  	s4 =	sadd.s32 @p0 $0x280, s0;
	[sflag:s5] =	ssyncset.done @p0 $0x0  }
0x84: {  	s13 =	simm.s32 @p0 $0xF;
	[sflag:s5] =	ssyncadd.s32 @p0 $0xFFFFF060;
	s5 =	simm.s32 @p0 $0x9E20  }
0x85: {  	[tilespmem:s5], [sflag:$0x6] =	stream.indirect.gather @p0 [hbm4b:s1+s16], $0x20, s4, s16, $0xb8;
	[tilespmem:$0x11D00] =	vst v63  }
0x86: {  	_ =	swait.ge @p0 [sflag:s13], $0xFA0  }
0x87: {  	s0 =	sadd.s32 @p0 $0x300, s0;
	[sflag:s13] =	ssyncset.done @p0 $0x0  }
0x88: {  	s4 =	simm.s32 @p0 $0xADC0;
	s5 =	simm.s32 @p0 $0x10;
	[sflag:s13] =	ssyncadd.s32 @p0 $0xFFFFF060  }
0x89: {  	[tilespmem:s4], [sflag:$0x7] =	stream.indirect.gather @p0 [hbm4b:s1+s16], $0x20, s0, s16, $0xb8;
	[tilespmem:$0x11D00] =	vst v63  }
0x8a: {  	_ =	swait.ge @p0 [sflag:s5], $0xFA0  }
0x8b: {  	s0 =	simm.s32 @!p0 $0x8E80;
	[sflag:s5] =	ssyncset.done @p0 $0x0  }
0x8c: {  	s4 =	simm.s32 @!p0 $0x7D;
	[sflag:s5] =	ssyncadd.s32 @p0 $0xFFFFF060;
	s5 =	simm.s32 @!p0 $0x200  }
0x8d: {  	[tilespmem:s0], [sflag:$0x5] =	stream.indirect.gather @!p0 [hbm4b:s1+s4], $0x20, s5, s4, $0xb8;
	[tilespmem:$0x11D00] =	vst v63  }
0x8e: {  	s0 =	simm.s32 @!p0 $0x280;
	s5 =	simm.s32 @!p0 $0x9E20  }
0x8f: {  	[tilespmem:s5], [sflag:$0x6] =	stream.indirect.gather @!p0 [hbm4b:s1+s4], $0x20, s0, s4, $0xb8;
	[tilespmem:$0x11D00] =	vst v63  }
0x90: {  	s0 =	simm.s32 @!p0 $0x300;
	s5 =	simm.s32 @!p0 $0xADC0  }
0x91: {  	[tilespmem:s5], [sflag:$0x7] =	stream.indirect.gather @!p0 [hbm4b:s1+s4], $0x20, s0, s4, $0xb8;
	[tilespmem:$0x11D00] =	vst v63  }
0x92: {  	s5 =	smov.u32 s9  }
0x93: {  	s5 =	simm.s32 @!p0 $0x380  }
0x94: {  	[tilespmem:s22], [sflag:$0x8] =	stream.indirect.gather [hbm4b:s1+s14], $0x20, s5, s14, $0xb8;
	[tilespmem:$0x11D00] =	vst v63  }
0x95: {  	_ =	swait.ge [sflag:s23], $0xFA0  }
0x96: {  	s13 =	sshra.s32 s7, $0x2;
	[sflag:s23] =	ssyncset.done $0x0  }
0x97: {  	s16 =	sadd.s32 $0x2800, s13;
	[sflag:s23] =	ssyncadd.s32 $0xFFFFF060  }
0x98: {  	[spmem:s3] =	stream.indirect.scatter.add.f32 [tilespmem:s15], [sflag:$0x9], $0x20, s16, s14, $0xb8;
	[tilespmem:$0x11D00] =	vst v63  }
0x99: {  	_ =	swait.ge [sflag:s24], $0xFA0  }
0x9a: {  	[sflag:s24] =	ssyncset.done $0x0  }
0x9b: {  	s18 =	sadd.s32 $0x2880, s13;
	[sflag:s24] =	ssyncadd.s32 $0xFFFFF060  }
0x9c: {  	[spmem:s3] =	stream.indirect.scatter.add.f32 [tilespmem:s17], [sflag:$0xA], $0x20, s18, s14, $0xb8;
	[tilespmem:$0x11D00] =	vst v63  }
0x9d: {  	_ =	swait.ge [sflag:s25], $0xFA0  }
0x9e: {  	[sflag:s25] =	ssyncset.done $0x0  }
0x9f: {  	s6 =	sadd.s32 $0x2900, s13;
	[sflag:s25] =	ssyncadd.s32 $0xFFFFF060  }
0xa0: {  	[spmem:s3] =	stream.indirect.scatter.add.f32 [tilespmem:s19], [sflag:$0xB], $0x20, s6, s14, $0xb8;
	[tilespmem:$0x11D00] =	vst v63  }
0xa1: {  	_ =	swait.ge [sflag:s26], $0xFA0  }
0xa2: {  	[sflag:s26] =	ssyncset.done $0x0  }
0xa3: {  	s0 =	sadd.s32 $0x2980, s13;
	[sflag:s26] =	ssyncadd.s32 $0xFFFFF060  }
0xa4: {  	[spmem:s3] =	stream.indirect.scatter.add.f32 [tilespmem:s21], [sflag:$0xC], $0x20, s0, s14, $0xb8;
	[tilespmem:$0x11D00] =	vst v63  }
0xa5: {  	_ =	swait.ge [sflag:s28], $0xFA0  }
0xa6: {  	p2 =	seq.s32 s7, $0x9000;
	[sflag:s28] =	ssyncset.done $0x0  }
0xa7: {  	s0 =	simm.s32 @p2 $0xA;
	[sflag:s28] =	ssyncadd.s32 $0xFFFFF060  }
0xa8: {  	_ =	swait.ge @p2 [sflag:s0], $0xFA0  }
0xa9: {  	[sflag:s0] =	ssyncset.done @p2 $0x0  }
0xaa: {  	[sflag:s0] =	ssyncadd.s32 @p2 $0xFFFFF060;
	s0 =	simm.s32 @p2 $0xB  }
0xab: {  	_ =	swait.ge @p2 [sflag:s0], $0xFA0  }
0xac: {  	[sflag:s0] =	ssyncset.done @p2 $0x0  }
0xad: {  	s10 =	smov.u32 s8;
	[sflag:s0] =	ssyncadd.s32 @p2 $0xFFFFF060;
	s0 =	simm.s32 @p2 $0xC  }
0xae: {  	s4 =	sshra.s32 @!p2 s7, $0x2;
	s7 =	smov.u32 s10;
	_ =	swait.ge @p2 [sflag:s0], $0xFA0  }
0xaf: {  	s10 =	simm.s32 @!p2 $0xA;
	s13 =	sadd.s32 @!p2 $0x400, s4;
	[sflag:s0] =	ssyncset.done @p2 $0x0  }
0xb0: {  	s6 =	simm.s32 @!p2 $0x5000;
	[sflag:s0] =	ssyncadd.s32 @p2 $0xFFFFF060;
	s0 =	simm.s32 @!p2 $0x7D  }
0xb1: {  	[tilespmem:s6], [sflag:$0x1] =	stream.indirect.gather @!p2 [hbm4b:s1+s0], $0x20, s13, s0, $0xb8;
	[tilespmem:$0x11D00] =	vst v63  }
0xb2: {  	_ =	swait.ge @!p2 [sflag:s10], $0xFA0  }
0xb3: {  	s16 =	sadd.s32 @!p2 $0x480, s4;
	[sflag:s10] =	ssyncset.done @!p2 $0x0  }
0xb4: {  	s6 =	simm.s32 @!p2 $0x5FA0;
	[sflag:s10] =	ssyncadd.s32 @!p2 $0xFFFFF060;
	s10 =	simm.s32 @!p2 $0xB  }
0xb5: {  	[tilespmem:s6], [sflag:$0x2] =	stream.indirect.gather @!p2 [hbm4b:s1+s0], $0x20, s16, s0, $0xb8;
	[tilespmem:$0x11D00] =	vst v63  }
0xb6: {  	_ =	swait.ge @!p2 [sflag:s10], $0xFA0  }
0xb7: {  	s18 =	sadd.s32 @!p2 $0x500, s4;
	[sflag:s10] =	ssyncset.done @!p2 $0x0  }
0xb8: {  	s6 =	simm.s32 @!p2 $0x6F40;
	[sflag:s10] =	ssyncadd.s32 @!p2 $0xFFFFF060;
	s10 =	simm.s32 @!p2 $0xC  }
0xb9: {  	[tilespmem:s6], [sflag:$0x3] =	stream.indirect.gather @!p2 [hbm4b:s1+s0], $0x20, s18, s0, $0xb8;
	[tilespmem:$0x11D00] =	vst v63  }
0xba: {  	_ =	swait.ge @!p2 [sflag:s10], $0xFA0  }
0xbb: {  	[sflag:s10] =	ssyncset.done @!p2 $0x0  }
0xbc: {  	s4 =	sadd.s32 @!p2 $0x580, s4;
	s6 =	simm.s32 @!p2 $0x7EE0;
	[sflag:s10] =	ssyncadd.s32 @!p2 $0xFFFFF060  }
0xbd: {  	[tilespmem:s6], [sflag:$0x4] =	stream.indirect.gather @!p2 [hbm4b:s1+s0], $0x20, s4, s0, $0xb8;
	[tilespmem:$0x11D00] =	vst v63  }
0xbe: {  	s0 =	sadd.s32 @p0 $0xFFFFFE80, s9;
	_ =	swait.ge [sflag:s29], $0xFA0  }
0xbf: {  	s0 =	simm.s32 @!p0 $0x200;
	[sflag:s29] =	ssyncset.done $0x0  }
0xc0: {  	s13 =	rddreg [dreg:$0x4];
	s0 =	sadd.s32 $0x2800, s0;
	[sflag:s29] =	ssyncadd.s32 $0xFFFFF060  }
0xc1: {  	[spmem:s3] =	stream.indirect.scatter.add.f32 [tilespmem:s13], [sflag:$0xD], $0x20, s0, s14, $0xb8;
	[tilespmem:$0x11D00] =	vst v63  }
0xc2: {  	s0 =	sadd.s32 @p0 $0xFFFFFF00, s9;
	_ =	swait.ge [sflag:s30], $0xFA0  }
0xc3: {  	s8 =	sadd.s32 $0x1000, s8;
	s0 =	simm.s32 @!p0 $0x280;
	[sflag:s30] =	ssyncset.done $0x0  }
0xc4: {  	s16 =	rddreg [dreg:$0x5];
	s0 =	sadd.s32 $0x2800, s0;
	[sflag:s30] =	ssyncadd.s32 $0xFFFFF060  }
0xc5: {  	[spmem:s3] =	stream.indirect.scatter.add.f32 [tilespmem:s16], [sflag:$0xE], $0x20, s0, s14, $0xb8;
	[tilespmem:$0x11D00] =	vst v63  }
0xc6: {  	p1 =	sne.s32 s8, $0xA000;
	s0 =	sadd.s32 @p0 $0xFFFFFF80, s9;
	_ =	swait.ge [sflag:s31], $0xFA0  }
.Ltmp0:
0xc7: {  	s0 =	simm.s32 @!p0 $0x300;
	[sflag:s31] =	ssyncset.done $0x0;
	(pc) =	sbr.rel @p1 .LBB2_2-.Ltmp0, $4  }
0xc8: {  	s18 =	rddreg [dreg:$0x6];
	s0 =	sadd.s32 $0x2800, s0;
	[sflag:s31] =	ssyncadd.s32 $0xFFFFF060  }
0xc9: {  	[spmem:s3] =	stream.indirect.scatter.add.f32 [tilespmem:s18], [sflag:$0xF], $0x20, s0, s14, $0xb8;
	[tilespmem:$0x11D00] =	vst v63  }
0xca: {  	s5 =	sadd.s32 $0x2800, s5;
	_ =	swait.ge [sflag:s2], $0xFA0  }
0xcb: {  	s9 =	sadd.s32 $0x400, s9;
	p0 =	sne.s32 s7, $0x0;
	[sflag:s2] =	ssyncset.done $0x0  }
0xcc: {  	s0 =	simm.s32 @p0 $0xD;
	[sflag:s2] =	ssyncadd.s32 $0xFFFFF060  }
0xcd: {  	[spmem:s3] =	stream.indirect.scatter.add.f32 [tilespmem:s22], [sflag:$0x10], $0x20, s5, s14, $0xb8;
	[tilespmem:$0x11D00] =	vst v63  }
0xce: {  	_ =	swait.ge @p0 [sflag:s0], $0xFA0  }
0xcf: {  	s4 =	sshra.s32 @p0 s7, $0x2;
	s6 =	simm.s32 @p0 $0x7D;
	[sflag:s0] =	ssyncset.done @p0 $0x0  }
0xd0: {  	s5 =	simm.s32 @p0 $0x8E80;
	[sflag:s0] =	ssyncadd.s32 @p0 $0xFFFFF060;
	s0 =	sadd.s32 @p0 $0x200, s4  }
0xd1: {  	[tilespmem:s5], [sflag:$0x5] =	stream.indirect.gather @p0 [hbm4b:s1+s6], $0x20, s0, s6, $0xb8;
	[tilespmem:$0x11D00] =	vst v63  }
0xd2: {  	s0 =	simm.s32 @p0 $0xE  }
0xd3: {  	_ =	swait.ge @p0 [sflag:s0], $0xFA0  }
0xd4: {  	[sflag:s0] =	ssyncset.done @p0 $0x0  }
0xd5: {  	s5 =	sadd.s32 @p0 $0x280, s4;
	[sflag:s0] =	ssyncadd.s32 @p0 $0xFFFFF060;
	s0 =	simm.s32 @p0 $0x9E20  }
0xd6: {  	[tilespmem:s0], [sflag:$0x6] =	stream.indirect.gather @p0 [hbm4b:s1+s6], $0x20, s5, s6, $0xb8;
	[tilespmem:$0x11D00] =	vst v63  }
0xd7: {  	s0 =	simm.s32 @p0 $0xF  }
0xd8: {  	_ =	swait.ge @p0 [sflag:s0], $0xFA0  }
0xd9: {  	s4 =	sadd.s32 @p0 $0x300, s4;
	[sflag:s0] =	ssyncset.done @p0 $0x0  }
0xda: {  	s5 =	simm.s32 @p0 $0x10;
	[sflag:s0] =	ssyncadd.s32 @p0 $0xFFFFF060;
	s0 =	simm.s32 @p0 $0xADC0  }
0xdb: {  	[tilespmem:s0], [sflag:$0x7] =	stream.indirect.gather @p0 [hbm4b:s1+s6], $0x20, s4, s6, $0xb8;
	[tilespmem:$0x11D00] =	vst v63  }
0xdc: {  	_ =	swait.ge @p0 [sflag:s5], $0xFA0  }
0xdd: {  	s0 =	simm.s32 @!p0 $0x8E80;
	[sflag:s5] =	ssyncset.done @p0 $0x0  }
0xde: {  	s4 =	simm.s32 @!p0 $0x7D;
	[sflag:s5] =	ssyncadd.s32 @p0 $0xFFFFF060;
	s5 =	simm.s32 @!p0 $0x200  }
0xdf: {  	[tilespmem:s0], [sflag:$0x5] =	stream.indirect.gather @!p0 [hbm4b:s1+s4], $0x20, s5, s4, $0xb8;
	[tilespmem:$0x11D00] =	vst v63  }
0xe0: {  	s0 =	simm.s32 @!p0 $0x280;
	s5 =	simm.s32 @!p0 $0x9E20  }
0xe1: {  	[tilespmem:s5], [sflag:$0x6] =	stream.indirect.gather @!p0 [hbm4b:s1+s4], $0x20, s0, s4, $0xb8;
	[tilespmem:$0x11D00] =	vst v63  }
0xe2: {  	s0 =	simm.s32 @!p0 $0x300;
	s5 =	simm.s32 @!p0 $0xADC0  }
0xe3: {  	[tilespmem:s5], [sflag:$0x7] =	stream.indirect.gather @!p0 [hbm4b:s1+s4], $0x20, s0, s4, $0xb8;
	[tilespmem:$0x11D00] =	vst v63  }
0xe4: {  	s5 =	smov.u32 s9  }
0xe5: {  	s5 =	simm.s32 @!p0 $0x380  }
0xe6: {  	[tilespmem:s22], [sflag:$0x8] =	stream.indirect.gather [hbm4b:s1+s14], $0x20, s5, s14, $0xb8;
	[tilespmem:$0x11D00] =	vst v63  }
0xe7: {  	_ =	swait.ge [sflag:s23], $0xFA0  }
0xe8: {  	s6 =	sshra.s32 s7, $0x2;
	[sflag:s23] =	ssyncset.done $0x0  }
0xe9: {  	s8 =	sadd.s32 $0x2800, s6;
	[sflag:s23] =	ssyncadd.s32 $0xFFFFF060  }
0xea: {  	[spmem:s3] =	stream.indirect.scatter.add.f32 [tilespmem:s15], [sflag:$0x9], $0x20, s8, s14, $0xb8;
	[tilespmem:$0x11D00] =	vst v63  }
0xeb: {  	_ =	swait.ge [sflag:s24], $0xFA0  }
0xec: {  	[sflag:s24] =	ssyncset.done $0x0  }
0xed: {  	s10 =	sadd.s32 $0x2880, s6;
	[sflag:s24] =	ssyncadd.s32 $0xFFFFF060  }
0xee: {  	[spmem:s3] =	stream.indirect.scatter.add.f32 [tilespmem:s17], [sflag:$0xA], $0x20, s10, s14, $0xb8;
	[tilespmem:$0x11D00] =	vst v63  }
0xef: {  	_ =	swait.ge [sflag:s25], $0xFA0  }
0xf0: {  	[sflag:s25] =	ssyncset.done $0x0  }
0xf1: {  	s13 =	sadd.s32 $0x2900, s6;
	[sflag:s25] =	ssyncadd.s32 $0xFFFFF060  }
0xf2: {  	[spmem:s3] =	stream.indirect.scatter.add.f32 [tilespmem:s19], [sflag:$0xB], $0x20, s13, s14, $0xb8;
	[tilespmem:$0x11D00] =	vst v63  }
0xf3: {  	_ =	swait.ge [sflag:s26], $0xFA0  }
0xf4: {  	[sflag:s26] =	ssyncset.done $0x0  }
0xf5: {  	s0 =	sadd.s32 $0x2980, s6;
	[sflag:s26] =	ssyncadd.s32 $0xFFFFF060  }
0xf6: {  	[spmem:s3] =	stream.indirect.scatter.add.f32 [tilespmem:s21], [sflag:$0xC], $0x20, s0, s14, $0xb8;
	[tilespmem:$0x11D00] =	vst v63  }
0xf7: {  	_ =	swait.ge [sflag:s28], $0xFA0  }
0xf8: {  	p1 =	seq.s32 s7, $0x9000;
	[sflag:s28] =	ssyncset.done $0x0  }
0xf9: {  	s0 =	simm.s32 @p1 $0xA;
	[sflag:s28] =	ssyncadd.s32 $0xFFFFF060  }
0xfa: {  	_ =	swait.ge @p1 [sflag:s0], $0xFA0  }
0xfb: {  	[sflag:s0] =	ssyncset.done @p1 $0x0  }
0xfc: {  	[sflag:s0] =	ssyncadd.s32 @p1 $0xFFFFF060;
	s0 =	simm.s32 @p1 $0xB  }
0xfd: {  	_ =	swait.ge @p1 [sflag:s0], $0xFA0  }
0xfe: {  	[sflag:s0] =	ssyncset.done @p1 $0x0  }
0xff: {  	[sflag:s0] =	ssyncadd.s32 @p1 $0xFFFFF060;
	s0 =	simm.s32 @p1 $0xC  }
0x100: {  	_ =	swait.ge @p1 [sflag:s0], $0xFA0  }
0x101: {  	s4 =	sshra.s32 @!p1 s7, $0x2;
	s7 =	simm.s32 @!p1 $0x5000;
	[sflag:s0] =	ssyncset.done @p1 $0x0  }
0x102: {  	s6 =	sadd.s32 @!p1 $0x400, s4;
	[sflag:s0] =	ssyncadd.s32 @p1 $0xFFFFF060;
	s0 =	simm.s32 @!p1 $0x7D  }
0x103: {  	[tilespmem:s7], [sflag:$0x1] =	stream.indirect.gather @!p1 [hbm4b:s1+s0], $0x20, s6, s0, $0xb8;
	[tilespmem:$0x11D00] =	vst v63  }
0x104: {  	s6 =	simm.s32 @!p1 $0xA  }
0x105: {  	_ =	swait.ge @!p1 [sflag:s6], $0xFA0  }
0x106: {  	[sflag:s6] =	ssyncset.done @!p1 $0x0  }
0x107: {  	s7 =	sadd.s32 @!p1 $0x480, s4;
	[sflag:s6] =	ssyncadd.s32 @!p1 $0xFFFFF060;
	s6 =	simm.s32 @!p1 $0x5FA0  }
0x108: {  	[tilespmem:s6], [sflag:$0x2] =	stream.indirect.gather @!p1 [hbm4b:s1+s0], $0x20, s7, s0, $0xb8;
	[tilespmem:$0x11D00] =	vst v63  }
0x109: {  	s6 =	simm.s32 @!p1 $0xB  }
0x10a: {  	_ =	swait.ge @!p1 [sflag:s6], $0xFA0  }
0x10b: {  	[sflag:s6] =	ssyncset.done @!p1 $0x0  }
0x10c: {  	s7 =	sadd.s32 @!p1 $0x500, s4;
	[sflag:s6] =	ssyncadd.s32 @!p1 $0xFFFFF060;
	s6 =	simm.s32 @!p1 $0x6F40  }
0x10d: {  	[tilespmem:s6], [sflag:$0x3] =	stream.indirect.gather @!p1 [hbm4b:s1+s0], $0x20, s7, s0, $0xb8;
	[tilespmem:$0x11D00] =	vst v63  }
0x10e: {  	s6 =	simm.s32 @!p1 $0xC  }
0x10f: {  	_ =	swait.ge @!p1 [sflag:s6], $0xFA0  }
0x110: {  	[sflag:s6] =	ssyncset.done @!p1 $0x0  }
0x111: {  	s4 =	sadd.s32 @!p1 $0x580, s4;
	[sflag:s6] =	ssyncadd.s32 @!p1 $0xFFFFF060;
	s6 =	simm.s32 @!p1 $0x7EE0  }
0x112: {  	[tilespmem:s6], [sflag:$0x4] =	stream.indirect.gather @!p1 [hbm4b:s1+s0], $0x20, s4, s0, $0xb8;
	[tilespmem:$0x11D00] =	vst v63  }
0x113: {  	s0 =	sadd.s32 @p0 $0xFFFFFE80, s9;
	_ =	swait.ge [sflag:s29], $0xFA0  }
0x114: {  	s0 =	simm.s32 @!p0 $0x200;
	[sflag:s29] =	ssyncset.done $0x0  }
0x115: {  	s16 =	rddreg [dreg:$0x4];
	s0 =	sadd.s32 $0x2800, s0;
	[sflag:s29] =	ssyncadd.s32 $0xFFFFF060  }
0x116: {  	[spmem:s3] =	stream.indirect.scatter.add.f32 [tilespmem:s16], [sflag:$0xD], $0x20, s0, s14, $0xb8;
	[tilespmem:$0x11D00] =	vst v63  }
0x117: {  	s0 =	sadd.s32 @p0 $0xFFFFFF00, s9;
	_ =	swait.ge [sflag:s30], $0xFA0  }
0x118: {  	s0 =	simm.s32 @!p0 $0x280;
	[sflag:s30] =	ssyncset.done $0x0  }
0x119: {  	s18 =	rddreg [dreg:$0x5];
	s0 =	sadd.s32 $0x2800, s0;
	[sflag:s30] =	ssyncadd.s32 $0xFFFFF060  }
0x11a: {  	[spmem:s3] =	stream.indirect.scatter.add.f32 [tilespmem:s18], [sflag:$0xE], $0x20, s0, s14, $0xb8;
	[tilespmem:$0x11D00] =	vst v63  }
0x11b: {  	s0 =	sadd.s32 @p0 $0xFFFFFF80, s9;
	_ =	swait.ge [sflag:s31], $0xFA0  }
0x11c: {  	s0 =	simm.s32 @!p0 $0x300;
	[sflag:s31] =	ssyncset.done $0x0  }
0x11d: {  	s6 =	rddreg [dreg:$0x6];
	s0 =	sadd.s32 $0x2800, s0;
	[sflag:s31] =	ssyncadd.s32 $0xFFFFF060  }
0x11e: {  	[spmem:s3] =	stream.indirect.scatter.add.f32 [tilespmem:s6], [sflag:$0xF], $0x20, s0, s14, $0xb8;
	[tilespmem:$0x11D00] =	vst v63  }
0x11f: {  	_ =	swait.ge [sflag:s2], $0xFA0  }
0x120: {  	[sflag:s2] =	ssyncset.done $0x0  }
0x121: {  	s8 =	simm.s32 $0xD;
	s7 =	sadd.s32 $0x2800, s5;
	[sflag:s2] =	ssyncadd.s32 $0xFFFFF060  }
0x122: {  	[spmem:s3] =	stream.indirect.scatter.add.f32 [tilespmem:s22], [sflag:$0x10], $0x20, s7, s14, $0xb8;
	[tilespmem:$0x11D00] =	vst v63  }
0x123: {  	_ =	swait.ge [sflag:s8], $0xFA0  }
0x124: {  	[sflag:s8] =	ssyncset.done $0x0  }
0x125: {  	s9 =	simm.s32 $0xE;
	[sflag:s8] =	ssyncadd.s32 $0xFFFFF060  }
0x126: {  	_ =	swait.ge [sflag:s9], $0xFA0  }
0x127: {  	[sflag:s9] =	ssyncset.done $0x0  }
0x128: {  	s10 =	simm.s32 $0xF;
	[sflag:s9] =	ssyncadd.s32 $0xFFFFF060  }
0x129: {  	_ =	swait.ge [sflag:s10], $0xFA0  }
0x12a: {  	[sflag:s10] =	ssyncset.done $0x0  }
0x12b: {  	s13 =	simm.s32 $0x10;
	[sflag:s10] =	ssyncadd.s32 $0xFFFFF060  }
0x12c: {  	_ =	swait.ge [sflag:s13], $0xFA0  }
0x12d: {  	[sflag:s13] =	ssyncset.done $0x0  }
0x12e: {  	[sflag:s13] =	ssyncadd.s32 $0xFFFFF060  }
0x12f: {  	[bflag:$0x0] =	sbarrier.arrive $0xFFFF  }
0x130: {  	s16 =	rddreg [dreg:$0xb]  }
0x131: {  	s5 =	rddreg [dreg:$0xc]  }
0x132: {  	[hbm:s16], [sflag:s11] =	dma.local [spmem:s5], $0xA00  }
0x133: {  	_ =	swait.ge [sflag:s12], $0xA00  }
0x134: {  	s20 =	sadd.s32 $0x1, s20;
	s18 =	rddreg [dreg:$0xa]  }
0x135: {  	p0 =	sne.s32 s20, s18  }
.Ltmp1:
0x136: {  	_ = 	snop;
	(pc) =	sbr.rel @p0 .LBB2_1-.Ltmp1, $3  }
0x137: {  	_ =	sdelay $0x1  }
0x138: {  	[sflag:s12] =	ssyncset.done $0x0  }
0x139: {  	s4 =	smov.u32 s11;
	[sflag:s12] =	ssyncadd.s32 $0xFFFFF600  }
0x13a: {  	_ =	sfence.sel $0x180000  }
0x13b: {  	[bflag:$0x0] =	sbarrier.arrive $0xFFFF  }
0x13c: {  	_ =	strace $0x9000004A  }
0x13d: {  	s0 =	stileid.u32;
	[bflag:$0x2] =	sbarrier.arrive $0xFFFF  }
0x13e: {  	p0 =	sne.s32 s0, $0x0;
	s0 =	rddreg [dreg:$0x3]  }
0x13f: {  	s0 =	sadd.s32 @!p0 $0x100000, s0  }
0x140: {  	[sflag:s0] =	ssyncadd.tile.s32 @!p0 $0x1;
	_ =	shalt  }
.Lfunc_end2:
_tile_overlayer_lowered:
.L_overlay_start_2:
0x141: {  	(tag) =	ssettag $0x2  }
0x142: {  	s0 =	rddreg [dreg:$0x0];
	s2 =	stileid.u32  }
0x143: {  	s1 =	rddreg [dreg:$0x1];
	p0 =	sne.s32 s2, $0x0  }
0x144: {  	s3 =	rddreg [dreg:$0x2];
	[bflag:$0x3] =	sbarrier.arrive $0xFFFF;
	s2 =	simm.s32 @!p0 $0x1C11  }
0x145: {  	[timem:s3], [sflag:s2] =	dma.local @!p0 [hbm:s0], s1  }
0x146: {  	s0 =	simm.s32 @!p0 $0x11  }
0x147: {  	_ =	swait.ge @!p0 [sflag:s0], s1  }
0x148: {  	s1 =	ssub.s32 @!p0 $0x0, s1;
	[sflag:s0] =	ssyncset.done @!p0 $0x0  }
0x149: {  	[sflag:s0] =	ssyncadd.s32 @!p0 s1  }
0x14a: {  	[bflag:$0x3] =	sbarrier.arrive $0xFFFF  }
0x14b: {  	_ =	shalt  }

// kernel: kernel.16.cloned.1.call-start
scs
__scs_entry_jumppad:
0x0: {  	(pc) =	sbr.rel $0x88, $3  }
0x1: {  	(tag) =	ssettag $0x0;
	lr =	simm.s32 $0x1  }
0x2: {  	[smem:$0x3F95] =	sst lr;
	_ =	strace $0xD0000000  }
0x3: {  	_ = 	snop  }
0x4: {  	_ = 	snop  }
0x5: {  	_ = 	snop  }
0x6: {  	_ = 	snop  }
0x7: {  	_ = 	snop  }
__scs_overlays_trampoline_lowered:
0x8: {  	[smem:$0x3FA4] =	sst s0  }
0x9: {  	[smem:$0x3FA5] =	sst s1  }
0xa: {  	[smem:$0x3FA6] =	sst s2  }
0xb: {  	[smem:$0x3FA7] =	sst s3  }
0xc: {  	[smem:$0x3FA8] =	sst s4  }
0xd: {  	[smem:$0x3FA9] =	sst s5  }
0xe: {  	[smem:$0x3FAA] =	sst s6  }
0xf: {  	[smem:$0x3FAB] =	sst s7  }
0x10: {  	[smem:$0x3FAC] =	sst s8  }
0x11: {  	[smem:$0x3FAD] =	sst s9;
	s0 =	simm.s32 @!p0 $0x0  }
0x12: {  	s1 =	sld [smem:$0x3F93];
	s0 =	simm.s32 @p0 $0x1  }
0x13: {  	[smem:$0x3FAE] =	sst s0;
	s0 =	simm.s32 @!p1 $0x0  }
0x14: {  	s2 =	sld [smem:$0x3F92];
	s0 =	simm.s32 @p1 $0x1  }
0x15: {  	[smem:$0x3FAF] =	sst s0;
	s0 =	simm.s32 @!p2 $0x0  }
0x16: {  	s3 =	sld [smem:$0x3FDB];
	s0 =	simm.s32 @p2 $0x1  }
0x17: {  	s4 =	simm.s32 $0x1BF5;
	[smem:$0x3FB1] =	sst s0  }
0x18: {  	s0 =	sld [smem:$0x3F94];
	_ =	swait.ge [sflag:s4], $0x0  }
0x19: {  	s7 =	sld [smem:$0x3F95]  }
0x1a: {  	s8 =	sadd.s32 $0xFFFFE003, lr  }
0x1b: {  	s9 =	sadd.s32 $0xFFFFFEF7, lr;
	s5 =	simm.s32 $0xFFFFFFFF;
	p2 =	slt.u32 s8, $0xFFFFF086  }
0x1c: {  	p1 =	slt.u32 s9, $0xF7A;
	s5 =	simm.s32 @!p2 $0x0  }
0x1d: {  	s5 =	simm.s32 @p1 $0x1;
	p0 =	seq.s32 s7, s2  }
0x1e: {  	s7 =	smul.u32 @!p0 $0xF7A, s2;
	p2 =	seq.s32 @!p0 s5, $0x0  }
0x1f: {  	s9 =	smul.u32 $0xF7A, s1;
	s8 =	simm.s32 @!p0 $0x1BF5;
	p2 =	por !p2, p0  }
0x20: {  	[sflag:s8] =	ssyncset.s32 @!p0 $0xFFFFF086;
	s6 =	sadd.s32 @!p0 s3, s7;
	s7 =	simm.s32 @!p0 $0x108  }
0x21: {  	s3 =	sadd.s32 s3, s9;
	s6 =	sadd.s32 @!p0 $0x88, s6;
	s7 =	simm.s32 @p2 $0x1082  }
0x22: {  	[simem:s7], [sflag:s8] =	dma.local @!p0 [hbm:s6], $0xF7A  }
0x23: {  	s9 =	sor.u32 $0xD0000000, s2;
	s6 =	simm.s32 $0x108;
	_ =	swait.ge @!p0 [sflag:s8], $0x0  }
0x24: {  	s3 =	sadd.s32 $0x88, s3;
	s6 =	simm.s32 @!p1 $0x1082;
	[sflag:s4] =	ssyncset.s32 $0xFFFFF086  }
0x25: {  	[simem:s6], [sflag:s4] =	dma.local [hbm:s3], $0xF7A  }
0x26: {  	[smem:$0x3F95] =	sst s1;
	(tag) =	ssettag s2;
	_ =	strace s9  }
0x27: {  	s1 =	sld [smem:$0x3FA5]  }
0x28: {  	s2 =	sld [smem:$0x3FA6]  }
0x29: {  	s4 =	sld [smem:$0x3FA8]  }
0x2a: {  	p0 =	seq.s32 s5, $0x0;
	s5 =	sld [smem:$0x3FA9]  }
0x2b: {  	s6 =	sld [smem:$0x3FAA]  }
0x2c: {  	s7 =	sld [smem:$0x3FAB]  }
0x2d: {  	s3 =	simm.s32 $0x108;
	s8 =	sld [smem:$0x3FAC]  }
0x2e: {  	s3 =	simm.s32 @!p0 $0x1082;
	s9 =	sld [smem:$0x3FAD]  }
0x2f: {  	lr =	sadd.s32 s0, s3;
	s0 =	sld [smem:$0x3FA4]  }
0x30: {  	s3 =	sld [smem:$0x3FA7]  }
0x31: {  	[smem:$0x3FB0] =	sst s10  }
0x32: {  	s10 =	sld [smem:$0x3FAE];
	_ =	sdelay $0x3  }
0x33: {  	p0 =	seq.s32 s10, $0x1;
	s10 =	sld [smem:$0x3FB0];
	_ =	sdelay $0x3  }
0x34: {  	[smem:$0x3FB0] =	sst s10  }
0x35: {  	s10 =	sld [smem:$0x3FAF];
	_ =	sdelay $0x3  }
0x36: {  	p1 =	seq.s32 s10, $0x1;
	s10 =	sld [smem:$0x3FB0];
	_ =	sdelay $0x3  }
0x37: {  	[smem:$0x3FB0] =	sst s10  }
0x38: {  	s10 =	sld [smem:$0x3FB1]  }
0x39: {  	_ = 	snop;
	(pc) =	sbr.ind lr, $3  }
0x3a: {  	_ = 	snop  }
0x3b: {  	_ = 	snop  }
0x3c: {  	p2 =	seq.s32 s10, $0x1;
	s10 =	sld [smem:$0x3FB0]  }
0x3d: {  	_ =	shalt  }
0x3e: {  	_ =	shalt  }
0x3f: {  	_ =	shalt  }
0x40: {  	_ =	shalt  }
0x41: {  	_ =	shalt  }
0x42: {  	_ =	shalt  }
0x43: {  	_ =	shalt  }
0x44: {  	_ =	shalt  }
0x45: {  	_ =	shalt  }
0x46: {  	_ =	shalt  }
0x47: {  	_ =	shalt  }
0x48: {  	_ =	shalt  }
0x49: {  	_ =	shalt  }
0x4a: {  	_ =	shalt  }
0x4b: {  	_ =	shalt  }
0x4c: {  	_ =	shalt  }
0x4d: {  	_ =	shalt  }
0x4e: {  	_ =	shalt  }
0x4f: {  	_ =	shalt  }
0x50: {  	_ =	shalt  }
0x51: {  	_ =	shalt  }
0x52: {  	_ =	shalt  }
0x53: {  	_ =	shalt  }
0x54: {  	_ =	shalt  }
0x55: {  	_ =	shalt  }
0x56: {  	_ =	shalt  }
0x57: {  	_ =	shalt  }
0x58: {  	_ =	shalt  }
0x59: {  	_ =	shalt  }
0x5a: {  	_ =	shalt  }
0x5b: {  	_ =	shalt  }
0x5c: {  	_ =	shalt  }
0x5d: {  	_ =	shalt  }
0x5e: {  	_ =	shalt  }
0x5f: {  	_ =	shalt  }
0x60: {  	_ =	shalt  }
0x61: {  	_ =	shalt  }
0x62: {  	_ =	shalt  }
0x63: {  	_ =	shalt  }
0x64: {  	_ =	shalt  }
0x65: {  	_ =	shalt  }
0x66: {  	_ =	shalt  }
0x67: {  	_ =	shalt  }
0x68: {  	_ =	shalt  }
0x69: {  	_ =	shalt  }
0x6a: {  	_ =	shalt  }
0x6b: {  	_ =	shalt  }
0x6c: {  	_ =	shalt  }
0x6d: {  	_ =	shalt  }
0x6e: {  	_ =	shalt  }
0x6f: {  	_ =	shalt  }
0x70: {  	_ =	shalt  }
0x71: {  	_ =	shalt  }
0x72: {  	_ =	shalt  }
0x73: {  	_ =	shalt  }
0x74: {  	_ =	shalt  }
0x75: {  	_ =	shalt  }
0x76: {  	_ =	shalt  }
0x77: {  	_ =	shalt  }
0x78: {  	_ =	shalt  }
0x79: {  	_ =	shalt  }
0x7a: {  	_ =	shalt  }
0x7b: {  	_ =	shalt  }
0x7c: {  	_ =	shalt  }
0x7d: {  	_ =	shalt  }
0x7e: {  	_ =	shalt  }
0x7f: {  	_ =	shalt  }
0x80: {  	_ =	shalt  }
0x81: {  	_ =	shalt  }
0x82: {  	_ =	shalt  }
0x83: {  	_ =	shalt  }
0x84: {  	_ =	shalt  }
0x85: {  	_ =	shalt  }
0x86: {  	_ =	shalt  }
0x87: {  	_ =	shalt  }
.Lfunc_end0:
.L_simem_size_0:
called_computation.2_lowered:
.L_overlay_start_0:
0x88: {  	s2 =	sld [smem:$0x3FD9]  }
0x89: {  	s3 =	sld [smem:$0x3FFE];
	_ =	sdelay $0x1  }
0x8a: {  	s1 =	srdreg.scid  }
0x8b: {  	s0 =	sand.u32 $0x1, s1  }
0x8c: {  	s17 =	sshll.u32 s0, $0xA;
	s2 =	sadd.s32 s3, s2  }
0x8d: {  	s2 =	sadd.s32 s2, s17  }
0x8e: {  	[smem:$0x3FBC] =	sst s2  }
0x8f: {  	_ = 	snop  }
0x90: {  	s2 =	sld [smem:$0x3FD0];
	(tm) =	ssettm $0x1  }
0x91: {  	s18 =	sld [smem:$0x3FFB];
	_ =	sdelay $0x3  }
0x92: {  	_ =	strace s18  }
0x93: {  	s3 =	sld [smem:$0x3FFC];
	_ =	sdelay $0x3  }
0x94: {  	_ =	strace s3  }
0x95: {  	s3 =	sld [smem:$0x3FFD];
	_ =	sdelay $0x3  }
0x96: {  	_ =	strace s3  }
0x97: {  	_ =	strace $0x8FFFFFFF  }
0x98: {  	s19 =	sld [smem:$0x3FDB];
	_ =	sdelay $0x1  }
0x99: {  	s4 =	simm.s32 $_scs_section_size  }
0x9a: {  	s5 =	simm.s32 $_size__tile_overlayer_lowered;
	s6 =	simm.s32 $_tile_overlayer_lowered  }
0x9b: {  	s22 =	simm.s32 $0x1BFF;
	s21 =	sshll.u32 s6, $0x1;
	s3 =	sadd.s32 s4, s19  }
0x9c: {  	s7 =	simm.s32 $0x0;
	s20 =	sshll.u32 s5, $0x1;
	s5 =	sadd.s32 s21, s3  }
0x9d: {  	[timem:s7], [sflag:s22] =	dma.local [hbm:s5], s20  }
0x9e: {  	_ =	swait.ge [sflag:s22], s20  }
0x9f: {  	s4 =	ssub.s32 $0x0, s20;
	[sflag:s22] =	ssyncset.done $0x0  }
0xa0: {  	[sflag:s22] =	ssyncadd.s32 s4;
	_ =	sdelay $0x1  }
0xa1: {  	s23 =	simm.s32 $0x1B8B  }
0xa2: {  	_ =	swait.ge [sflag:s23], $0x1  }
0xa3: {  	[sflag:s23] =	ssyncset.done $0x0  }
0xa4: {  	s25 =	simm.s32 $0x1B8E;
	s24 =	sld [smem:$0x3FFE];
	[sflag:s23] =	ssyncadd.s32 $0xFFFFFFFF  }
0xa5: {  	s26 =	simm.s32 $execute0_lowered;
	[smem:$0x3FD2] =	sst s25  }
0xa6: {  	s5 =	sshll.u32 s26, $0x1;
	_ =	strace $0x8000004C;
	[dreg:$0x1] =	wrdreg $0xFFFFFFFF  }
0xa7: {  	s28 =	simm.s32 $_size_execute0_lowered;
	s3 =	sadd.s32 s3, s5;
	[dreg:$0x0] =	wrdreg $0x0  }
0xa8: {  	s5 =	sshll.u32 s28, $0x1;
	[dreg:$0x2] =	wrdreg s3  }
0xa9: {  	[dreg:$0x3] =	wrdreg s5  }
0xaa: {  	[dreg:$0x4] =	wrdreg $0xC0  }
0xab: {  	_ =	task [dreg:s7], $0x5FFFF  }
0xac: {  	[dreg:$0x1] =	wrdreg $0xFFFFFFFF  }
0xad: {  	[dreg:$0x0] =	wrdreg $0x60  }
0xae: {  	[dreg:$0x2] =	wrdreg s2  }
0xaf: {  	[dreg:$0x3] =	wrdreg s24  }
0xb0: {  	[dreg:$0x4] =	wrdreg $0x8E800  }
0xb1: {  	[dreg:$0x5] =	wrdreg $0x9  }
0xb2: {  	_ =	task.clear_ibuf [dreg:s7], $0x6FFFF;
	_ =	strace $0x9000004C  }
0xb3: {  	s29 =	simm.s32 $0x9;
	_ =	strace $0x8000004E  }
0xb4: {  	_ =	swait.ge [sflag:s29], $0x1  }
0xb5: {  	[sflag:s29] =	ssyncadd.s32 $0xFFFFFFFF  }
0xb6: {  	_ =	strace $0x9000004E  }
0xb7: {  	_ =	sfence  }
0xb8: {  	s30 =	sld [smem:$0x0];
	_ =	sdelay $0x2  }
0xb9: {  	s31 =	sshll.u32 s1, $0xD;
	s1 =	sshrl.u32 s1, $0x2  }
0xba: {  	s3 =	sand.u32 $0x4000, s31;
	s1 =	sadd.s32 s1, s30  }
0xbb: {  	s0 =	sor.u32 s3, s0;
	s1 =	sshll.u32 s1, $0x11  }
0xbc: {  	s0 =	sor.u32 s1, s0  }
0xbd: {  	s0 =	sadd.s32 $0x8F2B, s0  }
0xbe: {  	[sflag:s0] =	ssyncadd.remote.s32 $0x1  }
0xbf: {  	_ =	sfence.sel $0xFFFF  }
0xc0: {  	[dreg:$0x0] =	wrdreg $0xFFFFFFFF;
	(pc) =	sbr.abs _section_cstart, $3  }
0xc1: {  	[dreg:$0x1] =	wrdreg $0xFFFFFFFF  }
0xc2: {  	_ =	task.clear_ibuf [dreg:s7], $0x2FFFF;
	_ =	strace $0x9FFFFFFF  }
0xc3: {  	(tm) =	ssettm $0x7FFFFFFF  }
tec
execute0_lowered:
.L_overlay_start_1:
0x0: {  	(tag) =	ssettag $0x1  }
0x1: {  	s0 =	srdreg.scid;
	s1 =	rddreg [dreg:$0x0]  }
0x2: {  	s2 =	rddreg [dreg:$0x1];
	s10 =	stileid.u32  }
0x3: {  	s3 =	rddreg [dreg:$0x2];
	s18 =	simm.s32 $0x0;
	s12 =	simm.s32 $0x11  }
0x4: {  	s14 =	simm.s32 $0x7D;
	s15 =	simm.s32 $0x5000;
	s17 =	simm.s32 $0x57D0  }
0x5: {  	s24 =	simm.s32 $0x6F40;
	s25 =	simm.s32 $0x7710;
	s26 =	simm.s32 $0x7EE0  }
0x6: {  	s28 =	simm.s32 $0x9;
	s29 =	simm.s32 $0x5;
	s30 =	simm.s32 $0x6  }
0x7: {  	s31 =	simm.s32 $0x7;
	s0 =	sand.u32 $0x1, s0;
	[smem:$0x7FF] =	sst s18  }
0x8: {  	s6 =	smul.u32 $0x2800, s10;
	s19 =	sshll.u32 s10, $0x6;
	s4 =	sshll.u32 s0, $0x4  }
0x9: {  	_ =	strace $0x8000004D;
	s7 =	ssub.s32 $0x2, s0;
	[dreg:$0x4] =	wrdreg s24  }
0xa: {  	p0 =	seq.s32 s0, $0x1;
	s0 =	simm.s32 $0x23A00;
	[dreg:$0x5] =	wrdreg s25  }
0xb: {  	s24 =	simm.s32 $0x2;
	[dreg:$0x6] =	wrdreg s26;
	s5 =	sor.u32 s10, s4  }
0xc: {  	s25 =	simm.s32 $0x3;
	s26 =	simm.s32 $0x4;
	s5 =	smul.u32 $0x2800, s5  }
0xd: {  	s8 =	sshrl.u32 s6, $0x3;
	s9 =	sshrl.u32 s7, $0x1;
	s20 =	sadd.s32 s6, s3  }
0xe: {  	s4 =	sor.u32 $0x1C11, s19;
	s7 =	ssub.s32 s7, s9;
	s5 =	sshrl.u32 s5, $0x3  }
0xf: {  	s23 =	smax.u32 s7, $0x1;
	s5 =	sadd.s32 s5, s2;
	s2 =	sadd.s32 s8, s2  }
0x10: {  	s0 =	simm.s32 @!p0 $0x1EA00;
	[dreg:$0xa] =	wrdreg s23;
	s21 =	sadd.s32 $0x19A00, s2  }
0x11: {  	s19 =	simm.s32 $0x5FA0;
	s22 =	sadd.s32 $0x5A00, s5;
	[dreg:$0x7] =	wrdreg s21  }
0x12: {  	s23 =	simm.s32 $0x1;
	s5 =	sadd.s32 $0xFA00, s5;
	[dreg:$0x8] =	wrdreg s22  }
0x13: {  	s0 =	sadd.s32 s0, s2;
	s2 =	simm.s32 $0x8;
	[dreg:$0x9] =	wrdreg s5  }
0x14: {  	[dreg:$0xb] =	wrdreg s0;
	s5 =	sshrl.u32 s20, $0x3;
	s21 =	simm.s32 $0x6770  }
0x15: {  	s22 =	simm.s32 $0x86B0;
	s20 =	simm.s32 $0x0;
	[dreg:$0xc] =	wrdreg s5  }
.LBB2_1:
0x16: {  	s0 =	rddreg [dreg:$0x7]  }
0x17: {  	[spmem:s5], [sflag:s4] =	dma.local [hbm:s0], $0x500  }
0x18: {  	_ =	swait.ge [sflag:s12], $0x500  }
0x19: {  	[sflag:s12] =	ssyncset.done $0x0  }
0x1a: {  	s9 =	simm.s32 $0x0;
	s10 =	rddreg [dreg:$0x8];
	[sflag:s12] =	ssyncadd.s32 $0xFFFFFB00  }
0x1b: {  	[tilespmem:s9], [sflag:$0x11] =	stream.linear.gather [hbm4b:s10+s9], $0x2800, $0x38;
	[tilespmem:$0xB680] =	vst v63  }
0x1c: {  	_ =	swait.ge [sflag:s12], $0x2800  }
0x1d: {  	[sflag:s12] =	ssyncset.done $0x0  }
0x1e: {  	s16 =	simm.s32 $0x2800;
	s13 =	rddreg [dreg:$0x9];
	[sflag:s12] =	ssyncadd.s32 $0xFFFFD800  }
0x1f: {  	[tilespmem:s16], [sflag:$0x11] =	stream.linear.gather [hbm4b:s13+s9], $0x2800, $0x38;
	[tilespmem:$0xB680] =	vst v63  }
0x20: {  	_ =	swait.ge [sflag:s12], $0x2800  }
0x21: {  	[sflag:s12] =	ssyncset.done $0x0  }
0x22: {  	[sflag:s12] =	ssyncadd.s32 $0xFFFFD800  }
0x23: {  	[bflag:$0x0] =	sbarrier.arrive $0xFFFF  }
0x24: {  	[tilespmem:s15], [sflag:$0x1] =	stream.indirect.gather [hbm4b:s1+s14], $0x10, s9, s14, $0xb8;
	[tilespmem:$0xB680] =	vst v63  }
0x25: {  	s18 =	simm.s32 $0x80  }
0x26: {  	[tilespmem:s17], [sflag:$0x2] =	stream.indirect.gather [hbm4b:s1+s14], $0x10, s18, s14, $0xb8;
	[tilespmem:$0xB680] =	vst v63  }
0x27: {  	s11 =	smov.u32 s4;
	s4 =	simm.s32 $0x100  }
0x28: {  	[tilespmem:s19], [sflag:$0x3] =	stream.indirect.gather [hbm4b:s1+s14], $0x10, s4, s14, $0xb8;
	[tilespmem:$0xB680] =	vst v63  }
0x29: {  	p0 =	por $0x0, $0x0;
	s5 =	simm.s32 $0x180  }
0x2a: {  	[tilespmem:s21], [sflag:$0x4] =	stream.indirect.gather [hbm4b:s1+s14], $0x10, s5, s14, $0xb8;
	[tilespmem:$0xB680] =	vst v63  }
0x2b: {  	s5 =	simm.s32 @p0 $0xD  }
0x2c: {  	_ =	swait.ge @p0 [sflag:s5], $0x7D0  }
0x2d: {  	s7 =	simm.s32 @p0 $0xE;
	s8 =	simm.s32 @p0 $0x6F40;
	[sflag:s5] =	ssyncset.done @p0 $0x0  }
0x2e: {  	s9 =	simm.s32 @p0 $0x7D;
	[sflag:s5] =	ssyncadd.s32 @p0 $0xFFFFF830;
	s5 =	simm.s32 @p0 $0x200  }
0x2f: {  	[tilespmem:s8], [sflag:$0x5] =	stream.indirect.gather @p0 [hbm4b:s1+s9], $0x10, s5, s9, $0xb8;
	[tilespmem:$0xB680] =	vst v63  }
0x30: {  	_ =	swait.ge @p0 [sflag:s7], $0x7D0  }
0x31: {  	s5 =	simm.s32 @p0 $0x280;
	[sflag:s7] =	ssyncset.done @p0 $0x0  }
0x32: {  	s8 =	simm.s32 @p0 $0xF;
	[sflag:s7] =	ssyncadd.s32 @p0 $0xFFFFF830;
	s7 =	simm.s32 @p0 $0x7710  }
0x33: {  	[tilespmem:s7], [sflag:$0x6] =	stream.indirect.gather @p0 [hbm4b:s1+s9], $0x10, s5, s9, $0xb8;
	[tilespmem:$0xB680] =	vst v63  }
0x34: {  	_ =	swait.ge @p0 [sflag:s8], $0x7D0  }
0x35: {  	s5 =	simm.s32 @p0 $0x300;
	[sflag:s8] =	ssyncset.done @p0 $0x0  }
0x36: {  	s7 =	simm.s32 @p0 $0x7EE0;
	[sflag:s8] =	ssyncadd.s32 @p0 $0xFFFFF830;
	s8 =	simm.s32 @p0 $0x10  }
0x37: {  	[tilespmem:s7], [sflag:$0x7] =	stream.indirect.gather @p0 [hbm4b:s1+s9], $0x10, s5, s9, $0xb8;
	[tilespmem:$0xB680] =	vst v63  }
0x38: {  	_ =	swait.ge @p0 [sflag:s8], $0x7D0  }
0x39: {  	s5 =	simm.s32 @!p0 $0x6F40;
	[sflag:s8] =	ssyncset.done @p0 $0x0  }
0x3a: {  	s7 =	simm.s32 @!p0 $0x7D;
	[sflag:s8] =	ssyncadd.s32 @p0 $0xFFFFF830;
	s8 =	simm.s32 @!p0 $0x200  }
0x3b: {  	[tilespmem:s5], [sflag:$0x5] =	stream.indirect.gather @!p0 [hbm4b:s1+s7], $0x10, s8, s7, $0xb8;
	[tilespmem:$0xB680] =	vst v63  }
0x3c: {  	s5 =	simm.s32 @!p0 $0x280;
	s8 =	simm.s32 @!p0 $0x7710  }
0x3d: {  	[tilespmem:s8], [sflag:$0x6] =	stream.indirect.gather @!p0 [hbm4b:s1+s7], $0x10, s5, s7, $0xb8;
	[tilespmem:$0xB680] =	vst v63  }
0x3e: {  	s9 =	simm.s32 @!p0 $0x7EE0;
	s5 =	simm.s32 $0x380;
	s8 =	simm.s32 @!p0 $0x300  }
0x3f: {  	[tilespmem:s9], [sflag:$0x7] =	stream.indirect.gather @!p0 [hbm4b:s1+s7], $0x10, s8, s7, $0xb8;
	[tilespmem:$0xB680] =	vst v63  }
0x40: {  	s5 =	simm.s32 @!p0 $0x380  }
0x41: {  	[tilespmem:s22], [sflag:$0x8] =	stream.indirect.gather [hbm4b:s1+s14], $0x10, s5, s14, $0xb8;
	[tilespmem:$0xB680] =	vst v63  }
0x42: {  	_ =	swait.ge [sflag:s23], $0x7D0  }
0x43: {  	[sflag:s23] =	ssyncset.done $0x0  }
0x44: {  	s6 =	simm.s32 $0x2800;
	[sflag:s23] =	ssyncadd.s32 $0xFFFFF830  }
0x45: {  	[spmem:s3] =	stream.indirect.scatter.add.f32 [tilespmem:s15], [sflag:$0x9], $0x10, s6, s14, $0xb8;
	[tilespmem:$0xB680] =	vst v63  }
0x46: {  	_ =	swait.ge [sflag:s24], $0x7D0  }
0x47: {  	[sflag:s24] =	ssyncset.done $0x0  }
0x48: {  	s8 =	simm.s32 $0x2880;
	[sflag:s24] =	ssyncadd.s32 $0xFFFFF830  }
0x49: {  	[spmem:s3] =	stream.indirect.scatter.add.f32 [tilespmem:s17], [sflag:$0xA], $0x10, s8, s14, $0xb8;
	[tilespmem:$0xB680] =	vst v63  }
0x4a: {  	_ =	swait.ge [sflag:s25], $0x7D0  }
0x4b: {  	[sflag:s25] =	ssyncset.done $0x0  }
0x4c: {  	s9 =	simm.s32 $0x2900;
	[sflag:s25] =	ssyncadd.s32 $0xFFFFF830  }
0x4d: {  	[spmem:s3] =	stream.indirect.scatter.add.f32 [tilespmem:s19], [sflag:$0xB], $0x10, s9, s14, $0xb8;
	[tilespmem:$0xB680] =	vst v63  }
0x4e: {  	_ =	swait.ge [sflag:s26], $0x7D0  }
0x4f: {  	[sflag:s26] =	ssyncset.done $0x0  }
0x50: {  	s10 =	simm.s32 $0x2980;
	[sflag:s26] =	ssyncadd.s32 $0xFFFFF830  }
0x51: {  	[spmem:s3] =	stream.indirect.scatter.add.f32 [tilespmem:s21], [sflag:$0xC], $0x10, s10, s14, $0xb8;
	[tilespmem:$0xB680] =	vst v63  }
0x52: {  	_ =	swait.ge [sflag:s28], $0x7D0  }
0x53: {  	p1 =	por $0x0, $0x0;
	[sflag:s28] =	ssyncset.done $0x0  }
0x54: {  	s7 =	simm.s32 @p1 $0xA;
	[sflag:s28] =	ssyncadd.s32 $0xFFFFF830  }
0x55: {  	_ =	swait.ge @p1 [sflag:s7], $0x7D0  }
0x56: {  	[sflag:s7] =	ssyncset.done @p1 $0x0  }
0x57: {  	[sflag:s7] =	ssyncadd.s32 @p1 $0xFFFFF830;
	s7 =	simm.s32 @p1 $0xB  }
0x58: {  	_ =	swait.ge @p1 [sflag:s7], $0x7D0  }
0x59: {  	[sflag:s7] =	ssyncset.done @p1 $0x0  }
0x5a: {  	[sflag:s7] =	ssyncadd.s32 @p1 $0xFFFFF830;
	s7 =	simm.s32 @p1 $0xC  }
0x5b: {  	_ =	swait.ge @p1 [sflag:s7], $0x7D0  }
0x5c: {  	s8 =	simm.s32 @!p1 $0x400;
	[sflag:s7] =	ssyncset.done @p1 $0x0  }
0x5d: {  	s9 =	simm.s32 @!p1 $0x5000;
	[sflag:s7] =	ssyncadd.s32 @p1 $0xFFFFF830;
	s7 =	simm.s32 @!p1 $0x7D  }
0x5e: {  	[tilespmem:s9], [sflag:$0x1] =	stream.indirect.gather @!p1 [hbm4b:s1+s7], $0x10, s8, s7, $0xb8;
	[tilespmem:$0xB680] =	vst v63  }
0x5f: {  	s8 =	simm.s32 @!p1 $0xA  }
0x60: {  	_ =	swait.ge @!p1 [sflag:s8], $0x7D0  }
0x61: {  	[sflag:s8] =	ssyncset.done @!p1 $0x0  }
0x62: {  	s9 =	simm.s32 @!p1 $0x480;
	[sflag:s8] =	ssyncadd.s32 @!p1 $0xFFFFF830;
	s8 =	simm.s32 @!p1 $0x57D0  }
0x63: {  	[tilespmem:s8], [sflag:$0x2] =	stream.indirect.gather @!p1 [hbm4b:s1+s7], $0x10, s9, s7, $0xb8;
	[tilespmem:$0xB680] =	vst v63  }
0x64: {  	s8 =	simm.s32 @!p1 $0xB  }
0x65: {  	_ =	swait.ge @!p1 [sflag:s8], $0x7D0  }
0x66: {  	[sflag:s8] =	ssyncset.done @!p1 $0x0  }
0x67: {  	s9 =	simm.s32 @!p1 $0x500;
	[sflag:s8] =	ssyncadd.s32 @!p1 $0xFFFFF830;
	s8 =	simm.s32 @!p1 $0x5FA0  }
0x68: {  	[tilespmem:s8], [sflag:$0x3] =	stream.indirect.gather @!p1 [hbm4b:s1+s7], $0x10, s9, s7, $0xb8;
	[tilespmem:$0xB680] =	vst v63  }
0x69: {  	s8 =	simm.s32 @!p1 $0xC  }
0x6a: {  	_ =	swait.ge @!p1 [sflag:s8], $0x7D0  }
0x6b: {  	[sflag:s8] =	ssyncset.done @!p1 $0x0  }
0x6c: {  	s9 =	simm.s32 @!p1 $0x580;
	[sflag:s8] =	ssyncadd.s32 @!p1 $0xFFFFF830;
	s8 =	simm.s32 @!p1 $0x6770  }
0x6d: {  	[tilespmem:s8], [sflag:$0x4] =	stream.indirect.gather @!p1 [hbm4b:s1+s7], $0x10, s9, s7, $0xb8;
	[tilespmem:$0xB680] =	vst v63  }
0x6e: {  	s7 =	simm.s32 @p0 $0x200;
	_ =	swait.ge [sflag:s29], $0x7D0  }
0x6f: {  	s7 =	simm.s32 @!p0 $0x200;
	[sflag:s29] =	ssyncset.done $0x0  }
0x70: {  	s13 =	rddreg [dreg:$0x4];
	s7 =	sadd.s32 $0x2800, s7;
	[sflag:s29] =	ssyncadd.s32 $0xFFFFF830  }
0x71: {  	[spmem:s3] =	stream.indirect.scatter.add.f32 [tilespmem:s13], [sflag:$0xD], $0x10, s7, s14, $0xb8;
	[tilespmem:$0xB680] =	vst v63  }
0x72: {  	s7 =	simm.s32 @p0 $0x280;
	_ =	swait.ge [sflag:s30], $0x7D0  }
0x73: {  	s7 =	simm.s32 @!p0 $0x280;
	[sflag:s30] =	ssyncset.done $0x0  }
0x74: {  	s16 =	rddreg [dreg:$0x5];
	s7 =	sadd.s32 $0x2800, s7;
	[sflag:s30] =	ssyncadd.s32 $0xFFFFF830  }
0x75: {  	[spmem:s3] =	stream.indirect.scatter.add.f32 [tilespmem:s16], [sflag:$0xE], $0x10, s7, s14, $0xb8;
	[tilespmem:$0xB680] =	vst v63  }
0x76: {  	s8 =	simm.s32 @p0 $0x300;
	_ =	swait.ge [sflag:s31], $0x7D0  }
0x77: {  	s5 =	sadd.s32 $0x2800, s5;
	s8 =	simm.s32 @!p0 $0x300;
	[sflag:s31] =	ssyncset.done $0x0  }
0x78: {  	s8 =	sadd.s32 $0x2800, s8;
	s18 =	rddreg [dreg:$0x6];
	[sflag:s31] =	ssyncadd.s32 $0xFFFFF830  }
0x79: {  	[spmem:s3] =	stream.indirect.scatter.add.f32 [tilespmem:s18], [sflag:$0xF], $0x10, s8, s14, $0xb8;
	[tilespmem:$0xB680] =	vst v63  }
0x7a: {  	s9 =	simm.s32 $0x780;
	p0 =	por $0x1, $0x1;
	_ =	swait.ge [sflag:s2], $0x7D0  }
0x7b: {  	s7 =	simm.s32 $0x1000;
	s8 =	simm.s32 $0x2000;
	[sflag:s2] =	ssyncset.done $0x0  }
.LBB2_2:
0x7c: {  	s4 =	simm.s32 @p0 $0xD;
	[sflag:s2] =	ssyncadd.s32 $0xFFFFF830  }
0x7d: {  	[spmem:s3] =	stream.indirect.scatter.add.f32 [tilespmem:s22], [sflag:$0x10], $0x10, s5, s14, $0xb8;
	[tilespmem:$0xB680] =	vst v63  }
0x7e: {  	s0 =	sshra.s32 @p0 s7, $0x2;
	_ =	swait.ge @p0 [sflag:s4], $0x7D0  }
0x7f: {  	s13 =	simm.s32 @p0 $0x6F40;
	s16 =	simm.s32 @p0 $0x7D;
	[sflag:s4] =	ssyncset.done @p0 $0x0  }
0x80: {  	s5 =	simm.s32 @p0 $0xE;
	[sflag:s4] =	ssyncadd.s32 @p0 $0xFFFFF830;
	s4 =	sadd.s32 @p0 $0x200, s0  }
0x81: {  	[tilespmem:s13], [sflag:$0x5] =	stream.indirect.gather @p0 [hbm4b:s1+s16], $0x10, s4, s16, $0xb8;
	[tilespmem:$0xB680] =	vst v63  }
0x82: {  	_ =	swait.ge @p0 [sflag:s5], $0x7D0  }
0x83: {  	s4 =	sadd.s32 @p0 $0x280, s0;
	[sflag:s5] =	ssyncset.done @p0 $0x0  }
0x84: {  	s13 =	simm.s32 @p0 $0xF;
	[sflag:s5] =	ssyncadd.s32 @p0 $0xFFFFF830;
	s5 =	simm.s32 @p0 $0x7710  }
0x85: {  	[tilespmem:s5], [sflag:$0x6] =	stream.indirect.gather @p0 [hbm4b:s1+s16], $0x10, s4, s16, $0xb8;
	[tilespmem:$0xB680] =	vst v63  }
0x86: {  	_ =	swait.ge @p0 [sflag:s13], $0x7D0  }
0x87: {  	s0 =	sadd.s32 @p0 $0x300, s0;
	[sflag:s13] =	ssyncset.done @p0 $0x0  }
0x88: {  	s4 =	simm.s32 @p0 $0x7EE0;
	s5 =	simm.s32 @p0 $0x10;
	[sflag:s13] =	ssyncadd.s32 @p0 $0xFFFFF830  }
0x89: {  	[tilespmem:s4], [sflag:$0x7] =	stream.indirect.gather @p0 [hbm4b:s1+s16], $0x10, s0, s16, $0xb8;
	[tilespmem:$0xB680] =	vst v63  }
0x8a: {  	_ =	swait.ge @p0 [sflag:s5], $0x7D0  }
0x8b: {  	s0 =	simm.s32 @!p0 $0x6F40;
	[sflag:s5] =	ssyncset.done @p0 $0x0  }
0x8c: {  	s4 =	simm.s32 @!p0 $0x7D;
	[sflag:s5] =	ssyncadd.s32 @p0 $0xFFFFF830;
	s5 =	simm.s32 @!p0 $0x200  }
0x8d: {  	[tilespmem:s0], [sflag:$0x5] =	stream.indirect.gather @!p0 [hbm4b:s1+s4], $0x10, s5, s4, $0xb8;
	[tilespmem:$0xB680] =	vst v63  }
0x8e: {  	s0 =	simm.s32 @!p0 $0x280;
	s5 =	simm.s32 @!p0 $0x7710  }
0x8f: {  	[tilespmem:s5], [sflag:$0x6] =	stream.indirect.gather @!p0 [hbm4b:s1+s4], $0x10, s0, s4, $0xb8;
	[tilespmem:$0xB680] =	vst v63  }
0x90: {  	s0 =	simm.s32 @!p0 $0x300;
	s5 =	simm.s32 @!p0 $0x7EE0  }
0x91: {  	[tilespmem:s5], [sflag:$0x7] =	stream.indirect.gather @!p0 [hbm4b:s1+s4], $0x10, s0, s4, $0xb8;
	[tilespmem:$0xB680] =	vst v63  }
0x92: {  	s5 =	smov.u32 s9  }
0x93: {  	s5 =	simm.s32 @!p0 $0x380  }
0x94: {  	[tilespmem:s22], [sflag:$0x8] =	stream.indirect.gather [hbm4b:s1+s14], $0x10, s5, s14, $0xb8;
	[tilespmem:$0xB680] =	vst v63  }
0x95: {  	_ =	swait.ge [sflag:s23], $0x7D0  }
0x96: {  	s13 =	sshra.s32 s7, $0x2;
	[sflag:s23] =	ssyncset.done $0x0  }
0x97: {  	s16 =	sadd.s32 $0x2800, s13;
	[sflag:s23] =	ssyncadd.s32 $0xFFFFF830  }
0x98: {  	[spmem:s3] =	stream.indirect.scatter.add.f32 [tilespmem:s15], [sflag:$0x9], $0x10, s16, s14, $0xb8;
	[tilespmem:$0xB680] =	vst v63  }
0x99: {  	_ =	swait.ge [sflag:s24], $0x7D0  }
0x9a: {  	[sflag:s24] =	ssyncset.done $0x0  }
0x9b: {  	s18 =	sadd.s32 $0x2880, s13;
	[sflag:s24] =	ssyncadd.s32 $0xFFFFF830  }
0x9c: {  	[spmem:s3] =	stream.indirect.scatter.add.f32 [tilespmem:s17], [sflag:$0xA], $0x10, s18, s14, $0xb8;
	[tilespmem:$0xB680] =	vst v63  }
0x9d: {  	_ =	swait.ge [sflag:s25], $0x7D0  }
0x9e: {  	[sflag:s25] =	ssyncset.done $0x0  }
0x9f: {  	s6 =	sadd.s32 $0x2900, s13;
	[sflag:s25] =	ssyncadd.s32 $0xFFFFF830  }
0xa0: {  	[spmem:s3] =	stream.indirect.scatter.add.f32 [tilespmem:s19], [sflag:$0xB], $0x10, s6, s14, $0xb8;
	[tilespmem:$0xB680] =	vst v63  }
0xa1: {  	_ =	swait.ge [sflag:s26], $0x7D0  }
0xa2: {  	[sflag:s26] =	ssyncset.done $0x0  }
0xa3: {  	s0 =	sadd.s32 $0x2980, s13;
	[sflag:s26] =	ssyncadd.s32 $0xFFFFF830  }
0xa4: {  	[spmem:s3] =	stream.indirect.scatter.add.f32 [tilespmem:s21], [sflag:$0xC], $0x10, s0, s14, $0xb8;
	[tilespmem:$0xB680] =	vst v63  }
0xa5: {  	_ =	swait.ge [sflag:s28], $0x7D0  }
0xa6: {  	p2 =	seq.s32 s7, $0x9000;
	[sflag:s28] =	ssyncset.done $0x0  }
0xa7: {  	s0 =	simm.s32 @p2 $0xA;
	[sflag:s28] =	ssyncadd.s32 $0xFFFFF830  }
0xa8: {  	_ =	swait.ge @p2 [sflag:s0], $0x7D0  }
0xa9: {  	[sflag:s0] =	ssyncset.done @p2 $0x0  }
0xaa: {  	[sflag:s0] =	ssyncadd.s32 @p2 $0xFFFFF830;
	s0 =	simm.s32 @p2 $0xB  }
0xab: {  	_ =	swait.ge @p2 [sflag:s0], $0x7D0  }
0xac: {  	[sflag:s0] =	ssyncset.done @p2 $0x0  }
0xad: {  	s10 =	smov.u32 s8;
	[sflag:s0] =	ssyncadd.s32 @p2 $0xFFFFF830;
	s0 =	simm.s32 @p2 $0xC  }
0xae: {  	s4 =	sshra.s32 @!p2 s7, $0x2;
	s7 =	smov.u32 s10;
	_ =	swait.ge @p2 [sflag:s0], $0x7D0  }
0xaf: {  	s10 =	simm.s32 @!p2 $0xA;
	s13 =	sadd.s32 @!p2 $0x400, s4;
	[sflag:s0] =	ssyncset.done @p2 $0x0  }
0xb0: {  	s6 =	simm.s32 @!p2 $0x5000;
	[sflag:s0] =	ssyncadd.s32 @p2 $0xFFFFF830;
	s0 =	simm.s32 @!p2 $0x7D  }
0xb1: {  	[tilespmem:s6], [sflag:$0x1] =	stream.indirect.gather @!p2 [hbm4b:s1+s0], $0x10, s13, s0, $0xb8;
	[tilespmem:$0xB680] =	vst v63  }
0xb2: {  	_ =	swait.ge @!p2 [sflag:s10], $0x7D0  }
0xb3: {  	s16 =	sadd.s32 @!p2 $0x480, s4;
	[sflag:s10] =	ssyncset.done @!p2 $0x0  }
0xb4: {  	s6 =	simm.s32 @!p2 $0x57D0;
	[sflag:s10] =	ssyncadd.s32 @!p2 $0xFFFFF830;
	s10 =	simm.s32 @!p2 $0xB  }
0xb5: {  	[tilespmem:s6], [sflag:$0x2] =	stream.indirect.gather @!p2 [hbm4b:s1+s0], $0x10, s16, s0, $0xb8;
	[tilespmem:$0xB680] =	vst v63  }
0xb6: {  	_ =	swait.ge @!p2 [sflag:s10], $0x7D0  }
0xb7: {  	s18 =	sadd.s32 @!p2 $0x500, s4;
	[sflag:s10] =	ssyncset.done @!p2 $0x0  }
0xb8: {  	s6 =	simm.s32 @!p2 $0x5FA0;
	[sflag:s10] =	ssyncadd.s32 @!p2 $0xFFFFF830;
	s10 =	simm.s32 @!p2 $0xC  }
0xb9: {  	[tilespmem:s6], [sflag:$0x3] =	stream.indirect.gather @!p2 [hbm4b:s1+s0], $0x10, s18, s0, $0xb8;
	[tilespmem:$0xB680] =	vst v63  }
0xba: {  	_ =	swait.ge @!p2 [sflag:s10], $0x7D0  }
0xbb: {  	[sflag:s10] =	ssyncset.done @!p2 $0x0  }
0xbc: {  	s4 =	sadd.s32 @!p2 $0x580, s4;
	s6 =	simm.s32 @!p2 $0x6770;
	[sflag:s10] =	ssyncadd.s32 @!p2 $0xFFFFF830  }
0xbd: {  	[tilespmem:s6], [sflag:$0x4] =	stream.indirect.gather @!p2 [hbm4b:s1+s0], $0x10, s4, s0, $0xb8;
	[tilespmem:$0xB680] =	vst v63  }
0xbe: {  	s0 =	sadd.s32 @p0 $0xFFFFFE80, s9;
	_ =	swait.ge [sflag:s29], $0x7D0  }
0xbf: {  	s0 =	simm.s32 @!p0 $0x200;
	[sflag:s29] =	ssyncset.done $0x0  }
0xc0: {  	s13 =	rddreg [dreg:$0x4];
	s0 =	sadd.s32 $0x2800, s0;
	[sflag:s29] =	ssyncadd.s32 $0xFFFFF830  }
0xc1: {  	[spmem:s3] =	stream.indirect.scatter.add.f32 [tilespmem:s13], [sflag:$0xD], $0x10, s0, s14, $0xb8;
	[tilespmem:$0xB680] =	vst v63  }
0xc2: {  	s0 =	sadd.s32 @p0 $0xFFFFFF00, s9;
	_ =	swait.ge [sflag:s30], $0x7D0  }
0xc3: {  	s8 =	sadd.s32 $0x1000, s8;
	s0 =	simm.s32 @!p0 $0x280;
	[sflag:s30] =	ssyncset.done $0x0  }
0xc4: {  	s16 =	rddreg [dreg:$0x5];
	s0 =	sadd.s32 $0x2800, s0;
	[sflag:s30] =	ssyncadd.s32 $0xFFFFF830  }
0xc5: {  	[spmem:s3] =	stream.indirect.scatter.add.f32 [tilespmem:s16], [sflag:$0xE], $0x10, s0, s14, $0xb8;
	[tilespmem:$0xB680] =	vst v63  }
0xc6: {  	p1 =	sne.s32 s8, $0xA000;
	s0 =	sadd.s32 @p0 $0xFFFFFF80, s9;
	_ =	swait.ge [sflag:s31], $0x7D0  }
.Ltmp0:
0xc7: {  	s0 =	simm.s32 @!p0 $0x300;
	[sflag:s31] =	ssyncset.done $0x0;
	(pc) =	sbr.rel @p1 .LBB2_2-.Ltmp0, $4  }
0xc8: {  	s18 =	rddreg [dreg:$0x6];
	s0 =	sadd.s32 $0x2800, s0;
	[sflag:s31] =	ssyncadd.s32 $0xFFFFF830  }
0xc9: {  	[spmem:s3] =	stream.indirect.scatter.add.f32 [tilespmem:s18], [sflag:$0xF], $0x10, s0, s14, $0xb8;
	[tilespmem:$0xB680] =	vst v63  }
0xca: {  	s5 =	sadd.s32 $0x2800, s5;
	_ =	swait.ge [sflag:s2], $0x7D0  }
0xcb: {  	s9 =	sadd.s32 $0x400, s9;
	p0 =	sne.s32 s7, $0x0;
	[sflag:s2] =	ssyncset.done $0x0  }
0xcc: {  	s0 =	simm.s32 @p0 $0xD;
	[sflag:s2] =	ssyncadd.s32 $0xFFFFF830  }
0xcd: {  	[spmem:s3] =	stream.indirect.scatter.add.f32 [tilespmem:s22], [sflag:$0x10], $0x10, s5, s14, $0xb8;
	[tilespmem:$0xB680] =	vst v63  }
0xce: {  	_ =	swait.ge @p0 [sflag:s0], $0x7D0  }
0xcf: {  	s4 =	sshra.s32 @p0 s7, $0x2;
	s6 =	simm.s32 @p0 $0x7D;
	[sflag:s0] =	ssyncset.done @p0 $0x0  }
0xd0: {  	s5 =	simm.s32 @p0 $0x6F40;
	[sflag:s0] =	ssyncadd.s32 @p0 $0xFFFFF830;
	s0 =	sadd.s32 @p0 $0x200, s4  }
0xd1: {  	[tilespmem:s5], [sflag:$0x5] =	stream.indirect.gather @p0 [hbm4b:s1+s6], $0x10, s0, s6, $0xb8;
	[tilespmem:$0xB680] =	vst v63  }
0xd2: {  	s0 =	simm.s32 @p0 $0xE  }
0xd3: {  	_ =	swait.ge @p0 [sflag:s0], $0x7D0  }
0xd4: {  	[sflag:s0] =	ssyncset.done @p0 $0x0  }
0xd5: {  	s5 =	sadd.s32 @p0 $0x280, s4;
	[sflag:s0] =	ssyncadd.s32 @p0 $0xFFFFF830;
	s0 =	simm.s32 @p0 $0x7710  }
0xd6: {  	[tilespmem:s0], [sflag:$0x6] =	stream.indirect.gather @p0 [hbm4b:s1+s6], $0x10, s5, s6, $0xb8;
	[tilespmem:$0xB680] =	vst v63  }
0xd7: {  	s0 =	simm.s32 @p0 $0xF  }
0xd8: {  	_ =	swait.ge @p0 [sflag:s0], $0x7D0  }
0xd9: {  	s4 =	sadd.s32 @p0 $0x300, s4;
	[sflag:s0] =	ssyncset.done @p0 $0x0  }
0xda: {  	s5 =	simm.s32 @p0 $0x10;
	[sflag:s0] =	ssyncadd.s32 @p0 $0xFFFFF830;
	s0 =	simm.s32 @p0 $0x7EE0  }
0xdb: {  	[tilespmem:s0], [sflag:$0x7] =	stream.indirect.gather @p0 [hbm4b:s1+s6], $0x10, s4, s6, $0xb8;
	[tilespmem:$0xB680] =	vst v63  }
0xdc: {  	_ =	swait.ge @p0 [sflag:s5], $0x7D0  }
0xdd: {  	s0 =	simm.s32 @!p0 $0x6F40;
	[sflag:s5] =	ssyncset.done @p0 $0x0  }
0xde: {  	s4 =	simm.s32 @!p0 $0x7D;
	[sflag:s5] =	ssyncadd.s32 @p0 $0xFFFFF830;
	s5 =	simm.s32 @!p0 $0x200  }
0xdf: {  	[tilespmem:s0], [sflag:$0x5] =	stream.indirect.gather @!p0 [hbm4b:s1+s4], $0x10, s5, s4, $0xb8;
	[tilespmem:$0xB680] =	vst v63  }
0xe0: {  	s0 =	simm.s32 @!p0 $0x280;
	s5 =	simm.s32 @!p0 $0x7710  }
0xe1: {  	[tilespmem:s5], [sflag:$0x6] =	stream.indirect.gather @!p0 [hbm4b:s1+s4], $0x10, s0, s4, $0xb8;
	[tilespmem:$0xB680] =	vst v63  }
0xe2: {  	s0 =	simm.s32 @!p0 $0x300;
	s5 =	simm.s32 @!p0 $0x7EE0  }
0xe3: {  	[tilespmem:s5], [sflag:$0x7] =	stream.indirect.gather @!p0 [hbm4b:s1+s4], $0x10, s0, s4, $0xb8;
	[tilespmem:$0xB680] =	vst v63  }
0xe4: {  	s5 =	smov.u32 s9  }
0xe5: {  	s5 =	simm.s32 @!p0 $0x380  }
0xe6: {  	[tilespmem:s22], [sflag:$0x8] =	stream.indirect.gather [hbm4b:s1+s14], $0x10, s5, s14, $0xb8;
	[tilespmem:$0xB680] =	vst v63  }
0xe7: {  	_ =	swait.ge [sflag:s23], $0x7D0  }
0xe8: {  	s6 =	sshra.s32 s7, $0x2;
	[sflag:s23] =	ssyncset.done $0x0  }
0xe9: {  	s8 =	sadd.s32 $0x2800, s6;
	[sflag:s23] =	ssyncadd.s32 $0xFFFFF830  }
0xea: {  	[spmem:s3] =	stream.indirect.scatter.add.f32 [tilespmem:s15], [sflag:$0x9], $0x10, s8, s14, $0xb8;
	[tilespmem:$0xB680] =	vst v63  }
0xeb: {  	_ =	swait.ge [sflag:s24], $0x7D0  }
0xec: {  	[sflag:s24] =	ssyncset.done $0x0  }
0xed: {  	s10 =	sadd.s32 $0x2880, s6;
	[sflag:s24] =	ssyncadd.s32 $0xFFFFF830  }
0xee: {  	[spmem:s3] =	stream.indirect.scatter.add.f32 [tilespmem:s17], [sflag:$0xA], $0x10, s10, s14, $0xb8;
	[tilespmem:$0xB680] =	vst v63  }
0xef: {  	_ =	swait.ge [sflag:s25], $0x7D0  }
0xf0: {  	[sflag:s25] =	ssyncset.done $0x0  }
0xf1: {  	s13 =	sadd.s32 $0x2900, s6;
	[sflag:s25] =	ssyncadd.s32 $0xFFFFF830  }
0xf2: {  	[spmem:s3] =	stream.indirect.scatter.add.f32 [tilespmem:s19], [sflag:$0xB], $0x10, s13, s14, $0xb8;
	[tilespmem:$0xB680] =	vst v63  }
0xf3: {  	_ =	swait.ge [sflag:s26], $0x7D0  }
0xf4: {  	[sflag:s26] =	ssyncset.done $0x0  }
0xf5: {  	s0 =	sadd.s32 $0x2980, s6;
	[sflag:s26] =	ssyncadd.s32 $0xFFFFF830  }
0xf6: {  	[spmem:s3] =	stream.indirect.scatter.add.f32 [tilespmem:s21], [sflag:$0xC], $0x10, s0, s14, $0xb8;
	[tilespmem:$0xB680] =	vst v63  }
0xf7: {  	_ =	swait.ge [sflag:s28], $0x7D0  }
0xf8: {  	p1 =	seq.s32 s7, $0x9000;
	[sflag:s28] =	ssyncset.done $0x0  }
0xf9: {  	s0 =	simm.s32 @p1 $0xA;
	[sflag:s28] =	ssyncadd.s32 $0xFFFFF830  }
0xfa: {  	_ =	swait.ge @p1 [sflag:s0], $0x7D0  }
0xfb: {  	[sflag:s0] =	ssyncset.done @p1 $0x0  }
0xfc: {  	[sflag:s0] =	ssyncadd.s32 @p1 $0xFFFFF830;
	s0 =	simm.s32 @p1 $0xB  }
0xfd: {  	_ =	swait.ge @p1 [sflag:s0], $0x7D0  }
0xfe: {  	[sflag:s0] =	ssyncset.done @p1 $0x0  }
0xff: {  	[sflag:s0] =	ssyncadd.s32 @p1 $0xFFFFF830;
	s0 =	simm.s32 @p1 $0xC  }
0x100: {  	_ =	swait.ge @p1 [sflag:s0], $0x7D0  }
0x101: {  	s4 =	sshra.s32 @!p1 s7, $0x2;
	s7 =	simm.s32 @!p1 $0x5000;
	[sflag:s0] =	ssyncset.done @p1 $0x0  }
0x102: {  	s6 =	sadd.s32 @!p1 $0x400, s4;
	[sflag:s0] =	ssyncadd.s32 @p1 $0xFFFFF830;
	s0 =	simm.s32 @!p1 $0x7D  }
0x103: {  	[tilespmem:s7], [sflag:$0x1] =	stream.indirect.gather @!p1 [hbm4b:s1+s0], $0x10, s6, s0, $0xb8;
	[tilespmem:$0xB680] =	vst v63  }
0x104: {  	s6 =	simm.s32 @!p1 $0xA  }
0x105: {  	_ =	swait.ge @!p1 [sflag:s6], $0x7D0  }
0x106: {  	[sflag:s6] =	ssyncset.done @!p1 $0x0  }
0x107: {  	s7 =	sadd.s32 @!p1 $0x480, s4;
	[sflag:s6] =	ssyncadd.s32 @!p1 $0xFFFFF830;
	s6 =	simm.s32 @!p1 $0x57D0  }
0x108: {  	[tilespmem:s6], [sflag:$0x2] =	stream.indirect.gather @!p1 [hbm4b:s1+s0], $0x10, s7, s0, $0xb8;
	[tilespmem:$0xB680] =	vst v63  }
0x109: {  	s6 =	simm.s32 @!p1 $0xB  }
0x10a: {  	_ =	swait.ge @!p1 [sflag:s6], $0x7D0  }
0x10b: {  	[sflag:s6] =	ssyncset.done @!p1 $0x0  }
0x10c: {  	s7 =	sadd.s32 @!p1 $0x500, s4;
	[sflag:s6] =	ssyncadd.s32 @!p1 $0xFFFFF830;
	s6 =	simm.s32 @!p1 $0x5FA0  }
0x10d: {  	[tilespmem:s6], [sflag:$0x3] =	stream.indirect.gather @!p1 [hbm4b:s1+s0], $0x10, s7, s0, $0xb8;
	[tilespmem:$0xB680] =	vst v63  }
0x10e: {  	s6 =	simm.s32 @!p1 $0xC  }
0x10f: {  	_ =	swait.ge @!p1 [sflag:s6], $0x7D0  }
0x110: {  	[sflag:s6] =	ssyncset.done @!p1 $0x0  }
0x111: {  	s4 =	sadd.s32 @!p1 $0x580, s4;
	[sflag:s6] =	ssyncadd.s32 @!p1 $0xFFFFF830;
	s6 =	simm.s32 @!p1 $0x6770  }
0x112: {  	[tilespmem:s6], [sflag:$0x4] =	stream.indirect.gather @!p1 [hbm4b:s1+s0], $0x10, s4, s0, $0xb8;
	[tilespmem:$0xB680] =	vst v63  }
0x113: {  	s0 =	sadd.s32 @p0 $0xFFFFFE80, s9;
	_ =	swait.ge [sflag:s29], $0x7D0  }
0x114: {  	s0 =	simm.s32 @!p0 $0x200;
	[sflag:s29] =	ssyncset.done $0x0  }
0x115: {  	s16 =	rddreg [dreg:$0x4];
	s0 =	sadd.s32 $0x2800, s0;
	[sflag:s29] =	ssyncadd.s32 $0xFFFFF830  }
0x116: {  	[spmem:s3] =	stream.indirect.scatter.add.f32 [tilespmem:s16], [sflag:$0xD], $0x10, s0, s14, $0xb8;
	[tilespmem:$0xB680] =	vst v63  }
0x117: {  	s0 =	sadd.s32 @p0 $0xFFFFFF00, s9;
	_ =	swait.ge [sflag:s30], $0x7D0  }
0x118: {  	s0 =	simm.s32 @!p0 $0x280;
	[sflag:s30] =	ssyncset.done $0x0  }
0x119: {  	s18 =	rddreg [dreg:$0x5];
	s0 =	sadd.s32 $0x2800, s0;
	[sflag:s30] =	ssyncadd.s32 $0xFFFFF830  }
0x11a: {  	[spmem:s3] =	stream.indirect.scatter.add.f32 [tilespmem:s18], [sflag:$0xE], $0x10, s0, s14, $0xb8;
	[tilespmem:$0xB680] =	vst v63  }
0x11b: {  	s0 =	sadd.s32 @p0 $0xFFFFFF80, s9;
	_ =	swait.ge [sflag:s31], $0x7D0  }
0x11c: {  	s0 =	simm.s32 @!p0 $0x300;
	[sflag:s31] =	ssyncset.done $0x0  }
0x11d: {  	s6 =	rddreg [dreg:$0x6];
	s0 =	sadd.s32 $0x2800, s0;
	[sflag:s31] =	ssyncadd.s32 $0xFFFFF830  }
0x11e: {  	[spmem:s3] =	stream.indirect.scatter.add.f32 [tilespmem:s6], [sflag:$0xF], $0x10, s0, s14, $0xb8;
	[tilespmem:$0xB680] =	vst v63  }
0x11f: {  	_ =	swait.ge [sflag:s2], $0x7D0  }
0x120: {  	[sflag:s2] =	ssyncset.done $0x0  }
0x121: {  	s8 =	simm.s32 $0xD;
	s7 =	sadd.s32 $0x2800, s5;
	[sflag:s2] =	ssyncadd.s32 $0xFFFFF830  }
0x122: {  	[spmem:s3] =	stream.indirect.scatter.add.f32 [tilespmem:s22], [sflag:$0x10], $0x10, s7, s14, $0xb8;
	[tilespmem:$0xB680] =	vst v63  }
0x123: {  	_ =	swait.ge [sflag:s8], $0x7D0  }
0x124: {  	[sflag:s8] =	ssyncset.done $0x0  }
0x125: {  	s9 =	simm.s32 $0xE;
	[sflag:s8] =	ssyncadd.s32 $0xFFFFF830  }
0x126: {  	_ =	swait.ge [sflag:s9], $0x7D0  }
0x127: {  	[sflag:s9] =	ssyncset.done $0x0  }
0x128: {  	s10 =	simm.s32 $0xF;
	[sflag:s9] =	ssyncadd.s32 $0xFFFFF830  }
0x129: {  	_ =	swait.ge [sflag:s10], $0x7D0  }
0x12a: {  	[sflag:s10] =	ssyncset.done $0x0  }
0x12b: {  	s13 =	simm.s32 $0x10;
	[sflag:s10] =	ssyncadd.s32 $0xFFFFF830  }
0x12c: {  	_ =	swait.ge [sflag:s13], $0x7D0  }
0x12d: {  	[sflag:s13] =	ssyncset.done $0x0  }
0x12e: {  	[sflag:s13] =	ssyncadd.s32 $0xFFFFF830  }
0x12f: {  	[bflag:$0x0] =	sbarrier.arrive $0xFFFF  }
0x130: {  	s16 =	rddreg [dreg:$0xb]  }
0x131: {  	s5 =	rddreg [dreg:$0xc]  }
0x132: {  	[hbm:s16], [sflag:s11] =	dma.local [spmem:s5], $0x500  }
0x133: {  	_ =	swait.ge [sflag:s12], $0x500  }
0x134: {  	s20 =	sadd.s32 $0x1, s20;
	s18 =	rddreg [dreg:$0xa]  }
0x135: {  	p0 =	sne.s32 s20, s18  }
.Ltmp1:
0x136: {  	_ = 	snop;
	(pc) =	sbr.rel @p0 .LBB2_1-.Ltmp1, $3  }
0x137: {  	_ =	sdelay $0x1  }
0x138: {  	[sflag:s12] =	ssyncset.done $0x0  }
0x139: {  	s4 =	smov.u32 s11;
	[sflag:s12] =	ssyncadd.s32 $0xFFFFFB00  }
0x13a: {  	_ =	sfence.sel $0x180000  }
0x13b: {  	[bflag:$0x0] =	sbarrier.arrive $0xFFFF  }
0x13c: {  	_ =	strace $0x9000004D  }
0x13d: {  	s0 =	stileid.u32;
	[bflag:$0x2] =	sbarrier.arrive $0xFFFF  }
0x13e: {  	p0 =	sne.s32 s0, $0x0;
	s0 =	rddreg [dreg:$0x3]  }
0x13f: {  	s0 =	sadd.s32 @!p0 $0x100000, s0  }
0x140: {  	[sflag:s0] =	ssyncadd.tile.s32 @!p0 $0x1;
	_ =	shalt  }
.Lfunc_end2:
_tile_overlayer_lowered:
.L_overlay_start_2:
0x141: {  	(tag) =	ssettag $0x2  }
0x142: {  	s0 =	rddreg [dreg:$0x0];
	s2 =	stileid.u32  }
0x143: {  	s1 =	rddreg [dreg:$0x1];
	p0 =	sne.s32 s2, $0x0  }
0x144: {  	s3 =	rddreg [dreg:$0x2];
	[bflag:$0x3] =	sbarrier.arrive $0xFFFF;
	s2 =	simm.s32 @!p0 $0x1C11  }
0x145: {  	[timem:s3], [sflag:s2] =	dma.local @!p0 [hbm:s0], s1  }
0x146: {  	s0 =	simm.s32 @!p0 $0x11  }
0x147: {  	_ =	swait.ge @!p0 [sflag:s0], s1  }
0x148: {  	s1 =	ssub.s32 @!p0 $0x0, s1;
	[sflag:s0] =	ssyncset.done @!p0 $0x0  }
0x149: {  	[sflag:s0] =	ssyncadd.s32 @!p0 s1  }
0x14a: {  	[bflag:$0x3] =	sbarrier.arrive $0xFFFF  }
0x14b: {  	_ =	shalt  }

// kernel: kernel.19.cloned.1.call-start
scs
__scs_entry_jumppad:
0x0: {  	(pc) =	sbr.rel $0x88, $3  }
0x1: {  	(tag) =	ssettag $0x0;
	lr =	simm.s32 $0x1  }
0x2: {  	[smem:$0x3F95] =	sst lr;
	_ =	strace $0xD0000000  }
0x3: {  	_ = 	snop  }
0x4: {  	_ = 	snop  }
0x5: {  	_ = 	snop  }
0x6: {  	_ = 	snop  }
0x7: {  	_ = 	snop  }
__scs_overlays_trampoline_lowered:
0x8: {  	[smem:$0x3FA4] =	sst s0  }
0x9: {  	[smem:$0x3FA5] =	sst s1  }
0xa: {  	[smem:$0x3FA6] =	sst s2  }
0xb: {  	[smem:$0x3FA7] =	sst s3  }
0xc: {  	[smem:$0x3FA8] =	sst s4  }
0xd: {  	[smem:$0x3FA9] =	sst s5  }
0xe: {  	[smem:$0x3FAA] =	sst s6  }
0xf: {  	[smem:$0x3FAB] =	sst s7  }
0x10: {  	[smem:$0x3FAC] =	sst s8  }
0x11: {  	[smem:$0x3FAD] =	sst s9;
	s0 =	simm.s32 @!p0 $0x0  }
0x12: {  	s1 =	sld [smem:$0x3F93];
	s0 =	simm.s32 @p0 $0x1  }
0x13: {  	[smem:$0x3FAE] =	sst s0;
	s0 =	simm.s32 @!p1 $0x0  }
0x14: {  	s2 =	sld [smem:$0x3F92];
	s0 =	simm.s32 @p1 $0x1  }
0x15: {  	[smem:$0x3FAF] =	sst s0;
	s0 =	simm.s32 @!p2 $0x0  }
0x16: {  	s3 =	sld [smem:$0x3FDB];
	s0 =	simm.s32 @p2 $0x1  }
0x17: {  	s4 =	simm.s32 $0x1BF5;
	[smem:$0x3FB1] =	sst s0  }
0x18: {  	s0 =	sld [smem:$0x3F94];
	_ =	swait.ge [sflag:s4], $0x0  }
0x19: {  	s7 =	sld [smem:$0x3F95]  }
0x1a: {  	s8 =	sadd.s32 $0xFFFFE003, lr  }
0x1b: {  	s9 =	sadd.s32 $0xFFFFFEF7, lr;
	s5 =	simm.s32 $0xFFFFFFFF;
	p2 =	slt.u32 s8, $0xFFFFF086  }
0x1c: {  	p1 =	slt.u32 s9, $0xF7A;
	s5 =	simm.s32 @!p2 $0x0  }
0x1d: {  	s5 =	simm.s32 @p1 $0x1;
	p0 =	seq.s32 s7, s2  }
0x1e: {  	s7 =	smul.u32 @!p0 $0xF7A, s2;
	p2 =	seq.s32 @!p0 s5, $0x0  }
0x1f: {  	s9 =	smul.u32 $0xF7A, s1;
	s8 =	simm.s32 @!p0 $0x1BF5;
	p2 =	por !p2, p0  }
0x20: {  	[sflag:s8] =	ssyncset.s32 @!p0 $0xFFFFF086;
	s6 =	sadd.s32 @!p0 s3, s7;
	s7 =	simm.s32 @!p0 $0x108  }
0x21: {  	s3 =	sadd.s32 s3, s9;
	s6 =	sadd.s32 @!p0 $0x88, s6;
	s7 =	simm.s32 @p2 $0x1082  }
0x22: {  	[simem:s7], [sflag:s8] =	dma.local @!p0 [hbm:s6], $0xF7A  }
0x23: {  	s9 =	sor.u32 $0xD0000000, s2;
	s6 =	simm.s32 $0x108;
	_ =	swait.ge @!p0 [sflag:s8], $0x0  }
0x24: {  	s3 =	sadd.s32 $0x88, s3;
	s6 =	simm.s32 @!p1 $0x1082;
	[sflag:s4] =	ssyncset.s32 $0xFFFFF086  }
0x25: {  	[simem:s6], [sflag:s4] =	dma.local [hbm:s3], $0xF7A  }
0x26: {  	[smem:$0x3F95] =	sst s1;
	(tag) =	ssettag s2;
	_ =	strace s9  }
0x27: {  	s1 =	sld [smem:$0x3FA5]  }
0x28: {  	s2 =	sld [smem:$0x3FA6]  }
0x29: {  	s4 =	sld [smem:$0x3FA8]  }
0x2a: {  	p0 =	seq.s32 s5, $0x0;
	s5 =	sld [smem:$0x3FA9]  }
0x2b: {  	s6 =	sld [smem:$0x3FAA]  }
0x2c: {  	s7 =	sld [smem:$0x3FAB]  }
0x2d: {  	s3 =	simm.s32 $0x108;
	s8 =	sld [smem:$0x3FAC]  }
0x2e: {  	s3 =	simm.s32 @!p0 $0x1082;
	s9 =	sld [smem:$0x3FAD]  }
0x2f: {  	lr =	sadd.s32 s0, s3;
	s0 =	sld [smem:$0x3FA4]  }
0x30: {  	s3 =	sld [smem:$0x3FA7]  }
0x31: {  	[smem:$0x3FB0] =	sst s10  }
0x32: {  	s10 =	sld [smem:$0x3FAE];
	_ =	sdelay $0x3  }
0x33: {  	p0 =	seq.s32 s10, $0x1;
	s10 =	sld [smem:$0x3FB0];
	_ =	sdelay $0x3  }
0x34: {  	[smem:$0x3FB0] =	sst s10  }
0x35: {  	s10 =	sld [smem:$0x3FAF];
	_ =	sdelay $0x3  }
0x36: {  	p1 =	seq.s32 s10, $0x1;
	s10 =	sld [smem:$0x3FB0];
	_ =	sdelay $0x3  }
0x37: {  	[smem:$0x3FB0] =	sst s10  }
0x38: {  	s10 =	sld [smem:$0x3FB1]  }
0x39: {  	_ = 	snop;
	(pc) =	sbr.ind lr, $3  }
0x3a: {  	_ = 	snop  }
0x3b: {  	_ = 	snop  }
0x3c: {  	p2 =	seq.s32 s10, $0x1;
	s10 =	sld [smem:$0x3FB0]  }
0x3d: {  	_ =	shalt  }
0x3e: {  	_ =	shalt  }
0x3f: {  	_ =	shalt  }
0x40: {  	_ =	shalt  }
0x41: {  	_ =	shalt  }
0x42: {  	_ =	shalt  }
0x43: {  	_ =	shalt  }
0x44: {  	_ =	shalt  }
0x45: {  	_ =	shalt  }
0x46: {  	_ =	shalt  }
0x47: {  	_ =	shalt  }
0x48: {  	_ =	shalt  }
0x49: {  	_ =	shalt  }
0x4a: {  	_ =	shalt  }
0x4b: {  	_ =	shalt  }
0x4c: {  	_ =	shalt  }
0x4d: {  	_ =	shalt  }
0x4e: {  	_ =	shalt  }
0x4f: {  	_ =	shalt  }
0x50: {  	_ =	shalt  }
0x51: {  	_ =	shalt  }
0x52: {  	_ =	shalt  }
0x53: {  	_ =	shalt  }
0x54: {  	_ =	shalt  }
0x55: {  	_ =	shalt  }
0x56: {  	_ =	shalt  }
0x57: {  	_ =	shalt  }
0x58: {  	_ =	shalt  }
0x59: {  	_ =	shalt  }
0x5a: {  	_ =	shalt  }
0x5b: {  	_ =	shalt  }
0x5c: {  	_ =	shalt  }
0x5d: {  	_ =	shalt  }
0x5e: {  	_ =	shalt  }
0x5f: {  	_ =	shalt  }
0x60: {  	_ =	shalt  }
0x61: {  	_ =	shalt  }
0x62: {  	_ =	shalt  }
0x63: {  	_ =	shalt  }
0x64: {  	_ =	shalt  }
0x65: {  	_ =	shalt  }
0x66: {  	_ =	shalt  }
0x67: {  	_ =	shalt  }
0x68: {  	_ =	shalt  }
0x69: {  	_ =	shalt  }
0x6a: {  	_ =	shalt  }
0x6b: {  	_ =	shalt  }
0x6c: {  	_ =	shalt  }
0x6d: {  	_ =	shalt  }
0x6e: {  	_ =	shalt  }
0x6f: {  	_ =	shalt  }
0x70: {  	_ =	shalt  }
0x71: {  	_ =	shalt  }
0x72: {  	_ =	shalt  }
0x73: {  	_ =	shalt  }
0x74: {  	_ =	shalt  }
0x75: {  	_ =	shalt  }
0x76: {  	_ =	shalt  }
0x77: {  	_ =	shalt  }
0x78: {  	_ =	shalt  }
0x79: {  	_ =	shalt  }
0x7a: {  	_ =	shalt  }
0x7b: {  	_ =	shalt  }
0x7c: {  	_ =	shalt  }
0x7d: {  	_ =	shalt  }
0x7e: {  	_ =	shalt  }
0x7f: {  	_ =	shalt  }
0x80: {  	_ =	shalt  }
0x81: {  	_ =	shalt  }
0x82: {  	_ =	shalt  }
0x83: {  	_ =	shalt  }
0x84: {  	_ =	shalt  }
0x85: {  	_ =	shalt  }
0x86: {  	_ =	shalt  }
0x87: {  	_ =	shalt  }
.Lfunc_end0:
.L_simem_size_0:
called_computation.3_lowered:
.L_overlay_start_0:
0x88: {  	s2 =	sld [smem:$0x3FD9]  }
0x89: {  	s3 =	sld [smem:$0x3FFE];
	_ =	sdelay $0x1  }
0x8a: {  	s1 =	srdreg.scid  }
0x8b: {  	s0 =	sand.u32 $0x1, s1  }
0x8c: {  	s16 =	sshll.u32 s0, $0xA;
	s2 =	sadd.s32 s3, s2  }
0x8d: {  	s2 =	sadd.s32 s2, s16  }
0x8e: {  	[smem:$0x3FBC] =	sst s2  }
0x8f: {  	_ = 	snop  }
0x90: {  	(tm) =	ssettm $0x1  }
0x91: {  	s17 =	sld [smem:$0x3FFB];
	_ =	sdelay $0x3  }
0x92: {  	_ =	strace s17  }
0x93: {  	s2 =	sld [smem:$0x3FFC];
	_ =	sdelay $0x3  }
0x94: {  	_ =	strace s2  }
0x95: {  	s2 =	sld [smem:$0x3FFD];
	_ =	sdelay $0x3  }
0x96: {  	_ =	strace s2  }
0x97: {  	_ =	strace $0x8FFFFFFF  }
0x98: {  	s18 =	sld [smem:$0x3FDB];
	_ =	sdelay $0x1  }
0x99: {  	s19 =	simm.s32 $_scs_section_size  }
0x9a: {  	s4 =	simm.s32 $_size__tile_overlayer_lowered;
	s5 =	simm.s32 $_tile_overlayer_lowered  }
0x9b: {  	s22 =	simm.s32 $0x1BFF;
	s21 =	sshll.u32 s5, $0x1;
	s2 =	sadd.s32 s19, s18  }
0x9c: {  	s6 =	simm.s32 $0x0;
	s20 =	sshll.u32 s4, $0x1;
	s4 =	sadd.s32 s21, s2  }
0x9d: {  	[timem:s6], [sflag:s22] =	dma.local [hbm:s4], s20  }
0x9e: {  	_ =	swait.ge [sflag:s22], s20  }
0x9f: {  	s3 =	ssub.s32 $0x0, s20;
	[sflag:s22] =	ssyncset.done $0x0  }
0xa0: {  	[sflag:s22] =	ssyncadd.s32 s3;
	_ =	sdelay $0x1  }
0xa1: {  	s23 =	simm.s32 $0x1B8B  }
0xa2: {  	_ =	swait.ge [sflag:s23], $0x1  }
0xa3: {  	[sflag:s23] =	ssyncset.done $0x0  }
0xa4: {  	s25 =	simm.s32 $0x1B8E;
	s24 =	sld [smem:$0x3FFE];
	[sflag:s23] =	ssyncadd.s32 $0xFFFFFFFF  }
0xa5: {  	s26 =	simm.s32 $execute0_lowered;
	[smem:$0x3FD2] =	sst s25  }
0xa6: {  	s4 =	sshll.u32 s26, $0x1;
	_ =	strace $0x8000004F;
	[dreg:$0x1] =	wrdreg $0xFFFFFFFF  }
0xa7: {  	s28 =	simm.s32 $_size_execute0_lowered;
	s2 =	sadd.s32 s2, s4;
	[dreg:$0x0] =	wrdreg $0x0  }
0xa8: {  	s4 =	sshll.u32 s28, $0x1;
	[dreg:$0x2] =	wrdreg s2  }
0xa9: {  	[dreg:$0x3] =	wrdreg s4  }
0xaa: {  	[dreg:$0x4] =	wrdreg $0xC0  }
0xab: {  	_ =	task [dreg:s6], $0x5FFFF  }
0xac: {  	[dreg:$0x1] =	wrdreg $0xFFFFFFFF  }
0xad: {  	[dreg:$0x0] =	wrdreg $0x60  }
0xae: {  	[dreg:$0x2] =	wrdreg s24  }
0xaf: {  	[dreg:$0x3] =	wrdreg $0x10B800  }
0xb0: {  	[dreg:$0x4] =	wrdreg $0x9  }
0xb1: {  	_ =	task.clear_ibuf [dreg:s6], $0x5FFFF;
	_ =	strace $0x9000004F  }
0xb2: {  	s29 =	simm.s32 $0x9;
	_ =	strace $0x80000051  }
0xb3: {  	_ =	swait.ge [sflag:s29], $0x1  }
0xb4: {  	[sflag:s29] =	ssyncadd.s32 $0xFFFFFFFF  }
0xb5: {  	_ =	strace $0x90000051  }
0xb6: {  	_ =	sfence  }
0xb7: {  	s30 =	sld [smem:$0x0];
	_ =	sdelay $0x2  }
0xb8: {  	s31 =	sshll.u32 s1, $0xD;
	s1 =	sshrl.u32 s1, $0x2  }
0xb9: {  	s3 =	sand.u32 $0x4000, s31;
	s1 =	sadd.s32 s1, s30  }
0xba: {  	s0 =	sor.u32 s3, s0;
	s1 =	sshll.u32 s1, $0x11  }
0xbb: {  	s0 =	sor.u32 s1, s0  }
0xbc: {  	s0 =	sadd.s32 $0x8F2B, s0  }
0xbd: {  	[sflag:s0] =	ssyncadd.remote.s32 $0x1  }
0xbe: {  	_ =	sfence.sel $0xFFFF  }
0xbf: {  	[dreg:$0x0] =	wrdreg $0xFFFFFFFF;
	(pc) =	sbr.abs _section_cstart, $3  }
0xc0: {  	[dreg:$0x1] =	wrdreg $0xFFFFFFFF  }
0xc1: {  	_ =	task.clear_ibuf [dreg:s6], $0x2FFFF;
	_ =	strace $0x9FFFFFFF  }
0xc2: {  	(tm) =	ssettm $0x7FFFFFFF  }
0xc3: {  	_ =	shalt  }
tec
execute0_lowered:
.L_overlay_start_1:
0x0: {  	(tag) =	ssettag $0x1  }
0x1: {  	s0 =	srdreg.scid;
	s1 =	rddreg [dreg:$0x0]  }
0x2: {  	s2 =	rddreg [dreg:$0x1];
	s3 =	stileid.u32  }
0x3: {  	s5 =	simm.s32 $0x0;
	s12 =	simm.s32 $0x11;
	s14 =	simm.s32 $0x7D  }
0x4: {  	s15 =	simm.s32 $0x5000;
	s17 =	simm.s32 $0x6770;
	s24 =	simm.s32 $0xADC0  }
0x5: {  	s25 =	simm.s32 $0xC530;
	s26 =	simm.s32 $0xDCA0;
	s28 =	simm.s32 $0x9  }
0x6: {  	s29 =	simm.s32 $0x5;
	s30 =	simm.s32 $0x6;
	s31 =	simm.s32 $0x7  }
0x7: {  	s0 =	sand.u32 $0x1, s0;
	[smem:$0x7FF] =	sst s5;
	s6 =	smul.u32 $0x7800, s3  }
0x8: {  	s19 =	sshll.u32 s3, $0x6;
	s4 =	sshll.u32 s0, $0x4;
	_ =	strace $0x80000050  }
0x9: {  	s7 =	ssub.s32 $0x2, s0;
	p0 =	seq.s32 s0, $0x1;
	[dreg:$0x3] =	wrdreg s24  }
0xa: {  	s0 =	simm.s32 $0x46A00;
	[dreg:$0x4] =	wrdreg s25;
	s4 =	sor.u32 s3, s4  }
0xb: {  	s24 =	simm.s32 $0x2;
	[dreg:$0x5] =	wrdreg s26;
	s18 =	smul.u32 $0x2800, s4  }
0xc: {  	s25 =	simm.s32 $0x3;
	s8 =	sshrl.u32 s6, $0x3;
	s9 =	sshrl.u32 s7, $0x1  }
0xd: {  	s4 =	sadd.s32 $0x19A00, s1;
	s7 =	ssub.s32 s7, s9;
	s5 =	sshrl.u32 s18, $0x3  }
0xe: {  	s23 =	smax.u32 s7, $0x1;
	s5 =	sadd.s32 s5, s1;
	s1 =	sadd.s32 s8, s1  }
0xf: {  	s26 =	simm.s32 $0x4;
	[dreg:$0x9] =	wrdreg s23;
	s21 =	sadd.s32 $0x28A00, s1  }
0x10: {  	s20 =	sadd.s32 s6, s2;
	s22 =	sadd.s32 $0x5A00, s5;
	[dreg:$0x6] =	wrdreg s21  }
0x11: {  	s0 =	simm.s32 @!p0 $0x37A00;
	s5 =	sadd.s32 $0xFA00, s5;
	[dreg:$0x7] =	wrdreg s22  }
0x12: {  	s3 =	sor.u32 $0x1C11, s19;
	s0 =	sadd.s32 s0, s1;
	[dreg:$0x8] =	wrdreg s5  }
0x13: {  	s19 =	simm.s32 $0x7EE0;
	s23 =	simm.s32 $0x1;
	[dreg:$0xa] =	wrdreg s0  }
0x14: {  	s5 =	sshrl.u32 s20, $0x3;
	s21 =	simm.s32 $0x9650;
	s22 =	simm.s32 $0xF410  }
0x15: {  	s0 =	simm.s32 $0x8;
	s20 =	simm.s32 $0x0;
	[dreg:$0xb] =	wrdreg s5  }
.LBB2_1:
0x16: {  	s1 =	rddreg [dreg:$0x6]  }
0x17: {  	[spmem:s5], [sflag:s3] =	dma.local [hbm:s1], $0xF00  }
0x18: {  	_ =	swait.ge [sflag:s12], $0xF00  }
0x19: {  	[sflag:s12] =	ssyncset.done $0x0  }
0x1a: {  	s9 =	simm.s32 $0x0;
	s10 =	rddreg [dreg:$0x7];
	[sflag:s12] =	ssyncadd.s32 $0xFFFFF100  }
0x1b: {  	[tilespmem:s9], [sflag:$0x11] =	stream.linear.gather [hbm4b:s10+s9], $0x2800, $0x38;
	[tilespmem:$0x18380] =	vst v63  }
0x1c: {  	_ =	swait.ge [sflag:s12], $0x2800  }
0x1d: {  	[sflag:s12] =	ssyncset.done $0x0  }
0x1e: {  	s16 =	simm.s32 $0x2800;
	s13 =	rddreg [dreg:$0x8];
	[sflag:s12] =	ssyncadd.s32 $0xFFFFD800  }
0x1f: {  	[tilespmem:s16], [sflag:$0x11] =	stream.linear.gather [hbm4b:s13+s9], $0x2800, $0x38;
	[tilespmem:$0x18380] =	vst v63  }
0x20: {  	_ =	swait.ge [sflag:s12], $0x2800  }
0x21: {  	[sflag:s12] =	ssyncset.done $0x0  }
0x22: {  	[sflag:s12] =	ssyncadd.s32 $0xFFFFD800  }
0x23: {  	[bflag:$0x0] =	sbarrier.arrive $0xFFFF  }
0x24: {  	[tilespmem:s15], [sflag:$0x1] =	stream.indirect.gather [hbm4b:s4+s14], $0x30, s9, s14, $0xb8;
	[tilespmem:$0x18380] =	vst v63  }
0x25: {  	s18 =	simm.s32 $0x80  }
0x26: {  	[tilespmem:s17], [sflag:$0x2] =	stream.indirect.gather [hbm4b:s4+s14], $0x30, s18, s14, $0xb8;
	[tilespmem:$0x18380] =	vst v63  }
0x27: {  	s11 =	smov.u32 s3;
	s3 =	simm.s32 $0x100  }
0x28: {  	[tilespmem:s19], [sflag:$0x3] =	stream.indirect.gather [hbm4b:s4+s14], $0x30, s3, s14, $0xb8;
	[tilespmem:$0x18380] =	vst v63  }
0x29: {  	p0 =	por $0x0, $0x0;
	s5 =	simm.s32 $0x180  }
0x2a: {  	[tilespmem:s21], [sflag:$0x4] =	stream.indirect.gather [hbm4b:s4+s14], $0x30, s5, s14, $0xb8;
	[tilespmem:$0x18380] =	vst v63  }
0x2b: {  	s5 =	simm.s32 @p0 $0xD  }
0x2c: {  	_ =	swait.ge @p0 [sflag:s5], $0x1770  }
0x2d: {  	s7 =	simm.s32 @p0 $0xE;
	s8 =	simm.s32 @p0 $0xADC0;
	[sflag:s5] =	ssyncset.done @p0 $0x0  }
0x2e: {  	s9 =	simm.s32 @p0 $0x7D;
	[sflag:s5] =	ssyncadd.s32 @p0 $0xFFFFE890;
	s5 =	simm.s32 @p0 $0x200  }
0x2f: {  	[tilespmem:s8], [sflag:$0x5] =	stream.indirect.gather @p0 [hbm4b:s4+s9], $0x30, s5, s9, $0xb8;
	[tilespmem:$0x18380] =	vst v63  }
0x30: {  	_ =	swait.ge @p0 [sflag:s7], $0x1770  }
0x31: {  	s5 =	simm.s32 @p0 $0x280;
	[sflag:s7] =	ssyncset.done @p0 $0x0  }
0x32: {  	s8 =	simm.s32 @p0 $0xF;
	[sflag:s7] =	ssyncadd.s32 @p0 $0xFFFFE890;
	s7 =	simm.s32 @p0 $0xC530  }
0x33: {  	[tilespmem:s7], [sflag:$0x6] =	stream.indirect.gather @p0 [hbm4b:s4+s9], $0x30, s5, s9, $0xb8;
	[tilespmem:$0x18380] =	vst v63  }
0x34: {  	_ =	swait.ge @p0 [sflag:s8], $0x1770  }
0x35: {  	s5 =	simm.s32 @p0 $0x300;
	[sflag:s8] =	ssyncset.done @p0 $0x0  }
0x36: {  	s7 =	simm.s32 @p0 $0xDCA0;
	[sflag:s8] =	ssyncadd.s32 @p0 $0xFFFFE890;
	s8 =	simm.s32 @p0 $0x10  }
0x37: {  	[tilespmem:s7], [sflag:$0x7] =	stream.indirect.gather @p0 [hbm4b:s4+s9], $0x30, s5, s9, $0xb8;
	[tilespmem:$0x18380] =	vst v63  }
0x38: {  	_ =	swait.ge @p0 [sflag:s8], $0x1770  }
0x39: {  	s5 =	simm.s32 @!p0 $0xADC0;
	[sflag:s8] =	ssyncset.done @p0 $0x0  }
0x3a: {  	s7 =	simm.s32 @!p0 $0x7D;
	[sflag:s8] =	ssyncadd.s32 @p0 $0xFFFFE890;
	s8 =	simm.s32 @!p0 $0x200  }
0x3b: {  	[tilespmem:s5], [sflag:$0x5] =	stream.indirect.gather @!p0 [hbm4b:s4+s7], $0x30, s8, s7, $0xb8;
	[tilespmem:$0x18380] =	vst v63  }
0x3c: {  	s5 =	simm.s32 @!p0 $0x280;
	s8 =	simm.s32 @!p0 $0xC530  }
0x3d: {  	[tilespmem:s8], [sflag:$0x6] =	stream.indirect.gather @!p0 [hbm4b:s4+s7], $0x30, s5, s7, $0xb8;
	[tilespmem:$0x18380] =	vst v63  }
0x3e: {  	s9 =	simm.s32 @!p0 $0xDCA0;
	s5 =	simm.s32 $0x380;
	s8 =	simm.s32 @!p0 $0x300  }
0x3f: {  	[tilespmem:s9], [sflag:$0x7] =	stream.indirect.gather @!p0 [hbm4b:s4+s7], $0x30, s8, s7, $0xb8;
	[tilespmem:$0x18380] =	vst v63  }
0x40: {  	s5 =	simm.s32 @!p0 $0x380  }
0x41: {  	[tilespmem:s22], [sflag:$0x8] =	stream.indirect.gather [hbm4b:s4+s14], $0x30, s5, s14, $0xb8;
	[tilespmem:$0x18380] =	vst v63  }
0x42: {  	_ =	swait.ge [sflag:s23], $0x1770  }
0x43: {  	[sflag:s23] =	ssyncset.done $0x0  }
0x44: {  	s6 =	simm.s32 $0x2800;
	[sflag:s23] =	ssyncadd.s32 $0xFFFFE890  }
0x45: {  	[spmem:s2] =	stream.indirect.scatter.add.f32 [tilespmem:s15], [sflag:$0x9], $0x30, s6, s14, $0xb8;
	[tilespmem:$0x18380] =	vst v63  }
0x46: {  	_ =	swait.ge [sflag:s24], $0x1770  }
0x47: {  	[sflag:s24] =	ssyncset.done $0x0  }
0x48: {  	s8 =	simm.s32 $0x2880;
	[sflag:s24] =	ssyncadd.s32 $0xFFFFE890  }
0x49: {  	[spmem:s2] =	stream.indirect.scatter.add.f32 [tilespmem:s17], [sflag:$0xA], $0x30, s8, s14, $0xb8;
	[tilespmem:$0x18380] =	vst v63  }
0x4a: {  	_ =	swait.ge [sflag:s25], $0x1770  }
0x4b: {  	[sflag:s25] =	ssyncset.done $0x0  }
0x4c: {  	s9 =	simm.s32 $0x2900;
	[sflag:s25] =	ssyncadd.s32 $0xFFFFE890  }
0x4d: {  	[spmem:s2] =	stream.indirect.scatter.add.f32 [tilespmem:s19], [sflag:$0xB], $0x30, s9, s14, $0xb8;
	[tilespmem:$0x18380] =	vst v63  }
0x4e: {  	_ =	swait.ge [sflag:s26], $0x1770  }
0x4f: {  	[sflag:s26] =	ssyncset.done $0x0  }
0x50: {  	s10 =	simm.s32 $0x2980;
	[sflag:s26] =	ssyncadd.s32 $0xFFFFE890  }
0x51: {  	[spmem:s2] =	stream.indirect.scatter.add.f32 [tilespmem:s21], [sflag:$0xC], $0x30, s10, s14, $0xb8;
	[tilespmem:$0x18380] =	vst v63  }
0x52: {  	_ =	swait.ge [sflag:s28], $0x1770  }
0x53: {  	p1 =	por $0x0, $0x0;
	[sflag:s28] =	ssyncset.done $0x0  }
0x54: {  	s7 =	simm.s32 @p1 $0xA;
	[sflag:s28] =	ssyncadd.s32 $0xFFFFE890  }
0x55: {  	_ =	swait.ge @p1 [sflag:s7], $0x1770  }
0x56: {  	[sflag:s7] =	ssyncset.done @p1 $0x0  }
0x57: {  	[sflag:s7] =	ssyncadd.s32 @p1 $0xFFFFE890;
	s7 =	simm.s32 @p1 $0xB  }
0x58: {  	_ =	swait.ge @p1 [sflag:s7], $0x1770  }
0x59: {  	[sflag:s7] =	ssyncset.done @p1 $0x0  }
0x5a: {  	[sflag:s7] =	ssyncadd.s32 @p1 $0xFFFFE890;
	s7 =	simm.s32 @p1 $0xC  }
0x5b: {  	_ =	swait.ge @p1 [sflag:s7], $0x1770  }
0x5c: {  	s8 =	simm.s32 @!p1 $0x400;
	[sflag:s7] =	ssyncset.done @p1 $0x0  }
0x5d: {  	s9 =	simm.s32 @!p1 $0x5000;
	[sflag:s7] =	ssyncadd.s32 @p1 $0xFFFFE890;
	s7 =	simm.s32 @!p1 $0x7D  }
0x5e: {  	[tilespmem:s9], [sflag:$0x1] =	stream.indirect.gather @!p1 [hbm4b:s4+s7], $0x30, s8, s7, $0xb8;
	[tilespmem:$0x18380] =	vst v63  }
0x5f: {  	s8 =	simm.s32 @!p1 $0xA  }
0x60: {  	_ =	swait.ge @!p1 [sflag:s8], $0x1770  }
0x61: {  	[sflag:s8] =	ssyncset.done @!p1 $0x0  }
0x62: {  	s9 =	simm.s32 @!p1 $0x480;
	[sflag:s8] =	ssyncadd.s32 @!p1 $0xFFFFE890;
	s8 =	simm.s32 @!p1 $0x6770  }
0x63: {  	[tilespmem:s8], [sflag:$0x2] =	stream.indirect.gather @!p1 [hbm4b:s4+s7], $0x30, s9, s7, $0xb8;
	[tilespmem:$0x18380] =	vst v63  }
0x64: {  	s8 =	simm.s32 @!p1 $0xB  }
0x65: {  	_ =	swait.ge @!p1 [sflag:s8], $0x1770  }
0x66: {  	[sflag:s8] =	ssyncset.done @!p1 $0x0  }
0x67: {  	s9 =	simm.s32 @!p1 $0x500;
	[sflag:s8] =	ssyncadd.s32 @!p1 $0xFFFFE890;
	s8 =	simm.s32 @!p1 $0x7EE0  }
0x68: {  	[tilespmem:s8], [sflag:$0x3] =	stream.indirect.gather @!p1 [hbm4b:s4+s7], $0x30, s9, s7, $0xb8;
	[tilespmem:$0x18380] =	vst v63  }
0x69: {  	s8 =	simm.s32 @!p1 $0xC  }
0x6a: {  	_ =	swait.ge @!p1 [sflag:s8], $0x1770  }
0x6b: {  	[sflag:s8] =	ssyncset.done @!p1 $0x0  }
0x6c: {  	s9 =	simm.s32 @!p1 $0x580;
	[sflag:s8] =	ssyncadd.s32 @!p1 $0xFFFFE890;
	s8 =	simm.s32 @!p1 $0x9650  }
0x6d: {  	[tilespmem:s8], [sflag:$0x4] =	stream.indirect.gather @!p1 [hbm4b:s4+s7], $0x30, s9, s7, $0xb8;
	[tilespmem:$0x18380] =	vst v63  }
0x6e: {  	s7 =	simm.s32 @p0 $0x200;
	_ =	swait.ge [sflag:s29], $0x1770  }
0x6f: {  	s7 =	simm.s32 @!p0 $0x200;
	[sflag:s29] =	ssyncset.done $0x0  }
0x70: {  	s13 =	rddreg [dreg:$0x3];
	s7 =	sadd.s32 $0x2800, s7;
	[sflag:s29] =	ssyncadd.s32 $0xFFFFE890  }
0x71: {  	[spmem:s2] =	stream.indirect.scatter.add.f32 [tilespmem:s13], [sflag:$0xD], $0x30, s7, s14, $0xb8;
	[tilespmem:$0x18380] =	vst v63  }
0x72: {  	s7 =	simm.s32 @p0 $0x280;
	_ =	swait.ge [sflag:s30], $0x1770  }
0x73: {  	s7 =	simm.s32 @!p0 $0x280;
	[sflag:s30] =	ssyncset.done $0x0  }
0x74: {  	s16 =	rddreg [dreg:$0x4];
	s7 =	sadd.s32 $0x2800, s7;
	[sflag:s30] =	ssyncadd.s32 $0xFFFFE890  }
0x75: {  	[spmem:s2] =	stream.indirect.scatter.add.f32 [tilespmem:s16], [sflag:$0xE], $0x30, s7, s14, $0xb8;
	[tilespmem:$0x18380] =	vst v63  }
0x76: {  	s8 =	simm.s32 @p0 $0x300;
	_ =	swait.ge [sflag:s31], $0x1770  }
0x77: {  	s5 =	sadd.s32 $0x2800, s5;
	s8 =	simm.s32 @!p0 $0x300;
	[sflag:s31] =	ssyncset.done $0x0  }
0x78: {  	s8 =	sadd.s32 $0x2800, s8;
	s18 =	rddreg [dreg:$0x5];
	[sflag:s31] =	ssyncadd.s32 $0xFFFFE890  }
0x79: {  	[spmem:s2] =	stream.indirect.scatter.add.f32 [tilespmem:s18], [sflag:$0xF], $0x30, s8, s14, $0xb8;
	[tilespmem:$0x18380] =	vst v63  }
0x7a: {  	s9 =	simm.s32 $0x780;
	p0 =	por $0x1, $0x1;
	_ =	swait.ge [sflag:s0], $0x1770  }
0x7b: {  	s7 =	simm.s32 $0x1000;
	s8 =	simm.s32 $0x2000;
	[sflag:s0] =	ssyncset.done $0x0  }
.LBB2_2:
0x7c: {  	s3 =	simm.s32 @p0 $0xD;
	[sflag:s0] =	ssyncadd.s32 $0xFFFFE890  }
0x7d: {  	[spmem:s2] =	stream.indirect.scatter.add.f32 [tilespmem:s22], [sflag:$0x10], $0x30, s5, s14, $0xb8;
	[tilespmem:$0x18380] =	vst v63  }
0x7e: {  	s1 =	sshra.s32 @p0 s7, $0x2;
	_ =	swait.ge @p0 [sflag:s3], $0x1770  }
0x7f: {  	s13 =	simm.s32 @p0 $0xADC0;
	s16 =	simm.s32 @p0 $0x7D;
	[sflag:s3] =	ssyncset.done @p0 $0x0  }
0x80: {  	s5 =	simm.s32 @p0 $0xE;
	[sflag:s3] =	ssyncadd.s32 @p0 $0xFFFFE890;
	s3 =	sadd.s32 @p0 $0x200, s1  }
0x81: {  	[tilespmem:s13], [sflag:$0x5] =	stream.indirect.gather @p0 [hbm4b:s4+s16], $0x30, s3, s16, $0xb8;
	[tilespmem:$0x18380] =	vst v63  }
0x82: {  	_ =	swait.ge @p0 [sflag:s5], $0x1770  }
0x83: {  	s3 =	sadd.s32 @p0 $0x280, s1;
	[sflag:s5] =	ssyncset.done @p0 $0x0  }
0x84: {  	s13 =	simm.s32 @p0 $0xF;
	[sflag:s5] =	ssyncadd.s32 @p0 $0xFFFFE890;
	s5 =	simm.s32 @p0 $0xC530  }
0x85: {  	[tilespmem:s5], [sflag:$0x6] =	stream.indirect.gather @p0 [hbm4b:s4+s16], $0x30, s3, s16, $0xb8;
	[tilespmem:$0x18380] =	vst v63  }
0x86: {  	_ =	swait.ge @p0 [sflag:s13], $0x1770  }
0x87: {  	s1 =	sadd.s32 @p0 $0x300, s1;
	[sflag:s13] =	ssyncset.done @p0 $0x0  }
0x88: {  	s3 =	simm.s32 @p0 $0xDCA0;
	s5 =	simm.s32 @p0 $0x10;
	[sflag:s13] =	ssyncadd.s32 @p0 $0xFFFFE890  }
0x89: {  	[tilespmem:s3], [sflag:$0x7] =	stream.indirect.gather @p0 [hbm4b:s4+s16], $0x30, s1, s16, $0xb8;
	[tilespmem:$0x18380] =	vst v63  }
0x8a: {  	_ =	swait.ge @p0 [sflag:s5], $0x1770  }
0x8b: {  	s1 =	simm.s32 @!p0 $0xADC0;
	[sflag:s5] =	ssyncset.done @p0 $0x0  }
0x8c: {  	s3 =	simm.s32 @!p0 $0x7D;
	[sflag:s5] =	ssyncadd.s32 @p0 $0xFFFFE890;
	s5 =	simm.s32 @!p0 $0x200  }
0x8d: {  	[tilespmem:s1], [sflag:$0x5] =	stream.indirect.gather @!p0 [hbm4b:s4+s3], $0x30, s5, s3, $0xb8;
	[tilespmem:$0x18380] =	vst v63  }
0x8e: {  	s1 =	simm.s32 @!p0 $0x280;
	s5 =	simm.s32 @!p0 $0xC530  }
0x8f: {  	[tilespmem:s5], [sflag:$0x6] =	stream.indirect.gather @!p0 [hbm4b:s4+s3], $0x30, s1, s3, $0xb8;
	[tilespmem:$0x18380] =	vst v63  }
0x90: {  	s1 =	simm.s32 @!p0 $0x300;
	s5 =	simm.s32 @!p0 $0xDCA0  }
0x91: {  	[tilespmem:s5], [sflag:$0x7] =	stream.indirect.gather @!p0 [hbm4b:s4+s3], $0x30, s1, s3, $0xb8;
	[tilespmem:$0x18380] =	vst v63  }
0x92: {  	s5 =	smov.u32 s9  }
0x93: {  	s5 =	simm.s32 @!p0 $0x380  }
0x94: {  	[tilespmem:s22], [sflag:$0x8] =	stream.indirect.gather [hbm4b:s4+s14], $0x30, s5, s14, $0xb8;
	[tilespmem:$0x18380] =	vst v63  }
0x95: {  	_ =	swait.ge [sflag:s23], $0x1770  }
0x96: {  	s13 =	sshra.s32 s7, $0x2;
	[sflag:s23] =	ssyncset.done $0x0  }
0x97: {  	s16 =	sadd.s32 $0x2800, s13;
	[sflag:s23] =	ssyncadd.s32 $0xFFFFE890  }
0x98: {  	[spmem:s2] =	stream.indirect.scatter.add.f32 [tilespmem:s15], [sflag:$0x9], $0x30, s16, s14, $0xb8;
	[tilespmem:$0x18380] =	vst v63  }
0x99: {  	_ =	swait.ge [sflag:s24], $0x1770  }
0x9a: {  	[sflag:s24] =	ssyncset.done $0x0  }
0x9b: {  	s18 =	sadd.s32 $0x2880, s13;
	[sflag:s24] =	ssyncadd.s32 $0xFFFFE890  }
0x9c: {  	[spmem:s2] =	stream.indirect.scatter.add.f32 [tilespmem:s17], [sflag:$0xA], $0x30, s18, s14, $0xb8;
	[tilespmem:$0x18380] =	vst v63  }
0x9d: {  	_ =	swait.ge [sflag:s25], $0x1770  }
0x9e: {  	[sflag:s25] =	ssyncset.done $0x0  }
0x9f: {  	s6 =	sadd.s32 $0x2900, s13;
	[sflag:s25] =	ssyncadd.s32 $0xFFFFE890  }
0xa0: {  	[spmem:s2] =	stream.indirect.scatter.add.f32 [tilespmem:s19], [sflag:$0xB], $0x30, s6, s14, $0xb8;
	[tilespmem:$0x18380] =	vst v63  }
0xa1: {  	_ =	swait.ge [sflag:s26], $0x1770  }
0xa2: {  	[sflag:s26] =	ssyncset.done $0x0  }
0xa3: {  	s1 =	sadd.s32 $0x2980, s13;
	[sflag:s26] =	ssyncadd.s32 $0xFFFFE890  }
0xa4: {  	[spmem:s2] =	stream.indirect.scatter.add.f32 [tilespmem:s21], [sflag:$0xC], $0x30, s1, s14, $0xb8;
	[tilespmem:$0x18380] =	vst v63  }
0xa5: {  	_ =	swait.ge [sflag:s28], $0x1770  }
0xa6: {  	p2 =	seq.s32 s7, $0x9000;
	[sflag:s28] =	ssyncset.done $0x0  }
0xa7: {  	s1 =	simm.s32 @p2 $0xA;
	[sflag:s28] =	ssyncadd.s32 $0xFFFFE890  }
0xa8: {  	_ =	swait.ge @p2 [sflag:s1], $0x1770  }
0xa9: {  	[sflag:s1] =	ssyncset.done @p2 $0x0  }
0xaa: {  	[sflag:s1] =	ssyncadd.s32 @p2 $0xFFFFE890;
	s1 =	simm.s32 @p2 $0xB  }
0xab: {  	_ =	swait.ge @p2 [sflag:s1], $0x1770  }
0xac: {  	[sflag:s1] =	ssyncset.done @p2 $0x0  }
0xad: {  	s10 =	smov.u32 s8;
	[sflag:s1] =	ssyncadd.s32 @p2 $0xFFFFE890;
	s1 =	simm.s32 @p2 $0xC  }
0xae: {  	s3 =	sshra.s32 @!p2 s7, $0x2;
	s7 =	smov.u32 s10;
	_ =	swait.ge @p2 [sflag:s1], $0x1770  }
0xaf: {  	s10 =	simm.s32 @!p2 $0xA;
	s13 =	sadd.s32 @!p2 $0x400, s3;
	[sflag:s1] =	ssyncset.done @p2 $0x0  }
0xb0: {  	s6 =	simm.s32 @!p2 $0x5000;
	[sflag:s1] =	ssyncadd.s32 @p2 $0xFFFFE890;
	s1 =	simm.s32 @!p2 $0x7D  }
0xb1: {  	[tilespmem:s6], [sflag:$0x1] =	stream.indirect.gather @!p2 [hbm4b:s4+s1], $0x30, s13, s1, $0xb8;
	[tilespmem:$0x18380] =	vst v63  }
0xb2: {  	_ =	swait.ge @!p2 [sflag:s10], $0x1770  }
0xb3: {  	s16 =	sadd.s32 @!p2 $0x480, s3;
	[sflag:s10] =	ssyncset.done @!p2 $0x0  }
0xb4: {  	s6 =	simm.s32 @!p2 $0x6770;
	[sflag:s10] =	ssyncadd.s32 @!p2 $0xFFFFE890;
	s10 =	simm.s32 @!p2 $0xB  }
0xb5: {  	[tilespmem:s6], [sflag:$0x2] =	stream.indirect.gather @!p2 [hbm4b:s4+s1], $0x30, s16, s1, $0xb8;
	[tilespmem:$0x18380] =	vst v63  }
0xb6: {  	_ =	swait.ge @!p2 [sflag:s10], $0x1770  }
0xb7: {  	s18 =	sadd.s32 @!p2 $0x500, s3;
	[sflag:s10] =	ssyncset.done @!p2 $0x0  }
0xb8: {  	s6 =	simm.s32 @!p2 $0x7EE0;
	[sflag:s10] =	ssyncadd.s32 @!p2 $0xFFFFE890;
	s10 =	simm.s32 @!p2 $0xC  }
0xb9: {  	[tilespmem:s6], [sflag:$0x3] =	stream.indirect.gather @!p2 [hbm4b:s4+s1], $0x30, s18, s1, $0xb8;
	[tilespmem:$0x18380] =	vst v63  }
0xba: {  	_ =	swait.ge @!p2 [sflag:s10], $0x1770  }
0xbb: {  	[sflag:s10] =	ssyncset.done @!p2 $0x0  }
0xbc: {  	s3 =	sadd.s32 @!p2 $0x580, s3;
	s6 =	simm.s32 @!p2 $0x9650;
	[sflag:s10] =	ssyncadd.s32 @!p2 $0xFFFFE890  }
0xbd: {  	[tilespmem:s6], [sflag:$0x4] =	stream.indirect.gather @!p2 [hbm4b:s4+s1], $0x30, s3, s1, $0xb8;
	[tilespmem:$0x18380] =	vst v63  }
0xbe: {  	s1 =	sadd.s32 @p0 $0xFFFFFE80, s9;
	_ =	swait.ge [sflag:s29], $0x1770  }
0xbf: {  	s1 =	simm.s32 @!p0 $0x200;
	[sflag:s29] =	ssyncset.done $0x0  }
0xc0: {  	s13 =	rddreg [dreg:$0x3];
	s1 =	sadd.s32 $0x2800, s1;
	[sflag:s29] =	ssyncadd.s32 $0xFFFFE890  }
0xc1: {  	[spmem:s2] =	stream.indirect.scatter.add.f32 [tilespmem:s13], [sflag:$0xD], $0x30, s1, s14, $0xb8;
	[tilespmem:$0x18380] =	vst v63  }
0xc2: {  	s1 =	sadd.s32 @p0 $0xFFFFFF00, s9;
	_ =	swait.ge [sflag:s30], $0x1770  }
0xc3: {  	s8 =	sadd.s32 $0x1000, s8;
	s1 =	simm.s32 @!p0 $0x280;
	[sflag:s30] =	ssyncset.done $0x0  }
0xc4: {  	s16 =	rddreg [dreg:$0x4];
	s1 =	sadd.s32 $0x2800, s1;
	[sflag:s30] =	ssyncadd.s32 $0xFFFFE890  }
0xc5: {  	[spmem:s2] =	stream.indirect.scatter.add.f32 [tilespmem:s16], [sflag:$0xE], $0x30, s1, s14, $0xb8;
	[tilespmem:$0x18380] =	vst v63  }
0xc6: {  	p1 =	sne.s32 s8, $0xA000;
	s1 =	sadd.s32 @p0 $0xFFFFFF80, s9;
	_ =	swait.ge [sflag:s31], $0x1770  }
.Ltmp0:
0xc7: {  	s1 =	simm.s32 @!p0 $0x300;
	[sflag:s31] =	ssyncset.done $0x0;
	(pc) =	sbr.rel @p1 .LBB2_2-.Ltmp0, $4  }
0xc8: {  	s18 =	rddreg [dreg:$0x5];
	s1 =	sadd.s32 $0x2800, s1;
	[sflag:s31] =	ssyncadd.s32 $0xFFFFE890  }
0xc9: {  	[spmem:s2] =	stream.indirect.scatter.add.f32 [tilespmem:s18], [sflag:$0xF], $0x30, s1, s14, $0xb8;
	[tilespmem:$0x18380] =	vst v63  }
0xca: {  	s5 =	sadd.s32 $0x2800, s5;
	_ =	swait.ge [sflag:s0], $0x1770  }
0xcb: {  	s9 =	sadd.s32 $0x400, s9;
	p0 =	sne.s32 s7, $0x0;
	[sflag:s0] =	ssyncset.done $0x0  }
0xcc: {  	s1 =	simm.s32 @p0 $0xD;
	[sflag:s0] =	ssyncadd.s32 $0xFFFFE890  }
0xcd: {  	[spmem:s2] =	stream.indirect.scatter.add.f32 [tilespmem:s22], [sflag:$0x10], $0x30, s5, s14, $0xb8;
	[tilespmem:$0x18380] =	vst v63  }
0xce: {  	_ =	swait.ge @p0 [sflag:s1], $0x1770  }
0xcf: {  	s3 =	sshra.s32 @p0 s7, $0x2;
	s6 =	simm.s32 @p0 $0x7D;
	[sflag:s1] =	ssyncset.done @p0 $0x0  }
0xd0: {  	s5 =	simm.s32 @p0 $0xADC0;
	[sflag:s1] =	ssyncadd.s32 @p0 $0xFFFFE890;
	s1 =	sadd.s32 @p0 $0x200, s3  }
0xd1: {  	[tilespmem:s5], [sflag:$0x5] =	stream.indirect.gather @p0 [hbm4b:s4+s6], $0x30, s1, s6, $0xb8;
	[tilespmem:$0x18380] =	vst v63  }
0xd2: {  	s1 =	simm.s32 @p0 $0xE  }
0xd3: {  	_ =	swait.ge @p0 [sflag:s1], $0x1770  }
0xd4: {  	[sflag:s1] =	ssyncset.done @p0 $0x0  }
0xd5: {  	s5 =	sadd.s32 @p0 $0x280, s3;
	[sflag:s1] =	ssyncadd.s32 @p0 $0xFFFFE890;
	s1 =	simm.s32 @p0 $0xC530  }
0xd6: {  	[tilespmem:s1], [sflag:$0x6] =	stream.indirect.gather @p0 [hbm4b:s4+s6], $0x30, s5, s6, $0xb8;
	[tilespmem:$0x18380] =	vst v63  }
0xd7: {  	s1 =	simm.s32 @p0 $0xF  }
0xd8: {  	_ =	swait.ge @p0 [sflag:s1], $0x1770  }
0xd9: {  	s3 =	sadd.s32 @p0 $0x300, s3;
	[sflag:s1] =	ssyncset.done @p0 $0x0  }
0xda: {  	s5 =	simm.s32 @p0 $0x10;
	[sflag:s1] =	ssyncadd.s32 @p0 $0xFFFFE890;
	s1 =	simm.s32 @p0 $0xDCA0  }
0xdb: {  	[tilespmem:s1], [sflag:$0x7] =	stream.indirect.gather @p0 [hbm4b:s4+s6], $0x30, s3, s6, $0xb8;
	[tilespmem:$0x18380] =	vst v63  }
0xdc: {  	_ =	swait.ge @p0 [sflag:s5], $0x1770  }
0xdd: {  	s1 =	simm.s32 @!p0 $0xADC0;
	[sflag:s5] =	ssyncset.done @p0 $0x0  }
0xde: {  	s3 =	simm.s32 @!p0 $0x7D;
	[sflag:s5] =	ssyncadd.s32 @p0 $0xFFFFE890;
	s5 =	simm.s32 @!p0 $0x200  }
0xdf: {  	[tilespmem:s1], [sflag:$0x5] =	stream.indirect.gather @!p0 [hbm4b:s4+s3], $0x30, s5, s3, $0xb8;
	[tilespmem:$0x18380] =	vst v63  }
0xe0: {  	s1 =	simm.s32 @!p0 $0x280;
	s5 =	simm.s32 @!p0 $0xC530  }
0xe1: {  	[tilespmem:s5], [sflag:$0x6] =	stream.indirect.gather @!p0 [hbm4b:s4+s3], $0x30, s1, s3, $0xb8;
	[tilespmem:$0x18380] =	vst v63  }
0xe2: {  	s1 =	simm.s32 @!p0 $0x300;
	s5 =	simm.s32 @!p0 $0xDCA0  }
0xe3: {  	[tilespmem:s5], [sflag:$0x7] =	stream.indirect.gather @!p0 [hbm4b:s4+s3], $0x30, s1, s3, $0xb8;
	[tilespmem:$0x18380] =	vst v63  }
0xe4: {  	s5 =	smov.u32 s9  }
0xe5: {  	s5 =	simm.s32 @!p0 $0x380  }
0xe6: {  	[tilespmem:s22], [sflag:$0x8] =	stream.indirect.gather [hbm4b:s4+s14], $0x30, s5, s14, $0xb8;
	[tilespmem:$0x18380] =	vst v63  }
0xe7: {  	_ =	swait.ge [sflag:s23], $0x1770  }
0xe8: {  	s6 =	sshra.s32 s7, $0x2;
	[sflag:s23] =	ssyncset.done $0x0  }
0xe9: {  	s8 =	sadd.s32 $0x2800, s6;
	[sflag:s23] =	ssyncadd.s32 $0xFFFFE890  }
0xea: {  	[spmem:s2] =	stream.indirect.scatter.add.f32 [tilespmem:s15], [sflag:$0x9], $0x30, s8, s14, $0xb8;
	[tilespmem:$0x18380] =	vst v63  }
0xeb: {  	_ =	swait.ge [sflag:s24], $0x1770  }
0xec: {  	[sflag:s24] =	ssyncset.done $0x0  }
0xed: {  	s10 =	sadd.s32 $0x2880, s6;
	[sflag:s24] =	ssyncadd.s32 $0xFFFFE890  }
0xee: {  	[spmem:s2] =	stream.indirect.scatter.add.f32 [tilespmem:s17], [sflag:$0xA], $0x30, s10, s14, $0xb8;
	[tilespmem:$0x18380] =	vst v63  }
0xef: {  	_ =	swait.ge [sflag:s25], $0x1770  }
0xf0: {  	[sflag:s25] =	ssyncset.done $0x0  }
0xf1: {  	s13 =	sadd.s32 $0x2900, s6;
	[sflag:s25] =	ssyncadd.s32 $0xFFFFE890  }
0xf2: {  	[spmem:s2] =	stream.indirect.scatter.add.f32 [tilespmem:s19], [sflag:$0xB], $0x30, s13, s14, $0xb8;
	[tilespmem:$0x18380] =	vst v63  }
0xf3: {  	_ =	swait.ge [sflag:s26], $0x1770  }
0xf4: {  	[sflag:s26] =	ssyncset.done $0x0  }
0xf5: {  	s1 =	sadd.s32 $0x2980, s6;
	[sflag:s26] =	ssyncadd.s32 $0xFFFFE890  }
0xf6: {  	[spmem:s2] =	stream.indirect.scatter.add.f32 [tilespmem:s21], [sflag:$0xC], $0x30, s1, s14, $0xb8;
	[tilespmem:$0x18380] =	vst v63  }
0xf7: {  	_ =	swait.ge [sflag:s28], $0x1770  }
0xf8: {  	p1 =	seq.s32 s7, $0x9000;
	[sflag:s28] =	ssyncset.done $0x0  }
0xf9: {  	s1 =	simm.s32 @p1 $0xA;
	[sflag:s28] =	ssyncadd.s32 $0xFFFFE890  }
0xfa: {  	_ =	swait.ge @p1 [sflag:s1], $0x1770  }
0xfb: {  	[sflag:s1] =	ssyncset.done @p1 $0x0  }
0xfc: {  	[sflag:s1] =	ssyncadd.s32 @p1 $0xFFFFE890;
	s1 =	simm.s32 @p1 $0xB  }
0xfd: {  	_ =	swait.ge @p1 [sflag:s1], $0x1770  }
0xfe: {  	[sflag:s1] =	ssyncset.done @p1 $0x0  }
0xff: {  	[sflag:s1] =	ssyncadd.s32 @p1 $0xFFFFE890;
	s1 =	simm.s32 @p1 $0xC  }
0x100: {  	_ =	swait.ge @p1 [sflag:s1], $0x1770  }
0x101: {  	s3 =	sshra.s32 @!p1 s7, $0x2;
	s7 =	simm.s32 @!p1 $0x5000;
	[sflag:s1] =	ssyncset.done @p1 $0x0  }
0x102: {  	s6 =	sadd.s32 @!p1 $0x400, s3;
	[sflag:s1] =	ssyncadd.s32 @p1 $0xFFFFE890;
	s1 =	simm.s32 @!p1 $0x7D  }
0x103: {  	[tilespmem:s7], [sflag:$0x1] =	stream.indirect.gather @!p1 [hbm4b:s4+s1], $0x30, s6, s1, $0xb8;
	[tilespmem:$0x18380] =	vst v63  }
0x104: {  	s6 =	simm.s32 @!p1 $0xA  }
0x105: {  	_ =	swait.ge @!p1 [sflag:s6], $0x1770  }
0x106: {  	[sflag:s6] =	ssyncset.done @!p1 $0x0  }
0x107: {  	s7 =	sadd.s32 @!p1 $0x480, s3;
	[sflag:s6] =	ssyncadd.s32 @!p1 $0xFFFFE890;
	s6 =	simm.s32 @!p1 $0x6770  }
0x108: {  	[tilespmem:s6], [sflag:$0x2] =	stream.indirect.gather @!p1 [hbm4b:s4+s1], $0x30, s7, s1, $0xb8;
	[tilespmem:$0x18380] =	vst v63  }
0x109: {  	s6 =	simm.s32 @!p1 $0xB  }
0x10a: {  	_ =	swait.ge @!p1 [sflag:s6], $0x1770  }
0x10b: {  	[sflag:s6] =	ssyncset.done @!p1 $0x0  }
0x10c: {  	s7 =	sadd.s32 @!p1 $0x500, s3;
	[sflag:s6] =	ssyncadd.s32 @!p1 $0xFFFFE890;
	s6 =	simm.s32 @!p1 $0x7EE0  }
0x10d: {  	[tilespmem:s6], [sflag:$0x3] =	stream.indirect.gather @!p1 [hbm4b:s4+s1], $0x30, s7, s1, $0xb8;
	[tilespmem:$0x18380] =	vst v63  }
0x10e: {  	s6 =	simm.s32 @!p1 $0xC  }
0x10f: {  	_ =	swait.ge @!p1 [sflag:s6], $0x1770  }
0x110: {  	[sflag:s6] =	ssyncset.done @!p1 $0x0  }
0x111: {  	s3 =	sadd.s32 @!p1 $0x580, s3;
	[sflag:s6] =	ssyncadd.s32 @!p1 $0xFFFFE890;
	s6 =	simm.s32 @!p1 $0x9650  }
0x112: {  	[tilespmem:s6], [sflag:$0x4] =	stream.indirect.gather @!p1 [hbm4b:s4+s1], $0x30, s3, s1, $0xb8;
	[tilespmem:$0x18380] =	vst v63  }
0x113: {  	s1 =	sadd.s32 @p0 $0xFFFFFE80, s9;
	_ =	swait.ge [sflag:s29], $0x1770  }
0x114: {  	s1 =	simm.s32 @!p0 $0x200;
	[sflag:s29] =	ssyncset.done $0x0  }
0x115: {  	s16 =	rddreg [dreg:$0x3];
	s1 =	sadd.s32 $0x2800, s1;
	[sflag:s29] =	ssyncadd.s32 $0xFFFFE890  }
0x116: {  	[spmem:s2] =	stream.indirect.scatter.add.f32 [tilespmem:s16], [sflag:$0xD], $0x30, s1, s14, $0xb8;
	[tilespmem:$0x18380] =	vst v63  }
0x117: {  	s1 =	sadd.s32 @p0 $0xFFFFFF00, s9;
	_ =	swait.ge [sflag:s30], $0x1770  }
0x118: {  	s1 =	simm.s32 @!p0 $0x280;
	[sflag:s30] =	ssyncset.done $0x0  }
0x119: {  	s18 =	rddreg [dreg:$0x4];
	s1 =	sadd.s32 $0x2800, s1;
	[sflag:s30] =	ssyncadd.s32 $0xFFFFE890  }
0x11a: {  	[spmem:s2] =	stream.indirect.scatter.add.f32 [tilespmem:s18], [sflag:$0xE], $0x30, s1, s14, $0xb8;
	[tilespmem:$0x18380] =	vst v63  }
0x11b: {  	s1 =	sadd.s32 @p0 $0xFFFFFF80, s9;
	_ =	swait.ge [sflag:s31], $0x1770  }
0x11c: {  	s1 =	simm.s32 @!p0 $0x300;
	[sflag:s31] =	ssyncset.done $0x0  }
0x11d: {  	s6 =	rddreg [dreg:$0x5];
	s1 =	sadd.s32 $0x2800, s1;
	[sflag:s31] =	ssyncadd.s32 $0xFFFFE890  }
0x11e: {  	[spmem:s2] =	stream.indirect.scatter.add.f32 [tilespmem:s6], [sflag:$0xF], $0x30, s1, s14, $0xb8;
	[tilespmem:$0x18380] =	vst v63  }
0x11f: {  	_ =	swait.ge [sflag:s0], $0x1770  }
0x120: {  	[sflag:s0] =	ssyncset.done $0x0  }
0x121: {  	s8 =	simm.s32 $0xD;
	s7 =	sadd.s32 $0x2800, s5;
	[sflag:s0] =	ssyncadd.s32 $0xFFFFE890  }
0x122: {  	[spmem:s2] =	stream.indirect.scatter.add.f32 [tilespmem:s22], [sflag:$0x10], $0x30, s7, s14, $0xb8;
	[tilespmem:$0x18380] =	vst v63  }
0x123: {  	_ =	swait.ge [sflag:s8], $0x1770  }
0x124: {  	[sflag:s8] =	ssyncset.done $0x0  }
0x125: {  	s9 =	simm.s32 $0xE;
	[sflag:s8] =	ssyncadd.s32 $0xFFFFE890  }
0x126: {  	_ =	swait.ge [sflag:s9], $0x1770  }
0x127: {  	[sflag:s9] =	ssyncset.done $0x0  }
0x128: {  	s10 =	simm.s32 $0xF;
	[sflag:s9] =	ssyncadd.s32 $0xFFFFE890  }
0x129: {  	_ =	swait.ge [sflag:s10], $0x1770  }
0x12a: {  	[sflag:s10] =	ssyncset.done $0x0  }
0x12b: {  	s13 =	simm.s32 $0x10;
	[sflag:s10] =	ssyncadd.s32 $0xFFFFE890  }
0x12c: {  	_ =	swait.ge [sflag:s13], $0x1770  }
0x12d: {  	[sflag:s13] =	ssyncset.done $0x0  }
0x12e: {  	[sflag:s13] =	ssyncadd.s32 $0xFFFFE890  }
0x12f: {  	[bflag:$0x0] =	sbarrier.arrive $0xFFFF  }
0x130: {  	s16 =	rddreg [dreg:$0xa]  }
0x131: {  	s5 =	rddreg [dreg:$0xb]  }
0x132: {  	[hbm:s16], [sflag:s11] =	dma.local [spmem:s5], $0xF00  }
0x133: {  	_ =	swait.ge [sflag:s12], $0xF00  }
0x134: {  	s20 =	sadd.s32 $0x1, s20;
	s18 =	rddreg [dreg:$0x9]  }
0x135: {  	p0 =	sne.s32 s20, s18  }
.Ltmp1:
0x136: {  	_ = 	snop;
	(pc) =	sbr.rel @p0 .LBB2_1-.Ltmp1, $3  }
0x137: {  	_ =	sdelay $0x1  }
0x138: {  	[sflag:s12] =	ssyncset.done $0x0  }
0x139: {  	s3 =	smov.u32 s11;
	[sflag:s12] =	ssyncadd.s32 $0xFFFFF100  }
0x13a: {  	_ =	sfence.sel $0x180000  }
0x13b: {  	[bflag:$0x0] =	sbarrier.arrive $0xFFFF  }
0x13c: {  	_ =	strace $0x90000050  }
0x13d: {  	s0 =	stileid.u32;
	[bflag:$0x2] =	sbarrier.arrive $0xFFFF  }
0x13e: {  	p0 =	sne.s32 s0, $0x0;
	s0 =	rddreg [dreg:$0x2]  }
0x13f: {  	s0 =	sadd.s32 @!p0 $0x100000, s0  }
0x140: {  	[sflag:s0] =	ssyncadd.tile.s32 @!p0 $0x1;
	_ =	shalt  }
.Lfunc_end2:
_tile_overlayer_lowered:
.L_overlay_start_2:
0x141: {  	(tag) =	ssettag $0x2  }
0x142: {  	s0 =	rddreg [dreg:$0x0];
	s2 =	stileid.u32  }
0x143: {  	s1 =	rddreg [dreg:$0x1];
	p0 =	sne.s32 s2, $0x0  }
0x144: {  	s3 =	rddreg [dreg:$0x2];
	[bflag:$0x3] =	sbarrier.arrive $0xFFFF;
	s2 =	simm.s32 @!p0 $0x1C11  }
0x145: {  	[timem:s3], [sflag:s2] =	dma.local @!p0 [hbm:s0], s1  }
0x146: {  	s0 =	simm.s32 @!p0 $0x11  }
0x147: {  	_ =	swait.ge @!p0 [sflag:s0], s1  }
0x148: {  	s1 =	ssub.s32 @!p0 $0x0, s1;
	[sflag:s0] =	ssyncset.done @!p0 $0x0  }
0x149: {  	[sflag:s0] =	ssyncadd.s32 @!p0 s1  }
0x14a: {  	[bflag:$0x3] =	sbarrier.arrive $0xFFFF  }
0x14b: {  	_ =	shalt  }

</sc_bundles>
